<compile_context>
chip_gen: v7x
topology: tpu7x:2x2x1
jax: 0.10.2.dev20260603
libtpu: 0.0.44.dev20260713+nightly
codegen_flags: <defaults>
</compile_context>

<pallas_src>
import functools

import jax
import jax.numpy as jnp
from jax import lax
from jax.experimental import pallas as pl
from jax.experimental.pallas import tpu as pltpu
from jax.experimental.pallas import tpu_sc as plsc

A_REAL = 20000
A_PAD = 20480
BLK = 2048
N_BLK = A_PAD // BLK
G_PAD = 128
N_CAND = 10
DUMMY = A_PAD - 1
BIG = 1e37
BIGI = 1 << 30
N_SC = 32
CHUNK = A_PAD // N_SC
P_PAD = 12 * 128


def _extract_topk_cost(w, iou_mat, row_iota, blk_off):
    vals, idxs, ious = [], [], []
    for _ in range(N_CAND):
        m = jnp.min(w, axis=0, keepdims=True)
        r = jnp.min(jnp.where(w == m, row_iota, BIGI), axis=0, keepdims=True)
        sel = row_iota == r
        vals.append(m)
        idxs.append(r + blk_off)
        ious.append(jnp.sum(jnp.where(sel, iou_mat, 0.0), axis=0, keepdims=True))
        w = jnp.where(sel, BIG, w)
    return (jnp.concatenate(vals, 0), jnp.concatenate(idxs, 0),
            jnp.concatenate(ious, 0))


def _merge_topk_cost(cv, ci, cu):
    n = cv.shape[0]
    row = lax.broadcasted_iota(jnp.int32, (n, G_PAD), 0)
    vals, idxs, ious = [], [], []
    for _ in range(N_CAND):
        m = jnp.min(cv, axis=0, keepdims=True)
        eq = cv == m
        imin = jnp.min(jnp.where(eq, ci, BIGI), axis=0, keepdims=True)
        sel = eq & (ci == imin)
        vals.append(m)
        idxs.append(imin)
        ious.append(jnp.sum(jnp.where(sel, cu, 0.0), axis=0, keepdims=True))
        cv = jnp.where(sel, BIG, cv)
    return (jnp.concatenate(vals, 0), jnp.concatenate(idxs, 0),
            jnp.concatenate(ious, 0))


def _extract_topk_max(w, row_iota):
    vals = []
    for _ in range(N_CAND):
        m = jnp.max(w, axis=0, keepdims=True)
        r = jnp.min(jnp.where(w == m, row_iota, BIGI), axis=0, keepdims=True)
        vals.append(m)
        w = jnp.where(row_iota == r, -BIG, w)
    return jnp.concatenate(vals, 0)


def _phase1_body(gt_ref, gtc_ref, pk_ref, cls_ref,
                 bg_ref, pidx_ref, pval_ref,
                 rc_ref, ri_ref, ru_ref, rt_ref):
    i = pl.program_id(0)
    blk_off = i * BLK

    @pl.when(i == 0)
    def _init():
        rc_ref[...] = jnp.full((N_CAND, G_PAD), BIG, jnp.float32)
        ri_ref[...] = jnp.full((N_CAND, G_PAD), DUMMY, jnp.int32)
        ru_ref[...] = jnp.zeros((N_CAND, G_PAD), jnp.float32)
        rt_ref[...] = jnp.zeros((N_CAND, G_PAD), jnp.float32)

    pk = pk_ref[...]
    cx, cy = pk[:, 0:1], pk[:, 1:2]
    w_, h_ = pk[:, 2:3], pk[:, 3:4]
    xs, ys = pk[:, 4:5], pk[:, 5:6]
    st, obj = pk[:, 6:7], pk[:, 7:8]

    gx, gy = gt_ref[0:1, :], gt_ref[1:2, :]
    gw, gh = gt_ref[2:3, :], gt_ref[3:4, :]

    lane_g = lax.broadcasted_iota(jnp.int32, (1, G_PAD), 1)
    valid_g = lane_g < 100
    row_iota = lax.broadcasted_iota(jnp.int32, (BLK, G_PAD), 0)
    arow = lax.broadcasted_iota(jnp.int32, (BLK, 1), 0) + blk_off
    valid_a = arow < A_REAL

    xcen = xs * st + 0.5 * st
    ycen = ys * st + 0.5 * st
    gl, gr = gx - 0.5 * gw, gx + 0.5 * gw
    gtt, gbb = gy - 0.5 * gh, gy + 0.5 * gh
    in_boxes = jnp.minimum(jnp.minimum(jnp.minimum(xcen - gl, ycen - gtt),
                                       gr - xcen), gbb - ycen) > 0.0
    cl, cr = gx - 2.5 * st, gx + 2.5 * st
    ct, cb = gy - 2.5 * st, gy + 2.5 * st
    in_centers = jnp.minimum(jnp.minimum(jnp.minimum(xcen - cl, ycen - ct),
                                         cr - xcen), cb - ycen) > 0.0
    ibc = in_boxes & in_centers
    any_f = jnp.max(jnp.where(valid_g & (in_boxes | in_centers), 1.0, 0.0),
                    axis=1, keepdims=True)
    fg = (any_f > 0.5) & valid_a

    tlx = jnp.maximum(gl, cx - 0.5 * w_)
    tly = jnp.maximum(gtt, cy - 0.5 * h_)
    brx = jnp.minimum(gr, cx + 0.5 * w_)
    bry = jnp.minimum(gbb, cy + 0.5 * h_)
    en = ((tlx < brx) & (tly < bry)).astype(jnp.float32)
    area_i = (brx - tlx) * (bry - tly) * en
    area_g = gw * gh
    area_p = w_ * h_
    iou = area_i / (area_g + area_p - area_i + 1e-12)
    iou = jnp.where(fg, iou, 0.0)
    iou_loss = -jnp.log(iou + 1e-08)

    cls = cls_ref[...]
    p = jnp.sqrt(jax.nn.sigmoid(cls) * jax.nn.sigmoid(obj))
    log1m = jnp.maximum(jnp.log(1.0 - p), -100.0)
    logp = jnp.maximum(jnp.log(p), -100.0)
    c_iota = lax.broadcasted_iota(jnp.int32, (cls.shape[1], G_PAD), 0)
    w_onehot = (c_iota == gtc_ref[...]).astype(jnp.float32)
    pos = lax.dot_general(log1m - logp, w_onehot,
                          (((1,), (0,)), ((), ())),
                          precision=lax.Precision.HIGHEST,
                          preferred_element_type=jnp.float32)
    cls_loss = pos - jnp.sum(log1m, axis=1, keepdims=True)

    cost = (cls_loss + 3.0 * iou_loss
            + 100000.0 * jnp.where(ibc, 0.0, 1.0)
            + 1000000.0 * jnp.where(fg, 0.0, 1.0))
    cost = jnp.where(valid_a, cost, BIG)

    cost_gm = jnp.where(valid_g, cost, BIG)
    cmin = jnp.min(cost_gm, axis=1, keepdims=True)
    amin_lane = jnp.min(jnp.where(cost_gm == cmin, lane_g, BIGI),
                        axis=1, keepdims=True)
    bg_ref[...] = jnp.sum(jnp.where(lane_g == amin_lane, iou, 0.0),
                          axis=1, keepdims=True)

    bv, bi, bu = _extract_topk_cost(cost, iou, row_iota, blk_off)
    nv, ni, nu = _merge_topk_cost(jnp.concatenate([rc_ref[...], bv], 0),
                                  jnp.concatenate([ri_ref[...], bi], 0),
                                  jnp.concatenate([ru_ref[...], bu], 0))
    rc_ref[...], ri_ref[...], ru_ref[...] = nv, ni, nu

    bt = _extract_topk_max(iou, row_iota)
    nt = _extract_topk_max(jnp.concatenate([rt_ref[...], bt], 0),
                           lax.broadcasted_iota(jnp.int32, (2 * N_CAND, G_PAD), 0))
    rt_ref[...] = nt

    dk = jnp.maximum(jnp.sum(nt, axis=0, keepdims=True).astype(jnp.int32), 1)
    slot = lax.broadcasted_iota(jnp.int32, (N_CAND, G_PAD), 0)
    lane2 = lax.broadcasted_iota(jnp.int32, (N_CAND, G_PAD), 1)
    keep = (slot < dk) & (lane2 < 100)
    pidx_ref[...] = jnp.concatenate(
        [jnp.where(keep, ni, DUMMY),
         jnp.full((2, G_PAD), DUMMY, jnp.int32)], 0)
    pval_ref[...] = jnp.concatenate(
        [jnp.where(keep, nu, 0.0), jnp.zeros((2, G_PAD), jnp.float32)], 0)


def _phase2_sc(idx_hbm, val_hbm, bg_hbm, out_hbm,
               idx_v, val_v, bg_v, cnt_v, sum_v, out_v):
    wid = lax.axis_index("s") * 2 + lax.axis_index("c")
    base = wid * CHUNK
    pltpu.sync_copy(idx_hbm, idx_v)
    pltpu.sync_copy(val_hbm, val_v)
    pltpu.sync_copy(bg_hbm.at[pl.ds(base, CHUNK)], bg_v)
    zeros16 = jnp.zeros((16,), jnp.float32)
    for k in range(CHUNK // 16):
        cnt_v[pl.ds(k * 16, 16)] = zeros16
        sum_v[pl.ds(k * 16, 16)] = zeros16
    ones16 = jnp.ones((16,), jnp.float32)
    for q in range(P_PAD // 16):
        gi = idx_v[pl.ds(q * 16, 16)]
        local = gi - base
        m = (gi >= base) & (gi < base + CHUNK)
        v = val_v[pl.ds(q * 16, 16)]
        plsc.addupdate_scatter(cnt_v, [local], ones16, mask=m)
        plsc.addupdate_scatter(sum_v, [local], v, mask=m)
    for k in range(CHUNK // 16):
        s = pl.ds(k * 16, 16)
        out_v[s] = jnp.where(cnt_v[s] > 1.5, bg_v[s], sum_v[s])
    pltpu.sync_copy(out_v, out_hbm.at[pl.ds(base, CHUNK)])


@jax.jit
def kernel(gt_bboxes, gt_classes, bbox_preds, cls_preds, obj_preds,
           expanded_strides, x_shifts, y_shifts):
    f32 = jnp.float32
    packed = jnp.concatenate(
        [bbox_preds[0].astype(f32),
         x_shifts[0][:, None].astype(f32),
         y_shifts[0][:, None].astype(f32),
         expanded_strides[0][:, None].astype(f32),
         obj_preds[0].astype(f32)], axis=1)
    packed = jnp.pad(packed, ((0, A_PAD - A_REAL), (0, 0)))
    cls_p = jnp.pad(cls_preds[0].astype(f32), ((0, A_PAD - A_REAL), (0, 0)))
    gt_t = jnp.pad(gt_bboxes.T.astype(f32), ((0, 0), (0, G_PAD - 100)))
    gtc = jnp.pad(gt_classes.astype(jnp.int32), (0, G_PAD - 100))[None, :]

    bg, pidx, pval = pl.pallas_call(
        _phase1_body,
        grid=(N_BLK,),
        in_specs=[
            pl.BlockSpec((4, G_PAD), lambda i: (0, 0)),
            pl.BlockSpec((1, G_PAD), lambda i: (0, 0)),
            pl.BlockSpec((BLK, 8), lambda i: (i, 0)),
            pl.BlockSpec((BLK, cls_p.shape[1]), lambda i: (i, 0)),
        ],
        out_specs=[
            pl.BlockSpec((BLK, 1), lambda i: (i, 0)),
            pl.BlockSpec((12, G_PAD), lambda i: (0, 0)),
            pl.BlockSpec((12, G_PAD), lambda i: (0, 0)),
        ],
        out_shape=[
            jax.ShapeDtypeStruct((A_PAD, 1), f32),
            jax.ShapeDtypeStruct((12, G_PAD), jnp.int32),
            jax.ShapeDtypeStruct((12, G_PAD), f32),
        ],
        scratch_shapes=[
            pltpu.VMEM((N_CAND, G_PAD), f32),
            pltpu.VMEM((N_CAND, G_PAD), jnp.int32),
            pltpu.VMEM((N_CAND, G_PAD), f32),
            pltpu.VMEM((N_CAND, G_PAD), f32),
        ],
    )(gt_t, gtc, packed, cls_p)

    sc_call = pl.kernel(
        _phase2_sc,
        mesh=plsc.VectorSubcoreMesh(core_axis_name="c", subcore_axis_name="s"),
        compiler_params=pltpu.CompilerParams(needs_layout_passes=False),
        out_type=jax.ShapeDtypeStruct((A_PAD,), f32),
        scratch_types=[
            pltpu.VMEM((P_PAD,), jnp.int32),
            pltpu.VMEM((P_PAD,), f32),
            pltpu.VMEM((CHUNK,), f32),
            pltpu.VMEM((CHUNK,), f32),
            pltpu.VMEM((CHUNK,), f32),
            pltpu.VMEM((CHUNK,), f32),
        ],
    )
    out = sc_call(pidx.reshape(P_PAD), pval.reshape(P_PAD),
                  bg.reshape(A_PAD))
    return out[:A_REAL]

# --- scband reference (transcript-rebuilt; emitter-appended) ---
"""Pipeline reference for scband-yoloxhead-script-75325136437522 (READ-ONLY COPY).

The authoritative reference and input builder live on the scoring server;
editing this copy changes nothing except your own understanding.
"""

import jax, jax.numpy as jnp
import numpy as np

G, A, C = 100, 20000, 80

def _pairwise_iou(a, b):
    tl = jnp.maximum(a[:, None, :2] - a[:, None, 2:] * 0.5, b[None, :, :2] - b[None, :, 2:] * 0.5)
    br = jnp.minimum(a[:, None, :2] + a[:, None, 2:] * 0.5, b[None, :, :2] + b[None, :, 2:] * 0.5)
    area_a = a[:, 2] * a[:, 3]
    area_b = b[:, 2] * b[:, 3]
    en = jnp.all(tl < br, axis=2).astype(a.dtype)
    area_i = jnp.prod(br - tl, axis=2) * en
    return area_i / (area_a[:, None] + area_b[None, :] - area_i + 1e-12)

def _in_boxes_info(gt, expanded_strides, x_shifts, y_shifts):
    s = expanded_strides[0]
    xc = (x_shifts[0] * s + 0.5 * s)[None, :]
    yc = (y_shifts[0] * s + 0.5 * s)[None, :]
    gl = (gt[:, 0] - 0.5 * gt[:, 2])[:, None]
    gr = (gt[:, 0] + 0.5 * gt[:, 2])[:, None]
    gtt = (gt[:, 1] - 0.5 * gt[:, 3])[:, None]
    gbb = (gt[:, 1] + 0.5 * gt[:, 3])[:, None]
    in_boxes = jnp.minimum(jnp.minimum(jnp.minimum(xc - gl, yc - gtt), gr - xc), gbb - yc) > 0.0
    r = 2.5
    cl = gt[:, 0:1] - r * s[None, :]
    cr = gt[:, 0:1] + r * s[None, :]
    ct = gt[:, 1:2] - r * s[None, :]
    cb = gt[:, 1:2] + r * s[None, :]
    in_centers = jnp.minimum(jnp.minimum(jnp.minimum(xc - cl, yc - ct), cr - xc), cb - yc) > 0.0
    fg_mask = jnp.any(in_boxes, axis=0) | jnp.any(in_centers, axis=0)
    return fg_mask, in_boxes & in_centers

def _simota(gt_bboxes, gt_classes, bbox_preds, cls_preds, obj_preds, expanded_strides, x_shifts, y_shifts):
    num_gt = gt_bboxes.shape[0]
    n_anchors = bbox_preds.shape[1]
    fg_mask, in_boxes_and_center = _in_boxes_info(gt_bboxes, expanded_strides, x_shifts, y_shifts)
    ious = _pairwise_iou(gt_bboxes, bbox_preds[0])
    ious = jnp.where(fg_mask[None, :], ious, 0.0)
    iou_loss = -jnp.log(ious + 1e-08)
    p = jnp.sqrt(jax.nn.sigmoid(cls_preds[0]) * jax.nn.sigmoid(obj_preds[0]))
    log1m = jnp.clip(jnp.log(1.0 - p), -100.0, None)
    logp = jnp.clip(jnp.log(p), -100.0, None)
    pos = jnp.take(log1m - logp, gt_classes, axis=1).T
    cls_loss = (-jnp.sum(log1m, axis=-1))[None, :] + pos
    cost = cls_loss + 3.0 * iou_loss + 100000.0 * jnp.logical_not(in_boxes_and_center) + 1000000.0 * jnp.logical_not(fg_mask)[None, :]
    n_cand = min(10, n_anchors)
    topk_ious, _ = jax.lax.top_k(ious, n_cand)
    dynamic_ks = jnp.maximum(jnp.sum(topk_ious, axis=1).astype(jnp.int32), 1)
    _, pos_idx = jax.lax.top_k(-cost, n_cand)
    keep = jnp.arange(n_cand, dtype=jnp.int32)[None, :] < dynamic_ks[:, None]
    pos_idx = jnp.where(keep, pos_idx, pos_idx[:, 0:1])
    rows = jnp.repeat(jnp.arange(num_gt)[:, None], n_cand, axis=1)
    matching = jnp.zeros((num_gt, n_anchors), dtype=cost.dtype).at[rows.reshape(-1), pos_idx.reshape(-1)].set(1.0)
    anchor_matching_gt = jnp.sum(matching, axis=0)
    conflict = anchor_matching_gt > 1.0
    cost_argmin = jnp.argmin(cost, axis=0)
    onehot = jax.nn.one_hot(cost_argmin, num_gt, dtype=matching.dtype).T
    matching = jnp.where(conflict[None, :], onehot, matching)
    pred_ious = jnp.sum(matching * ious, axis=0)
    return pred_ious

def setup_inputs(seed: int = 0):
    key = jax.random.key(seed)
    ks = jax.random.split(key, 8)
    gt_cxy = jax.random.uniform(ks[0], (G, 2), dtype=jnp.float32) * 600.0 + 20.0
    gt_wh = jax.random.uniform(ks[1], (G, 2), dtype=jnp.float32) * 120.0 + 16.0
    gt_bboxes = jnp.concatenate([gt_cxy, gt_wh], axis=1)
    gt_classes = jax.random.randint(ks[2], (G,), 0, C)
    pred_cxy = jax.random.uniform(ks[3], (1, A, 2), dtype=jnp.float32) * 640.0
    pred_wh = jax.random.uniform(ks[4], (1, A, 2), dtype=jnp.float32) * 120.0 + 8.0
    bbox_preds = jnp.concatenate([pred_cxy, pred_wh], axis=2)
    cls_preds = jax.random.normal(ks[5], (1, A, C), dtype=jnp.float32)
    obj_preds = jax.random.normal(ks[6], (1, A, 1), dtype=jnp.float32)
    expanded_strides = jnp.full((1, A), 8.0, dtype=jnp.float32)
    grid = jax.random.randint(ks[7], (2, A), 0, 80).astype(jnp.float32)
    return {'gt_bboxes': gt_bboxes, 'gt_classes': gt_classes, 'bbox_preds': bbox_preds, 'cls_preds': cls_preds, 'obj_preds': obj_preds, 'expanded_strides': expanded_strides, 'x_shifts': grid[0:1], 'y_shifts': grid[1:2]}

def reference(gt_bboxes, gt_classes, bbox_preds, cls_preds, obj_preds, expanded_strides, x_shifts, y_shifts):
    return _simota(gt_bboxes, gt_classes, bbox_preds, cls_preds, obj_preds, expanded_strides, x_shifts, y_shifts)

if __name__ == "__main__":
    import jax
    _d = setup_inputs()
    print(jax.jit(kernel)(*tuple(_d.values())))

</pallas_src>

<mosaic_0001>
#map = affine_map<(d0, d1) -> (0)>
module attributes {stable_mosaic.version = 14 : i64} {
  func.func @_phase2_sc(%arg0: i32, %arg1: i32, %arg2: memref<1536xi32, #tpu.memory_space<hbm>>, %arg3: memref<1536xf32, #tpu.memory_space<hbm>>, %arg4: memref<20480xf32, #tpu.memory_space<hbm>>, %arg5: memref<20480xf32, #tpu.memory_space<hbm>>, %arg6: memref<1536xi32, #tpu.memory_space<vmem>>, %arg7: memref<1536xf32, #tpu.memory_space<vmem>>, %arg8: memref<640xf32, #tpu.memory_space<vmem>>, %arg9: memref<640xf32, #tpu.memory_space<vmem>>, %arg10: memref<640xf32, #tpu.memory_space<vmem>>, %arg11: memref<640xf32, #tpu.memory_space<vmem>>) attributes {dimension_semantics = [#tpu.dimension_semantics<core_parallel>, #tpu.dimension_semantics<subcore_parallel>], iteration_bounds = array<i64: 2, 16>, scalar_prefetch = 0 : i64, scratch_operands = 6 : i64, tpu.core_type = #tpu.core_type<sc_vector_subcore>, window_params = [{transform_indices = #map}, {transform_indices = #map}, {transform_indices = #map}, {transform_indices = #map}]} {
    %mul3A = arith.constant 2 : i32
    %mul3A_0 = arith.muli %arg1, %mul3A : i32
    %add3A = arith.addi %mul3A_0, %arg0 : i32
    %mul3A_1 = arith.constant 640 : i32
    %mul3A_2 = arith.muli %add3A, %mul3A_1 : i32
    "tpu.region"() ({
      %run_scoped3A = tpu.sem_alloc : memref<!tpu.dma_semaphore, #tpu.memory_space<semaphore_mem>>
      tpu.enqueue_dma source(%arg2 : memref<1536xi32, #tpu.memory_space<hbm>>) target(%arg6 : memref<1536xi32, #tpu.memory_space<vmem>>) target_semaphore(%run_scoped3A : memref<!tpu.dma_semaphore, #tpu.memory_space<semaphore_mem>>)
      tpu.wait_dma2 semaphore(%run_scoped3A : memref<!tpu.dma_semaphore, #tpu.memory_space<semaphore_mem>>) src(%arg2 : memref<1536xi32, #tpu.memory_space<hbm>>) dst(%arg6 : memref<1536xi32, #tpu.memory_space<vmem>>)
      tpu.yield
    }) : () -> ()
    "tpu.region"() ({
      %run_scoped3A = tpu.sem_alloc : memref<!tpu.dma_semaphore, #tpu.memory_space<semaphore_mem>>
      tpu.enqueue_dma source(%arg3 : memref<1536xf32, #tpu.memory_space<hbm>>) target(%arg7 : memref<1536xf32, #tpu.memory_space<vmem>>) target_semaphore(%run_scoped3A : memref<!tpu.dma_semaphore, #tpu.memory_space<semaphore_mem>>)
      tpu.wait_dma2 semaphore(%run_scoped3A : memref<!tpu.dma_semaphore, #tpu.memory_space<semaphore_mem>>) src(%arg3 : memref<1536xf32, #tpu.memory_space<hbm>>) dst(%arg7 : memref<1536xf32, #tpu.memory_space<vmem>>)
      tpu.yield
    }) : () -> ()
    "tpu.region"() ({
      %run_scoped3A = tpu.sem_alloc : memref<!tpu.dma_semaphore, #tpu.memory_space<semaphore_mem>>
      %dma_start3A = tpu.memref_slice %arg4[%mul3A_2] : memref<20480xf32, #tpu.memory_space<hbm>> -> memref<640xf32, #tpu.memory_space<hbm>>
      %dma_start3A_1886 = tpu.memref_slice %arg4[%mul3A_2] : memref<20480xf32, #tpu.memory_space<hbm>> -> memref<640xf32, #tpu.memory_space<hbm>>
      tpu.enqueue_dma source(%dma_start3A_1886 : memref<640xf32, #tpu.memory_space<hbm>>) target(%arg8 : memref<640xf32, #tpu.memory_space<vmem>>) target_semaphore(%run_scoped3A : memref<!tpu.dma_semaphore, #tpu.memory_space<semaphore_mem>>)
      %dma_wait3A = tpu.memref_slice %arg4[%mul3A_2] : memref<20480xf32, #tpu.memory_space<hbm>> -> memref<640xf32, #tpu.memory_space<hbm>>
      %dma_wait3A_1887 = tpu.memref_slice %arg4[%mul3A_2] : memref<20480xf32, #tpu.memory_space<hbm>> -> memref<640xf32, #tpu.memory_space<hbm>>
      tpu.wait_dma2 semaphore(%run_scoped3A : memref<!tpu.dma_semaphore, #tpu.memory_space<semaphore_mem>>) src(%dma_wait3A_1887 : memref<640xf32, #tpu.memory_space<hbm>>) dst(%arg8 : memref<640xf32, #tpu.memory_space<vmem>>)
      tpu.yield
    }) : () -> ()
    %broadcast_in_dim3A = arith.constant 0.000000e+00 : f32
    %broadcast_in_dim3A_3 = vector.broadcast %broadcast_in_dim3A : f32 to vector<16xf32>
    %swap3A = arith.constant 0 : index
    %swap3A_4 = tpu.vector_load %arg9[%swap3A] {strides = array<i32>} : memref<640xf32, #tpu.memory_space<vmem>>, vector<16xf32>,
    tpu.vector_store %arg9[%swap3A], %broadcast_in_dim3A_3 {strides = array<i32>} : memref<640xf32, #tpu.memory_space<vmem>>, vector<16xf32>,
    %swap3A_5 = arith.constant 0 : index
    %swap3A_6 = tpu.vector_load %arg10[%swap3A_5] {strides = array<i32>} : memref<640xf32, #tpu.memory_space<vmem>>, vector<16xf32>,
    tpu.vector_store %arg10[%swap3A_5], %broadcast_in_dim3A_3 {strides = array<i32>} : memref<640xf32, #tpu.memory_space<vmem>>, vector<16xf32>,
    %swap3A_7 = arith.constant 16 : index
    %swap3A_8 = tpu.vector_load %arg9[%swap3A_7] {strides = array<i32>} : memref<640xf32, #tpu.memory_space<vmem>>, vector<16xf32>,
    tpu.vector_store %arg9[%swap3A_7], %broadcast_in_dim3A_3 {strides = array<i32>} : memref<640xf32, #tpu.memory_space<vmem>>, vector<16xf32>,
    %swap3A_9 = arith.constant 16 : index
    %swap3A_10 = tpu.vector_load %arg10[%swap3A_9] {strides = array<i32>} : memref<640xf32, #tpu.memory_space<vmem>>, vector<16xf32>,
    tpu.vector_store %arg10[%swap3A_9], %broadcast_in_dim3A_3 {strides = array<i32>} : memref<640xf32, #tpu.memory_space<vmem>>, vector<16xf32>,
    %swap3A_11 = arith.constant 32 : index
    %swap3A_12 = tpu.vector_load %arg9[%swap3A_11] {strides = array<i32>} : memref<640xf32, #tpu.memory_space<vmem>>, vector<16xf32>,
    tpu.vector_store %arg9[%swap3A_11], %broadcast_in_dim3A_3 {strides = array<i32>} : memref<640xf32, #tpu.memory_space<vmem>>, vector<16xf32>,
    %swap3A_13 = arith.constant 32 : index
    %swap3A_14 = tpu.vector_load %arg10[%swap3A_13] {strides = array<i32>} : memref<640xf32, #tpu.memory_space<vmem>>, vector<16xf32>,
    tpu.vector_store %arg10[%swap3A_13], %broadcast_in_dim3A_3 {strides = array<i32>} : memref<640xf32, #tpu.memory_space<vmem>>, vector<16xf32>,
    %swap3A_15 = arith.constant 48 : index
    %swap3A_16 = tpu.vector_load %arg9[%swap3A_15] {strides = array<i32>} : memref<640xf32, #tpu.memory_space<vmem>>, vector<16xf32>,
    tpu.vector_store %arg9[%swap3A_15], %broadcast_in_dim3A_3 {strides = array<i32>} : memref<640xf32, #tpu.memory_space<vmem>>, vector<16xf32>,
    %swap3A_17 = arith.constant 48 : index
    %swap3A_18 = tpu.vector_load %arg10[%swap3A_17] {strides = array<i32>} : memref<640xf32, #tpu.memory_space<vmem>>, vector<16xf32>,
    tpu.vector_store %arg10[%swap3A_17], %broadcast_in_dim3A_3 {strides = array<i32>} : memref<640xf32, #tpu.memory_space<vmem>>, vector<16xf32>,
    %swap3A_19 = arith.constant 64 : index
    %swap3A_20 = tpu.vector_load %arg9[%swap3A_19] {strides = array<i32>} : memref<640xf32, #tpu.memory_space<vmem>>, vector<16xf32>,
    tpu.vector_store %arg9[%swap3A_19], %broadcast_in_dim3A_3 {strides = array<i32>} : memref<640xf32, #tpu.memory_space<vmem>>, vector<16xf32>,
    %swap3A_21 = arith.constant 64 : index
    %swap3A_22 = tpu.vector_load %arg10[%swap3A_21] {strides = array<i32>} : memref<640xf32, #tpu.memory_space<vmem>>, vector<16xf32>,
    tpu.vector_store %arg10[%swap3A_21], %broadcast_in_dim3A_3 {strides = array<i32>} : memref<640xf32, #tpu.memory_space<vmem>>, vector<16xf32>,
    %swap3A_23 = arith.constant 80 : index
    %swap3A_24 = tpu.vector_load %arg9[%swap3A_23] {strides = array<i32>} : memref<640xf32, #tpu.memory_space<vmem>>, vector<16xf32>,
    tpu.vector_store %arg9[%swap3A_23], %broadcast_in_dim3A_3 {strides = array<i32>} : memref<640xf32, #tpu.memory_space<vmem>>, vector<16xf32>,
    %swap3A_25 = arith.constant 80 : index
    %swap3A_26 = tpu.vector_load %arg10[%swap3A_25] {strides = array<i32>} : memref<640xf32, #tpu.memory_space<vmem>>, vector<16xf32>,
    tpu.vector_store %arg10[%swap3A_25], %broadcast_in_dim3A_3 {strides = array<i32>} : memref<640xf32, #tpu.memory_space<vmem>>, vector<16xf32>,
    %swap3A_27 = arith.constant 96 : index
    %swap3A_28 = tpu.vector_load %arg9[%swap3A_27] {strides = array<i32>} : memref<640xf32, #tpu.memory_space<vmem>>, vector<16xf32>,
    tpu.vector_store %arg9[%swap3A_27], %broadcast_in_dim3A_3 {strides = array<i32>} : memref<640xf32, #tpu.memory_space<vmem>>, vector<16xf32>,
    %swap3A_29 = arith.constant 96 : index
    %swap3A_30 = tpu.vector_load %arg10[%swap3A_29] {strides = array<i32>} : memref<640xf32, #tpu.memory_space<vmem>>, vector<16xf32>,
    tpu.vector_store %arg10[%swap3A_29], %broadcast_in_dim3A_3 {strides = array<i32>} : memref<640xf32, #tpu.memory_space<vmem>>, vector<16xf32>,
    %swap3A_31 = arith.constant 112 : index
    %swap3A_32 = tpu.vector_load %arg9[%swap3A_31] {strides = array<i32>} : memref<640xf32, #tpu.memory_space<vmem>>, vector<16xf32>,
    tpu.vector_store %arg9[%swap3A_31], %broadcast_in_dim3A_3 {strides = array<i32>} : memref<640xf32, #tpu.memory_space<vmem>>, vector<16xf32>,
    %swap3A_33 = arith.constant 112 : index
    %swap3A_34 = tpu.vector_load %arg10[%swap3A_33] {strides = array<i32>} : memref<640xf32, #tpu.memory_space<vmem>>, vector<16xf32>,
    tpu.vector_store %arg10[%swap3A_33], %broadcast_in_dim3A_3 {strides = array<i32>} : memref<640xf32, #tpu.memory_space<vmem>>, vector<16xf32>,
    %swap3A_35 = arith.constant 128 : index
    %swap3A_36 = tpu.vector_load %arg9[%swap3A_35] {strides = array<i32>} : memref<640xf32, #tpu.memory_space<vmem>>, vector<16xf32>,
    tpu.vector_store %arg9[%swap3A_35], %broadcast_in_dim3A_3 {strides = array<i32>} : memref<640xf32, #tpu.memory_space<vmem>>, vector<16xf32>,
    %swap3A_37 = arith.constant 128 : index
    %swap3A_38 = tpu.vector_load %arg10[%swap3A_37] {strides = array<i32>} : memref<640xf32, #tpu.memory_space<vmem>>, vector<16xf32>,
    tpu.vector_store %arg10[%swap3A_37], %broadcast_in_dim3A_3 {strides = array<i32>} : memref<640xf32, #tpu.memory_space<vmem>>, vector<16xf32>,
    %swap3A_39 = arith.constant 144 : index
    %swap3A_40 = tpu.vector_load %arg9[%swap3A_39] {strides = array<i32>} : memref<640xf32, #tpu.memory_space<vmem>>, vector<16xf32>,
    tpu.vector_store %arg9[%swap3A_39], %broadcast_in_dim3A_3 {strides = array<i32>} : memref<640xf32, #tpu.memory_space<vmem>>, vector<16xf32>,
    %swap3A_41 = arith.constant 144 : index
    %swap3A_42 = tpu.vector_load %arg10[%swap3A_41] {strides = array<i32>} : memref<640xf32, #tpu.memory_space<vmem>>, vector<16xf32>,
    tpu.vector_store %arg10[%swap3A_41], %broadcast_in_dim3A_3 {strides = array<i32>} : memref<640xf32, #tpu.memory_space<vmem>>, vector<16xf32>,
    %swap3A_43 = arith.constant 160 : index
    %swap3A_44 = tpu.vector_load %arg9[%swap3A_43] {strides = array<i32>} : memref<640xf32, #tpu.memory_space<vmem>>, vector<16xf32>,
    tpu.vector_store %arg9[%swap3A_43], %broadcast_in_dim3A_3 {strides = array<i32>} : memref<640xf32, #tpu.memory_space<vmem>>, vector<16xf32>,
    %swap3A_45 = arith.constant 160 : index
    %swap3A_46 = tpu.vector_load %arg10[%swap3A_45] {strides = array<i32>} : memref<640xf32, #tpu.memory_space<vmem>>, vector<16xf32>,
    tpu.vector_store %arg10[%swap3A_45], %broadcast_in_dim3A_3 {strides = array<i32>} : memref<640xf32, #tpu.memory_space<vmem>>, vector<16xf32>,
    %swap3A_47 = arith.constant 176 : index
    %swap3A_48 = tpu.vector_load %arg9[%swap3A_47] {strides = array<i32>} : memref<640xf32, #tpu.memory_space<vmem>>, vector<16xf32>,
    tpu.vector_store %arg9[%swap3A_47], %broadcast_in_dim3A_3 {strides = array<i32>} : memref<640xf32, #tpu.memory_space<vmem>>, vector<16xf32>,
    %swap3A_49 = arith.constant 176 : index
    %swap3A_50 = tpu.vector_load %arg10[%swap3A_49] {strides = array<i32>} : memref<640xf32, #tpu.memory_space<vmem>>, vector<16xf32>,
    tpu.vector_store %arg10[%swap3A_49], %broadcast_in_dim3A_3 {strides = array<i32>} : memref<640xf32, #tpu.memory_space<vmem>>, vector<16xf32>,
    %swap3A_51 = arith.constant 192 : index
    %swap3A_52 = tpu.vector_load %arg9[%swap3A_51] {strides = array<i32>} : memref<640xf32, #tpu.memory_space<vmem>>, vector<16xf32>,
    tpu.vector_store %arg9[%swap3A_51], %broadcast_in_dim3A_3 {strides = array<i32>} : memref<640xf32, #tpu.memory_space<vmem>>, vector<16xf32>,
    %swap3A_53 = arith.constant 192 : index
    %swap3A_54 = tpu.vector_load %arg10[%swap3A_53] {strides = array<i32>} : memref<640xf32, #tpu.memory_space<vmem>>, vector<16xf32>,
    tpu.vector_store %arg10[%swap3A_53], %broadcast_in_dim3A_3 {strides = array<i32>} : memref<640xf32, #tpu.memory_space<vmem>>, vector<16xf32>,
    %swap3A_55 = arith.constant 208 : index
    %swap3A_56 = tpu.vector_load %arg9[%swap3A_55] {strides = array<i32>} : memref<640xf32, #tpu.memory_space<vmem>>, vector<16xf32>,
    tpu.vector_store %arg9[%swap3A_55], %broadcast_in_dim3A_3 {strides = array<i32>} : memref<640xf32, #tpu.memory_space<vmem>>, vector<16xf32>,
    %swap3A_57 = arith.constant 208 : index
    %swap3A_58 = tpu.vector_load %arg10[%swap3A_57] {strides = array<i32>} : memref<640xf32, #tpu.memory_space<vmem>>, vector<16xf32>,
    tpu.vector_store %arg10[%swap3A_57], %broadcast_in_dim3A_3 {strides = array<i32>} : memref<640xf32, #tpu.memory_space<vmem>>, vector<16xf32>,
    %swap3A_59 = arith.constant 224 : index
    %swap3A_60 = tpu.vector_load %arg9[%swap3A_59] {strides = array<i32>} : memref<640xf32, #tpu.memory_space<vmem>>, vector<16xf32>,
    tpu.vector_store %arg9[%swap3A_59], %broadcast_in_dim3A_3 {strides = array<i32>} : memref<640xf32, #tpu.memory_space<vmem>>, vector<16xf32>,
    %swap3A_61 = arith.constant 224 : index
    %swap3A_62 = tpu.vector_load %arg10[%swap3A_61] {strides = array<i32>} : memref<640xf32, #tpu.memory_space<vmem>>, vector<16xf32>,
    tpu.vector_store %arg10[%swap3A_61], %broadcast_in_dim3A_3 {strides = array<i32>} : memref<640xf32, #tpu.memory_space<vmem>>, vector<16xf32>,
    %swap3A_63 = arith.constant 240 : index
    %swap3A_64 = tpu.vector_load %arg9[%swap3A_63] {strides = array<i32>} : memref<640xf32, #tpu.memory_space<vmem>>, vector<16xf32>,
    tpu.vector_store %arg9[%swap3A_63], %broadcast_in_dim3A_3 {strides = array<i32>} : memref<640xf32, #tpu.memory_space<vmem>>, vector<16xf32>,
    %swap3A_65 = arith.constant 240 : index
    %swap3A_66 = tpu.vector_load %arg10[%swap3A_65] {strides = array<i32>} : memref<640xf32, #tpu.memory_space<vmem>>, vector<16xf32>,
    tpu.vector_store %arg10[%swap3A_65], %broadcast_in_dim3A_3 {strides = array<i32>} : memref<640xf32, #tpu.memory_space<vmem>>, vector<16xf32>,
    %swap3A_67 = arith.constant 256 : index
    %swap3A_68 = tpu.vector_load %arg9[%swap3A_67] {strides = array<i32>} : memref<640xf32, #tpu.memory_space<vmem>>, vector<16xf32>,
    tpu.vector_store %arg9[%swap3A_67], %broadcast_in_dim3A_3 {strides = array<i32>} : memref<640xf32, #tpu.memory_space<vmem>>, vector<16xf32>,
    %swap3A_69 = arith.constant 256 : index
    %swap3A_70 = tpu.vector_load %arg10[%swap3A_69] {strides = array<i32>} : memref<640xf32, #tpu.memory_space<vmem>>, vector<16xf32>,
    tpu.vector_store %arg10[%swap3A_69], %broadcast_in_dim3A_3 {strides = array<i32>} : memref<640xf32, #tpu.memory_space<vmem>>, vector<16xf32>,
    %swap3A_71 = arith.constant 272 : index
    %swap3A_72 = tpu.vector_load %arg9[%swap3A_71] {strides = array<i32>} : memref<640xf32, #tpu.memory_space<vmem>>, vector<16xf32>,
    tpu.vector_store %arg9[%swap3A_71], %broadcast_in_dim3A_3 {strides = array<i32>} : memref<640xf32, #tpu.memory_space<vmem>>, vector<16xf32>,
    %swap3A_73 = arith.constant 272 : index
    %swap3A_74 = tpu.vector_load %arg10[%swap3A_73] {strides = array<i32>} : memref<640xf32, #tpu.memory_space<vmem>>, vector<16xf32>,
    tpu.vector_store %arg10[%swap3A_73], %broadcast_in_dim3A_3 {strides = array<i32>} : memref<640xf32, #tpu.memory_space<vmem>>, vector<16xf32>,
    %swap3A_75 = arith.constant 288 : index
    %swap3A_76 = tpu.vector_load %arg9[%swap3A_75] {strides = array<i32>} : memref<640xf32, #tpu.memory_space<vmem>>, vector<16xf32>,
    tpu.vector_store %arg9[%swap3A_75], %broadcast_in_dim3A_3 {strides = array<i32>} : memref<640xf32, #tpu.memory_space<vmem>>, vector<16xf32>,
    %swap3A_77 = arith.constant 288 : index
    %swap3A_78 = tpu.vector_load %arg10[%swap3A_77] {strides = array<i32>} : memref<640xf32, #tpu.memory_space<vmem>>, vector<16xf32>,
    tpu.vector_store %arg10[%swap3A_77], %broadcast_in_dim3A_3 {strides = array<i32>} : memref<640xf32, #tpu.memory_space<vmem>>, vector<16xf32>,
    %swap3A_79 = arith.constant 304 : index
    %swap3A_80 = tpu.vector_load %arg9[%swap3A_79] {strides = array<i32>} : memref<640xf32, #tpu.memory_space<vmem>>, vector<16xf32>,
    tpu.vector_store %arg9[%swap3A_79], %broadcast_in_dim3A_3 {strides = array<i32>} : memref<640xf32, #tpu.memory_space<vmem>>, vector<16xf32>,
    %swap3A_81 = arith.constant 304 : index
    %swap3A_82 = tpu.vector_load %arg10[%swap3A_81] {strides = array<i32>} : memref<640xf32, #tpu.memory_space<vmem>>, vector<16xf32>,
    tpu.vector_store %arg10[%swap3A_81], %broadcast_in_dim3A_3 {strides = array<i32>} : memref<640xf32, #tpu.memory_space<vmem>>, vector<16xf32>,
    %swap3A_83 = arith.constant 320 : index
    %swap3A_84 = tpu.vector_load %arg9[%swap3A_83] {strides = array<i32>} : memref<640xf32, #tpu.memory_space<vmem>>, vector<16xf32>,
    tpu.vector_store %arg9[%swap3A_83], %broadcast_in_dim3A_3 {strides = array<i32>} : memref<640xf32, #tpu.memory_space<vmem>>, vector<16xf32>,
    %swap3A_85 = arith.constant 320 : index
    %swap3A_86 = tpu.vector_load %arg10[%swap3A_85] {strides = array<i32>} : memref<640xf32, #tpu.memory_space<vmem>>, vector<16xf32>,
    tpu.vector_store %arg10[%swap3A_85], %broadcast_in_dim3A_3 {strides = array<i32>} : memref<640xf32, #tpu.memory_space<vmem>>, vector<16xf32>,
    %swap3A_87 = arith.constant 336 : index
    %swap3A_88 = tpu.vector_load %arg9[%swap3A_87] {strides = array<i32>} : memref<640xf32, #tpu.memory_space<vmem>>, vector<16xf32>,
    tpu.vector_store %arg9[%swap3A_87], %broadcast_in_dim3A_3 {strides = array<i32>} : memref<640xf32, #tpu.memory_space<vmem>>, vector<16xf32>,
    %swap3A_89 = arith.constant 336 : index
    %swap3A_90 = tpu.vector_load %arg10[%swap3A_89] {strides = array<i32>} : memref<640xf32, #tpu.memory_space<vmem>>, vector<16xf32>,
    tpu.vector_store %arg10[%swap3A_89], %broadcast_in_dim3A_3 {strides = array<i32>} : memref<640xf32, #tpu.memory_space<vmem>>, vector<16xf32>,
    %swap3A_91 = arith.constant 352 : index
    %swap3A_92 = tpu.vector_load %arg9[%swap3A_91] {strides = array<i32>} : memref<640xf32, #tpu.memory_space<vmem>>, vector<16xf32>,
    tpu.vector_store %arg9[%swap3A_91], %broadcast_in_dim3A_3 {strides = array<i32>} : memref<640xf32, #tpu.memory_space<vmem>>, vector<16xf32>,
    %swap3A_93 = arith.constant 352 : index
    %swap3A_94 = tpu.vector_load %arg10[%swap3A_93] {strides = array<i32>} : memref<640xf32, #tpu.memory_space<vmem>>, vector<16xf32>,
    tpu.vector_store %arg10[%swap3A_93], %broadcast_in_dim3A_3 {strides = array<i32>} : memref<640xf32, #tpu.memory_space<vmem>>, vector<16xf32>,
    %swap3A_95 = arith.constant 368 : index
    %swap3A_96 = tpu.vector_load %arg9[%swap3A_95] {strides = array<i32>} : memref<640xf32, #tpu.memory_space<vmem>>, vector<16xf32>,
    tpu.vector_store %arg9[%swap3A_95], %broadcast_in_dim3A_3 {strides = array<i32>} : memref<640xf32, #tpu.memory_space<vmem>>, vector<16xf32>,
    %swap3A_97 = arith.constant 368 : index
    %swap3A_98 = tpu.vector_load %arg10[%swap3A_97] {strides = array<i32>} : memref<640xf32, #tpu.memory_space<vmem>>, vector<16xf32>,
    tpu.vector_store %arg10[%swap3A_97], %broadcast_in_dim3A_3 {strides = array<i32>} : memref<640xf32, #tpu.memory_space<vmem>>, vector<16xf32>,
    %swap3A_99 = arith.constant 384 : index
    %swap3A_100 = tpu.vector_load %arg9[%swap3A_99] {strides = array<i32>} : memref<640xf32, #tpu.memory_space<vmem>>, vector<16xf32>,
    tpu.vector_store %arg9[%swap3A_99], %broadcast_in_dim3A_3 {strides = array<i32>} : memref<640xf32, #tpu.memory_space<vmem>>, vector<16xf32>,
    %swap3A_101 = arith.constant 384 : index
    %swap3A_102 = tpu.vector_load %arg10[%swap3A_101] {strides = array<i32>} : memref<640xf32, #tpu.memory_space<vmem>>, vector<16xf32>,
    tpu.vector_store %arg10[%swap3A_101], %broadcast_in_dim3A_3 {strides = array<i32>} : memref<640xf32, #tpu.memory_space<vmem>>, vector<16xf32>,
    %swap3A_103 = arith.constant 400 : index
    %swap3A_104 = tpu.vector_load %arg9[%swap3A_103] {strides = array<i32>} : memref<640xf32, #tpu.memory_space<vmem>>, vector<16xf32>,
    tpu.vector_store %arg9[%swap3A_103], %broadcast_in_dim3A_3 {strides = array<i32>} : memref<640xf32, #tpu.memory_space<vmem>>, vector<16xf32>,
    %swap3A_105 = arith.constant 400 : index
    %swap3A_106 = tpu.vector_load %arg10[%swap3A_105] {strides = array<i32>} : memref<640xf32, #tpu.memory_space<vmem>>, vector<16xf32>,
    tpu.vector_store %arg10[%swap3A_105], %broadcast_in_dim3A_3 {strides = array<i32>} : memref<640xf32, #tpu.memory_space<vmem>>, vector<16xf32>,
    %swap3A_107 = arith.constant 416 : index
    %swap3A_108 = tpu.vector_load %arg9[%swap3A_107] {strides = array<i32>} : memref<640xf32, #tpu.memory_space<vmem>>, vector<16xf32>,
    tpu.vector_store %arg9[%swap3A_107], %broadcast_in_dim3A_3 {strides = array<i32>} : memref<640xf32, #tpu.memory_space<vmem>>, vector<16xf32>,
    %swap3A_109 = arith.constant 416 : index
    %swap3A_110 = tpu.vector_load %arg10[%swap3A_109] {strides = array<i32>} : memref<640xf32, #tpu.memory_space<vmem>>, vector<16xf32>,
    tpu.vector_store %arg10[%swap3A_109], %broadcast_in_dim3A_3 {strides = array<i32>} : memref<640xf32, #tpu.memory_space<vmem>>, vector<16xf32>,
    %swap3A_111 = arith.constant 432 : index
    %swap3A_112 = tpu.vector_load %arg9[%swap3A_111] {strides = array<i32>} : memref<640xf32, #tpu.memory_space<vmem>>, vector<16xf32>,
    tpu.vector_store %arg9[%swap3A_111], %broadcast_in_dim3A_3 {strides = array<i32>} : memref<640xf32, #tpu.memory_space<vmem>>, vector<16xf32>,
    %swap3A_113 = arith.constant 432 : index
    %swap3A_114 = tpu.vector_load %arg10[%swap3A_113] {strides = array<i32>} : memref<640xf32, #tpu.memory_space<vmem>>, vector<16xf32>,
    tpu.vector_store %arg10[%swap3A_113], %broadcast_in_dim3A_3 {strides = array<i32>} : memref<640xf32, #tpu.memory_space<vmem>>, vector<16xf32>,
    %swap3A_115 = arith.constant 448 : index
    %swap3A_116 = tpu.vector_load %arg9[%swap3A_115] {strides = array<i32>} : memref<640xf32, #tpu.memory_space<vmem>>, vector<16xf32>,
    tpu.vector_store %arg9[%swap3A_115], %broadcast_in_dim3A_3 {strides = array<i32>} : memref<640xf32, #tpu.memory_space<vmem>>, vector<16xf32>,
    %swap3A_117 = arith.constant 448 : index
    %swap3A_118 = tpu.vector_load %arg10[%swap3A_117] {strides = array<i32>} : memref<640xf32, #tpu.memory_space<vmem>>, vector<16xf32>,
    tpu.vector_store %arg10[%swap3A_117], %broadcast_in_dim3A_3 {strides = array<i32>} : memref<640xf32, #tpu.memory_space<vmem>>, vector<16xf32>,
    %swap3A_119 = arith.constant 464 : index
    %swap3A_120 = tpu.vector_load %arg9[%swap3A_119] {strides = array<i32>} : memref<640xf32, #tpu.memory_space<vmem>>, vector<16xf32>,
    tpu.vector_store %arg9[%swap3A_119], %broadcast_in_dim3A_3 {strides = array<i32>} : memref<640xf32, #tpu.memory_space<vmem>>, vector<16xf32>,
    %swap3A_121 = arith.constant 464 : index
    %swap3A_122 = tpu.vector_load %arg10[%swap3A_121] {strides = array<i32>} : memref<640xf32, #tpu.memory_space<vmem>>, vector<16xf32>,
    tpu.vector_store %arg10[%swap3A_121], %broadcast_in_dim3A_3 {strides = array<i32>} : memref<640xf32, #tpu.memory_space<vmem>>, vector<16xf32>,
    %swap3A_123 = arith.constant 480 : index
    %swap3A_124 = tpu.vector_load %arg9[%swap3A_123] {strides = array<i32>} : memref<640xf32, #tpu.memory_space<vmem>>, vector<16xf32>,
    tpu.vector_store %arg9[%swap3A_123], %broadcast_in_dim3A_3 {strides = array<i32>} : memref<640xf32, #tpu.memory_space<vmem>>, vector<16xf32>,
    %swap3A_125 = arith.constant 480 : index
    %swap3A_126 = tpu.vector_load %arg10[%swap3A_125] {strides = array<i32>} : memref<640xf32, #tpu.memory_space<vmem>>, vector<16xf32>,
    tpu.vector_store %arg10[%swap3A_125], %broadcast_in_dim3A_3 {strides = array<i32>} : memref<640xf32, #tpu.memory_space<vmem>>, vector<16xf32>,
    %swap3A_127 = arith.constant 496 : index
    %swap3A_128 = tpu.vector_load %arg9[%swap3A_127] {strides = array<i32>} : memref<640xf32, #tpu.memory_space<vmem>>, vector<16xf32>,
    tpu.vector_store %arg9[%swap3A_127], %broadcast_in_dim3A_3 {strides = array<i32>} : memref<640xf32, #tpu.memory_space<vmem>>, vector<16xf32>,
    %swap3A_129 = arith.constant 496 : index
    %swap3A_130 = tpu.vector_load %arg10[%swap3A_129] {strides = array<i32>} : memref<640xf32, #tpu.memory_space<vmem>>, vector<16xf32>,
    tpu.vector_store %arg10[%swap3A_129], %broadcast_in_dim3A_3 {strides = array<i32>} : memref<640xf32, #tpu.memory_space<vmem>>, vector<16xf32>,
    %swap3A_131 = arith.constant 512 : index
    %swap3A_132 = tpu.vector_load %arg9[%swap3A_131] {strides = array<i32>} : memref<640xf32, #tpu.memory_space<vmem>>, vector<16xf32>,
    tpu.vector_store %arg9[%swap3A_131], %broadcast_in_dim3A_3 {strides = array<i32>} : memref<640xf32, #tpu.memory_space<vmem>>, vector<16xf32>,
    %swap3A_133 = arith.constant 512 : index
    %swap3A_134 = tpu.vector_load %arg10[%swap3A_133] {strides = array<i32>} : memref<640xf32, #tpu.memory_space<vmem>>, vector<16xf32>,
    tpu.vector_store %arg10[%swap3A_133], %broadcast_in_dim3A_3 {strides = array<i32>} : memref<640xf32, #tpu.memory_space<vmem>>, vector<16xf32>,
    %swap3A_135 = arith.constant 528 : index
    %swap3A_136 = tpu.vector_load %arg9[%swap3A_135] {strides = array<i32>} : memref<640xf32, #tpu.memory_space<vmem>>, vector<16xf32>,
    tpu.vector_store %arg9[%swap3A_135], %broadcast_in_dim3A_3 {strides = array<i32>} : memref<640xf32, #tpu.memory_space<vmem>>, vector<16xf32>,
    %swap3A_137 = arith.constant 528 : index
    %swap3A_138 = tpu.vector_load %arg10[%swap3A_137] {strides = array<i32>} : memref<640xf32, #tpu.memory_space<vmem>>, vector<16xf32>,
    tpu.vector_store %arg10[%swap3A_137], %broadcast_in_dim3A_3 {strides = array<i32>} : memref<640xf32, #tpu.memory_space<vmem>>, vector<16xf32>,
    %swap3A_139 = arith.constant 544 : index
    %swap3A_140 = tpu.vector_load %arg9[%swap3A_139] {strides = array<i32>} : memref<640xf32, #tpu.memory_space<vmem>>, vector<16xf32>,
    tpu.vector_store %arg9[%swap3A_139], %broadcast_in_dim3A_3 {strides = array<i32>} : memref<640xf32, #tpu.memory_space<vmem>>, vector<16xf32>,
    %swap3A_141 = arith.constant 544 : index
    %swap3A_142 = tpu.vector_load %arg10[%swap3A_141] {strides = array<i32>} : memref<640xf32, #tpu.memory_space<vmem>>, vector<16xf32>,
    tpu.vector_store %arg10[%swap3A_141], %broadcast_in_dim3A_3 {strides = array<i32>} : memref<640xf32, #tpu.memory_space<vmem>>, vector<16xf32>,
    %swap3A_143 = arith.constant 560 : index
    %swap3A_144 = tpu.vector_load %arg9[%swap3A_143] {strides = array<i32>} : memref<640xf32, #tpu.memory_space<vmem>>, vector<16xf32>,
    tpu.vector_store %arg9[%swap3A_143], %broadcast_in_dim3A_3 {strides = array<i32>} : memref<640xf32, #tpu.memory_space<vmem>>, vector<16xf32>,
    %swap3A_145 = arith.constant 560 : index
    %swap3A_146 = tpu.vector_load %arg10[%swap3A_145] {strides = array<i32>} : memref<640xf32, #tpu.memory_space<vmem>>, vector<16xf32>,
    tpu.vector_store %arg10[%swap3A_145], %broadcast_in_dim3A_3 {strides = array<i32>} : memref<640xf32, #tpu.memory_space<vmem>>, vector<16xf32>,
    %swap3A_147 = arith.constant 576 : index
    %swap3A_148 = tpu.vector_load %arg9[%swap3A_147] {strides = array<i32>} : memref<640xf32, #tpu.memory_space<vmem>>, vector<16xf32>,
    tpu.vector_store %arg9[%swap3A_147], %broadcast_in_dim3A_3 {strides = array<i32>} : memref<640xf32, #tpu.memory_space<vmem>>, vector<16xf32>,
    %swap3A_149 = arith.constant 576 : index
    %swap3A_150 = tpu.vector_load %arg10[%swap3A_149] {strides = array<i32>} : memref<640xf32, #tpu.memory_space<vmem>>, vector<16xf32>,
    tpu.vector_store %arg10[%swap3A_149], %broadcast_in_dim3A_3 {strides = array<i32>} : memref<640xf32, #tpu.memory_space<vmem>>, vector<16xf32>,
    %swap3A_151 = arith.constant 592 : index
    %swap3A_152 = tpu.vector_load %arg9[%swap3A_151] {strides = array<i32>} : memref<640xf32, #tpu.memory_space<vmem>>, vector<16xf32>,
    tpu.vector_store %arg9[%swap3A_151], %broadcast_in_dim3A_3 {strides = array<i32>} : memref<640xf32, #tpu.memory_space<vmem>>, vector<16xf32>,
    %swap3A_153 = arith.constant 592 : index
    %swap3A_154 = tpu.vector_load %arg10[%swap3A_153] {strides = array<i32>} : memref<640xf32, #tpu.memory_space<vmem>>, vector<16xf32>,
    tpu.vector_store %arg10[%swap3A_153], %broadcast_in_dim3A_3 {strides = array<i32>} : memref<640xf32, #tpu.memory_space<vmem>>, vector<16xf32>,
    %swap3A_155 = arith.constant 608 : index
    %swap3A_156 = tpu.vector_load %arg9[%swap3A_155] {strides = array<i32>} : memref<640xf32, #tpu.memory_space<vmem>>, vector<16xf32>,
    tpu.vector_store %arg9[%swap3A_155], %broadcast_in_dim3A_3 {strides = array<i32>} : memref<640xf32, #tpu.memory_space<vmem>>, vector<16xf32>,
    %swap3A_157 = arith.constant 608 : index
    %swap3A_158 = tpu.vector_load %arg10[%swap3A_157] {strides = array<i32>} : memref<640xf32, #tpu.memory_space<vmem>>, vector<16xf32>,
    tpu.vector_store %arg10[%swap3A_157], %broadcast_in_dim3A_3 {strides = array<i32>} : memref<640xf32, #tpu.memory_space<vmem>>, vector<16xf32>,
    %swap3A_159 = arith.constant 624 : index
    %swap3A_160 = tpu.vector_load %arg9[%swap3A_159] {strides = array<i32>} : memref<640xf32, #tpu.memory_space<vmem>>, vector<16xf32>,
    tpu.vector_store %arg9[%swap3A_159], %broadcast_in_dim3A_3 {strides = array<i32>} : memref<640xf32, #tpu.memory_space<vmem>>, vector<16xf32>,
    %swap3A_161 = arith.constant 624 : index
    %swap3A_162 = tpu.vector_load %arg10[%swap3A_161] {strides = array<i32>} : memref<640xf32, #tpu.memory_space<vmem>>, vector<16xf32>,
    tpu.vector_store %arg10[%swap3A_161], %broadcast_in_dim3A_3 {strides = array<i32>} : memref<640xf32, #tpu.memory_space<vmem>>, vector<16xf32>,
    %broadcast_in_dim3A_163 = arith.constant 1.000000e+00 : f32
    %broadcast_in_dim3A_164 = vector.broadcast %broadcast_in_dim3A_163 : f32 to vector<16xf32>
    %get3A = arith.constant 0 : index
    %get3A_165 = tpu.vector_load %arg6[%get3A] {strides = array<i32>} : memref<1536xi32, #tpu.memory_space<vmem>>, vector<16xi32>,
    %sub3A = vector.broadcast %mul3A_2 : i32 to vector<16xi32>
    %sub3A_166 = arith.subi %get3A_165, %sub3A : vector<16xi32>
    %ge3A = vector.broadcast %mul3A_2 : i32 to vector<16xi32>
    %ge3A_167 = arith.cmpi sge, %get3A_165, %ge3A : vector<16xi32>
    %add3A_168 = arith.constant 640 : i32
    %add3A_169 = arith.addi %mul3A_2, %add3A_168 : i32
    %lt3A = vector.broadcast %add3A_169 : i32 to vector<16xi32>
    %lt3A_170 = arith.cmpi slt, %get3A_165, %lt3A : vector<16xi32>
    %and3A = arith.andi %ge3A_167, %lt3A_170 : vector<16xi1>
    %get3A_171 = arith.constant 0 : index
    %get3A_172 = tpu.vector_load %arg7[%get3A_171] {strides = array<i32>} : memref<1536xf32, #tpu.memory_space<vmem>>, vector<16xf32>,
    tpu.vector_store_idx %arg9[%sub3A_166], %broadcast_in_dim3A_164 masked %and3A {add = true} : memref<640xf32, #tpu.memory_space<vmem>>[vector<16xi32>], vector<16xf32>, vector<16xi1>
    tpu.vector_store_idx %arg10[%sub3A_166], %get3A_172 masked %and3A {add = true} : memref<640xf32, #tpu.memory_space<vmem>>[vector<16xi32>], vector<16xf32>, vector<16xi1>
    %get3A_173 = arith.constant 16 : index
    %get3A_174 = tpu.vector_load %arg6[%get3A_173] {strides = array<i32>} : memref<1536xi32, #tpu.memory_space<vmem>>, vector<16xi32>,
    %sub3A_175 = vector.broadcast %mul3A_2 : i32 to vector<16xi32>
    %sub3A_176 = arith.subi %get3A_174, %sub3A_175 : vector<16xi32>
    %ge3A_177 = vector.broadcast %mul3A_2 : i32 to vector<16xi32>
    %ge3A_178 = arith.cmpi sge, %get3A_174, %ge3A_177 : vector<16xi32>
    %add3A_179 = arith.constant 640 : i32
    %add3A_180 = arith.addi %mul3A_2, %add3A_179 : i32
    %lt3A_181 = vector.broadcast %add3A_180 : i32 to vector<16xi32>
    %lt3A_182 = arith.cmpi slt, %get3A_174, %lt3A_181 : vector<16xi32>
    %and3A_183 = arith.andi %ge3A_178, %lt3A_182 : vector<16xi1>
    %get3A_184 = arith.constant 16 : index
    %get3A_185 = tpu.vector_load %arg7[%get3A_184] {strides = array<i32>} : memref<1536xf32, #tpu.memory_space<vmem>>, vector<16xf32>,
    tpu.vector_store_idx %arg9[%sub3A_176], %broadcast_in_dim3A_164 masked %and3A_183 {add = true} : memref<640xf32, #tpu.memory_space<vmem>>[vector<16xi32>], vector<16xf32>, vector<16xi1>
    tpu.vector_store_idx %arg10[%sub3A_176], %get3A_185 masked %and3A_183 {add = true} : memref<640xf32, #tpu.memory_space<vmem>>[vector<16xi32>], vector<16xf32>, vector<16xi1>
    %get3A_186 = arith.constant 32 : index
    %get3A_187 = tpu.vector_load %arg6[%get3A_186] {strides = array<i32>} : memref<1536xi32, #tpu.memory_space<vmem>>, vector<16xi32>,
    %sub3A_188 = vector.broadcast %mul3A_2 : i32 to vector<16xi32>
    %sub3A_189 = arith.subi %get3A_187, %sub3A_188 : vector<16xi32>
    %ge3A_190 = vector.broadcast %mul3A_2 : i32 to vector<16xi32>
    %ge3A_191 = arith.cmpi sge, %get3A_187, %ge3A_190 : vector<16xi32>
    %add3A_192 = arith.constant 640 : i32
    %add3A_193 = arith.addi %mul3A_2, %add3A_192 : i32
    %lt3A_194 = vector.broadcast %add3A_193 : i32 to vector<16xi32>
    %lt3A_195 = arith.cmpi slt, %get3A_187, %lt3A_194 : vector<16xi32>
    %and3A_196 = arith.andi %ge3A_191, %lt3A_195 : vector<16xi1>
    %get3A_197 = arith.constant 32 : index
    %get3A_198 = tpu.vector_load %arg7[%get3A_197] {strides = array<i32>} : memref<1536xf32, #tpu.memory_space<vmem>>, vector<16xf32>,
    tpu.vector_store_idx %arg9[%sub3A_189], %broadcast_in_dim3A_164 masked %and3A_196 {add = true} : memref<640xf32, #tpu.memory_space<vmem>>[vector<16xi32>], vector<16xf32>, vector<16xi1>
    tpu.vector_store_idx %arg10[%sub3A_189], %get3A_198 masked %and3A_196 {add = true} : memref<640xf32, #tpu.memory_space<vmem>>[vector<16xi32>], vector<16xf32>, vector<16xi1>
    %get3A_199 = arith.constant 48 : index
    %get3A_200 = tpu.vector_load %arg6[%get3A_199] {strides = array<i32>} : memref<1536xi32, #tpu.memory_space<vmem>>, vector<16xi32>,
    %sub3A_201 = vector.broadcast %mul3A_2 : i32 to vector<16xi32>
    %sub3A_202 = arith.subi %get3A_200, %sub3A_201 : vector<16xi32>
    %ge3A_203 = vector.broadcast %mul3A_2 : i32 to vector<16xi32>
    %ge3A_204 = arith.cmpi sge, %get3A_200, %ge3A_203 : vector<16xi32>
    %add3A_205 = arith.constant 640 : i32
    %add3A_206 = arith.addi %mul3A_2, %add3A_205 : i32
    %lt3A_207 = vector.broadcast %add3A_206 : i32 to vector<16xi32>
    %lt3A_208 = arith.cmpi slt, %get3A_200, %lt3A_207 : vector<16xi32>
    %and3A_209 = arith.andi %ge3A_204, %lt3A_208 : vector<16xi1>
    %get3A_210 = arith.constant 48 : index
    %get3A_211 = tpu.vector_load %arg7[%get3A_210] {strides = array<i32>} : memref<1536xf32, #tpu.memory_space<vmem>>, vector<16xf32>,
    tpu.vector_store_idx %arg9[%sub3A_202], %broadcast_in_dim3A_164 masked %and3A_209 {add = true} : memref<640xf32, #tpu.memory_space<vmem>>[vector<16xi32>], vector<16xf32>, vector<16xi1>
    tpu.vector_store_idx %arg10[%sub3A_202], %get3A_211 masked %and3A_209 {add = true} : memref<640xf32, #tpu.memory_space<vmem>>[vector<16xi32>], vector<16xf32>, vector<16xi1>
    %get3A_212 = arith.constant 64 : index
    %get3A_213 = tpu.vector_load %arg6[%get3A_212] {strides = array<i32>} : memref<1536xi32, #tpu.memory_space<vmem>>, vector<16xi32>,
    %sub3A_214 = vector.broadcast %mul3A_2 : i32 to vector<16xi32>
    %sub3A_215 = arith.subi %get3A_213, %sub3A_214 : vector<16xi32>
    %ge3A_216 = vector.broadcast %mul3A_2 : i32 to vector<16xi32>
    %ge3A_217 = arith.cmpi sge, %get3A_213, %ge3A_216 : vector<16xi32>
    %add3A_218 = arith.constant 640 : i32
    %add3A_219 = arith.addi %mul3A_2, %add3A_218 : i32
    %lt3A_220 = vector.broadcast %add3A_219 : i32 to vector<16xi32>
    %lt3A_221 = arith.cmpi slt, %get3A_213, %lt3A_220 : vector<16xi32>
    %and3A_222 = arith.andi %ge3A_217, %lt3A_221 : vector<16xi1>
    %get3A_223 = arith.constant 64 : index
    %get3A_224 = tpu.vector_load %arg7[%get3A_223] {strides = array<i32>} : memref<1536xf32, #tpu.memory_space<vmem>>, vector<16xf32>,
    tpu.vector_store_idx %arg9[%sub3A_215], %broadcast_in_dim3A_164 masked %and3A_222 {add = true} : memref<640xf32, #tpu.memory_space<vmem>>[vector<16xi32>], vector<16xf32>, vector<16xi1>
    tpu.vector_store_idx %arg10[%sub3A_215], %get3A_224 masked %and3A_222 {add = true} : memref<640xf32, #tpu.memory_space<vmem>>[vector<16xi32>], vector<16xf32>, vector<16xi1>
    %get3A_225 = arith.constant 80 : index
    %get3A_226 = tpu.vector_load %arg6[%get3A_225] {strides = array<i32>} : memref<1536xi32, #tpu.memory_space<vmem>>, vector<16xi32>,
    %sub3A_227 = vector.broadcast %mul3A_2 : i32 to vector<16xi32>
    %sub3A_228 = arith.subi %get3A_226, %sub3A_227 : vector<16xi32>
    %ge3A_229 = vector.broadcast %mul3A_2 : i32 to vector<16xi32>
    %ge3A_230 = arith.cmpi sge, %get3A_226, %ge3A_229 : vector<16xi32>
    %add3A_231 = arith.constant 640 : i32
    %add3A_232 = arith.addi %mul3A_2, %add3A_231 : i32
    %lt3A_233 = vector.broadcast %add3A_232 : i32 to vector<16xi32>
    %lt3A_234 = arith.cmpi slt, %get3A_226, %lt3A_233 : vector<16xi32>
    %and3A_235 = arith.andi %ge3A_230, %lt3A_234 : vector<16xi1>
    %get3A_236 = arith.constant 80 : index
    %get3A_237 = tpu.vector_load %arg7[%get3A_236] {strides = array<i32>} : memref<1536xf32, #tpu.memory_space<vmem>>, vector<16xf32>,
    tpu.vector_store_idx %arg9[%sub3A_228], %broadcast_in_dim3A_164 masked %and3A_235 {add = true} : memref<640xf32, #tpu.memory_space<vmem>>[vector<16xi32>], vector<16xf32>, vector<16xi1>
    tpu.vector_store_idx %arg10[%sub3A_228], %get3A_237 masked %and3A_235 {add = true} : memref<640xf32, #tpu.memory_space<vmem>>[vector<16xi32>], vector<16xf32>, vector<16xi1>
    %get3A_238 = arith.constant 96 : index
    %get3A_239 = tpu.vector_load %arg6[%get3A_238] {strides = array<i32>} : memref<1536xi32, #tpu.memory_space<vmem>>, vector<16xi32>,
    %sub3A_240 = vector.broadcast %mul3A_2 : i32 to vector<16xi32>
    %sub3A_241 = arith.subi %get3A_239, %sub3A_240 : vector<16xi32>
    %ge3A_242 = vector.broadcast %mul3A_2 : i32 to vector<16xi32>
    %ge3A_243 = arith.cmpi sge, %get3A_239, %ge3A_242 : vector<16xi32>
    %add3A_244 = arith.constant 640 : i32
    %add3A_245 = arith.addi %mul3A_2, %add3A_244 : i32
    %lt3A_246 = vector.broadcast %add3A_245 : i32 to vector<16xi32>
    %lt3A_247 = arith.cmpi slt, %get3A_239, %lt3A_246 : vector<16xi32>
    %and3A_248 = arith.andi %ge3A_243, %lt3A_247 : vector<16xi1>
    %get3A_249 = arith.constant 96 : index
    %get3A_250 = tpu.vector_load %arg7[%get3A_249] {strides = array<i32>} : memref<1536xf32, #tpu.memory_space<vmem>>, vector<16xf32>,
    tpu.vector_store_idx %arg9[%sub3A_241], %broadcast_in_dim3A_164 masked %and3A_248 {add = true} : memref<640xf32, #tpu.memory_space<vmem>>[vector<16xi32>], vector<16xf32>, vector<16xi1>
    tpu.vector_store_idx %arg10[%sub3A_241], %get3A_250 masked %and3A_248 {add = true} : memref<640xf32, #tpu.memory_space<vmem>>[vector<16xi32>], vector<16xf32>, vector<16xi1>
    %get3A_251 = arith.constant 112 : index
    %get3A_252 = tpu.vector_load %arg6[%get3A_251] {strides = array<i32>} : memref<1536xi32, #tpu.memory_space<vmem>>, vector<16xi32>,
    %sub3A_253 = vector.broadcast %mul3A_2 : i32 to vector<16xi32>
    %sub3A_254 = arith.subi %get3A_252, %sub3A_253 : vector<16xi32>
    %ge3A_255 = vector.broadcast %mul3A_2 : i32 to vector<16xi32>
    %ge3A_256 = arith.cmpi sge, %get3A_252, %ge3A_255 : vector<16xi32>
    %add3A_257 = arith.constant 640 : i32
    %add3A_258 = arith.addi %mul3A_2, %add3A_257 : i32
    %lt3A_259 = vector.broadcast %add3A_258 : i32 to vector<16xi32>
    %lt3A_260 = arith.cmpi slt, %get3A_252, %lt3A_259 : vector<16xi32>
    %and3A_261 = arith.andi %ge3A_256, %lt3A_260 : vector<16xi1>
    %get3A_262 = arith.constant 112 : index
    %get3A_263 = tpu.vector_load %arg7[%get3A_262] {strides = array<i32>} : memref<1536xf32, #tpu.memory_space<vmem>>, vector<16xf32>,
    tpu.vector_store_idx %arg9[%sub3A_254], %broadcast_in_dim3A_164 masked %and3A_261 {add = true} : memref<640xf32, #tpu.memory_space<vmem>>[vector<16xi32>], vector<16xf32>, vector<16xi1>
    tpu.vector_store_idx %arg10[%sub3A_254], %get3A_263 masked %and3A_261 {add = true} : memref<640xf32, #tpu.memory_space<vmem>>[vector<16xi32>], vector<16xf32>, vector<16xi1>
    %get3A_264 = arith.constant 128 : index
    %get3A_265 = tpu.vector_load %arg6[%get3A_264] {strides = array<i32>} : memref<1536xi32, #tpu.memory_space<vmem>>, vector<16xi32>,
    %sub3A_266 = vector.broadcast %mul3A_2 : i32 to vector<16xi32>
    %sub3A_267 = arith.subi %get3A_265, %sub3A_266 : vector<16xi32>
    %ge3A_268 = vector.broadcast %mul3A_2 : i32 to vector<16xi32>
    %ge3A_269 = arith.cmpi sge, %get3A_265, %ge3A_268 : vector<16xi32>
    %add3A_270 = arith.constant 640 : i32
    %add3A_271 = arith.addi %mul3A_2, %add3A_270 : i32
    %lt3A_272 = vector.broadcast %add3A_271 : i32 to vector<16xi32>
    %lt3A_273 = arith.cmpi slt, %get3A_265, %lt3A_272 : vector<16xi32>
    %and3A_274 = arith.andi %ge3A_269, %lt3A_273 : vector<16xi1>
    %get3A_275 = arith.constant 128 : index
    %get3A_276 = tpu.vector_load %arg7[%get3A_275] {strides = array<i32>} : memref<1536xf32, #tpu.memory_space<vmem>>, vector<16xf32>,
    tpu.vector_store_idx %arg9[%sub3A_267], %broadcast_in_dim3A_164 masked %and3A_274 {add = true} : memref<640xf32, #tpu.memory_space<vmem>>[vector<16xi32>], vector<16xf32>, vector<16xi1>
    tpu.vector_store_idx %arg10[%sub3A_267], %get3A_276 masked %and3A_274 {add = true} : memref<640xf32, #tpu.memory_space<vmem>>[vector<16xi32>], vector<16xf32>, vector<16xi1>
    %get3A_277 = arith.constant 144 : index
    %get3A_278 = tpu.vector_load %arg6[%get3A_277] {strides = array<i32>} : memref<1536xi32, #tpu.memory_space<vmem>>, vector<16xi32>,
    %sub3A_279 = vector.broadcast %mul3A_2 : i32 to vector<16xi32>
    %sub3A_280 = arith.subi %get3A_278, %sub3A_279 : vector<16xi32>
    %ge3A_281 = vector.broadcast %mul3A_2 : i32 to vector<16xi32>
    %ge3A_282 = arith.cmpi sge, %get3A_278, %ge3A_281 : vector<16xi32>
    %add3A_283 = arith.constant 640 : i32
    %add3A_284 = arith.addi %mul3A_2, %add3A_283 : i32
    %lt3A_285 = vector.broadcast %add3A_284 : i32 to vector<16xi32>
    %lt3A_286 = arith.cmpi slt, %get3A_278, %lt3A_285 : vector<16xi32>
    %and3A_287 = arith.andi %ge3A_282, %lt3A_286 : vector<16xi1>
    %get3A_288 = arith.constant 144 : index
    %get3A_289 = tpu.vector_load %arg7[%get3A_288] {strides = array<i32>} : memref<1536xf32, #tpu.memory_space<vmem>>, vector<16xf32>,
    tpu.vector_store_idx %arg9[%sub3A_280], %broadcast_in_dim3A_164 masked %and3A_287 {add = true} : memref<640xf32, #tpu.memory_space<vmem>>[vector<16xi32>], vector<16xf32>, vector<16xi1>
    tpu.vector_store_idx %arg10[%sub3A_280], %get3A_289 masked %and3A_287 {add = true} : memref<640xf32, #tpu.memory_space<vmem>>[vector<16xi32>], vector<16xf32>, vector<16xi1>
    %get3A_290 = arith.constant 160 : index
    %get3A_291 = tpu.vector_load %arg6[%get3A_290] {strides = array<i32>} : memref<1536xi32, #tpu.memory_space<vmem>>, vector<16xi32>,
    %sub3A_292 = vector.broadcast %mul3A_2 : i32 to vector<16xi32>
    %sub3A_293 = arith.subi %get3A_291, %sub3A_292 : vector<16xi32>
    %ge3A_294 = vector.broadcast %mul3A_2 : i32 to vector<16xi32>
    %ge3A_295 = arith.cmpi sge, %get3A_291, %ge3A_294 : vector<16xi32>
    %add3A_296 = arith.constant 640 : i32
    %add3A_297 = arith.addi %mul3A_2, %add3A_296 : i32
    %lt3A_298 = vector.broadcast %add3A_297 : i32 to vector<16xi32>
    %lt3A_299 = arith.cmpi slt, %get3A_291, %lt3A_298 : vector<16xi32>
    %and3A_300 = arith.andi %ge3A_295, %lt3A_299 : vector<16xi1>
    %get3A_301 = arith.constant 160 : index
    %get3A_302 = tpu.vector_load %arg7[%get3A_301] {strides = array<i32>} : memref<1536xf32, #tpu.memory_space<vmem>>, vector<16xf32>,
    tpu.vector_store_idx %arg9[%sub3A_293], %broadcast_in_dim3A_164 masked %and3A_300 {add = true} : memref<640xf32, #tpu.memory_space<vmem>>[vector<16xi32>], vector<16xf32>, vector<16xi1>
    tpu.vector_store_idx %arg10[%sub3A_293], %get3A_302 masked %and3A_300 {add = true} : memref<640xf32, #tpu.memory_space<vmem>>[vector<16xi32>], vector<16xf32>, vector<16xi1>
    %get3A_303 = arith.constant 176 : index
    %get3A_304 = tpu.vector_load %arg6[%get3A_303] {strides = array<i32>} : memref<1536xi32, #tpu.memory_space<vmem>>, vector<16xi32>,
    %sub3A_305 = vector.broadcast %mul3A_2 : i32 to vector<16xi32>
    %sub3A_306 = arith.subi %get3A_304, %sub3A_305 : vector<16xi32>
    %ge3A_307 = vector.broadcast %mul3A_2 : i32 to vector<16xi32>
    %ge3A_308 = arith.cmpi sge, %get3A_304, %ge3A_307 : vector<16xi32>
    %add3A_309 = arith.constant 640 : i32
    %add3A_310 = arith.addi %mul3A_2, %add3A_309 : i32
    %lt3A_311 = vector.broadcast %add3A_310 : i32 to vector<16xi32>
    %lt3A_312 = arith.cmpi slt, %get3A_304, %lt3A_311 : vector<16xi32>
    %and3A_313 = arith.andi %ge3A_308, %lt3A_312 : vector<16xi1>
    %get3A_314 = arith.constant 176 : index
    %get3A_315 = tpu.vector_load %arg7[%get3A_314] {strides = array<i32>} : memref<1536xf32, #tpu.memory_space<vmem>>, vector<16xf32>,
    tpu.vector_store_idx %arg9[%sub3A_306], %broadcast_in_dim3A_164 masked %and3A_313 {add = true} : memref<640xf32, #tpu.memory_space<vmem>>[vector<16xi32>], vector<16xf32>, vector<16xi1>
    tpu.vector_store_idx %arg10[%sub3A_306], %get3A_315 masked %and3A_313 {add = true} : memref<640xf32, #tpu.memory_space<vmem>>[vector<16xi32>], vector<16xf32>, vector<16xi1>
    %get3A_316 = arith.constant 192 : index
    %get3A_317 = tpu.vector_load %arg6[%get3A_316] {strides = array<i32>} : memref<1536xi32, #tpu.memory_space<vmem>>, vector<16xi32>,
    %sub3A_318 = vector.broadcast %mul3A_2 : i32 to vector<16xi32>
    %sub3A_319 = arith.subi %get3A_317, %sub3A_318 : vector<16xi32>
    %ge3A_320 = vector.broadcast %mul3A_2 : i32 to vector<16xi32>
    %ge3A_321 = arith.cmpi sge, %get3A_317, %ge3A_320 : vector<16xi32>
    %add3A_322 = arith.constant 640 : i32
    %add3A_323 = arith.addi %mul3A_2, %add3A_322 : i32
    %lt3A_324 = vector.broadcast %add3A_323 : i32 to vector<16xi32>
    %lt3A_325 = arith.cmpi slt, %get3A_317, %lt3A_324 : vector<16xi32>
    %and3A_326 = arith.andi %ge3A_321, %lt3A_325 : vector<16xi1>
    %get3A_327 = arith.constant 192 : index
    %get3A_328 = tpu.vector_load %arg7[%get3A_327] {strides = array<i32>} : memref<1536xf32, #tpu.memory_space<vmem>>, vector<16xf32>,
    tpu.vector_store_idx %arg9[%sub3A_319], %broadcast_in_dim3A_164 masked %and3A_326 {add = true} : memref<640xf32, #tpu.memory_space<vmem>>[vector<16xi32>], vector<16xf32>, vector<16xi1>
    tpu.vector_store_idx %arg10[%sub3A_319], %get3A_328 masked %and3A_326 {add = true} : memref<640xf32, #tpu.memory_space<vmem>>[vector<16xi32>], vector<16xf32>, vector<16xi1>
    %get3A_329 = arith.constant 208 : index
    %get3A_330 = tpu.vector_load %arg6[%get3A_329] {strides = array<i32>} : memref<1536xi32, #tpu.memory_space<vmem>>, vector<16xi32>,
    %sub3A_331 = vector.broadcast %mul3A_2 : i32 to vector<16xi32>
    %sub3A_332 = arith.subi %get3A_330, %sub3A_331 : vector<16xi32>
    %ge3A_333 = vector.broadcast %mul3A_2 : i32 to vector<16xi32>
    %ge3A_334 = arith.cmpi sge, %get3A_330, %ge3A_333 : vector<16xi32>
    %add3A_335 = arith.constant 640 : i32
    %add3A_336 = arith.addi %mul3A_2, %add3A_335 : i32
    %lt3A_337 = vector.broadcast %add3A_336 : i32 to vector<16xi32>
    %lt3A_338 = arith.cmpi slt, %get3A_330, %lt3A_337 : vector<16xi32>
    %and3A_339 = arith.andi %ge3A_334, %lt3A_338 : vector<16xi1>
    %get3A_340 = arith.constant 208 : index
    %get3A_341 = tpu.vector_load %arg7[%get3A_340] {strides = array<i32>} : memref<1536xf32, #tpu.memory_space<vmem>>, vector<16xf32>,
    tpu.vector_store_idx %arg9[%sub3A_332], %broadcast_in_dim3A_164 masked %and3A_339 {add = true} : memref<640xf32, #tpu.memory_space<vmem>>[vector<16xi32>], vector<16xf32>, vector<16xi1>
    tpu.vector_store_idx %arg10[%sub3A_332], %get3A_341 masked %and3A_339 {add = true} : memref<640xf32, #tpu.memory_space<vmem>>[vector<16xi32>], vector<16xf32>, vector<16xi1>
    %get3A_342 = arith.constant 224 : index
    %get3A_343 = tpu.vector_load %arg6[%get3A_342] {strides = array<i32>} : memref<1536xi32, #tpu.memory_space<vmem>>, vector<16xi32>,
    %sub3A_344 = vector.broadcast %mul3A_2 : i32 to vector<16xi32>
    %sub3A_345 = arith.subi %get3A_343, %sub3A_344 : vector<16xi32>
    %ge3A_346 = vector.broadcast %mul3A_2 : i32 to vector<16xi32>
    %ge3A_347 = arith.cmpi sge, %get3A_343, %ge3A_346 : vector<16xi32>
    %add3A_348 = arith.constant 640 : i32
    %add3A_349 = arith.addi %mul3A_2, %add3A_348 : i32
    %lt3A_350 = vector.broadcast %add3A_349 : i32 to vector<16xi32>
    %lt3A_351 = arith.cmpi slt, %get3A_343, %lt3A_350 : vector<16xi32>
    %and3A_352 = arith.andi %ge3A_347, %lt3A_351 : vector<16xi1>
    %get3A_353 = arith.constant 224 : index
    %get3A_354 = tpu.vector_load %arg7[%get3A_353] {strides = array<i32>} : memref<1536xf32, #tpu.memory_space<vmem>>, vector<16xf32>,
    tpu.vector_store_idx %arg9[%sub3A_345], %broadcast_in_dim3A_164 masked %and3A_352 {add = true} : memref<640xf32, #tpu.memory_space<vmem>>[vector<16xi32>], vector<16xf32>, vector<16xi1>
    tpu.vector_store_idx %arg10[%sub3A_345], %get3A_354 masked %and3A_352 {add = true} : memref<640xf32, #tpu.memory_space<vmem>>[vector<16xi32>], vector<16xf32>, vector<16xi1>
    %get3A_355 = arith.constant 240 : index
    %get3A_356 = tpu.vector_load %arg6[%get3A_355] {strides = array<i32>} : memref<1536xi32, #tpu.memory_space<vmem>>, vector<16xi32>,
    %sub3A_357 = vector.broadcast %mul3A_2 : i32 to vector<16xi32>
    %sub3A_358 = arith.subi %get3A_356, %sub3A_357 : vector<16xi32>
    %ge3A_359 = vector.broadcast %mul3A_2 : i32 to vector<16xi32>
    %ge3A_360 = arith.cmpi sge, %get3A_356, %ge3A_359 : vector<16xi32>
    %add3A_361 = arith.constant 640 : i32
    %add3A_362 = arith.addi %mul3A_2, %add3A_361 : i32
    %lt3A_363 = vector.broadcast %add3A_362 : i32 to vector<16xi32>
    %lt3A_364 = arith.cmpi slt, %get3A_356, %lt3A_363 : vector<16xi32>
    %and3A_365 = arith.andi %ge3A_360, %lt3A_364 : vector<16xi1>
    %get3A_366 = arith.constant 240 : index
    %get3A_367 = tpu.vector_load %arg7[%get3A_366] {strides = array<i32>} : memref<1536xf32, #tpu.memory_space<vmem>>, vector<16xf32>,
    tpu.vector_store_idx %arg9[%sub3A_358], %broadcast_in_dim3A_164 masked %and3A_365 {add = true} : memref<640xf32, #tpu.memory_space<vmem>>[vector<16xi32>], vector<16xf32>, vector<16xi1>
    tpu.vector_store_idx %arg10[%sub3A_358], %get3A_367 masked %and3A_365 {add = true} : memref<640xf32, #tpu.memory_space<vmem>>[vector<16xi32>], vector<16xf32>, vector<16xi1>
    %get3A_368 = arith.constant 256 : index
    %get3A_369 = tpu.vector_load %arg6[%get3A_368] {strides = array<i32>} : memref<1536xi32, #tpu.memory_space<vmem>>, vector<16xi32>,
    %sub3A_370 = vector.broadcast %mul3A_2 : i32 to vector<16xi32>
    %sub3A_371 = arith.subi %get3A_369, %sub3A_370 : vector<16xi32>
    %ge3A_372 = vector.broadcast %mul3A_2 : i32 to vector<16xi32>
    %ge3A_373 = arith.cmpi sge, %get3A_369, %ge3A_372 : vector<16xi32>
    %add3A_374 = arith.constant 640 : i32
    %add3A_375 = arith.addi %mul3A_2, %add3A_374 : i32
    %lt3A_376 = vector.broadcast %add3A_375 : i32 to vector<16xi32>
    %lt3A_377 = arith.cmpi slt, %get3A_369, %lt3A_376 : vector<16xi32>
    %and3A_378 = arith.andi %ge3A_373, %lt3A_377 : vector<16xi1>
    %get3A_379 = arith.constant 256 : index
    %get3A_380 = tpu.vector_load %arg7[%get3A_379] {strides = array<i32>} : memref<1536xf32, #tpu.memory_space<vmem>>, vector<16xf32>,
    tpu.vector_store_idx %arg9[%sub3A_371], %broadcast_in_dim3A_164 masked %and3A_378 {add = true} : memref<640xf32, #tpu.memory_space<vmem>>[vector<16xi32>], vector<16xf32>, vector<16xi1>
    tpu.vector_store_idx %arg10[%sub3A_371], %get3A_380 masked %and3A_378 {add = true} : memref<640xf32, #tpu.memory_space<vmem>>[vector<16xi32>], vector<16xf32>, vector<16xi1>
    %get3A_381 = arith.constant 272 : index
    %get3A_382 = tpu.vector_load %arg6[%get3A_381] {strides = array<i32>} : memref<1536xi32, #tpu.memory_space<vmem>>, vector<16xi32>,
    %sub3A_383 = vector.broadcast %mul3A_2 : i32 to vector<16xi32>
    %sub3A_384 = arith.subi %get3A_382, %sub3A_383 : vector<16xi32>
    %ge3A_385 = vector.broadcast %mul3A_2 : i32 to vector<16xi32>
    %ge3A_386 = arith.cmpi sge, %get3A_382, %ge3A_385 : vector<16xi32>
    %add3A_387 = arith.constant 640 : i32
    %add3A_388 = arith.addi %mul3A_2, %add3A_387 : i32
    %lt3A_389 = vector.broadcast %add3A_388 : i32 to vector<16xi32>
    %lt3A_390 = arith.cmpi slt, %get3A_382, %lt3A_389 : vector<16xi32>
    %and3A_391 = arith.andi %ge3A_386, %lt3A_390 : vector<16xi1>
    %get3A_392 = arith.constant 272 : index
    %get3A_393 = tpu.vector_load %arg7[%get3A_392] {strides = array<i32>} : memref<1536xf32, #tpu.memory_space<vmem>>, vector<16xf32>,
    tpu.vector_store_idx %arg9[%sub3A_384], %broadcast_in_dim3A_164 masked %and3A_391 {add = true} : memref<640xf32, #tpu.memory_space<vmem>>[vector<16xi32>], vector<16xf32>, vector<16xi1>
    tpu.vector_store_idx %arg10[%sub3A_384], %get3A_393 masked %and3A_391 {add = true} : memref<640xf32, #tpu.memory_space<vmem>>[vector<16xi32>], vector<16xf32>, vector<16xi1>
    %get3A_394 = arith.constant 288 : index
    %get3A_395 = tpu.vector_load %arg6[%get3A_394] {strides = array<i32>} : memref<1536xi32, #tpu.memory_space<vmem>>, vector<16xi32>,
    %sub3A_396 = vector.broadcast %mul3A_2 : i32 to vector<16xi32>
    %sub3A_397 = arith.subi %get3A_395, %sub3A_396 : vector<16xi32>
    %ge3A_398 = vector.broadcast %mul3A_2 : i32 to vector<16xi32>
    %ge3A_399 = arith.cmpi sge, %get3A_395, %ge3A_398 : vector<16xi32>
    %add3A_400 = arith.constant 640 : i32
    %add3A_401 = arith.addi %mul3A_2, %add3A_400 : i32
    %lt3A_402 = vector.broadcast %add3A_401 : i32 to vector<16xi32>
    %lt3A_403 = arith.cmpi slt, %get3A_395, %lt3A_402 : vector<16xi32>
    %and3A_404 = arith.andi %ge3A_399, %lt3A_403 : vector<16xi1>
    %get3A_405 = arith.constant 288 : index
    %get3A_406 = tpu.vector_load %arg7[%get3A_405] {strides = array<i32>} : memref<1536xf32, #tpu.memory_space<vmem>>, vector<16xf32>,
    tpu.vector_store_idx %arg9[%sub3A_397], %broadcast_in_dim3A_164 masked %and3A_404 {add = true} : memref<640xf32, #tpu.memory_space<vmem>>[vector<16xi32>], vector<16xf32>, vector<16xi1>
    tpu.vector_store_idx %arg10[%sub3A_397], %get3A_406 masked %and3A_404 {add = true} : memref<640xf32, #tpu.memory_space<vmem>>[vector<16xi32>], vector<16xf32>, vector<16xi1>
    %get3A_407 = arith.constant 304 : index
    %get3A_408 = tpu.vector_load %arg6[%get3A_407] {strides = array<i32>} : memref<1536xi32, #tpu.memory_space<vmem>>, vector<16xi32>,
    %sub3A_409 = vector.broadcast %mul3A_2 : i32 to vector<16xi32>
    %sub3A_410 = arith.subi %get3A_408, %sub3A_409 : vector<16xi32>
    %ge3A_411 = vector.broadcast %mul3A_2 : i32 to vector<16xi32>
    %ge3A_412 = arith.cmpi sge, %get3A_408, %ge3A_411 : vector<16xi32>
    %add3A_413 = arith.constant 640 : i32
    %add3A_414 = arith.addi %mul3A_2, %add3A_413 : i32
    %lt3A_415 = vector.broadcast %add3A_414 : i32 to vector<16xi32>
    %lt3A_416 = arith.cmpi slt, %get3A_408, %lt3A_415 : vector<16xi32>
    %and3A_417 = arith.andi %ge3A_412, %lt3A_416 : vector<16xi1>
    %get3A_418 = arith.constant 304 : index
    %get3A_419 = tpu.vector_load %arg7[%get3A_418] {strides = array<i32>} : memref<1536xf32, #tpu.memory_space<vmem>>, vector<16xf32>,
    tpu.vector_store_idx %arg9[%sub3A_410], %broadcast_in_dim3A_164 masked %and3A_417 {add = true} : memref<640xf32, #tpu.memory_space<vmem>>[vector<16xi32>], vector<16xf32>, vector<16xi1>
    tpu.vector_store_idx %arg10[%sub3A_410], %get3A_419 masked %and3A_417 {add = true} : memref<640xf32, #tpu.memory_space<vmem>>[vector<16xi32>], vector<16xf32>, vector<16xi1>
    %get3A_420 = arith.constant 320 : index
    %get3A_421 = tpu.vector_load %arg6[%get3A_420] {strides = array<i32>} : memref<1536xi32, #tpu.memory_space<vmem>>, vector<16xi32>,
    %sub3A_422 = vector.broadcast %mul3A_2 : i32 to vector<16xi32>
    %sub3A_423 = arith.subi %get3A_421, %sub3A_422 : vector<16xi32>
    %ge3A_424 = vector.broadcast %mul3A_2 : i32 to vector<16xi32>
    %ge3A_425 = arith.cmpi sge, %get3A_421, %ge3A_424 : vector<16xi32>
    %add3A_426 = arith.constant 640 : i32
    %add3A_427 = arith.addi %mul3A_2, %add3A_426 : i32
    %lt3A_428 = vector.broadcast %add3A_427 : i32 to vector<16xi32>
    %lt3A_429 = arith.cmpi slt, %get3A_421, %lt3A_428 : vector<16xi32>
    %and3A_430 = arith.andi %ge3A_425, %lt3A_429 : vector<16xi1>
    %get3A_431 = arith.constant 320 : index
    %get3A_432 = tpu.vector_load %arg7[%get3A_431] {strides = array<i32>} : memref<1536xf32, #tpu.memory_space<vmem>>, vector<16xf32>,
    tpu.vector_store_idx %arg9[%sub3A_423], %broadcast_in_dim3A_164 masked %and3A_430 {add = true} : memref<640xf32, #tpu.memory_space<vmem>>[vector<16xi32>], vector<16xf32>, vector<16xi1>
    tpu.vector_store_idx %arg10[%sub3A_423], %get3A_432 masked %and3A_430 {add = true} : memref<640xf32, #tpu.memory_space<vmem>>[vector<16xi32>], vector<16xf32>, vector<16xi1>
    %get3A_433 = arith.constant 336 : index
    %get3A_434 = tpu.vector_load %arg6[%get3A_433] {strides = array<i32>} : memref<1536xi32, #tpu.memory_space<vmem>>, vector<16xi32>,
    %sub3A_435 = vector.broadcast %mul3A_2 : i32 to vector<16xi32>
    %sub3A_436 = arith.subi %get3A_434, %sub3A_435 : vector<16xi32>
    %ge3A_437 = vector.broadcast %mul3A_2 : i32 to vector<16xi32>
    %ge3A_438 = arith.cmpi sge, %get3A_434, %ge3A_437 : vector<16xi32>
    %add3A_439 = arith.constant 640 : i32
    %add3A_440 = arith.addi %mul3A_2, %add3A_439 : i32
    %lt3A_441 = vector.broadcast %add3A_440 : i32 to vector<16xi32>
    %lt3A_442 = arith.cmpi slt, %get3A_434, %lt3A_441 : vector<16xi32>
    %and3A_443 = arith.andi %ge3A_438, %lt3A_442 : vector<16xi1>
    %get3A_444 = arith.constant 336 : index
    %get3A_445 = tpu.vector_load %arg7[%get3A_444] {strides = array<i32>} : memref<1536xf32, #tpu.memory_space<vmem>>, vector<16xf32>,
    tpu.vector_store_idx %arg9[%sub3A_436], %broadcast_in_dim3A_164 masked %and3A_443 {add = true} : memref<640xf32, #tpu.memory_space<vmem>>[vector<16xi32>], vector<16xf32>, vector<16xi1>
    tpu.vector_store_idx %arg10[%sub3A_436], %get3A_445 masked %and3A_443 {add = true} : memref<640xf32, #tpu.memory_space<vmem>>[vector<16xi32>], vector<16xf32>, vector<16xi1>
    %get3A_446 = arith.constant 352 : index
    %get3A_447 = tpu.vector_load %arg6[%get3A_446] {strides = array<i32>} : memref<1536xi32, #tpu.memory_space<vmem>>, vector<16xi32>,
    %sub3A_448 = vector.broadcast %mul3A_2 : i32 to vector<16xi32>
    %sub3A_449 = arith.subi %get3A_447, %sub3A_448 : vector<16xi32>
    %ge3A_450 = vector.broadcast %mul3A_2 : i32 to vector<16xi32>
    %ge3A_451 = arith.cmpi sge, %get3A_447, %ge3A_450 : vector<16xi32>
    %add3A_452 = arith.constant 640 : i32
    %add3A_453 = arith.addi %mul3A_2, %add3A_452 : i32
    %lt3A_454 = vector.broadcast %add3A_453 : i32 to vector<16xi32>
    %lt3A_455 = arith.cmpi slt, %get3A_447, %lt3A_454 : vector<16xi32>
    %and3A_456 = arith.andi %ge3A_451, %lt3A_455 : vector<16xi1>
    %get3A_457 = arith.constant 352 : index
    %get3A_458 = tpu.vector_load %arg7[%get3A_457] {strides = array<i32>} : memref<1536xf32, #tpu.memory_space<vmem>>, vector<16xf32>,
    tpu.vector_store_idx %arg9[%sub3A_449], %broadcast_in_dim3A_164 masked %and3A_456 {add = true} : memref<640xf32, #tpu.memory_space<vmem>>[vector<16xi32>], vector<16xf32>, vector<16xi1>
    tpu.vector_store_idx %arg10[%sub3A_449], %get3A_458 masked %and3A_456 {add = true} : memref<640xf32, #tpu.memory_space<vmem>>[vector<16xi32>], vector<16xf32>, vector<16xi1>
    %get3A_459 = arith.constant 368 : index
    %get3A_460 = tpu.vector_load %arg6[%get3A_459] {strides = array<i32>} : memref<1536xi32, #tpu.memory_space<vmem>>, vector<16xi32>,
    %sub3A_461 = vector.broadcast %mul3A_2 : i32 to vector<16xi32>
    %sub3A_462 = arith.subi %get3A_460, %sub3A_461 : vector<16xi32>
    %ge3A_463 = vector.broadcast %mul3A_2 : i32 to vector<16xi32>
    %ge3A_464 = arith.cmpi sge, %get3A_460, %ge3A_463 : vector<16xi32>
    %add3A_465 = arith.constant 640 : i32
    %add3A_466 = arith.addi %mul3A_2, %add3A_465 : i32
    %lt3A_467 = vector.broadcast %add3A_466 : i32 to vector<16xi32>
    %lt3A_468 = arith.cmpi slt, %get3A_460, %lt3A_467 : vector<16xi32>
    %and3A_469 = arith.andi %ge3A_464, %lt3A_468 : vector<16xi1>
    %get3A_470 = arith.constant 368 : index
    %get3A_471 = tpu.vector_load %arg7[%get3A_470] {strides = array<i32>} : memref<1536xf32, #tpu.memory_space<vmem>>, vector<16xf32>,
    tpu.vector_store_idx %arg9[%sub3A_462], %broadcast_in_dim3A_164 masked %and3A_469 {add = true} : memref<640xf32, #tpu.memory_space<vmem>>[vector<16xi32>], vector<16xf32>, vector<16xi1>
    tpu.vector_store_idx %arg10[%sub3A_462], %get3A_471 masked %and3A_469 {add = true} : memref<640xf32, #tpu.memory_space<vmem>>[vector<16xi32>], vector<16xf32>, vector<16xi1>
    %get3A_472 = arith.constant 384 : index
    %get3A_473 = tpu.vector_load %arg6[%get3A_472] {strides = array<i32>} : memref<1536xi32, #tpu.memory_space<vmem>>, vector<16xi32>,
    %sub3A_474 = vector.broadcast %mul3A_2 : i32 to vector<16xi32>
    %sub3A_475 = arith.subi %get3A_473, %sub3A_474 : vector<16xi32>
    %ge3A_476 = vector.broadcast %mul3A_2 : i32 to vector<16xi32>
    %ge3A_477 = arith.cmpi sge, %get3A_473, %ge3A_476 : vector<16xi32>
    %add3A_478 = arith.constant 640 : i32
    %add3A_479 = arith.addi %mul3A_2, %add3A_478 : i32
    %lt3A_480 = vector.broadcast %add3A_479 : i32 to vector<16xi32>
    %lt3A_481 = arith.cmpi slt, %get3A_473, %lt3A_480 : vector<16xi32>
    %and3A_482 = arith.andi %ge3A_477, %lt3A_481 : vector<16xi1>
    %get3A_483 = arith.constant 384 : index
    %get3A_484 = tpu.vector_load %arg7[%get3A_483] {strides = array<i32>} : memref<1536xf32, #tpu.memory_space<vmem>>, vector<16xf32>,
    tpu.vector_store_idx %arg9[%sub3A_475], %broadcast_in_dim3A_164 masked %and3A_482 {add = true} : memref<640xf32, #tpu.memory_space<vmem>>[vector<16xi32>], vector<16xf32>, vector<16xi1>
    tpu.vector_store_idx %arg10[%sub3A_475], %get3A_484 masked %and3A_482 {add = true} : memref<640xf32, #tpu.memory_space<vmem>>[vector<16xi32>], vector<16xf32>, vector<16xi1>
    %get3A_485 = arith.constant 400 : index
    %get3A_486 = tpu.vector_load %arg6[%get3A_485] {strides = array<i32>} : memref<1536xi32, #tpu.memory_space<vmem>>, vector<16xi32>,
    %sub3A_487 = vector.broadcast %mul3A_2 : i32 to vector<16xi32>
    %sub3A_488 = arith.subi %get3A_486, %sub3A_487 : vector<16xi32>
    %ge3A_489 = vector.broadcast %mul3A_2 : i32 to vector<16xi32>
    %ge3A_490 = arith.cmpi sge, %get3A_486, %ge3A_489 : vector<16xi32>
    %add3A_491 = arith.constant 640 : i32
    %add3A_492 = arith.addi %mul3A_2, %add3A_491 : i32
    %lt3A_493 = vector.broadcast %add3A_492 : i32 to vector<16xi32>
    %lt3A_494 = arith.cmpi slt, %get3A_486, %lt3A_493 : vector<16xi32>
    %and3A_495 = arith.andi %ge3A_490, %lt3A_494 : vector<16xi1>
    %get3A_496 = arith.constant 400 : index
    %get3A_497 = tpu.vector_load %arg7[%get3A_496] {strides = array<i32>} : memref<1536xf32, #tpu.memory_space<vmem>>, vector<16xf32>,
    tpu.vector_store_idx %arg9[%sub3A_488], %broadcast_in_dim3A_164 masked %and3A_495 {add = true} : memref<640xf32, #tpu.memory_space<vmem>>[vector<16xi32>], vector<16xf32>, vector<16xi1>
    tpu.vector_store_idx %arg10[%sub3A_488], %get3A_497 masked %and3A_495 {add = true} : memref<640xf32, #tpu.memory_space<vmem>>[vector<16xi32>], vector<16xf32>, vector<16xi1>
    %get3A_498 = arith.constant 416 : index
    %get3A_499 = tpu.vector_load %arg6[%get3A_498] {strides = array<i32>} : memref<1536xi32, #tpu.memory_space<vmem>>, vector<16xi32>,
    %sub3A_500 = vector.broadcast %mul3A_2 : i32 to vector<16xi32>
    %sub3A_501 = arith.subi %get3A_499, %sub3A_500 : vector<16xi32>
    %ge3A_502 = vector.broadcast %mul3A_2 : i32 to vector<16xi32>
    %ge3A_503 = arith.cmpi sge, %get3A_499, %ge3A_502 : vector<16xi32>
    %add3A_504 = arith.constant 640 : i32
    %add3A_505 = arith.addi %mul3A_2, %add3A_504 : i32
    %lt3A_506 = vector.broadcast %add3A_505 : i32 to vector<16xi32>
    %lt3A_507 = arith.cmpi slt, %get3A_499, %lt3A_506 : vector<16xi32>
    %and3A_508 = arith.andi %ge3A_503, %lt3A_507 : vector<16xi1>
    %get3A_509 = arith.constant 416 : index
    %get3A_510 = tpu.vector_load %arg7[%get3A_509] {strides = array<i32>} : memref<1536xf32, #tpu.memory_space<vmem>>, vector<16xf32>,
    tpu.vector_store_idx %arg9[%sub3A_501], %broadcast_in_dim3A_164 masked %and3A_508 {add = true} : memref<640xf32, #tpu.memory_space<vmem>>[vector<16xi32>], vector<16xf32>, vector<16xi1>
    tpu.vector_store_idx %arg10[%sub3A_501], %get3A_510 masked %and3A_508 {add = true} : memref<640xf32, #tpu.memory_space<vmem>>[vector<16xi32>], vector<16xf32>, vector<16xi1>
    %get3A_511 = arith.constant 432 : index
    %get3A_512 = tpu.vector_load %arg6[%get3A_511] {strides = array<i32>} : memref<1536xi32, #tpu.memory_space<vmem>>, vector<16xi32>,
    %sub3A_513 = vector.broadcast %mul3A_2 : i32 to vector<16xi32>
    %sub3A_514 = arith.subi %get3A_512, %sub3A_513 : vector<16xi32>
    %ge3A_515 = vector.broadcast %mul3A_2 : i32 to vector<16xi32>
    %ge3A_516 = arith.cmpi sge, %get3A_512, %ge3A_515 : vector<16xi32>
    %add3A_517 = arith.constant 640 : i32
    %add3A_518 = arith.addi %mul3A_2, %add3A_517 : i32
    %lt3A_519 = vector.broadcast %add3A_518 : i32 to vector<16xi32>
    %lt3A_520 = arith.cmpi slt, %get3A_512, %lt3A_519 : vector<16xi32>
    %and3A_521 = arith.andi %ge3A_516, %lt3A_520 : vector<16xi1>
    %get3A_522 = arith.constant 432 : index
    %get3A_523 = tpu.vector_load %arg7[%get3A_522] {strides = array<i32>} : memref<1536xf32, #tpu.memory_space<vmem>>, vector<16xf32>,
    tpu.vector_store_idx %arg9[%sub3A_514], %broadcast_in_dim3A_164 masked %and3A_521 {add = true} : memref<640xf32, #tpu.memory_space<vmem>>[vector<16xi32>], vector<16xf32>, vector<16xi1>
    tpu.vector_store_idx %arg10[%sub3A_514], %get3A_523 masked %and3A_521 {add = true} : memref<640xf32, #tpu.memory_space<vmem>>[vector<16xi32>], vector<16xf32>, vector<16xi1>
    %get3A_524 = arith.constant 448 : index
    %get3A_525 = tpu.vector_load %arg6[%get3A_524] {strides = array<i32>} : memref<1536xi32, #tpu.memory_space<vmem>>, vector<16xi32>,
    %sub3A_526 = vector.broadcast %mul3A_2 : i32 to vector<16xi32>
    %sub3A_527 = arith.subi %get3A_525, %sub3A_526 : vector<16xi32>
    %ge3A_528 = vector.broadcast %mul3A_2 : i32 to vector<16xi32>
    %ge3A_529 = arith.cmpi sge, %get3A_525, %ge3A_528 : vector<16xi32>
    %add3A_530 = arith.constant 640 : i32
    %add3A_531 = arith.addi %mul3A_2, %add3A_530 : i32
    %lt3A_532 = vector.broadcast %add3A_531 : i32 to vector<16xi32>
    %lt3A_533 = arith.cmpi slt, %get3A_525, %lt3A_532 : vector<16xi32>
    %and3A_534 = arith.andi %ge3A_529, %lt3A_533 : vector<16xi1>
    %get3A_535 = arith.constant 448 : index
    %get3A_536 = tpu.vector_load %arg7[%get3A_535] {strides = array<i32>} : memref<1536xf32, #tpu.memory_space<vmem>>, vector<16xf32>,
    tpu.vector_store_idx %arg9[%sub3A_527], %broadcast_in_dim3A_164 masked %and3A_534 {add = true} : memref<640xf32, #tpu.memory_space<vmem>>[vector<16xi32>], vector<16xf32>, vector<16xi1>
    tpu.vector_store_idx %arg10[%sub3A_527], %get3A_536 masked %and3A_534 {add = true} : memref<640xf32, #tpu.memory_space<vmem>>[vector<16xi32>], vector<16xf32>, vector<16xi1>
    %get3A_537 = arith.constant 464 : index
    %get3A_538 = tpu.vector_load %arg6[%get3A_537] {strides = array<i32>} : memref<1536xi32, #tpu.memory_space<vmem>>, vector<16xi32>,
    %sub3A_539 = vector.broadcast %mul3A_2 : i32 to vector<16xi32>
    %sub3A_540 = arith.subi %get3A_538, %sub3A_539 : vector<16xi32>
    %ge3A_541 = vector.broadcast %mul3A_2 : i32 to vector<16xi32>
    %ge3A_542 = arith.cmpi sge, %get3A_538, %ge3A_541 : vector<16xi32>
    %add3A_543 = arith.constant 640 : i32
    %add3A_544 = arith.addi %mul3A_2, %add3A_543 : i32
    %lt3A_545 = vector.broadcast %add3A_544 : i32 to vector<16xi32>
    %lt3A_546 = arith.cmpi slt, %get3A_538, %lt3A_545 : vector<16xi32>
    %and3A_547 = arith.andi %ge3A_542, %lt3A_546 : vector<16xi1>
    %get3A_548 = arith.constant 464 : index
    %get3A_549 = tpu.vector_load %arg7[%get3A_548] {strides = array<i32>} : memref<1536xf32, #tpu.memory_space<vmem>>, vector<16xf32>,
    tpu.vector_store_idx %arg9[%sub3A_540], %broadcast_in_dim3A_164 masked %and3A_547 {add = true} : memref<640xf32, #tpu.memory_space<vmem>>[vector<16xi32>], vector<16xf32>, vector<16xi1>
    tpu.vector_store_idx %arg10[%sub3A_540], %get3A_549 masked %and3A_547 {add = true} : memref<640xf32, #tpu.memory_space<vmem>>[vector<16xi32>], vector<16xf32>, vector<16xi1>
    %get3A_550 = arith.constant 480 : index
    %get3A_551 = tpu.vector_load %arg6[%get3A_550] {strides = array<i32>} : memref<1536xi32, #tpu.memory_space<vmem>>, vector<16xi32>,
    %sub3A_552 = vector.broadcast %mul3A_2 : i32 to vector<16xi32>
    %sub3A_553 = arith.subi %get3A_551, %sub3A_552 : vector<16xi32>
    %ge3A_554 = vector.broadcast %mul3A_2 : i32 to vector<16xi32>
    %ge3A_555 = arith.cmpi sge, %get3A_551, %ge3A_554 : vector<16xi32>
    %add3A_556 = arith.constant 640 : i32
    %add3A_557 = arith.addi %mul3A_2, %add3A_556 : i32
    %lt3A_558 = vector.broadcast %add3A_557 : i32 to vector<16xi32>
    %lt3A_559 = arith.cmpi slt, %get3A_551, %lt3A_558 : vector<16xi32>
    %and3A_560 = arith.andi %ge3A_555, %lt3A_559 : vector<16xi1>
    %get3A_561 = arith.constant 480 : index
    %get3A_562 = tpu.vector_load %arg7[%get3A_561] {strides = array<i32>} : memref<1536xf32, #tpu.memory_space<vmem>>, vector<16xf32>,
    tpu.vector_store_idx %arg9[%sub3A_553], %broadcast_in_dim3A_164 masked %and3A_560 {add = true} : memref<640xf32, #tpu.memory_space<vmem>>[vector<16xi32>], vector<16xf32>, vector<16xi1>
    tpu.vector_store_idx %arg10[%sub3A_553], %get3A_562 masked %and3A_560 {add = true} : memref<640xf32, #tpu.memory_space<vmem>>[vector<16xi32>], vector<16xf32>, vector<16xi1>
    %get3A_563 = arith.constant 496 : index
    %get3A_564 = tpu.vector_load %arg6[%get3A_563] {strides = array<i32>} : memref<1536xi32, #tpu.memory_space<vmem>>, vector<16xi32>,
    %sub3A_565 = vector.broadcast %mul3A_2 : i32 to vector<16xi32>
    %sub3A_566 = arith.subi %get3A_564, %sub3A_565 : vector<16xi32>
    %ge3A_567 = vector.broadcast %mul3A_2 : i32 to vector<16xi32>
    %ge3A_568 = arith.cmpi sge, %get3A_564, %ge3A_567 : vector<16xi32>
    %add3A_569 = arith.constant 640 : i32
    %add3A_570 = arith.addi %mul3A_2, %add3A_569 : i32
    %lt3A_571 = vector.broadcast %add3A_570 : i32 to vector<16xi32>
    %lt3A_572 = arith.cmpi slt, %get3A_564, %lt3A_571 : vector<16xi32>
    %and3A_573 = arith.andi %ge3A_568, %lt3A_572 : vector<16xi1>
    %get3A_574 = arith.constant 496 : index
    %get3A_575 = tpu.vector_load %arg7[%get3A_574] {strides = array<i32>} : memref<1536xf32, #tpu.memory_space<vmem>>, vector<16xf32>,
    tpu.vector_store_idx %arg9[%sub3A_566], %broadcast_in_dim3A_164 masked %and3A_573 {add = true} : memref<640xf32, #tpu.memory_space<vmem>>[vector<16xi32>], vector<16xf32>, vector<16xi1>
    tpu.vector_store_idx %arg10[%sub3A_566], %get3A_575 masked %and3A_573 {add = true} : memref<640xf32, #tpu.memory_space<vmem>>[vector<16xi32>], vector<16xf32>, vector<16xi1>
    %get3A_576 = arith.constant 512 : index
    %get3A_577 = tpu.vector_load %arg6[%get3A_576] {strides = array<i32>} : memref<1536xi32, #tpu.memory_space<vmem>>, vector<16xi32>,
    %sub3A_578 = vector.broadcast %mul3A_2 : i32 to vector<16xi32>
    %sub3A_579 = arith.subi %get3A_577, %sub3A_578 : vector<16xi32>
    %ge3A_580 = vector.broadcast %mul3A_2 : i32 to vector<16xi32>
    %ge3A_581 = arith.cmpi sge, %get3A_577, %ge3A_580 : vector<16xi32>
    %add3A_582 = arith.constant 640 : i32
    %add3A_583 = arith.addi %mul3A_2, %add3A_582 : i32
    %lt3A_584 = vector.broadcast %add3A_583 : i32 to vector<16xi32>
    %lt3A_585 = arith.cmpi slt, %get3A_577, %lt3A_584 : vector<16xi32>
    %and3A_586 = arith.andi %ge3A_581, %lt3A_585 : vector<16xi1>
    %get3A_587 = arith.constant 512 : index
    %get3A_588 = tpu.vector_load %arg7[%get3A_587] {strides = array<i32>} : memref<1536xf32, #tpu.memory_space<vmem>>, vector<16xf32>,
    tpu.vector_store_idx %arg9[%sub3A_579], %broadcast_in_dim3A_164 masked %and3A_586 {add = true} : memref<640xf32, #tpu.memory_space<vmem>>[vector<16xi32>], vector<16xf32>, vector<16xi1>
    tpu.vector_store_idx %arg10[%sub3A_579], %get3A_588 masked %and3A_586 {add = true} : memref<640xf32, #tpu.memory_space<vmem>>[vector<16xi32>], vector<16xf32>, vector<16xi1>
    %get3A_589 = arith.constant 528 : index
    %get3A_590 = tpu.vector_load %arg6[%get3A_589] {strides = array<i32>} : memref<1536xi32, #tpu.memory_space<vmem>>, vector<16xi32>,
    %sub3A_591 = vector.broadcast %mul3A_2 : i32 to vector<16xi32>
    %sub3A_592 = arith.subi %get3A_590, %sub3A_591 : vector<16xi32>
    %ge3A_593 = vector.broadcast %mul3A_2 : i32 to vector<16xi32>
    %ge3A_594 = arith.cmpi sge, %get3A_590, %ge3A_593 : vector<16xi32>
    %add3A_595 = arith.constant 640 : i32
    %add3A_596 = arith.addi %mul3A_2, %add3A_595 : i32
    %lt3A_597 = vector.broadcast %add3A_596 : i32 to vector<16xi32>
    %lt3A_598 = arith.cmpi slt, %get3A_590, %lt3A_597 : vector<16xi32>
    %and3A_599 = arith.andi %ge3A_594, %lt3A_598 : vector<16xi1>
    %get3A_600 = arith.constant 528 : index
    %get3A_601 = tpu.vector_load %arg7[%get3A_600] {strides = array<i32>} : memref<1536xf32, #tpu.memory_space<vmem>>, vector<16xf32>,
    tpu.vector_store_idx %arg9[%sub3A_592], %broadcast_in_dim3A_164 masked %and3A_599 {add = true} : memref<640xf32, #tpu.memory_space<vmem>>[vector<16xi32>], vector<16xf32>, vector<16xi1>
    tpu.vector_store_idx %arg10[%sub3A_592], %get3A_601 masked %and3A_599 {add = true} : memref<640xf32, #tpu.memory_space<vmem>>[vector<16xi32>], vector<16xf32>, vector<16xi1>
    %get3A_602 = arith.constant 544 : index
    %get3A_603 = tpu.vector_load %arg6[%get3A_602] {strides = array<i32>} : memref<1536xi32, #tpu.memory_space<vmem>>, vector<16xi32>,
    %sub3A_604 = vector.broadcast %mul3A_2 : i32 to vector<16xi32>
    %sub3A_605 = arith.subi %get3A_603, %sub3A_604 : vector<16xi32>
    %ge3A_606 = vector.broadcast %mul3A_2 : i32 to vector<16xi32>
    %ge3A_607 = arith.cmpi sge, %get3A_603, %ge3A_606 : vector<16xi32>
    %add3A_608 = arith.constant 640 : i32
    %add3A_609 = arith.addi %mul3A_2, %add3A_608 : i32
    %lt3A_610 = vector.broadcast %add3A_609 : i32 to vector<16xi32>
    %lt3A_611 = arith.cmpi slt, %get3A_603, %lt3A_610 : vector<16xi32>
    %and3A_612 = arith.andi %ge3A_607, %lt3A_611 : vector<16xi1>
    %get3A_613 = arith.constant 544 : index
    %get3A_614 = tpu.vector_load %arg7[%get3A_613] {strides = array<i32>} : memref<1536xf32, #tpu.memory_space<vmem>>, vector<16xf32>,
    tpu.vector_store_idx %arg9[%sub3A_605], %broadcast_in_dim3A_164 masked %and3A_612 {add = true} : memref<640xf32, #tpu.memory_space<vmem>>[vector<16xi32>], vector<16xf32>, vector<16xi1>
    tpu.vector_store_idx %arg10[%sub3A_605], %get3A_614 masked %and3A_612 {add = true} : memref<640xf32, #tpu.memory_space<vmem>>[vector<16xi32>], vector<16xf32>, vector<16xi1>
    %get3A_615 = arith.constant 560 : index
    %get3A_616 = tpu.vector_load %arg6[%get3A_615] {strides = array<i32>} : memref<1536xi32, #tpu.memory_space<vmem>>, vector<16xi32>,
    %sub3A_617 = vector.broadcast %mul3A_2 : i32 to vector<16xi32>
    %sub3A_618 = arith.subi %get3A_616, %sub3A_617 : vector<16xi32>
    %ge3A_619 = vector.broadcast %mul3A_2 : i32 to vector<16xi32>
    %ge3A_620 = arith.cmpi sge, %get3A_616, %ge3A_619 : vector<16xi32>
    %add3A_621 = arith.constant 640 : i32
    %add3A_622 = arith.addi %mul3A_2, %add3A_621 : i32
    %lt3A_623 = vector.broadcast %add3A_622 : i32 to vector<16xi32>
    %lt3A_624 = arith.cmpi slt, %get3A_616, %lt3A_623 : vector<16xi32>
    %and3A_625 = arith.andi %ge3A_620, %lt3A_624 : vector<16xi1>
    %get3A_626 = arith.constant 560 : index
    %get3A_627 = tpu.vector_load %arg7[%get3A_626] {strides = array<i32>} : memref<1536xf32, #tpu.memory_space<vmem>>, vector<16xf32>,
    tpu.vector_store_idx %arg9[%sub3A_618], %broadcast_in_dim3A_164 masked %and3A_625 {add = true} : memref<640xf32, #tpu.memory_space<vmem>>[vector<16xi32>], vector<16xf32>, vector<16xi1>
    tpu.vector_store_idx %arg10[%sub3A_618], %get3A_627 masked %and3A_625 {add = true} : memref<640xf32, #tpu.memory_space<vmem>>[vector<16xi32>], vector<16xf32>, vector<16xi1>
    %get3A_628 = arith.constant 576 : index
    %get3A_629 = tpu.vector_load %arg6[%get3A_628] {strides = array<i32>} : memref<1536xi32, #tpu.memory_space<vmem>>, vector<16xi32>,
    %sub3A_630 = vector.broadcast %mul3A_2 : i32 to vector<16xi32>
    %sub3A_631 = arith.subi %get3A_629, %sub3A_630 : vector<16xi32>
    %ge3A_632 = vector.broadcast %mul3A_2 : i32 to vector<16xi32>
    %ge3A_633 = arith.cmpi sge, %get3A_629, %ge3A_632 : vector<16xi32>
    %add3A_634 = arith.constant 640 : i32
    %add3A_635 = arith.addi %mul3A_2, %add3A_634 : i32
    %lt3A_636 = vector.broadcast %add3A_635 : i32 to vector<16xi32>
    %lt3A_637 = arith.cmpi slt, %get3A_629, %lt3A_636 : vector<16xi32>
    %and3A_638 = arith.andi %ge3A_633, %lt3A_637 : vector<16xi1>
    %get3A_639 = arith.constant 576 : index
    %get3A_640 = tpu.vector_load %arg7[%get3A_639] {strides = array<i32>} : memref<1536xf32, #tpu.memory_space<vmem>>, vector<16xf32>,
    tpu.vector_store_idx %arg9[%sub3A_631], %broadcast_in_dim3A_164 masked %and3A_638 {add = true} : memref<640xf32, #tpu.memory_space<vmem>>[vector<16xi32>], vector<16xf32>, vector<16xi1>
    tpu.vector_store_idx %arg10[%sub3A_631], %get3A_640 masked %and3A_638 {add = true} : memref<640xf32, #tpu.memory_space<vmem>>[vector<16xi32>], vector<16xf32>, vector<16xi1>
    %get3A_641 = arith.constant 592 : index
    %get3A_642 = tpu.vector_load %arg6[%get3A_641] {strides = array<i32>} : memref<1536xi32, #tpu.memory_space<vmem>>, vector<16xi32>,
    %sub3A_643 = vector.broadcast %mul3A_2 : i32 to vector<16xi32>
    %sub3A_644 = arith.subi %get3A_642, %sub3A_643 : vector<16xi32>
    %ge3A_645 = vector.broadcast %mul3A_2 : i32 to vector<16xi32>
    %ge3A_646 = arith.cmpi sge, %get3A_642, %ge3A_645 : vector<16xi32>
    %add3A_647 = arith.constant 640 : i32
    %add3A_648 = arith.addi %mul3A_2, %add3A_647 : i32
    %lt3A_649 = vector.broadcast %add3A_648 : i32 to vector<16xi32>
    %lt3A_650 = arith.cmpi slt, %get3A_642, %lt3A_649 : vector<16xi32>
    %and3A_651 = arith.andi %ge3A_646, %lt3A_650 : vector<16xi1>
    %get3A_652 = arith.constant 592 : index
    %get3A_653 = tpu.vector_load %arg7[%get3A_652] {strides = array<i32>} : memref<1536xf32, #tpu.memory_space<vmem>>, vector<16xf32>,
    tpu.vector_store_idx %arg9[%sub3A_644], %broadcast_in_dim3A_164 masked %and3A_651 {add = true} : memref<640xf32, #tpu.memory_space<vmem>>[vector<16xi32>], vector<16xf32>, vector<16xi1>
    tpu.vector_store_idx %arg10[%sub3A_644], %get3A_653 masked %and3A_651 {add = true} : memref<640xf32, #tpu.memory_space<vmem>>[vector<16xi32>], vector<16xf32>, vector<16xi1>
    %get3A_654 = arith.constant 608 : index
    %get3A_655 = tpu.vector_load %arg6[%get3A_654] {strides = array<i32>} : memref<1536xi32, #tpu.memory_space<vmem>>, vector<16xi32>,
    %sub3A_656 = vector.broadcast %mul3A_2 : i32 to vector<16xi32>
    %sub3A_657 = arith.subi %get3A_655, %sub3A_656 : vector<16xi32>
    %ge3A_658 = vector.broadcast %mul3A_2 : i32 to vector<16xi32>
    %ge3A_659 = arith.cmpi sge, %get3A_655, %ge3A_658 : vector<16xi32>
    %add3A_660 = arith.constant 640 : i32
    %add3A_661 = arith.addi %mul3A_2, %add3A_660 : i32
    %lt3A_662 = vector.broadcast %add3A_661 : i32 to vector<16xi32>
    %lt3A_663 = arith.cmpi slt, %get3A_655, %lt3A_662 : vector<16xi32>
    %and3A_664 = arith.andi %ge3A_659, %lt3A_663 : vector<16xi1>
    %get3A_665 = arith.constant 608 : index
    %get3A_666 = tpu.vector_load %arg7[%get3A_665] {strides = array<i32>} : memref<1536xf32, #tpu.memory_space<vmem>>, vector<16xf32>,
    tpu.vector_store_idx %arg9[%sub3A_657], %broadcast_in_dim3A_164 masked %and3A_664 {add = true} : memref<640xf32, #tpu.memory_space<vmem>>[vector<16xi32>], vector<16xf32>, vector<16xi1>
    tpu.vector_store_idx %arg10[%sub3A_657], %get3A_666 masked %and3A_664 {add = true} : memref<640xf32, #tpu.memory_space<vmem>>[vector<16xi32>], vector<16xf32>, vector<16xi1>
    %get3A_667 = arith.constant 624 : index
    %get3A_668 = tpu.vector_load %arg6[%get3A_667] {strides = array<i32>} : memref<1536xi32, #tpu.memory_space<vmem>>, vector<16xi32>,
    %sub3A_669 = vector.broadcast %mul3A_2 : i32 to vector<16xi32>
    %sub3A_670 = arith.subi %get3A_668, %sub3A_669 : vector<16xi32>
    %ge3A_671 = vector.broadcast %mul3A_2 : i32 to vector<16xi32>
    %ge3A_672 = arith.cmpi sge, %get3A_668, %ge3A_671 : vector<16xi32>
    %add3A_673 = arith.constant 640 : i32
    %add3A_674 = arith.addi %mul3A_2, %add3A_673 : i32
    %lt3A_675 = vector.broadcast %add3A_674 : i32 to vector<16xi32>
    %lt3A_676 = arith.cmpi slt, %get3A_668, %lt3A_675 : vector<16xi32>
    %and3A_677 = arith.andi %ge3A_672, %lt3A_676 : vector<16xi1>
    %get3A_678 = arith.constant 624 : index
    %get3A_679 = tpu.vector_load %arg7[%get3A_678] {strides = array<i32>} : memref<1536xf32, #tpu.memory_space<vmem>>, vector<16xf32>,
    tpu.vector_store_idx %arg9[%sub3A_670], %broadcast_in_dim3A_164 masked %and3A_677 {add = true} : memref<640xf32, #tpu.memory_space<vmem>>[vector<16xi32>], vector<16xf32>, vector<16xi1>
    tpu.vector_store_idx %arg10[%sub3A_670], %get3A_679 masked %and3A_677 {add = true} : memref<640xf32, #tpu.memory_space<vmem>>[vector<16xi32>], vector<16xf32>, vector<16xi1>
    %get3A_680 = arith.constant 640 : index
    %get3A_681 = tpu.vector_load %arg6[%get3A_680] {strides = array<i32>} : memref<1536xi32, #tpu.memory_space<vmem>>, vector<16xi32>,
    %sub3A_682 = vector.broadcast %mul3A_2 : i32 to vector<16xi32>
    %sub3A_683 = arith.subi %get3A_681, %sub3A_682 : vector<16xi32>
    %ge3A_684 = vector.broadcast %mul3A_2 : i32 to vector<16xi32>
    %ge3A_685 = arith.cmpi sge, %get3A_681, %ge3A_684 : vector<16xi32>
    %add3A_686 = arith.constant 640 : i32
    %add3A_687 = arith.addi %mul3A_2, %add3A_686 : i32
    %lt3A_688 = vector.broadcast %add3A_687 : i32 to vector<16xi32>
    %lt3A_689 = arith.cmpi slt, %get3A_681, %lt3A_688 : vector<16xi32>
    %and3A_690 = arith.andi %ge3A_685, %lt3A_689 : vector<16xi1>
    %get3A_691 = arith.constant 640 : index
    %get3A_692 = tpu.vector_load %arg7[%get3A_691] {strides = array<i32>} : memref<1536xf32, #tpu.memory_space<vmem>>, vector<16xf32>,
    tpu.vector_store_idx %arg9[%sub3A_683], %broadcast_in_dim3A_164 masked %and3A_690 {add = true} : memref<640xf32, #tpu.memory_space<vmem>>[vector<16xi32>], vector<16xf32>, vector<16xi1>
    tpu.vector_store_idx %arg10[%sub3A_683], %get3A_692 masked %and3A_690 {add = true} : memref<640xf32, #tpu.memory_space<vmem>>[vector<16xi32>], vector<16xf32>, vector<16xi1>
    %get3A_693 = arith.constant 656 : index
    %get3A_694 = tpu.vector_load %arg6[%get3A_693] {strides = array<i32>} : memref<1536xi32, #tpu.memory_space<vmem>>, vector<16xi32>,
    %sub3A_695 = vector.broadcast %mul3A_2 : i32 to vector<16xi32>
    %sub3A_696 = arith.subi %get3A_694, %sub3A_695 : vector<16xi32>
    %ge3A_697 = vector.broadcast %mul3A_2 : i32 to vector<16xi32>
    %ge3A_698 = arith.cmpi sge, %get3A_694, %ge3A_697 : vector<16xi32>
    %add3A_699 = arith.constant 640 : i32
    %add3A_700 = arith.addi %mul3A_2, %add3A_699 : i32
    %lt3A_701 = vector.broadcast %add3A_700 : i32 to vector<16xi32>
    %lt3A_702 = arith.cmpi slt, %get3A_694, %lt3A_701 : vector<16xi32>
    %and3A_703 = arith.andi %ge3A_698, %lt3A_702 : vector<16xi1>
    %get3A_704 = arith.constant 656 : index
    %get3A_705 = tpu.vector_load %arg7[%get3A_704] {strides = array<i32>} : memref<1536xf32, #tpu.memory_space<vmem>>, vector<16xf32>,
    tpu.vector_store_idx %arg9[%sub3A_696], %broadcast_in_dim3A_164 masked %and3A_703 {add = true} : memref<640xf32, #tpu.memory_space<vmem>>[vector<16xi32>], vector<16xf32>, vector<16xi1>
    tpu.vector_store_idx %arg10[%sub3A_696], %get3A_705 masked %and3A_703 {add = true} : memref<640xf32, #tpu.memory_space<vmem>>[vector<16xi32>], vector<16xf32>, vector<16xi1>
    %get3A_706 = arith.constant 672 : index
    %get3A_707 = tpu.vector_load %arg6[%get3A_706] {strides = array<i32>} : memref<1536xi32, #tpu.memory_space<vmem>>, vector<16xi32>,
    %sub3A_708 = vector.broadcast %mul3A_2 : i32 to vector<16xi32>
    %sub3A_709 = arith.subi %get3A_707, %sub3A_708 : vector<16xi32>
    %ge3A_710 = vector.broadcast %mul3A_2 : i32 to vector<16xi32>
    %ge3A_711 = arith.cmpi sge, %get3A_707, %ge3A_710 : vector<16xi32>
    %add3A_712 = arith.constant 640 : i32
    %add3A_713 = arith.addi %mul3A_2, %add3A_712 : i32
    %lt3A_714 = vector.broadcast %add3A_713 : i32 to vector<16xi32>
    %lt3A_715 = arith.cmpi slt, %get3A_707, %lt3A_714 : vector<16xi32>
    %and3A_716 = arith.andi %ge3A_711, %lt3A_715 : vector<16xi1>
    %get3A_717 = arith.constant 672 : index
    %get3A_718 = tpu.vector_load %arg7[%get3A_717] {strides = array<i32>} : memref<1536xf32, #tpu.memory_space<vmem>>, vector<16xf32>,
    tpu.vector_store_idx %arg9[%sub3A_709], %broadcast_in_dim3A_164 masked %and3A_716 {add = true} : memref<640xf32, #tpu.memory_space<vmem>>[vector<16xi32>], vector<16xf32>, vector<16xi1>
    tpu.vector_store_idx %arg10[%sub3A_709], %get3A_718 masked %and3A_716 {add = true} : memref<640xf32, #tpu.memory_space<vmem>>[vector<16xi32>], vector<16xf32>, vector<16xi1>
    %get3A_719 = arith.constant 688 : index
    %get3A_720 = tpu.vector_load %arg6[%get3A_719] {strides = array<i32>} : memref<1536xi32, #tpu.memory_space<vmem>>, vector<16xi32>,
    %sub3A_721 = vector.broadcast %mul3A_2 : i32 to vector<16xi32>
    %sub3A_722 = arith.subi %get3A_720, %sub3A_721 : vector<16xi32>
    %ge3A_723 = vector.broadcast %mul3A_2 : i32 to vector<16xi32>
    %ge3A_724 = arith.cmpi sge, %get3A_720, %ge3A_723 : vector<16xi32>
    %add3A_725 = arith.constant 640 : i32
    %add3A_726 = arith.addi %mul3A_2, %add3A_725 : i32
    %lt3A_727 = vector.broadcast %add3A_726 : i32 to vector<16xi32>
    %lt3A_728 = arith.cmpi slt, %get3A_720, %lt3A_727 : vector<16xi32>
    %and3A_729 = arith.andi %ge3A_724, %lt3A_728 : vector<16xi1>
    %get3A_730 = arith.constant 688 : index
    %get3A_731 = tpu.vector_load %arg7[%get3A_730] {strides = array<i32>} : memref<1536xf32, #tpu.memory_space<vmem>>, vector<16xf32>,
    tpu.vector_store_idx %arg9[%sub3A_722], %broadcast_in_dim3A_164 masked %and3A_729 {add = true} : memref<640xf32, #tpu.memory_space<vmem>>[vector<16xi32>], vector<16xf32>, vector<16xi1>
    tpu.vector_store_idx %arg10[%sub3A_722], %get3A_731 masked %and3A_729 {add = true} : memref<640xf32, #tpu.memory_space<vmem>>[vector<16xi32>], vector<16xf32>, vector<16xi1>
    %get3A_732 = arith.constant 704 : index
    %get3A_733 = tpu.vector_load %arg6[%get3A_732] {strides = array<i32>} : memref<1536xi32, #tpu.memory_space<vmem>>, vector<16xi32>,
    %sub3A_734 = vector.broadcast %mul3A_2 : i32 to vector<16xi32>
    %sub3A_735 = arith.subi %get3A_733, %sub3A_734 : vector<16xi32>
    %ge3A_736 = vector.broadcast %mul3A_2 : i32 to vector<16xi32>
    %ge3A_737 = arith.cmpi sge, %get3A_733, %ge3A_736 : vector<16xi32>
    %add3A_738 = arith.constant 640 : i32
    %add3A_739 = arith.addi %mul3A_2, %add3A_738 : i32
    %lt3A_740 = vector.broadcast %add3A_739 : i32 to vector<16xi32>
    %lt3A_741 = arith.cmpi slt, %get3A_733, %lt3A_740 : vector<16xi32>
    %and3A_742 = arith.andi %ge3A_737, %lt3A_741 : vector<16xi1>
    %get3A_743 = arith.constant 704 : index
    %get3A_744 = tpu.vector_load %arg7[%get3A_743] {strides = array<i32>} : memref<1536xf32, #tpu.memory_space<vmem>>, vector<16xf32>,
    tpu.vector_store_idx %arg9[%sub3A_735], %broadcast_in_dim3A_164 masked %and3A_742 {add = true} : memref<640xf32, #tpu.memory_space<vmem>>[vector<16xi32>], vector<16xf32>, vector<16xi1>
    tpu.vector_store_idx %arg10[%sub3A_735], %get3A_744 masked %and3A_742 {add = true} : memref<640xf32, #tpu.memory_space<vmem>>[vector<16xi32>], vector<16xf32>, vector<16xi1>
    %get3A_745 = arith.constant 720 : index
    %get3A_746 = tpu.vector_load %arg6[%get3A_745] {strides = array<i32>} : memref<1536xi32, #tpu.memory_space<vmem>>, vector<16xi32>,
    %sub3A_747 = vector.broadcast %mul3A_2 : i32 to vector<16xi32>
    %sub3A_748 = arith.subi %get3A_746, %sub3A_747 : vector<16xi32>
    %ge3A_749 = vector.broadcast %mul3A_2 : i32 to vector<16xi32>
    %ge3A_750 = arith.cmpi sge, %get3A_746, %ge3A_749 : vector<16xi32>
    %add3A_751 = arith.constant 640 : i32
    %add3A_752 = arith.addi %mul3A_2, %add3A_751 : i32
    %lt3A_753 = vector.broadcast %add3A_752 : i32 to vector<16xi32>
    %lt3A_754 = arith.cmpi slt, %get3A_746, %lt3A_753 : vector<16xi32>
    %and3A_755 = arith.andi %ge3A_750, %lt3A_754 : vector<16xi1>
    %get3A_756 = arith.constant 720 : index
    %get3A_757 = tpu.vector_load %arg7[%get3A_756] {strides = array<i32>} : memref<1536xf32, #tpu.memory_space<vmem>>, vector<16xf32>,
    tpu.vector_store_idx %arg9[%sub3A_748], %broadcast_in_dim3A_164 masked %and3A_755 {add = true} : memref<640xf32, #tpu.memory_space<vmem>>[vector<16xi32>], vector<16xf32>, vector<16xi1>
    tpu.vector_store_idx %arg10[%sub3A_748], %get3A_757 masked %and3A_755 {add = true} : memref<640xf32, #tpu.memory_space<vmem>>[vector<16xi32>], vector<16xf32>, vector<16xi1>
    %get3A_758 = arith.constant 736 : index
    %get3A_759 = tpu.vector_load %arg6[%get3A_758] {strides = array<i32>} : memref<1536xi32, #tpu.memory_space<vmem>>, vector<16xi32>,
    %sub3A_760 = vector.broadcast %mul3A_2 : i32 to vector<16xi32>
    %sub3A_761 = arith.subi %get3A_759, %sub3A_760 : vector<16xi32>
    %ge3A_762 = vector.broadcast %mul3A_2 : i32 to vector<16xi32>
    %ge3A_763 = arith.cmpi sge, %get3A_759, %ge3A_762 : vector<16xi32>
    %add3A_764 = arith.constant 640 : i32
    %add3A_765 = arith.addi %mul3A_2, %add3A_764 : i32
    %lt3A_766 = vector.broadcast %add3A_765 : i32 to vector<16xi32>
    %lt3A_767 = arith.cmpi slt, %get3A_759, %lt3A_766 : vector<16xi32>
    %and3A_768 = arith.andi %ge3A_763, %lt3A_767 : vector<16xi1>
    %get3A_769 = arith.constant 736 : index
    %get3A_770 = tpu.vector_load %arg7[%get3A_769] {strides = array<i32>} : memref<1536xf32, #tpu.memory_space<vmem>>, vector<16xf32>,
    tpu.vector_store_idx %arg9[%sub3A_761], %broadcast_in_dim3A_164 masked %and3A_768 {add = true} : memref<640xf32, #tpu.memory_space<vmem>>[vector<16xi32>], vector<16xf32>, vector<16xi1>
    tpu.vector_store_idx %arg10[%sub3A_761], %get3A_770 masked %and3A_768 {add = true} : memref<640xf32, #tpu.memory_space<vmem>>[vector<16xi32>], vector<16xf32>, vector<16xi1>
    %get3A_771 = arith.constant 752 : index
    %get3A_772 = tpu.vector_load %arg6[%get3A_771] {strides = array<i32>} : memref<1536xi32, #tpu.memory_space<vmem>>, vector<16xi32>,
    %sub3A_773 = vector.broadcast %mul3A_2 : i32 to vector<16xi32>
    %sub3A_774 = arith.subi %get3A_772, %sub3A_773 : vector<16xi32>
    %ge3A_775 = vector.broadcast %mul3A_2 : i32 to vector<16xi32>
    %ge3A_776 = arith.cmpi sge, %get3A_772, %ge3A_775 : vector<16xi32>
    %add3A_777 = arith.constant 640 : i32
    %add3A_778 = arith.addi %mul3A_2, %add3A_777 : i32
    %lt3A_779 = vector.broadcast %add3A_778 : i32 to vector<16xi32>
    %lt3A_780 = arith.cmpi slt, %get3A_772, %lt3A_779 : vector<16xi32>
    %and3A_781 = arith.andi %ge3A_776, %lt3A_780 : vector<16xi1>
    %get3A_782 = arith.constant 752 : index
    %get3A_783 = tpu.vector_load %arg7[%get3A_782] {strides = array<i32>} : memref<1536xf32, #tpu.memory_space<vmem>>, vector<16xf32>,
    tpu.vector_store_idx %arg9[%sub3A_774], %broadcast_in_dim3A_164 masked %and3A_781 {add = true} : memref<640xf32, #tpu.memory_space<vmem>>[vector<16xi32>], vector<16xf32>, vector<16xi1>
    tpu.vector_store_idx %arg10[%sub3A_774], %get3A_783 masked %and3A_781 {add = true} : memref<640xf32, #tpu.memory_space<vmem>>[vector<16xi32>], vector<16xf32>, vector<16xi1>
    %get3A_784 = arith.constant 768 : index
    %get3A_785 = tpu.vector_load %arg6[%get3A_784] {strides = array<i32>} : memref<1536xi32, #tpu.memory_space<vmem>>, vector<16xi32>,
    %sub3A_786 = vector.broadcast %mul3A_2 : i32 to vector<16xi32>
    %sub3A_787 = arith.subi %get3A_785, %sub3A_786 : vector<16xi32>
    %ge3A_788 = vector.broadcast %mul3A_2 : i32 to vector<16xi32>
    %ge3A_789 = arith.cmpi sge, %get3A_785, %ge3A_788 : vector<16xi32>
    %add3A_790 = arith.constant 640 : i32
    %add3A_791 = arith.addi %mul3A_2, %add3A_790 : i32
    %lt3A_792 = vector.broadcast %add3A_791 : i32 to vector<16xi32>
    %lt3A_793 = arith.cmpi slt, %get3A_785, %lt3A_792 : vector<16xi32>
    %and3A_794 = arith.andi %ge3A_789, %lt3A_793 : vector<16xi1>
    %get3A_795 = arith.constant 768 : index
    %get3A_796 = tpu.vector_load %arg7[%get3A_795] {strides = array<i32>} : memref<1536xf32, #tpu.memory_space<vmem>>, vector<16xf32>,
    tpu.vector_store_idx %arg9[%sub3A_787], %broadcast_in_dim3A_164 masked %and3A_794 {add = true} : memref<640xf32, #tpu.memory_space<vmem>>[vector<16xi32>], vector<16xf32>, vector<16xi1>
    tpu.vector_store_idx %arg10[%sub3A_787], %get3A_796 masked %and3A_794 {add = true} : memref<640xf32, #tpu.memory_space<vmem>>[vector<16xi32>], vector<16xf32>, vector<16xi1>
    %get3A_797 = arith.constant 784 : index
    %get3A_798 = tpu.vector_load %arg6[%get3A_797] {strides = array<i32>} : memref<1536xi32, #tpu.memory_space<vmem>>, vector<16xi32>,
    %sub3A_799 = vector.broadcast %mul3A_2 : i32 to vector<16xi32>
    %sub3A_800 = arith.subi %get3A_798, %sub3A_799 : vector<16xi32>
    %ge3A_801 = vector.broadcast %mul3A_2 : i32 to vector<16xi32>
    %ge3A_802 = arith.cmpi sge, %get3A_798, %ge3A_801 : vector<16xi32>
    %add3A_803 = arith.constant 640 : i32
    %add3A_804 = arith.addi %mul3A_2, %add3A_803 : i32
    %lt3A_805 = vector.broadcast %add3A_804 : i32 to vector<16xi32>
    %lt3A_806 = arith.cmpi slt, %get3A_798, %lt3A_805 : vector<16xi32>
    %and3A_807 = arith.andi %ge3A_802, %lt3A_806 : vector<16xi1>
    %get3A_808 = arith.constant 784 : index
    %get3A_809 = tpu.vector_load %arg7[%get3A_808] {strides = array<i32>} : memref<1536xf32, #tpu.memory_space<vmem>>, vector<16xf32>,
    tpu.vector_store_idx %arg9[%sub3A_800], %broadcast_in_dim3A_164 masked %and3A_807 {add = true} : memref<640xf32, #tpu.memory_space<vmem>>[vector<16xi32>], vector<16xf32>, vector<16xi1>
    tpu.vector_store_idx %arg10[%sub3A_800], %get3A_809 masked %and3A_807 {add = true} : memref<640xf32, #tpu.memory_space<vmem>>[vector<16xi32>], vector<16xf32>, vector<16xi1>
    %get3A_810 = arith.constant 800 : index
    %get3A_811 = tpu.vector_load %arg6[%get3A_810] {strides = array<i32>} : memref<1536xi32, #tpu.memory_space<vmem>>, vector<16xi32>,
    %sub3A_812 = vector.broadcast %mul3A_2 : i32 to vector<16xi32>
    %sub3A_813 = arith.subi %get3A_811, %sub3A_812 : vector<16xi32>
    %ge3A_814 = vector.broadcast %mul3A_2 : i32 to vector<16xi32>
    %ge3A_815 = arith.cmpi sge, %get3A_811, %ge3A_814 : vector<16xi32>
    %add3A_816 = arith.constant 640 : i32
    %add3A_817 = arith.addi %mul3A_2, %add3A_816 : i32
    %lt3A_818 = vector.broadcast %add3A_817 : i32 to vector<16xi32>
    %lt3A_819 = arith.cmpi slt, %get3A_811, %lt3A_818 : vector<16xi32>
    %and3A_820 = arith.andi %ge3A_815, %lt3A_819 : vector<16xi1>
    %get3A_821 = arith.constant 800 : index
    %get3A_822 = tpu.vector_load %arg7[%get3A_821] {strides = array<i32>} : memref<1536xf32, #tpu.memory_space<vmem>>, vector<16xf32>,
    tpu.vector_store_idx %arg9[%sub3A_813], %broadcast_in_dim3A_164 masked %and3A_820 {add = true} : memref<640xf32, #tpu.memory_space<vmem>>[vector<16xi32>], vector<16xf32>, vector<16xi1>
    tpu.vector_store_idx %arg10[%sub3A_813], %get3A_822 masked %and3A_820 {add = true} : memref<640xf32, #tpu.memory_space<vmem>>[vector<16xi32>], vector<16xf32>, vector<16xi1>
    %get3A_823 = arith.constant 816 : index
    %get3A_824 = tpu.vector_load %arg6[%get3A_823] {strides = array<i32>} : memref<1536xi32, #tpu.memory_space<vmem>>, vector<16xi32>,
    %sub3A_825 = vector.broadcast %mul3A_2 : i32 to vector<16xi32>
    %sub3A_826 = arith.subi %get3A_824, %sub3A_825 : vector<16xi32>
    %ge3A_827 = vector.broadcast %mul3A_2 : i32 to vector<16xi32>
    %ge3A_828 = arith.cmpi sge, %get3A_824, %ge3A_827 : vector<16xi32>
    %add3A_829 = arith.constant 640 : i32
    %add3A_830 = arith.addi %mul3A_2, %add3A_829 : i32
    %lt3A_831 = vector.broadcast %add3A_830 : i32 to vector<16xi32>
    %lt3A_832 = arith.cmpi slt, %get3A_824, %lt3A_831 : vector<16xi32>
    %and3A_833 = arith.andi %ge3A_828, %lt3A_832 : vector<16xi1>
    %get3A_834 = arith.constant 816 : index
    %get3A_835 = tpu.vector_load %arg7[%get3A_834] {strides = array<i32>} : memref<1536xf32, #tpu.memory_space<vmem>>, vector<16xf32>,
    tpu.vector_store_idx %arg9[%sub3A_826], %broadcast_in_dim3A_164 masked %and3A_833 {add = true} : memref<640xf32, #tpu.memory_space<vmem>>[vector<16xi32>], vector<16xf32>, vector<16xi1>
    tpu.vector_store_idx %arg10[%sub3A_826], %get3A_835 masked %and3A_833 {add = true} : memref<640xf32, #tpu.memory_space<vmem>>[vector<16xi32>], vector<16xf32>, vector<16xi1>
    %get3A_836 = arith.constant 832 : index
    %get3A_837 = tpu.vector_load %arg6[%get3A_836] {strides = array<i32>} : memref<1536xi32, #tpu.memory_space<vmem>>, vector<16xi32>,
    %sub3A_838 = vector.broadcast %mul3A_2 : i32 to vector<16xi32>
    %sub3A_839 = arith.subi %get3A_837, %sub3A_838 : vector<16xi32>
    %ge3A_840 = vector.broadcast %mul3A_2 : i32 to vector<16xi32>
    %ge3A_841 = arith.cmpi sge, %get3A_837, %ge3A_840 : vector<16xi32>
    %add3A_842 = arith.constant 640 : i32
    %add3A_843 = arith.addi %mul3A_2, %add3A_842 : i32
    %lt3A_844 = vector.broadcast %add3A_843 : i32 to vector<16xi32>
    %lt3A_845 = arith.cmpi slt, %get3A_837, %lt3A_844 : vector<16xi32>
    %and3A_846 = arith.andi %ge3A_841, %lt3A_845 : vector<16xi1>
    %get3A_847 = arith.constant 832 : index
    %get3A_848 = tpu.vector_load %arg7[%get3A_847] {strides = array<i32>} : memref<1536xf32, #tpu.memory_space<vmem>>, vector<16xf32>,
    tpu.vector_store_idx %arg9[%sub3A_839], %broadcast_in_dim3A_164 masked %and3A_846 {add = true} : memref<640xf32, #tpu.memory_space<vmem>>[vector<16xi32>], vector<16xf32>, vector<16xi1>
    tpu.vector_store_idx %arg10[%sub3A_839], %get3A_848 masked %and3A_846 {add = true} : memref<640xf32, #tpu.memory_space<vmem>>[vector<16xi32>], vector<16xf32>, vector<16xi1>
    %get3A_849 = arith.constant 848 : index
    %get3A_850 = tpu.vector_load %arg6[%get3A_849] {strides = array<i32>} : memref<1536xi32, #tpu.memory_space<vmem>>, vector<16xi32>,
    %sub3A_851 = vector.broadcast %mul3A_2 : i32 to vector<16xi32>
    %sub3A_852 = arith.subi %get3A_850, %sub3A_851 : vector<16xi32>
    %ge3A_853 = vector.broadcast %mul3A_2 : i32 to vector<16xi32>
    %ge3A_854 = arith.cmpi sge, %get3A_850, %ge3A_853 : vector<16xi32>
    %add3A_855 = arith.constant 640 : i32
    %add3A_856 = arith.addi %mul3A_2, %add3A_855 : i32
    %lt3A_857 = vector.broadcast %add3A_856 : i32 to vector<16xi32>
    %lt3A_858 = arith.cmpi slt, %get3A_850, %lt3A_857 : vector<16xi32>
    %and3A_859 = arith.andi %ge3A_854, %lt3A_858 : vector<16xi1>
    %get3A_860 = arith.constant 848 : index
    %get3A_861 = tpu.vector_load %arg7[%get3A_860] {strides = array<i32>} : memref<1536xf32, #tpu.memory_space<vmem>>, vector<16xf32>,
    tpu.vector_store_idx %arg9[%sub3A_852], %broadcast_in_dim3A_164 masked %and3A_859 {add = true} : memref<640xf32, #tpu.memory_space<vmem>>[vector<16xi32>], vector<16xf32>, vector<16xi1>
    tpu.vector_store_idx %arg10[%sub3A_852], %get3A_861 masked %and3A_859 {add = true} : memref<640xf32, #tpu.memory_space<vmem>>[vector<16xi32>], vector<16xf32>, vector<16xi1>
    %get3A_862 = arith.constant 864 : index
    %get3A_863 = tpu.vector_load %arg6[%get3A_862] {strides = array<i32>} : memref<1536xi32, #tpu.memory_space<vmem>>, vector<16xi32>,
    %sub3A_864 = vector.broadcast %mul3A_2 : i32 to vector<16xi32>
    %sub3A_865 = arith.subi %get3A_863, %sub3A_864 : vector<16xi32>
    %ge3A_866 = vector.broadcast %mul3A_2 : i32 to vector<16xi32>
    %ge3A_867 = arith.cmpi sge, %get3A_863, %ge3A_866 : vector<16xi32>
    %add3A_868 = arith.constant 640 : i32
    %add3A_869 = arith.addi %mul3A_2, %add3A_868 : i32
    %lt3A_870 = vector.broadcast %add3A_869 : i32 to vector<16xi32>
    %lt3A_871 = arith.cmpi slt, %get3A_863, %lt3A_870 : vector<16xi32>
    %and3A_872 = arith.andi %ge3A_867, %lt3A_871 : vector<16xi1>
    %get3A_873 = arith.constant 864 : index
    %get3A_874 = tpu.vector_load %arg7[%get3A_873] {strides = array<i32>} : memref<1536xf32, #tpu.memory_space<vmem>>, vector<16xf32>,
    tpu.vector_store_idx %arg9[%sub3A_865], %broadcast_in_dim3A_164 masked %and3A_872 {add = true} : memref<640xf32, #tpu.memory_space<vmem>>[vector<16xi32>], vector<16xf32>, vector<16xi1>
    tpu.vector_store_idx %arg10[%sub3A_865], %get3A_874 masked %and3A_872 {add = true} : memref<640xf32, #tpu.memory_space<vmem>>[vector<16xi32>], vector<16xf32>, vector<16xi1>
    %get3A_875 = arith.constant 880 : index
    %get3A_876 = tpu.vector_load %arg6[%get3A_875] {strides = array<i32>} : memref<1536xi32, #tpu.memory_space<vmem>>, vector<16xi32>,
    %sub3A_877 = vector.broadcast %mul3A_2 : i32 to vector<16xi32>
    %sub3A_878 = arith.subi %get3A_876, %sub3A_877 : vector<16xi32>
    %ge3A_879 = vector.broadcast %mul3A_2 : i32 to vector<16xi32>
    %ge3A_880 = arith.cmpi sge, %get3A_876, %ge3A_879 : vector<16xi32>
    %add3A_881 = arith.constant 640 : i32
    %add3A_882 = arith.addi %mul3A_2, %add3A_881 : i32
    %lt3A_883 = vector.broadcast %add3A_882 : i32 to vector<16xi32>
    %lt3A_884 = arith.cmpi slt, %get3A_876, %lt3A_883 : vector<16xi32>
    %and3A_885 = arith.andi %ge3A_880, %lt3A_884 : vector<16xi1>
    %get3A_886 = arith.constant 880 : index
    %get3A_887 = tpu.vector_load %arg7[%get3A_886] {strides = array<i32>} : memref<1536xf32, #tpu.memory_space<vmem>>, vector<16xf32>,
    tpu.vector_store_idx %arg9[%sub3A_878], %broadcast_in_dim3A_164 masked %and3A_885 {add = true} : memref<640xf32, #tpu.memory_space<vmem>>[vector<16xi32>], vector<16xf32>, vector<16xi1>
    tpu.vector_store_idx %arg10[%sub3A_878], %get3A_887 masked %and3A_885 {add = true} : memref<640xf32, #tpu.memory_space<vmem>>[vector<16xi32>], vector<16xf32>, vector<16xi1>
    %get3A_888 = arith.constant 896 : index
    %get3A_889 = tpu.vector_load %arg6[%get3A_888] {strides = array<i32>} : memref<1536xi32, #tpu.memory_space<vmem>>, vector<16xi32>,
    %sub3A_890 = vector.broadcast %mul3A_2 : i32 to vector<16xi32>
    %sub3A_891 = arith.subi %get3A_889, %sub3A_890 : vector<16xi32>
    %ge3A_892 = vector.broadcast %mul3A_2 : i32 to vector<16xi32>
    %ge3A_893 = arith.cmpi sge, %get3A_889, %ge3A_892 : vector<16xi32>
    %add3A_894 = arith.constant 640 : i32
    %add3A_895 = arith.addi %mul3A_2, %add3A_894 : i32
    %lt3A_896 = vector.broadcast %add3A_895 : i32 to vector<16xi32>
    %lt3A_897 = arith.cmpi slt, %get3A_889, %lt3A_896 : vector<16xi32>
    %and3A_898 = arith.andi %ge3A_893, %lt3A_897 : vector<16xi1>
    %get3A_899 = arith.constant 896 : index
    %get3A_900 = tpu.vector_load %arg7[%get3A_899] {strides = array<i32>} : memref<1536xf32, #tpu.memory_space<vmem>>, vector<16xf32>,
    tpu.vector_store_idx %arg9[%sub3A_891], %broadcast_in_dim3A_164 masked %and3A_898 {add = true} : memref<640xf32, #tpu.memory_space<vmem>>[vector<16xi32>], vector<16xf32>, vector<16xi1>
    tpu.vector_store_idx %arg10[%sub3A_891], %get3A_900 masked %and3A_898 {add = true} : memref<640xf32, #tpu.memory_space<vmem>>[vector<16xi32>], vector<16xf32>, vector<16xi1>
    %get3A_901 = arith.constant 912 : index
    %get3A_902 = tpu.vector_load %arg6[%get3A_901] {strides = array<i32>} : memref<1536xi32, #tpu.memory_space<vmem>>, vector<16xi32>,
    %sub3A_903 = vector.broadcast %mul3A_2 : i32 to vector<16xi32>
    %sub3A_904 = arith.subi %get3A_902, %sub3A_903 : vector<16xi32>
    %ge3A_905 = vector.broadcast %mul3A_2 : i32 to vector<16xi32>
    %ge3A_906 = arith.cmpi sge, %get3A_902, %ge3A_905 : vector<16xi32>
    %add3A_907 = arith.constant 640 : i32
    %add3A_908 = arith.addi %mul3A_2, %add3A_907 : i32
    %lt3A_909 = vector.broadcast %add3A_908 : i32 to vector<16xi32>
    %lt3A_910 = arith.cmpi slt, %get3A_902, %lt3A_909 : vector<16xi32>
    %and3A_911 = arith.andi %ge3A_906, %lt3A_910 : vector<16xi1>
    %get3A_912 = arith.constant 912 : index
    %get3A_913 = tpu.vector_load %arg7[%get3A_912] {strides = array<i32>} : memref<1536xf32, #tpu.memory_space<vmem>>, vector<16xf32>,
    tpu.vector_store_idx %arg9[%sub3A_904], %broadcast_in_dim3A_164 masked %and3A_911 {add = true} : memref<640xf32, #tpu.memory_space<vmem>>[vector<16xi32>], vector<16xf32>, vector<16xi1>
    tpu.vector_store_idx %arg10[%sub3A_904], %get3A_913 masked %and3A_911 {add = true} : memref<640xf32, #tpu.memory_space<vmem>>[vector<16xi32>], vector<16xf32>, vector<16xi1>
    %get3A_914 = arith.constant 928 : index
    %get3A_915 = tpu.vector_load %arg6[%get3A_914] {strides = array<i32>} : memref<1536xi32, #tpu.memory_space<vmem>>, vector<16xi32>,
    %sub3A_916 = vector.broadcast %mul3A_2 : i32 to vector<16xi32>
    %sub3A_917 = arith.subi %get3A_915, %sub3A_916 : vector<16xi32>
    %ge3A_918 = vector.broadcast %mul3A_2 : i32 to vector<16xi32>
    %ge3A_919 = arith.cmpi sge, %get3A_915, %ge3A_918 : vector<16xi32>
    %add3A_920 = arith.constant 640 : i32
    %add3A_921 = arith.addi %mul3A_2, %add3A_920 : i32
    %lt3A_922 = vector.broadcast %add3A_921 : i32 to vector<16xi32>
    %lt3A_923 = arith.cmpi slt, %get3A_915, %lt3A_922 : vector<16xi32>
    %and3A_924 = arith.andi %ge3A_919, %lt3A_923 : vector<16xi1>
    %get3A_925 = arith.constant 928 : index
    %get3A_926 = tpu.vector_load %arg7[%get3A_925] {strides = array<i32>} : memref<1536xf32, #tpu.memory_space<vmem>>, vector<16xf32>,
    tpu.vector_store_idx %arg9[%sub3A_917], %broadcast_in_dim3A_164 masked %and3A_924 {add = true} : memref<640xf32, #tpu.memory_space<vmem>>[vector<16xi32>], vector<16xf32>, vector<16xi1>
    tpu.vector_store_idx %arg10[%sub3A_917], %get3A_926 masked %and3A_924 {add = true} : memref<640xf32, #tpu.memory_space<vmem>>[vector<16xi32>], vector<16xf32>, vector<16xi1>
    %get3A_927 = arith.constant 944 : index
    %get3A_928 = tpu.vector_load %arg6[%get3A_927] {strides = array<i32>} : memref<1536xi32, #tpu.memory_space<vmem>>, vector<16xi32>,
    %sub3A_929 = vector.broadcast %mul3A_2 : i32 to vector<16xi32>
    %sub3A_930 = arith.subi %get3A_928, %sub3A_929 : vector<16xi32>
    %ge3A_931 = vector.broadcast %mul3A_2 : i32 to vector<16xi32>
    %ge3A_932 = arith.cmpi sge, %get3A_928, %ge3A_931 : vector<16xi32>
    %add3A_933 = arith.constant 640 : i32
    %add3A_934 = arith.addi %mul3A_2, %add3A_933 : i32
    %lt3A_935 = vector.broadcast %add3A_934 : i32 to vector<16xi32>
    %lt3A_936 = arith.cmpi slt, %get3A_928, %lt3A_935 : vector<16xi32>
    %and3A_937 = arith.andi %ge3A_932, %lt3A_936 : vector<16xi1>
    %get3A_938 = arith.constant 944 : index
    %get3A_939 = tpu.vector_load %arg7[%get3A_938] {strides = array<i32>} : memref<1536xf32, #tpu.memory_space<vmem>>, vector<16xf32>,
    tpu.vector_store_idx %arg9[%sub3A_930], %broadcast_in_dim3A_164 masked %and3A_937 {add = true} : memref<640xf32, #tpu.memory_space<vmem>>[vector<16xi32>], vector<16xf32>, vector<16xi1>
    tpu.vector_store_idx %arg10[%sub3A_930], %get3A_939 masked %and3A_937 {add = true} : memref<640xf32, #tpu.memory_space<vmem>>[vector<16xi32>], vector<16xf32>, vector<16xi1>
    %get3A_940 = arith.constant 960 : index
    %get3A_941 = tpu.vector_load %arg6[%get3A_940] {strides = array<i32>} : memref<1536xi32, #tpu.memory_space<vmem>>, vector<16xi32>,
    %sub3A_942 = vector.broadcast %mul3A_2 : i32 to vector<16xi32>
    %sub3A_943 = arith.subi %get3A_941, %sub3A_942 : vector<16xi32>
    %ge3A_944 = vector.broadcast %mul3A_2 : i32 to vector<16xi32>
    %ge3A_945 = arith.cmpi sge, %get3A_941, %ge3A_944 : vector<16xi32>
    %add3A_946 = arith.constant 640 : i32
    %add3A_947 = arith.addi %mul3A_2, %add3A_946 : i32
    %lt3A_948 = vector.broadcast %add3A_947 : i32 to vector<16xi32>
    %lt3A_949 = arith.cmpi slt, %get3A_941, %lt3A_948 : vector<16xi32>
    %and3A_950 = arith.andi %ge3A_945, %lt3A_949 : vector<16xi1>
    %get3A_951 = arith.constant 960 : index
    %get3A_952 = tpu.vector_load %arg7[%get3A_951] {strides = array<i32>} : memref<1536xf32, #tpu.memory_space<vmem>>, vector<16xf32>,
    tpu.vector_store_idx %arg9[%sub3A_943], %broadcast_in_dim3A_164 masked %and3A_950 {add = true} : memref<640xf32, #tpu.memory_space<vmem>>[vector<16xi32>], vector<16xf32>, vector<16xi1>
    tpu.vector_store_idx %arg10[%sub3A_943], %get3A_952 masked %and3A_950 {add = true} : memref<640xf32, #tpu.memory_space<vmem>>[vector<16xi32>], vector<16xf32>, vector<16xi1>
    %get3A_953 = arith.constant 976 : index
    %get3A_954 = tpu.vector_load %arg6[%get3A_953] {strides = array<i32>} : memref<1536xi32, #tpu.memory_space<vmem>>, vector<16xi32>,
    %sub3A_955 = vector.broadcast %mul3A_2 : i32 to vector<16xi32>
    %sub3A_956 = arith.subi %get3A_954, %sub3A_955 : vector<16xi32>
    %ge3A_957 = vector.broadcast %mul3A_2 : i32 to vector<16xi32>
    %ge3A_958 = arith.cmpi sge, %get3A_954, %ge3A_957 : vector<16xi32>
    %add3A_959 = arith.constant 640 : i32
    %add3A_960 = arith.addi %mul3A_2, %add3A_959 : i32
    %lt3A_961 = vector.broadcast %add3A_960 : i32 to vector<16xi32>
    %lt3A_962 = arith.cmpi slt, %get3A_954, %lt3A_961 : vector<16xi32>
    %and3A_963 = arith.andi %ge3A_958, %lt3A_962 : vector<16xi1>
    %get3A_964 = arith.constant 976 : index
    %get3A_965 = tpu.vector_load %arg7[%get3A_964] {strides = array<i32>} : memref<1536xf32, #tpu.memory_space<vmem>>, vector<16xf32>,
    tpu.vector_store_idx %arg9[%sub3A_956], %broadcast_in_dim3A_164 masked %and3A_963 {add = true} : memref<640xf32, #tpu.memory_space<vmem>>[vector<16xi32>], vector<16xf32>, vector<16xi1>
    tpu.vector_store_idx %arg10[%sub3A_956], %get3A_965 masked %and3A_963 {add = true} : memref<640xf32, #tpu.memory_space<vmem>>[vector<16xi32>], vector<16xf32>, vector<16xi1>
    %get3A_966 = arith.constant 992 : index
    %get3A_967 = tpu.vector_load %arg6[%get3A_966] {strides = array<i32>} : memref<1536xi32, #tpu.memory_space<vmem>>, vector<16xi32>,
    %sub3A_968 = vector.broadcast %mul3A_2 : i32 to vector<16xi32>
    %sub3A_969 = arith.subi %get3A_967, %sub3A_968 : vector<16xi32>
    %ge3A_970 = vector.broadcast %mul3A_2 : i32 to vector<16xi32>
    %ge3A_971 = arith.cmpi sge, %get3A_967, %ge3A_970 : vector<16xi32>
    %add3A_972 = arith.constant 640 : i32
    %add3A_973 = arith.addi %mul3A_2, %add3A_972 : i32
    %lt3A_974 = vector.broadcast %add3A_973 : i32 to vector<16xi32>
    %lt3A_975 = arith.cmpi slt, %get3A_967, %lt3A_974 : vector<16xi32>
    %and3A_976 = arith.andi %ge3A_971, %lt3A_975 : vector<16xi1>
    %get3A_977 = arith.constant 992 : index
    %get3A_978 = tpu.vector_load %arg7[%get3A_977] {strides = array<i32>} : memref<1536xf32, #tpu.memory_space<vmem>>, vector<16xf32>,
    tpu.vector_store_idx %arg9[%sub3A_969], %broadcast_in_dim3A_164 masked %and3A_976 {add = true} : memref<640xf32, #tpu.memory_space<vmem>>[vector<16xi32>], vector<16xf32>, vector<16xi1>
    tpu.vector_store_idx %arg10[%sub3A_969], %get3A_978 masked %and3A_976 {add = true} : memref<640xf32, #tpu.memory_space<vmem>>[vector<16xi32>], vector<16xf32>, vector<16xi1>
    %get3A_979 = arith.constant 1008 : index
    %get3A_980 = tpu.vector_load %arg6[%get3A_979] {strides = array<i32>} : memref<1536xi32, #tpu.memory_space<vmem>>, vector<16xi32>,
    %sub3A_981 = vector.broadcast %mul3A_2 : i32 to vector<16xi32>
    %sub3A_982 = arith.subi %get3A_980, %sub3A_981 : vector<16xi32>
    %ge3A_983 = vector.broadcast %mul3A_2 : i32 to vector<16xi32>
    %ge3A_984 = arith.cmpi sge, %get3A_980, %ge3A_983 : vector<16xi32>
    %add3A_985 = arith.constant 640 : i32
    %add3A_986 = arith.addi %mul3A_2, %add3A_985 : i32
    %lt3A_987 = vector.broadcast %add3A_986 : i32 to vector<16xi32>
    %lt3A_988 = arith.cmpi slt, %get3A_980, %lt3A_987 : vector<16xi32>
    %and3A_989 = arith.andi %ge3A_984, %lt3A_988 : vector<16xi1>
    %get3A_990 = arith.constant 1008 : index
    %get3A_991 = tpu.vector_load %arg7[%get3A_990] {strides = array<i32>} : memref<1536xf32, #tpu.memory_space<vmem>>, vector<16xf32>,
    tpu.vector_store_idx %arg9[%sub3A_982], %broadcast_in_dim3A_164 masked %and3A_989 {add = true} : memref<640xf32, #tpu.memory_space<vmem>>[vector<16xi32>], vector<16xf32>, vector<16xi1>
    tpu.vector_store_idx %arg10[%sub3A_982], %get3A_991 masked %and3A_989 {add = true} : memref<640xf32, #tpu.memory_space<vmem>>[vector<16xi32>], vector<16xf32>, vector<16xi1>
    %get3A_992 = arith.constant 1024 : index
    %get3A_993 = tpu.vector_load %arg6[%get3A_992] {strides = array<i32>} : memref<1536xi32, #tpu.memory_space<vmem>>, vector<16xi32>,
    %sub3A_994 = vector.broadcast %mul3A_2 : i32 to vector<16xi32>
    %sub3A_995 = arith.subi %get3A_993, %sub3A_994 : vector<16xi32>
    %ge3A_996 = vector.broadcast %mul3A_2 : i32 to vector<16xi32>
    %ge3A_997 = arith.cmpi sge, %get3A_993, %ge3A_996 : vector<16xi32>
    %add3A_998 = arith.constant 640 : i32
    %add3A_999 = arith.addi %mul3A_2, %add3A_998 : i32
    %lt3A_1000 = vector.broadcast %add3A_999 : i32 to vector<16xi32>
    %lt3A_1001 = arith.cmpi slt, %get3A_993, %lt3A_1000 : vector<16xi32>
    %and3A_1002 = arith.andi %ge3A_997, %lt3A_1001 : vector<16xi1>
    %get3A_1003 = arith.constant 1024 : index
    %get3A_1004 = tpu.vector_load %arg7[%get3A_1003] {strides = array<i32>} : memref<1536xf32, #tpu.memory_space<vmem>>, vector<16xf32>,
    tpu.vector_store_idx %arg9[%sub3A_995], %broadcast_in_dim3A_164 masked %and3A_1002 {add = true} : memref<640xf32, #tpu.memory_space<vmem>>[vector<16xi32>], vector<16xf32>, vector<16xi1>
    tpu.vector_store_idx %arg10[%sub3A_995], %get3A_1004 masked %and3A_1002 {add = true} : memref<640xf32, #tpu.memory_space<vmem>>[vector<16xi32>], vector<16xf32>, vector<16xi1>
    %get3A_1005 = arith.constant 1040 : index
    %get3A_1006 = tpu.vector_load %arg6[%get3A_1005] {strides = array<i32>} : memref<1536xi32, #tpu.memory_space<vmem>>, vector<16xi32>,
    %sub3A_1007 = vector.broadcast %mul3A_2 : i32 to vector<16xi32>
    %sub3A_1008 = arith.subi %get3A_1006, %sub3A_1007 : vector<16xi32>
    %ge3A_1009 = vector.broadcast %mul3A_2 : i32 to vector<16xi32>
    %ge3A_1010 = arith.cmpi sge, %get3A_1006, %ge3A_1009 : vector<16xi32>
    %add3A_1011 = arith.constant 640 : i32
    %add3A_1012 = arith.addi %mul3A_2, %add3A_1011 : i32
    %lt3A_1013 = vector.broadcast %add3A_1012 : i32 to vector<16xi32>
    %lt3A_1014 = arith.cmpi slt, %get3A_1006, %lt3A_1013 : vector<16xi32>
    %and3A_1015 = arith.andi %ge3A_1010, %lt3A_1014 : vector<16xi1>
    %get3A_1016 = arith.constant 1040 : index
    %get3A_1017 = tpu.vector_load %arg7[%get3A_1016] {strides = array<i32>} : memref<1536xf32, #tpu.memory_space<vmem>>, vector<16xf32>,
    tpu.vector_store_idx %arg9[%sub3A_1008], %broadcast_in_dim3A_164 masked %and3A_1015 {add = true} : memref<640xf32, #tpu.memory_space<vmem>>[vector<16xi32>], vector<16xf32>, vector<16xi1>
    tpu.vector_store_idx %arg10[%sub3A_1008], %get3A_1017 masked %and3A_1015 {add = true} : memref<640xf32, #tpu.memory_space<vmem>>[vector<16xi32>], vector<16xf32>, vector<16xi1>
    %get3A_1018 = arith.constant 1056 : index
    %get3A_1019 = tpu.vector_load %arg6[%get3A_1018] {strides = array<i32>} : memref<1536xi32, #tpu.memory_space<vmem>>, vector<16xi32>,
    %sub3A_1020 = vector.broadcast %mul3A_2 : i32 to vector<16xi32>
    %sub3A_1021 = arith.subi %get3A_1019, %sub3A_1020 : vector<16xi32>
    %ge3A_1022 = vector.broadcast %mul3A_2 : i32 to vector<16xi32>
    %ge3A_1023 = arith.cmpi sge, %get3A_1019, %ge3A_1022 : vector<16xi32>
    %add3A_1024 = arith.constant 640 : i32
    %add3A_1025 = arith.addi %mul3A_2, %add3A_1024 : i32
    %lt3A_1026 = vector.broadcast %add3A_1025 : i32 to vector<16xi32>
    %lt3A_1027 = arith.cmpi slt, %get3A_1019, %lt3A_1026 : vector<16xi32>
    %and3A_1028 = arith.andi %ge3A_1023, %lt3A_1027 : vector<16xi1>
    %get3A_1029 = arith.constant 1056 : index
    %get3A_1030 = tpu.vector_load %arg7[%get3A_1029] {strides = array<i32>} : memref<1536xf32, #tpu.memory_space<vmem>>, vector<16xf32>,
    tpu.vector_store_idx %arg9[%sub3A_1021], %broadcast_in_dim3A_164 masked %and3A_1028 {add = true} : memref<640xf32, #tpu.memory_space<vmem>>[vector<16xi32>], vector<16xf32>, vector<16xi1>
    tpu.vector_store_idx %arg10[%sub3A_1021], %get3A_1030 masked %and3A_1028 {add = true} : memref<640xf32, #tpu.memory_space<vmem>>[vector<16xi32>], vector<16xf32>, vector<16xi1>
    %get3A_1031 = arith.constant 1072 : index
    %get3A_1032 = tpu.vector_load %arg6[%get3A_1031] {strides = array<i32>} : memref<1536xi32, #tpu.memory_space<vmem>>, vector<16xi32>,
    %sub3A_1033 = vector.broadcast %mul3A_2 : i32 to vector<16xi32>
    %sub3A_1034 = arith.subi %get3A_1032, %sub3A_1033 : vector<16xi32>
    %ge3A_1035 = vector.broadcast %mul3A_2 : i32 to vector<16xi32>
    %ge3A_1036 = arith.cmpi sge, %get3A_1032, %ge3A_1035 : vector<16xi32>
    %add3A_1037 = arith.constant 640 : i32
    %add3A_1038 = arith.addi %mul3A_2, %add3A_1037 : i32
    %lt3A_1039 = vector.broadcast %add3A_1038 : i32 to vector<16xi32>
    %lt3A_1040 = arith.cmpi slt, %get3A_1032, %lt3A_1039 : vector<16xi32>
    %and3A_1041 = arith.andi %ge3A_1036, %lt3A_1040 : vector<16xi1>
    %get3A_1042 = arith.constant 1072 : index
    %get3A_1043 = tpu.vector_load %arg7[%get3A_1042] {strides = array<i32>} : memref<1536xf32, #tpu.memory_space<vmem>>, vector<16xf32>,
    tpu.vector_store_idx %arg9[%sub3A_1034], %broadcast_in_dim3A_164 masked %and3A_1041 {add = true} : memref<640xf32, #tpu.memory_space<vmem>>[vector<16xi32>], vector<16xf32>, vector<16xi1>
    tpu.vector_store_idx %arg10[%sub3A_1034], %get3A_1043 masked %and3A_1041 {add = true} : memref<640xf32, #tpu.memory_space<vmem>>[vector<16xi32>], vector<16xf32>, vector<16xi1>
    %get3A_1044 = arith.constant 1088 : index
    %get3A_1045 = tpu.vector_load %arg6[%get3A_1044] {strides = array<i32>} : memref<1536xi32, #tpu.memory_space<vmem>>, vector<16xi32>,
    %sub3A_1046 = vector.broadcast %mul3A_2 : i32 to vector<16xi32>
    %sub3A_1047 = arith.subi %get3A_1045, %sub3A_1046 : vector<16xi32>
    %ge3A_1048 = vector.broadcast %mul3A_2 : i32 to vector<16xi32>
    %ge3A_1049 = arith.cmpi sge, %get3A_1045, %ge3A_1048 : vector<16xi32>
    %add3A_1050 = arith.constant 640 : i32
    %add3A_1051 = arith.addi %mul3A_2, %add3A_1050 : i32
    %lt3A_1052 = vector.broadcast %add3A_1051 : i32 to vector<16xi32>
    %lt3A_1053 = arith.cmpi slt, %get3A_1045, %lt3A_1052 : vector<16xi32>
    %and3A_1054 = arith.andi %ge3A_1049, %lt3A_1053 : vector<16xi1>
    %get3A_1055 = arith.constant 1088 : index
    %get3A_1056 = tpu.vector_load %arg7[%get3A_1055] {strides = array<i32>} : memref<1536xf32, #tpu.memory_space<vmem>>, vector<16xf32>,
    tpu.vector_store_idx %arg9[%sub3A_1047], %broadcast_in_dim3A_164 masked %and3A_1054 {add = true} : memref<640xf32, #tpu.memory_space<vmem>>[vector<16xi32>], vector<16xf32>, vector<16xi1>
    tpu.vector_store_idx %arg10[%sub3A_1047], %get3A_1056 masked %and3A_1054 {add = true} : memref<640xf32, #tpu.memory_space<vmem>>[vector<16xi32>], vector<16xf32>, vector<16xi1>
    %get3A_1057 = arith.constant 1104 : index
    %get3A_1058 = tpu.vector_load %arg6[%get3A_1057] {strides = array<i32>} : memref<1536xi32, #tpu.memory_space<vmem>>, vector<16xi32>,
    %sub3A_1059 = vector.broadcast %mul3A_2 : i32 to vector<16xi32>
    %sub3A_1060 = arith.subi %get3A_1058, %sub3A_1059 : vector<16xi32>
    %ge3A_1061 = vector.broadcast %mul3A_2 : i32 to vector<16xi32>
    %ge3A_1062 = arith.cmpi sge, %get3A_1058, %ge3A_1061 : vector<16xi32>
    %add3A_1063 = arith.constant 640 : i32
    %add3A_1064 = arith.addi %mul3A_2, %add3A_1063 : i32
    %lt3A_1065 = vector.broadcast %add3A_1064 : i32 to vector<16xi32>
    %lt3A_1066 = arith.cmpi slt, %get3A_1058, %lt3A_1065 : vector<16xi32>
    %and3A_1067 = arith.andi %ge3A_1062, %lt3A_1066 : vector<16xi1>
    %get3A_1068 = arith.constant 1104 : index
    %get3A_1069 = tpu.vector_load %arg7[%get3A_1068] {strides = array<i32>} : memref<1536xf32, #tpu.memory_space<vmem>>, vector<16xf32>,
    tpu.vector_store_idx %arg9[%sub3A_1060], %broadcast_in_dim3A_164 masked %and3A_1067 {add = true} : memref<640xf32, #tpu.memory_space<vmem>>[vector<16xi32>], vector<16xf32>, vector<16xi1>
    tpu.vector_store_idx %arg10[%sub3A_1060], %get3A_1069 masked %and3A_1067 {add = true} : memref<640xf32, #tpu.memory_space<vmem>>[vector<16xi32>], vector<16xf32>, vector<16xi1>
    %get3A_1070 = arith.constant 1120 : index
    %get3A_1071 = tpu.vector_load %arg6[%get3A_1070] {strides = array<i32>} : memref<1536xi32, #tpu.memory_space<vmem>>, vector<16xi32>,
    %sub3A_1072 = vector.broadcast %mul3A_2 : i32 to vector<16xi32>
    %sub3A_1073 = arith.subi %get3A_1071, %sub3A_1072 : vector<16xi32>
    %ge3A_1074 = vector.broadcast %mul3A_2 : i32 to vector<16xi32>
    %ge3A_1075 = arith.cmpi sge, %get3A_1071, %ge3A_1074 : vector<16xi32>
    %add3A_1076 = arith.constant 640 : i32
    %add3A_1077 = arith.addi %mul3A_2, %add3A_1076 : i32
    %lt3A_1078 = vector.broadcast %add3A_1077 : i32 to vector<16xi32>
    %lt3A_1079 = arith.cmpi slt, %get3A_1071, %lt3A_1078 : vector<16xi32>
    %and3A_1080 = arith.andi %ge3A_1075, %lt3A_1079 : vector<16xi1>
    %get3A_1081 = arith.constant 1120 : index
    %get3A_1082 = tpu.vector_load %arg7[%get3A_1081] {strides = array<i32>} : memref<1536xf32, #tpu.memory_space<vmem>>, vector<16xf32>,
    tpu.vector_store_idx %arg9[%sub3A_1073], %broadcast_in_dim3A_164 masked %and3A_1080 {add = true} : memref<640xf32, #tpu.memory_space<vmem>>[vector<16xi32>], vector<16xf32>, vector<16xi1>
    tpu.vector_store_idx %arg10[%sub3A_1073], %get3A_1082 masked %and3A_1080 {add = true} : memref<640xf32, #tpu.memory_space<vmem>>[vector<16xi32>], vector<16xf32>, vector<16xi1>
    %get3A_1083 = arith.constant 1136 : index
    %get3A_1084 = tpu.vector_load %arg6[%get3A_1083] {strides = array<i32>} : memref<1536xi32, #tpu.memory_space<vmem>>, vector<16xi32>,
    %sub3A_1085 = vector.broadcast %mul3A_2 : i32 to vector<16xi32>
    %sub3A_1086 = arith.subi %get3A_1084, %sub3A_1085 : vector<16xi32>
    %ge3A_1087 = vector.broadcast %mul3A_2 : i32 to vector<16xi32>
    %ge3A_1088 = arith.cmpi sge, %get3A_1084, %ge3A_1087 : vector<16xi32>
    %add3A_1089 = arith.constant 640 : i32
    %add3A_1090 = arith.addi %mul3A_2, %add3A_1089 : i32
    %lt3A_1091 = vector.broadcast %add3A_1090 : i32 to vector<16xi32>
    %lt3A_1092 = arith.cmpi slt, %get3A_1084, %lt3A_1091 : vector<16xi32>
    %and3A_1093 = arith.andi %ge3A_1088, %lt3A_1092 : vector<16xi1>
    %get3A_1094 = arith.constant 1136 : index
    %get3A_1095 = tpu.vector_load %arg7[%get3A_1094] {strides = array<i32>} : memref<1536xf32, #tpu.memory_space<vmem>>, vector<16xf32>,
    tpu.vector_store_idx %arg9[%sub3A_1086], %broadcast_in_dim3A_164 masked %and3A_1093 {add = true} : memref<640xf32, #tpu.memory_space<vmem>>[vector<16xi32>], vector<16xf32>, vector<16xi1>
    tpu.vector_store_idx %arg10[%sub3A_1086], %get3A_1095 masked %and3A_1093 {add = true} : memref<640xf32, #tpu.memory_space<vmem>>[vector<16xi32>], vector<16xf32>, vector<16xi1>
    %get3A_1096 = arith.constant 1152 : index
    %get3A_1097 = tpu.vector_load %arg6[%get3A_1096] {strides = array<i32>} : memref<1536xi32, #tpu.memory_space<vmem>>, vector<16xi32>,
    %sub3A_1098 = vector.broadcast %mul3A_2 : i32 to vector<16xi32>
    %sub3A_1099 = arith.subi %get3A_1097, %sub3A_1098 : vector<16xi32>
    %ge3A_1100 = vector.broadcast %mul3A_2 : i32 to vector<16xi32>
    %ge3A_1101 = arith.cmpi sge, %get3A_1097, %ge3A_1100 : vector<16xi32>
    %add3A_1102 = arith.constant 640 : i32
    %add3A_1103 = arith.addi %mul3A_2, %add3A_1102 : i32
    %lt3A_1104 = vector.broadcast %add3A_1103 : i32 to vector<16xi32>
    %lt3A_1105 = arith.cmpi slt, %get3A_1097, %lt3A_1104 : vector<16xi32>
    %and3A_1106 = arith.andi %ge3A_1101, %lt3A_1105 : vector<16xi1>
    %get3A_1107 = arith.constant 1152 : index
    %get3A_1108 = tpu.vector_load %arg7[%get3A_1107] {strides = array<i32>} : memref<1536xf32, #tpu.memory_space<vmem>>, vector<16xf32>,
    tpu.vector_store_idx %arg9[%sub3A_1099], %broadcast_in_dim3A_164 masked %and3A_1106 {add = true} : memref<640xf32, #tpu.memory_space<vmem>>[vector<16xi32>], vector<16xf32>, vector<16xi1>
    tpu.vector_store_idx %arg10[%sub3A_1099], %get3A_1108 masked %and3A_1106 {add = true} : memref<640xf32, #tpu.memory_space<vmem>>[vector<16xi32>], vector<16xf32>, vector<16xi1>
    %get3A_1109 = arith.constant 1168 : index
    %get3A_1110 = tpu.vector_load %arg6[%get3A_1109] {strides = array<i32>} : memref<1536xi32, #tpu.memory_space<vmem>>, vector<16xi32>,
    %sub3A_1111 = vector.broadcast %mul3A_2 : i32 to vector<16xi32>
    %sub3A_1112 = arith.subi %get3A_1110, %sub3A_1111 : vector<16xi32>
    %ge3A_1113 = vector.broadcast %mul3A_2 : i32 to vector<16xi32>
    %ge3A_1114 = arith.cmpi sge, %get3A_1110, %ge3A_1113 : vector<16xi32>
    %add3A_1115 = arith.constant 640 : i32
    %add3A_1116 = arith.addi %mul3A_2, %add3A_1115 : i32
    %lt3A_1117 = vector.broadcast %add3A_1116 : i32 to vector<16xi32>
    %lt3A_1118 = arith.cmpi slt, %get3A_1110, %lt3A_1117 : vector<16xi32>
    %and3A_1119 = arith.andi %ge3A_1114, %lt3A_1118 : vector<16xi1>
    %get3A_1120 = arith.constant 1168 : index
    %get3A_1121 = tpu.vector_load %arg7[%get3A_1120] {strides = array<i32>} : memref<1536xf32, #tpu.memory_space<vmem>>, vector<16xf32>,
    tpu.vector_store_idx %arg9[%sub3A_1112], %broadcast_in_dim3A_164 masked %and3A_1119 {add = true} : memref<640xf32, #tpu.memory_space<vmem>>[vector<16xi32>], vector<16xf32>, vector<16xi1>
    tpu.vector_store_idx %arg10[%sub3A_1112], %get3A_1121 masked %and3A_1119 {add = true} : memref<640xf32, #tpu.memory_space<vmem>>[vector<16xi32>], vector<16xf32>, vector<16xi1>
    %get3A_1122 = arith.constant 1184 : index
    %get3A_1123 = tpu.vector_load %arg6[%get3A_1122] {strides = array<i32>} : memref<1536xi32, #tpu.memory_space<vmem>>, vector<16xi32>,
    %sub3A_1124 = vector.broadcast %mul3A_2 : i32 to vector<16xi32>
    %sub3A_1125 = arith.subi %get3A_1123, %sub3A_1124 : vector<16xi32>
    %ge3A_1126 = vector.broadcast %mul3A_2 : i32 to vector<16xi32>
    %ge3A_1127 = arith.cmpi sge, %get3A_1123, %ge3A_1126 : vector<16xi32>
    %add3A_1128 = arith.constant 640 : i32
    %add3A_1129 = arith.addi %mul3A_2, %add3A_1128 : i32
    %lt3A_1130 = vector.broadcast %add3A_1129 : i32 to vector<16xi32>
    %lt3A_1131 = arith.cmpi slt, %get3A_1123, %lt3A_1130 : vector<16xi32>
    %and3A_1132 = arith.andi %ge3A_1127, %lt3A_1131 : vector<16xi1>
    %get3A_1133 = arith.constant 1184 : index
    %get3A_1134 = tpu.vector_load %arg7[%get3A_1133] {strides = array<i32>} : memref<1536xf32, #tpu.memory_space<vmem>>, vector<16xf32>,
    tpu.vector_store_idx %arg9[%sub3A_1125], %broadcast_in_dim3A_164 masked %and3A_1132 {add = true} : memref<640xf32, #tpu.memory_space<vmem>>[vector<16xi32>], vector<16xf32>, vector<16xi1>
    tpu.vector_store_idx %arg10[%sub3A_1125], %get3A_1134 masked %and3A_1132 {add = true} : memref<640xf32, #tpu.memory_space<vmem>>[vector<16xi32>], vector<16xf32>, vector<16xi1>
    %get3A_1135 = arith.constant 1200 : index
    %get3A_1136 = tpu.vector_load %arg6[%get3A_1135] {strides = array<i32>} : memref<1536xi32, #tpu.memory_space<vmem>>, vector<16xi32>,
    %sub3A_1137 = vector.broadcast %mul3A_2 : i32 to vector<16xi32>
    %sub3A_1138 = arith.subi %get3A_1136, %sub3A_1137 : vector<16xi32>
    %ge3A_1139 = vector.broadcast %mul3A_2 : i32 to vector<16xi32>
    %ge3A_1140 = arith.cmpi sge, %get3A_1136, %ge3A_1139 : vector<16xi32>
    %add3A_1141 = arith.constant 640 : i32
    %add3A_1142 = arith.addi %mul3A_2, %add3A_1141 : i32
    %lt3A_1143 = vector.broadcast %add3A_1142 : i32 to vector<16xi32>
    %lt3A_1144 = arith.cmpi slt, %get3A_1136, %lt3A_1143 : vector<16xi32>
    %and3A_1145 = arith.andi %ge3A_1140, %lt3A_1144 : vector<16xi1>
    %get3A_1146 = arith.constant 1200 : index
    %get3A_1147 = tpu.vector_load %arg7[%get3A_1146] {strides = array<i32>} : memref<1536xf32, #tpu.memory_space<vmem>>, vector<16xf32>,
    tpu.vector_store_idx %arg9[%sub3A_1138], %broadcast_in_dim3A_164 masked %and3A_1145 {add = true} : memref<640xf32, #tpu.memory_space<vmem>>[vector<16xi32>], vector<16xf32>, vector<16xi1>
    tpu.vector_store_idx %arg10[%sub3A_1138], %get3A_1147 masked %and3A_1145 {add = true} : memref<640xf32, #tpu.memory_space<vmem>>[vector<16xi32>], vector<16xf32>, vector<16xi1>
    %get3A_1148 = arith.constant 1216 : index
    %get3A_1149 = tpu.vector_load %arg6[%get3A_1148] {strides = array<i32>} : memref<1536xi32, #tpu.memory_space<vmem>>, vector<16xi32>,
    %sub3A_1150 = vector.broadcast %mul3A_2 : i32 to vector<16xi32>
    %sub3A_1151 = arith.subi %get3A_1149, %sub3A_1150 : vector<16xi32>
    %ge3A_1152 = vector.broadcast %mul3A_2 : i32 to vector<16xi32>
    %ge3A_1153 = arith.cmpi sge, %get3A_1149, %ge3A_1152 : vector<16xi32>
    %add3A_1154 = arith.constant 640 : i32
    %add3A_1155 = arith.addi %mul3A_2, %add3A_1154 : i32
    %lt3A_1156 = vector.broadcast %add3A_1155 : i32 to vector<16xi32>
    %lt3A_1157 = arith.cmpi slt, %get3A_1149, %lt3A_1156 : vector<16xi32>
    %and3A_1158 = arith.andi %ge3A_1153, %lt3A_1157 : vector<16xi1>
    %get3A_1159 = arith.constant 1216 : index
    %get3A_1160 = tpu.vector_load %arg7[%get3A_1159] {strides = array<i32>} : memref<1536xf32, #tpu.memory_space<vmem>>, vector<16xf32>,
    tpu.vector_store_idx %arg9[%sub3A_1151], %broadcast_in_dim3A_164 masked %and3A_1158 {add = true} : memref<640xf32, #tpu.memory_space<vmem>>[vector<16xi32>], vector<16xf32>, vector<16xi1>
    tpu.vector_store_idx %arg10[%sub3A_1151], %get3A_1160 masked %and3A_1158 {add = true} : memref<640xf32, #tpu.memory_space<vmem>>[vector<16xi32>], vector<16xf32>, vector<16xi1>
    %get3A_1161 = arith.constant 1232 : index
    %get3A_1162 = tpu.vector_load %arg6[%get3A_1161] {strides = array<i32>} : memref<1536xi32, #tpu.memory_space<vmem>>, vector<16xi32>,
    %sub3A_1163 = vector.broadcast %mul3A_2 : i32 to vector<16xi32>
    %sub3A_1164 = arith.subi %get3A_1162, %sub3A_1163 : vector<16xi32>
    %ge3A_1165 = vector.broadcast %mul3A_2 : i32 to vector<16xi32>
    %ge3A_1166 = arith.cmpi sge, %get3A_1162, %ge3A_1165 : vector<16xi32>
    %add3A_1167 = arith.constant 640 : i32
    %add3A_1168 = arith.addi %mul3A_2, %add3A_1167 : i32
    %lt3A_1169 = vector.broadcast %add3A_1168 : i32 to vector<16xi32>
    %lt3A_1170 = arith.cmpi slt, %get3A_1162, %lt3A_1169 : vector<16xi32>
    %and3A_1171 = arith.andi %ge3A_1166, %lt3A_1170 : vector<16xi1>
    %get3A_1172 = arith.constant 1232 : index
    %get3A_1173 = tpu.vector_load %arg7[%get3A_1172] {strides = array<i32>} : memref<1536xf32, #tpu.memory_space<vmem>>, vector<16xf32>,
    tpu.vector_store_idx %arg9[%sub3A_1164], %broadcast_in_dim3A_164 masked %and3A_1171 {add = true} : memref<640xf32, #tpu.memory_space<vmem>>[vector<16xi32>], vector<16xf32>, vector<16xi1>
    tpu.vector_store_idx %arg10[%sub3A_1164], %get3A_1173 masked %and3A_1171 {add = true} : memref<640xf32, #tpu.memory_space<vmem>>[vector<16xi32>], vector<16xf32>, vector<16xi1>
    %get3A_1174 = arith.constant 1248 : index
    %get3A_1175 = tpu.vector_load %arg6[%get3A_1174] {strides = array<i32>} : memref<1536xi32, #tpu.memory_space<vmem>>, vector<16xi32>,
    %sub3A_1176 = vector.broadcast %mul3A_2 : i32 to vector<16xi32>
    %sub3A_1177 = arith.subi %get3A_1175, %sub3A_1176 : vector<16xi32>
    %ge3A_1178 = vector.broadcast %mul3A_2 : i32 to vector<16xi32>
    %ge3A_1179 = arith.cmpi sge, %get3A_1175, %ge3A_1178 : vector<16xi32>
    %add3A_1180 = arith.constant 640 : i32
    %add3A_1181 = arith.addi %mul3A_2, %add3A_1180 : i32
    %lt3A_1182 = vector.broadcast %add3A_1181 : i32 to vector<16xi32>
    %lt3A_1183 = arith.cmpi slt, %get3A_1175, %lt3A_1182 : vector<16xi32>
    %and3A_1184 = arith.andi %ge3A_1179, %lt3A_1183 : vector<16xi1>
    %get3A_1185 = arith.constant 1248 : index
    %get3A_1186 = tpu.vector_load %arg7[%get3A_1185] {strides = array<i32>} : memref<1536xf32, #tpu.memory_space<vmem>>, vector<16xf32>,
    tpu.vector_store_idx %arg9[%sub3A_1177], %broadcast_in_dim3A_164 masked %and3A_1184 {add = true} : memref<640xf32, #tpu.memory_space<vmem>>[vector<16xi32>], vector<16xf32>, vector<16xi1>
    tpu.vector_store_idx %arg10[%sub3A_1177], %get3A_1186 masked %and3A_1184 {add = true} : memref<640xf32, #tpu.memory_space<vmem>>[vector<16xi32>], vector<16xf32>, vector<16xi1>
    %get3A_1187 = arith.constant 1264 : index
    %get3A_1188 = tpu.vector_load %arg6[%get3A_1187] {strides = array<i32>} : memref<1536xi32, #tpu.memory_space<vmem>>, vector<16xi32>,
    %sub3A_1189 = vector.broadcast %mul3A_2 : i32 to vector<16xi32>
    %sub3A_1190 = arith.subi %get3A_1188, %sub3A_1189 : vector<16xi32>
    %ge3A_1191 = vector.broadcast %mul3A_2 : i32 to vector<16xi32>
    %ge3A_1192 = arith.cmpi sge, %get3A_1188, %ge3A_1191 : vector<16xi32>
    %add3A_1193 = arith.constant 640 : i32
    %add3A_1194 = arith.addi %mul3A_2, %add3A_1193 : i32
    %lt3A_1195 = vector.broadcast %add3A_1194 : i32 to vector<16xi32>
    %lt3A_1196 = arith.cmpi slt, %get3A_1188, %lt3A_1195 : vector<16xi32>
    %and3A_1197 = arith.andi %ge3A_1192, %lt3A_1196 : vector<16xi1>
    %get3A_1198 = arith.constant 1264 : index
    %get3A_1199 = tpu.vector_load %arg7[%get3A_1198] {strides = array<i32>} : memref<1536xf32, #tpu.memory_space<vmem>>, vector<16xf32>,
    tpu.vector_store_idx %arg9[%sub3A_1190], %broadcast_in_dim3A_164 masked %and3A_1197 {add = true} : memref<640xf32, #tpu.memory_space<vmem>>[vector<16xi32>], vector<16xf32>, vector<16xi1>
    tpu.vector_store_idx %arg10[%sub3A_1190], %get3A_1199 masked %and3A_1197 {add = true} : memref<640xf32, #tpu.memory_space<vmem>>[vector<16xi32>], vector<16xf32>, vector<16xi1>
    %get3A_1200 = arith.constant 1280 : index
    %get3A_1201 = tpu.vector_load %arg6[%get3A_1200] {strides = array<i32>} : memref<1536xi32, #tpu.memory_space<vmem>>, vector<16xi32>,
    %sub3A_1202 = vector.broadcast %mul3A_2 : i32 to vector<16xi32>
    %sub3A_1203 = arith.subi %get3A_1201, %sub3A_1202 : vector<16xi32>
    %ge3A_1204 = vector.broadcast %mul3A_2 : i32 to vector<16xi32>
    %ge3A_1205 = arith.cmpi sge, %get3A_1201, %ge3A_1204 : vector<16xi32>
    %add3A_1206 = arith.constant 640 : i32
    %add3A_1207 = arith.addi %mul3A_2, %add3A_1206 : i32
    %lt3A_1208 = vector.broadcast %add3A_1207 : i32 to vector<16xi32>
    %lt3A_1209 = arith.cmpi slt, %get3A_1201, %lt3A_1208 : vector<16xi32>
    %and3A_1210 = arith.andi %ge3A_1205, %lt3A_1209 : vector<16xi1>
    %get3A_1211 = arith.constant 1280 : index
    %get3A_1212 = tpu.vector_load %arg7[%get3A_1211] {strides = array<i32>} : memref<1536xf32, #tpu.memory_space<vmem>>, vector<16xf32>,
    tpu.vector_store_idx %arg9[%sub3A_1203], %broadcast_in_dim3A_164 masked %and3A_1210 {add = true} : memref<640xf32, #tpu.memory_space<vmem>>[vector<16xi32>], vector<16xf32>, vector<16xi1>
    tpu.vector_store_idx %arg10[%sub3A_1203], %get3A_1212 masked %and3A_1210 {add = true} : memref<640xf32, #tpu.memory_space<vmem>>[vector<16xi32>], vector<16xf32>, vector<16xi1>
    %get3A_1213 = arith.constant 1296 : index
    %get3A_1214 = tpu.vector_load %arg6[%get3A_1213] {strides = array<i32>} : memref<1536xi32, #tpu.memory_space<vmem>>, vector<16xi32>,
    %sub3A_1215 = vector.broadcast %mul3A_2 : i32 to vector<16xi32>
    %sub3A_1216 = arith.subi %get3A_1214, %sub3A_1215 : vector<16xi32>
    %ge3A_1217 = vector.broadcast %mul3A_2 : i32 to vector<16xi32>
    %ge3A_1218 = arith.cmpi sge, %get3A_1214, %ge3A_1217 : vector<16xi32>
    %add3A_1219 = arith.constant 640 : i32
    %add3A_1220 = arith.addi %mul3A_2, %add3A_1219 : i32
    %lt3A_1221 = vector.broadcast %add3A_1220 : i32 to vector<16xi32>
    %lt3A_1222 = arith.cmpi slt, %get3A_1214, %lt3A_1221 : vector<16xi32>
    %and3A_1223 = arith.andi %ge3A_1218, %lt3A_1222 : vector<16xi1>
    %get3A_1224 = arith.constant 1296 : index
    %get3A_1225 = tpu.vector_load %arg7[%get3A_1224] {strides = array<i32>} : memref<1536xf32, #tpu.memory_space<vmem>>, vector<16xf32>,
    tpu.vector_store_idx %arg9[%sub3A_1216], %broadcast_in_dim3A_164 masked %and3A_1223 {add = true} : memref<640xf32, #tpu.memory_space<vmem>>[vector<16xi32>], vector<16xf32>, vector<16xi1>
    tpu.vector_store_idx %arg10[%sub3A_1216], %get3A_1225 masked %and3A_1223 {add = true} : memref<640xf32, #tpu.memory_space<vmem>>[vector<16xi32>], vector<16xf32>, vector<16xi1>
    %get3A_1226 = arith.constant 1312 : index
    %get3A_1227 = tpu.vector_load %arg6[%get3A_1226] {strides = array<i32>} : memref<1536xi32, #tpu.memory_space<vmem>>, vector<16xi32>,
    %sub3A_1228 = vector.broadcast %mul3A_2 : i32 to vector<16xi32>
    %sub3A_1229 = arith.subi %get3A_1227, %sub3A_1228 : vector<16xi32>
    %ge3A_1230 = vector.broadcast %mul3A_2 : i32 to vector<16xi32>
    %ge3A_1231 = arith.cmpi sge, %get3A_1227, %ge3A_1230 : vector<16xi32>
    %add3A_1232 = arith.constant 640 : i32
    %add3A_1233 = arith.addi %mul3A_2, %add3A_1232 : i32
    %lt3A_1234 = vector.broadcast %add3A_1233 : i32 to vector<16xi32>
    %lt3A_1235 = arith.cmpi slt, %get3A_1227, %lt3A_1234 : vector<16xi32>
    %and3A_1236 = arith.andi %ge3A_1231, %lt3A_1235 : vector<16xi1>
    %get3A_1237 = arith.constant 1312 : index
    %get3A_1238 = tpu.vector_load %arg7[%get3A_1237] {strides = array<i32>} : memref<1536xf32, #tpu.memory_space<vmem>>, vector<16xf32>,
    tpu.vector_store_idx %arg9[%sub3A_1229], %broadcast_in_dim3A_164 masked %and3A_1236 {add = true} : memref<640xf32, #tpu.memory_space<vmem>>[vector<16xi32>], vector<16xf32>, vector<16xi1>
    tpu.vector_store_idx %arg10[%sub3A_1229], %get3A_1238 masked %and3A_1236 {add = true} : memref<640xf32, #tpu.memory_space<vmem>>[vector<16xi32>], vector<16xf32>, vector<16xi1>
    %get3A_1239 = arith.constant 1328 : index
    %get3A_1240 = tpu.vector_load %arg6[%get3A_1239] {strides = array<i32>} : memref<1536xi32, #tpu.memory_space<vmem>>, vector<16xi32>,
    %sub3A_1241 = vector.broadcast %mul3A_2 : i32 to vector<16xi32>
    %sub3A_1242 = arith.subi %get3A_1240, %sub3A_1241 : vector<16xi32>
    %ge3A_1243 = vector.broadcast %mul3A_2 : i32 to vector<16xi32>
    %ge3A_1244 = arith.cmpi sge, %get3A_1240, %ge3A_1243 : vector<16xi32>
    %add3A_1245 = arith.constant 640 : i32
    %add3A_1246 = arith.addi %mul3A_2, %add3A_1245 : i32
    %lt3A_1247 = vector.broadcast %add3A_1246 : i32 to vector<16xi32>
    %lt3A_1248 = arith.cmpi slt, %get3A_1240, %lt3A_1247 : vector<16xi32>
    %and3A_1249 = arith.andi %ge3A_1244, %lt3A_1248 : vector<16xi1>
    %get3A_1250 = arith.constant 1328 : index
    %get3A_1251 = tpu.vector_load %arg7[%get3A_1250] {strides = array<i32>} : memref<1536xf32, #tpu.memory_space<vmem>>, vector<16xf32>,
    tpu.vector_store_idx %arg9[%sub3A_1242], %broadcast_in_dim3A_164 masked %and3A_1249 {add = true} : memref<640xf32, #tpu.memory_space<vmem>>[vector<16xi32>], vector<16xf32>, vector<16xi1>
    tpu.vector_store_idx %arg10[%sub3A_1242], %get3A_1251 masked %and3A_1249 {add = true} : memref<640xf32, #tpu.memory_space<vmem>>[vector<16xi32>], vector<16xf32>, vector<16xi1>
    %get3A_1252 = arith.constant 1344 : index
    %get3A_1253 = tpu.vector_load %arg6[%get3A_1252] {strides = array<i32>} : memref<1536xi32, #tpu.memory_space<vmem>>, vector<16xi32>,
    %sub3A_1254 = vector.broadcast %mul3A_2 : i32 to vector<16xi32>
    %sub3A_1255 = arith.subi %get3A_1253, %sub3A_1254 : vector<16xi32>
    %ge3A_1256 = vector.broadcast %mul3A_2 : i32 to vector<16xi32>
    %ge3A_1257 = arith.cmpi sge, %get3A_1253, %ge3A_1256 : vector<16xi32>
    %add3A_1258 = arith.constant 640 : i32
    %add3A_1259 = arith.addi %mul3A_2, %add3A_1258 : i32
    %lt3A_1260 = vector.broadcast %add3A_1259 : i32 to vector<16xi32>
    %lt3A_1261 = arith.cmpi slt, %get3A_1253, %lt3A_1260 : vector<16xi32>
    %and3A_1262 = arith.andi %ge3A_1257, %lt3A_1261 : vector<16xi1>
    %get3A_1263 = arith.constant 1344 : index
    %get3A_1264 = tpu.vector_load %arg7[%get3A_1263] {strides = array<i32>} : memref<1536xf32, #tpu.memory_space<vmem>>, vector<16xf32>,
    tpu.vector_store_idx %arg9[%sub3A_1255], %broadcast_in_dim3A_164 masked %and3A_1262 {add = true} : memref<640xf32, #tpu.memory_space<vmem>>[vector<16xi32>], vector<16xf32>, vector<16xi1>
    tpu.vector_store_idx %arg10[%sub3A_1255], %get3A_1264 masked %and3A_1262 {add = true} : memref<640xf32, #tpu.memory_space<vmem>>[vector<16xi32>], vector<16xf32>, vector<16xi1>
    %get3A_1265 = arith.constant 1360 : index
    %get3A_1266 = tpu.vector_load %arg6[%get3A_1265] {strides = array<i32>} : memref<1536xi32, #tpu.memory_space<vmem>>, vector<16xi32>,
    %sub3A_1267 = vector.broadcast %mul3A_2 : i32 to vector<16xi32>
    %sub3A_1268 = arith.subi %get3A_1266, %sub3A_1267 : vector<16xi32>
    %ge3A_1269 = vector.broadcast %mul3A_2 : i32 to vector<16xi32>
    %ge3A_1270 = arith.cmpi sge, %get3A_1266, %ge3A_1269 : vector<16xi32>
    %add3A_1271 = arith.constant 640 : i32
    %add3A_1272 = arith.addi %mul3A_2, %add3A_1271 : i32
    %lt3A_1273 = vector.broadcast %add3A_1272 : i32 to vector<16xi32>
    %lt3A_1274 = arith.cmpi slt, %get3A_1266, %lt3A_1273 : vector<16xi32>
    %and3A_1275 = arith.andi %ge3A_1270, %lt3A_1274 : vector<16xi1>
    %get3A_1276 = arith.constant 1360 : index
    %get3A_1277 = tpu.vector_load %arg7[%get3A_1276] {strides = array<i32>} : memref<1536xf32, #tpu.memory_space<vmem>>, vector<16xf32>,
    tpu.vector_store_idx %arg9[%sub3A_1268], %broadcast_in_dim3A_164 masked %and3A_1275 {add = true} : memref<640xf32, #tpu.memory_space<vmem>>[vector<16xi32>], vector<16xf32>, vector<16xi1>
    tpu.vector_store_idx %arg10[%sub3A_1268], %get3A_1277 masked %and3A_1275 {add = true} : memref<640xf32, #tpu.memory_space<vmem>>[vector<16xi32>], vector<16xf32>, vector<16xi1>
    %get3A_1278 = arith.constant 1376 : index
    %get3A_1279 = tpu.vector_load %arg6[%get3A_1278] {strides = array<i32>} : memref<1536xi32, #tpu.memory_space<vmem>>, vector<16xi32>,
    %sub3A_1280 = vector.broadcast %mul3A_2 : i32 to vector<16xi32>
    %sub3A_1281 = arith.subi %get3A_1279, %sub3A_1280 : vector<16xi32>
    %ge3A_1282 = vector.broadcast %mul3A_2 : i32 to vector<16xi32>
    %ge3A_1283 = arith.cmpi sge, %get3A_1279, %ge3A_1282 : vector<16xi32>
    %add3A_1284 = arith.constant 640 : i32
    %add3A_1285 = arith.addi %mul3A_2, %add3A_1284 : i32
    %lt3A_1286 = vector.broadcast %add3A_1285 : i32 to vector<16xi32>
    %lt3A_1287 = arith.cmpi slt, %get3A_1279, %lt3A_1286 : vector<16xi32>
    %and3A_1288 = arith.andi %ge3A_1283, %lt3A_1287 : vector<16xi1>
    %get3A_1289 = arith.constant 1376 : index
    %get3A_1290 = tpu.vector_load %arg7[%get3A_1289] {strides = array<i32>} : memref<1536xf32, #tpu.memory_space<vmem>>, vector<16xf32>,
    tpu.vector_store_idx %arg9[%sub3A_1281], %broadcast_in_dim3A_164 masked %and3A_1288 {add = true} : memref<640xf32, #tpu.memory_space<vmem>>[vector<16xi32>], vector<16xf32>, vector<16xi1>
    tpu.vector_store_idx %arg10[%sub3A_1281], %get3A_1290 masked %and3A_1288 {add = true} : memref<640xf32, #tpu.memory_space<vmem>>[vector<16xi32>], vector<16xf32>, vector<16xi1>
    %get3A_1291 = arith.constant 1392 : index
    %get3A_1292 = tpu.vector_load %arg6[%get3A_1291] {strides = array<i32>} : memref<1536xi32, #tpu.memory_space<vmem>>, vector<16xi32>,
    %sub3A_1293 = vector.broadcast %mul3A_2 : i32 to vector<16xi32>
    %sub3A_1294 = arith.subi %get3A_1292, %sub3A_1293 : vector<16xi32>
    %ge3A_1295 = vector.broadcast %mul3A_2 : i32 to vector<16xi32>
    %ge3A_1296 = arith.cmpi sge, %get3A_1292, %ge3A_1295 : vector<16xi32>
    %add3A_1297 = arith.constant 640 : i32
    %add3A_1298 = arith.addi %mul3A_2, %add3A_1297 : i32
    %lt3A_1299 = vector.broadcast %add3A_1298 : i32 to vector<16xi32>
    %lt3A_1300 = arith.cmpi slt, %get3A_1292, %lt3A_1299 : vector<16xi32>
    %and3A_1301 = arith.andi %ge3A_1296, %lt3A_1300 : vector<16xi1>
    %get3A_1302 = arith.constant 1392 : index
    %get3A_1303 = tpu.vector_load %arg7[%get3A_1302] {strides = array<i32>} : memref<1536xf32, #tpu.memory_space<vmem>>, vector<16xf32>,
    tpu.vector_store_idx %arg9[%sub3A_1294], %broadcast_in_dim3A_164 masked %and3A_1301 {add = true} : memref<640xf32, #tpu.memory_space<vmem>>[vector<16xi32>], vector<16xf32>, vector<16xi1>
    tpu.vector_store_idx %arg10[%sub3A_1294], %get3A_1303 masked %and3A_1301 {add = true} : memref<640xf32, #tpu.memory_space<vmem>>[vector<16xi32>], vector<16xf32>, vector<16xi1>
    %get3A_1304 = arith.constant 1408 : index
    %get3A_1305 = tpu.vector_load %arg6[%get3A_1304] {strides = array<i32>} : memref<1536xi32, #tpu.memory_space<vmem>>, vector<16xi32>,
    %sub3A_1306 = vector.broadcast %mul3A_2 : i32 to vector<16xi32>
    %sub3A_1307 = arith.subi %get3A_1305, %sub3A_1306 : vector<16xi32>
    %ge3A_1308 = vector.broadcast %mul3A_2 : i32 to vector<16xi32>
    %ge3A_1309 = arith.cmpi sge, %get3A_1305, %ge3A_1308 : vector<16xi32>
    %add3A_1310 = arith.constant 640 : i32
    %add3A_1311 = arith.addi %mul3A_2, %add3A_1310 : i32
    %lt3A_1312 = vector.broadcast %add3A_1311 : i32 to vector<16xi32>
    %lt3A_1313 = arith.cmpi slt, %get3A_1305, %lt3A_1312 : vector<16xi32>
    %and3A_1314 = arith.andi %ge3A_1309, %lt3A_1313 : vector<16xi1>
    %get3A_1315 = arith.constant 1408 : index
    %get3A_1316 = tpu.vector_load %arg7[%get3A_1315] {strides = array<i32>} : memref<1536xf32, #tpu.memory_space<vmem>>, vector<16xf32>,
    tpu.vector_store_idx %arg9[%sub3A_1307], %broadcast_in_dim3A_164 masked %and3A_1314 {add = true} : memref<640xf32, #tpu.memory_space<vmem>>[vector<16xi32>], vector<16xf32>, vector<16xi1>
    tpu.vector_store_idx %arg10[%sub3A_1307], %get3A_1316 masked %and3A_1314 {add = true} : memref<640xf32, #tpu.memory_space<vmem>>[vector<16xi32>], vector<16xf32>, vector<16xi1>
    %get3A_1317 = arith.constant 1424 : index
    %get3A_1318 = tpu.vector_load %arg6[%get3A_1317] {strides = array<i32>} : memref<1536xi32, #tpu.memory_space<vmem>>, vector<16xi32>,
    %sub3A_1319 = vector.broadcast %mul3A_2 : i32 to vector<16xi32>
    %sub3A_1320 = arith.subi %get3A_1318, %sub3A_1319 : vector<16xi32>
    %ge3A_1321 = vector.broadcast %mul3A_2 : i32 to vector<16xi32>
    %ge3A_1322 = arith.cmpi sge, %get3A_1318, %ge3A_1321 : vector<16xi32>
    %add3A_1323 = arith.constant 640 : i32
    %add3A_1324 = arith.addi %mul3A_2, %add3A_1323 : i32
    %lt3A_1325 = vector.broadcast %add3A_1324 : i32 to vector<16xi32>
    %lt3A_1326 = arith.cmpi slt, %get3A_1318, %lt3A_1325 : vector<16xi32>
    %and3A_1327 = arith.andi %ge3A_1322, %lt3A_1326 : vector<16xi1>
    %get3A_1328 = arith.constant 1424 : index
    %get3A_1329 = tpu.vector_load %arg7[%get3A_1328] {strides = array<i32>} : memref<1536xf32, #tpu.memory_space<vmem>>, vector<16xf32>,
    tpu.vector_store_idx %arg9[%sub3A_1320], %broadcast_in_dim3A_164 masked %and3A_1327 {add = true} : memref<640xf32, #tpu.memory_space<vmem>>[vector<16xi32>], vector<16xf32>, vector<16xi1>
    tpu.vector_store_idx %arg10[%sub3A_1320], %get3A_1329 masked %and3A_1327 {add = true} : memref<640xf32, #tpu.memory_space<vmem>>[vector<16xi32>], vector<16xf32>, vector<16xi1>
    %get3A_1330 = arith.constant 1440 : index
    %get3A_1331 = tpu.vector_load %arg6[%get3A_1330] {strides = array<i32>} : memref<1536xi32, #tpu.memory_space<vmem>>, vector<16xi32>,
    %sub3A_1332 = vector.broadcast %mul3A_2 : i32 to vector<16xi32>
    %sub3A_1333 = arith.subi %get3A_1331, %sub3A_1332 : vector<16xi32>
    %ge3A_1334 = vector.broadcast %mul3A_2 : i32 to vector<16xi32>
    %ge3A_1335 = arith.cmpi sge, %get3A_1331, %ge3A_1334 : vector<16xi32>
    %add3A_1336 = arith.constant 640 : i32
    %add3A_1337 = arith.addi %mul3A_2, %add3A_1336 : i32
    %lt3A_1338 = vector.broadcast %add3A_1337 : i32 to vector<16xi32>
    %lt3A_1339 = arith.cmpi slt, %get3A_1331, %lt3A_1338 : vector<16xi32>
    %and3A_1340 = arith.andi %ge3A_1335, %lt3A_1339 : vector<16xi1>
    %get3A_1341 = arith.constant 1440 : index
    %get3A_1342 = tpu.vector_load %arg7[%get3A_1341] {strides = array<i32>} : memref<1536xf32, #tpu.memory_space<vmem>>, vector<16xf32>,
    tpu.vector_store_idx %arg9[%sub3A_1333], %broadcast_in_dim3A_164 masked %and3A_1340 {add = true} : memref<640xf32, #tpu.memory_space<vmem>>[vector<16xi32>], vector<16xf32>, vector<16xi1>
    tpu.vector_store_idx %arg10[%sub3A_1333], %get3A_1342 masked %and3A_1340 {add = true} : memref<640xf32, #tpu.memory_space<vmem>>[vector<16xi32>], vector<16xf32>, vector<16xi1>
    %get3A_1343 = arith.constant 1456 : index
    %get3A_1344 = tpu.vector_load %arg6[%get3A_1343] {strides = array<i32>} : memref<1536xi32, #tpu.memory_space<vmem>>, vector<16xi32>,
    %sub3A_1345 = vector.broadcast %mul3A_2 : i32 to vector<16xi32>
    %sub3A_1346 = arith.subi %get3A_1344, %sub3A_1345 : vector<16xi32>
    %ge3A_1347 = vector.broadcast %mul3A_2 : i32 to vector<16xi32>
    %ge3A_1348 = arith.cmpi sge, %get3A_1344, %ge3A_1347 : vector<16xi32>
    %add3A_1349 = arith.constant 640 : i32
    %add3A_1350 = arith.addi %mul3A_2, %add3A_1349 : i32
    %lt3A_1351 = vector.broadcast %add3A_1350 : i32 to vector<16xi32>
    %lt3A_1352 = arith.cmpi slt, %get3A_1344, %lt3A_1351 : vector<16xi32>
    %and3A_1353 = arith.andi %ge3A_1348, %lt3A_1352 : vector<16xi1>
    %get3A_1354 = arith.constant 1456 : index
    %get3A_1355 = tpu.vector_load %arg7[%get3A_1354] {strides = array<i32>} : memref<1536xf32, #tpu.memory_space<vmem>>, vector<16xf32>,
    tpu.vector_store_idx %arg9[%sub3A_1346], %broadcast_in_dim3A_164 masked %and3A_1353 {add = true} : memref<640xf32, #tpu.memory_space<vmem>>[vector<16xi32>], vector<16xf32>, vector<16xi1>
    tpu.vector_store_idx %arg10[%sub3A_1346], %get3A_1355 masked %and3A_1353 {add = true} : memref<640xf32, #tpu.memory_space<vmem>>[vector<16xi32>], vector<16xf32>, vector<16xi1>
    %get3A_1356 = arith.constant 1472 : index
    %get3A_1357 = tpu.vector_load %arg6[%get3A_1356] {strides = array<i32>} : memref<1536xi32, #tpu.memory_space<vmem>>, vector<16xi32>,
    %sub3A_1358 = vector.broadcast %mul3A_2 : i32 to vector<16xi32>
    %sub3A_1359 = arith.subi %get3A_1357, %sub3A_1358 : vector<16xi32>
    %ge3A_1360 = vector.broadcast %mul3A_2 : i32 to vector<16xi32>
    %ge3A_1361 = arith.cmpi sge, %get3A_1357, %ge3A_1360 : vector<16xi32>
    %add3A_1362 = arith.constant 640 : i32
    %add3A_1363 = arith.addi %mul3A_2, %add3A_1362 : i32
    %lt3A_1364 = vector.broadcast %add3A_1363 : i32 to vector<16xi32>
    %lt3A_1365 = arith.cmpi slt, %get3A_1357, %lt3A_1364 : vector<16xi32>
    %and3A_1366 = arith.andi %ge3A_1361, %lt3A_1365 : vector<16xi1>
    %get3A_1367 = arith.constant 1472 : index
    %get3A_1368 = tpu.vector_load %arg7[%get3A_1367] {strides = array<i32>} : memref<1536xf32, #tpu.memory_space<vmem>>, vector<16xf32>,
    tpu.vector_store_idx %arg9[%sub3A_1359], %broadcast_in_dim3A_164 masked %and3A_1366 {add = true} : memref<640xf32, #tpu.memory_space<vmem>>[vector<16xi32>], vector<16xf32>, vector<16xi1>
    tpu.vector_store_idx %arg10[%sub3A_1359], %get3A_1368 masked %and3A_1366 {add = true} : memref<640xf32, #tpu.memory_space<vmem>>[vector<16xi32>], vector<16xf32>, vector<16xi1>
    %get3A_1369 = arith.constant 1488 : index
    %get3A_1370 = tpu.vector_load %arg6[%get3A_1369] {strides = array<i32>} : memref<1536xi32, #tpu.memory_space<vmem>>, vector<16xi32>,
    %sub3A_1371 = vector.broadcast %mul3A_2 : i32 to vector<16xi32>
    %sub3A_1372 = arith.subi %get3A_1370, %sub3A_1371 : vector<16xi32>
    %ge3A_1373 = vector.broadcast %mul3A_2 : i32 to vector<16xi32>
    %ge3A_1374 = arith.cmpi sge, %get3A_1370, %ge3A_1373 : vector<16xi32>
    %add3A_1375 = arith.constant 640 : i32
    %add3A_1376 = arith.addi %mul3A_2, %add3A_1375 : i32
    %lt3A_1377 = vector.broadcast %add3A_1376 : i32 to vector<16xi32>
    %lt3A_1378 = arith.cmpi slt, %get3A_1370, %lt3A_1377 : vector<16xi32>
    %and3A_1379 = arith.andi %ge3A_1374, %lt3A_1378 : vector<16xi1>
    %get3A_1380 = arith.constant 1488 : index
    %get3A_1381 = tpu.vector_load %arg7[%get3A_1380] {strides = array<i32>} : memref<1536xf32, #tpu.memory_space<vmem>>, vector<16xf32>,
    tpu.vector_store_idx %arg9[%sub3A_1372], %broadcast_in_dim3A_164 masked %and3A_1379 {add = true} : memref<640xf32, #tpu.memory_space<vmem>>[vector<16xi32>], vector<16xf32>, vector<16xi1>
    tpu.vector_store_idx %arg10[%sub3A_1372], %get3A_1381 masked %and3A_1379 {add = true} : memref<640xf32, #tpu.memory_space<vmem>>[vector<16xi32>], vector<16xf32>, vector<16xi1>
    %get3A_1382 = arith.constant 1504 : index
    %get3A_1383 = tpu.vector_load %arg6[%get3A_1382] {strides = array<i32>} : memref<1536xi32, #tpu.memory_space<vmem>>, vector<16xi32>,
    %sub3A_1384 = vector.broadcast %mul3A_2 : i32 to vector<16xi32>
    %sub3A_1385 = arith.subi %get3A_1383, %sub3A_1384 : vector<16xi32>
    %ge3A_1386 = vector.broadcast %mul3A_2 : i32 to vector<16xi32>
    %ge3A_1387 = arith.cmpi sge, %get3A_1383, %ge3A_1386 : vector<16xi32>
    %add3A_1388 = arith.constant 640 : i32
    %add3A_1389 = arith.addi %mul3A_2, %add3A_1388 : i32
    %lt3A_1390 = vector.broadcast %add3A_1389 : i32 to vector<16xi32>
    %lt3A_1391 = arith.cmpi slt, %get3A_1383, %lt3A_1390 : vector<16xi32>
    %and3A_1392 = arith.andi %ge3A_1387, %lt3A_1391 : vector<16xi1>
    %get3A_1393 = arith.constant 1504 : index
    %get3A_1394 = tpu.vector_load %arg7[%get3A_1393] {strides = array<i32>} : memref<1536xf32, #tpu.memory_space<vmem>>, vector<16xf32>,
    tpu.vector_store_idx %arg9[%sub3A_1385], %broadcast_in_dim3A_164 masked %and3A_1392 {add = true} : memref<640xf32, #tpu.memory_space<vmem>>[vector<16xi32>], vector<16xf32>, vector<16xi1>
    tpu.vector_store_idx %arg10[%sub3A_1385], %get3A_1394 masked %and3A_1392 {add = true} : memref<640xf32, #tpu.memory_space<vmem>>[vector<16xi32>], vector<16xf32>, vector<16xi1>
    %get3A_1395 = arith.constant 1520 : index
    %get3A_1396 = tpu.vector_load %arg6[%get3A_1395] {strides = array<i32>} : memref<1536xi32, #tpu.memory_space<vmem>>, vector<16xi32>,
    %sub3A_1397 = vector.broadcast %mul3A_2 : i32 to vector<16xi32>
    %sub3A_1398 = arith.subi %get3A_1396, %sub3A_1397 : vector<16xi32>
    %ge3A_1399 = vector.broadcast %mul3A_2 : i32 to vector<16xi32>
    %ge3A_1400 = arith.cmpi sge, %get3A_1396, %ge3A_1399 : vector<16xi32>
    %add3A_1401 = arith.constant 640 : i32
    %add3A_1402 = arith.addi %mul3A_2, %add3A_1401 : i32
    %lt3A_1403 = vector.broadcast %add3A_1402 : i32 to vector<16xi32>
    %lt3A_1404 = arith.cmpi slt, %get3A_1396, %lt3A_1403 : vector<16xi32>
    %and3A_1405 = arith.andi %ge3A_1400, %lt3A_1404 : vector<16xi1>
    %get3A_1406 = arith.constant 1520 : index
    %get3A_1407 = tpu.vector_load %arg7[%get3A_1406] {strides = array<i32>} : memref<1536xf32, #tpu.memory_space<vmem>>, vector<16xf32>,
    tpu.vector_store_idx %arg9[%sub3A_1398], %broadcast_in_dim3A_164 masked %and3A_1405 {add = true} : memref<640xf32, #tpu.memory_space<vmem>>[vector<16xi32>], vector<16xf32>, vector<16xi1>
    tpu.vector_store_idx %arg10[%sub3A_1398], %get3A_1407 masked %and3A_1405 {add = true} : memref<640xf32, #tpu.memory_space<vmem>>[vector<16xi32>], vector<16xf32>, vector<16xi1>
    %get3A_1408 = arith.constant 0 : index
    %get3A_1409 = tpu.vector_load %arg9[%get3A_1408] {strides = array<i32>} : memref<640xf32, #tpu.memory_space<vmem>>, vector<16xf32>,
    %gt3A = arith.constant 1.500000e+00 : f32
    %gt3A_1410 = vector.broadcast %gt3A : f32 to vector<16xf32>
    %gt3A_1411 = arith.cmpf ogt, %get3A_1409, %gt3A_1410 : vector<16xf32>
    %get3A_1412 = arith.constant 0 : index
    %get3A_1413 = tpu.vector_load %arg8[%get3A_1412] {strides = array<i32>} : memref<640xf32, #tpu.memory_space<vmem>>, vector<16xf32>,
    %get3A_1414 = arith.constant 0 : index
    %get3A_1415 = tpu.vector_load %arg10[%get3A_1414] {strides = array<i32>} : memref<640xf32, #tpu.memory_space<vmem>>, vector<16xf32>,
    %select_n3A = arith.select %gt3A_1411, %get3A_1413, %get3A_1415 : vector<16xi1>, vector<16xf32>
    %swap3A_1416 = arith.constant 0 : index
    %swap3A_1417 = tpu.vector_load %arg11[%swap3A_1416] {strides = array<i32>} : memref<640xf32, #tpu.memory_space<vmem>>, vector<16xf32>,
    tpu.vector_store %arg11[%swap3A_1416], %select_n3A {strides = array<i32>} : memref<640xf32, #tpu.memory_space<vmem>>, vector<16xf32>,
    %get3A_1418 = arith.constant 16 : index
    %get3A_1419 = tpu.vector_load %arg9[%get3A_1418] {strides = array<i32>} : memref<640xf32, #tpu.memory_space<vmem>>, vector<16xf32>,
    %gt3A_1420 = arith.constant 1.500000e+00 : f32
    %gt3A_1421 = vector.broadcast %gt3A_1420 : f32 to vector<16xf32>
    %gt3A_1422 = arith.cmpf ogt, %get3A_1419, %gt3A_1421 : vector<16xf32>
    %get3A_1423 = arith.constant 16 : index
    %get3A_1424 = tpu.vector_load %arg8[%get3A_1423] {strides = array<i32>} : memref<640xf32, #tpu.memory_space<vmem>>, vector<16xf32>,
    %get3A_1425 = arith.constant 16 : index
    %get3A_1426 = tpu.vector_load %arg10[%get3A_1425] {strides = array<i32>} : memref<640xf32, #tpu.memory_space<vmem>>, vector<16xf32>,
    %select_n3A_1427 = arith.select %gt3A_1422, %get3A_1424, %get3A_1426 : vector<16xi1>, vector<16xf32>
    %swap3A_1428 = arith.constant 16 : index
    %swap3A_1429 = tpu.vector_load %arg11[%swap3A_1428] {strides = array<i32>} : memref<640xf32, #tpu.memory_space<vmem>>, vector<16xf32>,
    tpu.vector_store %arg11[%swap3A_1428], %select_n3A_1427 {strides = array<i32>} : memref<640xf32, #tpu.memory_space<vmem>>, vector<16xf32>,
    %get3A_1430 = arith.constant 32 : index
    %get3A_1431 = tpu.vector_load %arg9[%get3A_1430] {strides = array<i32>} : memref<640xf32, #tpu.memory_space<vmem>>, vector<16xf32>,
    %gt3A_1432 = arith.constant 1.500000e+00 : f32
    %gt3A_1433 = vector.broadcast %gt3A_1432 : f32 to vector<16xf32>
    %gt3A_1434 = arith.cmpf ogt, %get3A_1431, %gt3A_1433 : vector<16xf32>
    %get3A_1435 = arith.constant 32 : index
    %get3A_1436 = tpu.vector_load %arg8[%get3A_1435] {strides = array<i32>} : memref<640xf32, #tpu.memory_space<vmem>>, vector<16xf32>,
    %get3A_1437 = arith.constant 32 : index
    %get3A_1438 = tpu.vector_load %arg10[%get3A_1437] {strides = array<i32>} : memref<640xf32, #tpu.memory_space<vmem>>, vector<16xf32>,
    %select_n3A_1439 = arith.select %gt3A_1434, %get3A_1436, %get3A_1438 : vector<16xi1>, vector<16xf32>
    %swap3A_1440 = arith.constant 32 : index
    %swap3A_1441 = tpu.vector_load %arg11[%swap3A_1440] {strides = array<i32>} : memref<640xf32, #tpu.memory_space<vmem>>, vector<16xf32>,
    tpu.vector_store %arg11[%swap3A_1440], %select_n3A_1439 {strides = array<i32>} : memref<640xf32, #tpu.memory_space<vmem>>, vector<16xf32>,
    %get3A_1442 = arith.constant 48 : index
    %get3A_1443 = tpu.vector_load %arg9[%get3A_1442] {strides = array<i32>} : memref<640xf32, #tpu.memory_space<vmem>>, vector<16xf32>,
    %gt3A_1444 = arith.constant 1.500000e+00 : f32
    %gt3A_1445 = vector.broadcast %gt3A_1444 : f32 to vector<16xf32>
    %gt3A_1446 = arith.cmpf ogt, %get3A_1443, %gt3A_1445 : vector<16xf32>
    %get3A_1447 = arith.constant 48 : index
    %get3A_1448 = tpu.vector_load %arg8[%get3A_1447] {strides = array<i32>} : memref<640xf32, #tpu.memory_space<vmem>>, vector<16xf32>,
    %get3A_1449 = arith.constant 48 : index
    %get3A_1450 = tpu.vector_load %arg10[%get3A_1449] {strides = array<i32>} : memref<640xf32, #tpu.memory_space<vmem>>, vector<16xf32>,
    %select_n3A_1451 = arith.select %gt3A_1446, %get3A_1448, %get3A_1450 : vector<16xi1>, vector<16xf32>
    %swap3A_1452 = arith.constant 48 : index
    %swap3A_1453 = tpu.vector_load %arg11[%swap3A_1452] {strides = array<i32>} : memref<640xf32, #tpu.memory_space<vmem>>, vector<16xf32>,
    tpu.vector_store %arg11[%swap3A_1452], %select_n3A_1451 {strides = array<i32>} : memref<640xf32, #tpu.memory_space<vmem>>, vector<16xf32>,
    %get3A_1454 = arith.constant 64 : index
    %get3A_1455 = tpu.vector_load %arg9[%get3A_1454] {strides = array<i32>} : memref<640xf32, #tpu.memory_space<vmem>>, vector<16xf32>,
    %gt3A_1456 = arith.constant 1.500000e+00 : f32
    %gt3A_1457 = vector.broadcast %gt3A_1456 : f32 to vector<16xf32>
    %gt3A_1458 = arith.cmpf ogt, %get3A_1455, %gt3A_1457 : vector<16xf32>
    %get3A_1459 = arith.constant 64 : index
    %get3A_1460 = tpu.vector_load %arg8[%get3A_1459] {strides = array<i32>} : memref<640xf32, #tpu.memory_space<vmem>>, vector<16xf32>,
    %get3A_1461 = arith.constant 64 : index
    %get3A_1462 = tpu.vector_load %arg10[%get3A_1461] {strides = array<i32>} : memref<640xf32, #tpu.memory_space<vmem>>, vector<16xf32>,
    %select_n3A_1463 = arith.select %gt3A_1458, %get3A_1460, %get3A_1462 : vector<16xi1>, vector<16xf32>
    %swap3A_1464 = arith.constant 64 : index
    %swap3A_1465 = tpu.vector_load %arg11[%swap3A_1464] {strides = array<i32>} : memref<640xf32, #tpu.memory_space<vmem>>, vector<16xf32>,
    tpu.vector_store %arg11[%swap3A_1464], %select_n3A_1463 {strides = array<i32>} : memref<640xf32, #tpu.memory_space<vmem>>, vector<16xf32>,
    %get3A_1466 = arith.constant 80 : index
    %get3A_1467 = tpu.vector_load %arg9[%get3A_1466] {strides = array<i32>} : memref<640xf32, #tpu.memory_space<vmem>>, vector<16xf32>,
    %gt3A_1468 = arith.constant 1.500000e+00 : f32
    %gt3A_1469 = vector.broadcast %gt3A_1468 : f32 to vector<16xf32>
    %gt3A_1470 = arith.cmpf ogt, %get3A_1467, %gt3A_1469 : vector<16xf32>
    %get3A_1471 = arith.constant 80 : index
    %get3A_1472 = tpu.vector_load %arg8[%get3A_1471] {strides = array<i32>} : memref<640xf32, #tpu.memory_space<vmem>>, vector<16xf32>,
    %get3A_1473 = arith.constant 80 : index
    %get3A_1474 = tpu.vector_load %arg10[%get3A_1473] {strides = array<i32>} : memref<640xf32, #tpu.memory_space<vmem>>, vector<16xf32>,
    %select_n3A_1475 = arith.select %gt3A_1470, %get3A_1472, %get3A_1474 : vector<16xi1>, vector<16xf32>
    %swap3A_1476 = arith.constant 80 : index
    %swap3A_1477 = tpu.vector_load %arg11[%swap3A_1476] {strides = array<i32>} : memref<640xf32, #tpu.memory_space<vmem>>, vector<16xf32>,
    tpu.vector_store %arg11[%swap3A_1476], %select_n3A_1475 {strides = array<i32>} : memref<640xf32, #tpu.memory_space<vmem>>, vector<16xf32>,
    %get3A_1478 = arith.constant 96 : index
    %get3A_1479 = tpu.vector_load %arg9[%get3A_1478] {strides = array<i32>} : memref<640xf32, #tpu.memory_space<vmem>>, vector<16xf32>,
    %gt3A_1480 = arith.constant 1.500000e+00 : f32
    %gt3A_1481 = vector.broadcast %gt3A_1480 : f32 to vector<16xf32>
    %gt3A_1482 = arith.cmpf ogt, %get3A_1479, %gt3A_1481 : vector<16xf32>
    %get3A_1483 = arith.constant 96 : index
    %get3A_1484 = tpu.vector_load %arg8[%get3A_1483] {strides = array<i32>} : memref<640xf32, #tpu.memory_space<vmem>>, vector<16xf32>,
    %get3A_1485 = arith.constant 96 : index
    %get3A_1486 = tpu.vector_load %arg10[%get3A_1485] {strides = array<i32>} : memref<640xf32, #tpu.memory_space<vmem>>, vector<16xf32>,
    %select_n3A_1487 = arith.select %gt3A_1482, %get3A_1484, %get3A_1486 : vector<16xi1>, vector<16xf32>
    %swap3A_1488 = arith.constant 96 : index
    %swap3A_1489 = tpu.vector_load %arg11[%swap3A_1488] {strides = array<i32>} : memref<640xf32, #tpu.memory_space<vmem>>, vector<16xf32>,
    tpu.vector_store %arg11[%swap3A_1488], %select_n3A_1487 {strides = array<i32>} : memref<640xf32, #tpu.memory_space<vmem>>, vector<16xf32>,
    %get3A_1490 = arith.constant 112 : index
    %get3A_1491 = tpu.vector_load %arg9[%get3A_1490] {strides = array<i32>} : memref<640xf32, #tpu.memory_space<vmem>>, vector<16xf32>,
    %gt3A_1492 = arith.constant 1.500000e+00 : f32
    %gt3A_1493 = vector.broadcast %gt3A_1492 : f32 to vector<16xf32>
    %gt3A_1494 = arith.cmpf ogt, %get3A_1491, %gt3A_1493 : vector<16xf32>
    %get3A_1495 = arith.constant 112 : index
    %get3A_1496 = tpu.vector_load %arg8[%get3A_1495] {strides = array<i32>} : memref<640xf32, #tpu.memory_space<vmem>>, vector<16xf32>,
    %get3A_1497 = arith.constant 112 : index
    %get3A_1498 = tpu.vector_load %arg10[%get3A_1497] {strides = array<i32>} : memref<640xf32, #tpu.memory_space<vmem>>, vector<16xf32>,
    %select_n3A_1499 = arith.select %gt3A_1494, %get3A_1496, %get3A_1498 : vector<16xi1>, vector<16xf32>
    %swap3A_1500 = arith.constant 112 : index
    %swap3A_1501 = tpu.vector_load %arg11[%swap3A_1500] {strides = array<i32>} : memref<640xf32, #tpu.memory_space<vmem>>, vector<16xf32>,
    tpu.vector_store %arg11[%swap3A_1500], %select_n3A_1499 {strides = array<i32>} : memref<640xf32, #tpu.memory_space<vmem>>, vector<16xf32>,
    %get3A_1502 = arith.constant 128 : index
    %get3A_1503 = tpu.vector_load %arg9[%get3A_1502] {strides = array<i32>} : memref<640xf32, #tpu.memory_space<vmem>>, vector<16xf32>,
    %gt3A_1504 = arith.constant 1.500000e+00 : f32
    %gt3A_1505 = vector.broadcast %gt3A_1504 : f32 to vector<16xf32>
    %gt3A_1506 = arith.cmpf ogt, %get3A_1503, %gt3A_1505 : vector<16xf32>
    %get3A_1507 = arith.constant 128 : index
    %get3A_1508 = tpu.vector_load %arg8[%get3A_1507] {strides = array<i32>} : memref<640xf32, #tpu.memory_space<vmem>>, vector<16xf32>,
    %get3A_1509 = arith.constant 128 : index
    %get3A_1510 = tpu.vector_load %arg10[%get3A_1509] {strides = array<i32>} : memref<640xf32, #tpu.memory_space<vmem>>, vector<16xf32>,
    %select_n3A_1511 = arith.select %gt3A_1506, %get3A_1508, %get3A_1510 : vector<16xi1>, vector<16xf32>
    %swap3A_1512 = arith.constant 128 : index
    %swap3A_1513 = tpu.vector_load %arg11[%swap3A_1512] {strides = array<i32>} : memref<640xf32, #tpu.memory_space<vmem>>, vector<16xf32>,
    tpu.vector_store %arg11[%swap3A_1512], %select_n3A_1511 {strides = array<i32>} : memref<640xf32, #tpu.memory_space<vmem>>, vector<16xf32>,
    %get3A_1514 = arith.constant 144 : index
    %get3A_1515 = tpu.vector_load %arg9[%get3A_1514] {strides = array<i32>} : memref<640xf32, #tpu.memory_space<vmem>>, vector<16xf32>,
    %gt3A_1516 = arith.constant 1.500000e+00 : f32
    %gt3A_1517 = vector.broadcast %gt3A_1516 : f32 to vector<16xf32>
    %gt3A_1518 = arith.cmpf ogt, %get3A_1515, %gt3A_1517 : vector<16xf32>
    %get3A_1519 = arith.constant 144 : index
    %get3A_1520 = tpu.vector_load %arg8[%get3A_1519] {strides = array<i32>} : memref<640xf32, #tpu.memory_space<vmem>>, vector<16xf32>,
    %get3A_1521 = arith.constant 144 : index
    %get3A_1522 = tpu.vector_load %arg10[%get3A_1521] {strides = array<i32>} : memref<640xf32, #tpu.memory_space<vmem>>, vector<16xf32>,
    %select_n3A_1523 = arith.select %gt3A_1518, %get3A_1520, %get3A_1522 : vector<16xi1>, vector<16xf32>
    %swap3A_1524 = arith.constant 144 : index
    %swap3A_1525 = tpu.vector_load %arg11[%swap3A_1524] {strides = array<i32>} : memref<640xf32, #tpu.memory_space<vmem>>, vector<16xf32>,
    tpu.vector_store %arg11[%swap3A_1524], %select_n3A_1523 {strides = array<i32>} : memref<640xf32, #tpu.memory_space<vmem>>, vector<16xf32>,
    %get3A_1526 = arith.constant 160 : index
    %get3A_1527 = tpu.vector_load %arg9[%get3A_1526] {strides = array<i32>} : memref<640xf32, #tpu.memory_space<vmem>>, vector<16xf32>,
    %gt3A_1528 = arith.constant 1.500000e+00 : f32
    %gt3A_1529 = vector.broadcast %gt3A_1528 : f32 to vector<16xf32>
    %gt3A_1530 = arith.cmpf ogt, %get3A_1527, %gt3A_1529 : vector<16xf32>
    %get3A_1531 = arith.constant 160 : index
    %get3A_1532 = tpu.vector_load %arg8[%get3A_1531] {strides = array<i32>} : memref<640xf32, #tpu.memory_space<vmem>>, vector<16xf32>,
    %get3A_1533 = arith.constant 160 : index
    %get3A_1534 = tpu.vector_load %arg10[%get3A_1533] {strides = array<i32>} : memref<640xf32, #tpu.memory_space<vmem>>, vector<16xf32>,
    %select_n3A_1535 = arith.select %gt3A_1530, %get3A_1532, %get3A_1534 : vector<16xi1>, vector<16xf32>
    %swap3A_1536 = arith.constant 160 : index
    %swap3A_1537 = tpu.vector_load %arg11[%swap3A_1536] {strides = array<i32>} : memref<640xf32, #tpu.memory_space<vmem>>, vector<16xf32>,
    tpu.vector_store %arg11[%swap3A_1536], %select_n3A_1535 {strides = array<i32>} : memref<640xf32, #tpu.memory_space<vmem>>, vector<16xf32>,
    %get3A_1538 = arith.constant 176 : index
    %get3A_1539 = tpu.vector_load %arg9[%get3A_1538] {strides = array<i32>} : memref<640xf32, #tpu.memory_space<vmem>>, vector<16xf32>,
    %gt3A_1540 = arith.constant 1.500000e+00 : f32
    %gt3A_1541 = vector.broadcast %gt3A_1540 : f32 to vector<16xf32>
    %gt3A_1542 = arith.cmpf ogt, %get3A_1539, %gt3A_1541 : vector<16xf32>
    %get3A_1543 = arith.constant 176 : index
    %get3A_1544 = tpu.vector_load %arg8[%get3A_1543] {strides = array<i32>} : memref<640xf32, #tpu.memory_space<vmem>>, vector<16xf32>,
    %get3A_1545 = arith.constant 176 : index
    %get3A_1546 = tpu.vector_load %arg10[%get3A_1545] {strides = array<i32>} : memref<640xf32, #tpu.memory_space<vmem>>, vector<16xf32>,
    %select_n3A_1547 = arith.select %gt3A_1542, %get3A_1544, %get3A_1546 : vector<16xi1>, vector<16xf32>
    %swap3A_1548 = arith.constant 176 : index
    %swap3A_1549 = tpu.vector_load %arg11[%swap3A_1548] {strides = array<i32>} : memref<640xf32, #tpu.memory_space<vmem>>, vector<16xf32>,
    tpu.vector_store %arg11[%swap3A_1548], %select_n3A_1547 {strides = array<i32>} : memref<640xf32, #tpu.memory_space<vmem>>, vector<16xf32>,
    %get3A_1550 = arith.constant 192 : index
    %get3A_1551 = tpu.vector_load %arg9[%get3A_1550] {strides = array<i32>} : memref<640xf32, #tpu.memory_space<vmem>>, vector<16xf32>,
    %gt3A_1552 = arith.constant 1.500000e+00 : f32
    %gt3A_1553 = vector.broadcast %gt3A_1552 : f32 to vector<16xf32>
    %gt3A_1554 = arith.cmpf ogt, %get3A_1551, %gt3A_1553 : vector<16xf32>
    %get3A_1555 = arith.constant 192 : index
    %get3A_1556 = tpu.vector_load %arg8[%get3A_1555] {strides = array<i32>} : memref<640xf32, #tpu.memory_space<vmem>>, vector<16xf32>,
    %get3A_1557 = arith.constant 192 : index
    %get3A_1558 = tpu.vector_load %arg10[%get3A_1557] {strides = array<i32>} : memref<640xf32, #tpu.memory_space<vmem>>, vector<16xf32>,
    %select_n3A_1559 = arith.select %gt3A_1554, %get3A_1556, %get3A_1558 : vector<16xi1>, vector<16xf32>
    %swap3A_1560 = arith.constant 192 : index
    %swap3A_1561 = tpu.vector_load %arg11[%swap3A_1560] {strides = array<i32>} : memref<640xf32, #tpu.memory_space<vmem>>, vector<16xf32>,
    tpu.vector_store %arg11[%swap3A_1560], %select_n3A_1559 {strides = array<i32>} : memref<640xf32, #tpu.memory_space<vmem>>, vector<16xf32>,
    %get3A_1562 = arith.constant 208 : index
    %get3A_1563 = tpu.vector_load %arg9[%get3A_1562] {strides = array<i32>} : memref<640xf32, #tpu.memory_space<vmem>>, vector<16xf32>,
    %gt3A_1564 = arith.constant 1.500000e+00 : f32
    %gt3A_1565 = vector.broadcast %gt3A_1564 : f32 to vector<16xf32>
    %gt3A_1566 = arith.cmpf ogt, %get3A_1563, %gt3A_1565 : vector<16xf32>
    %get3A_1567 = arith.constant 208 : index
    %get3A_1568 = tpu.vector_load %arg8[%get3A_1567] {strides = array<i32>} : memref<640xf32, #tpu.memory_space<vmem>>, vector<16xf32>,
    %get3A_1569 = arith.constant 208 : index
    %get3A_1570 = tpu.vector_load %arg10[%get3A_1569] {strides = array<i32>} : memref<640xf32, #tpu.memory_space<vmem>>, vector<16xf32>,
    %select_n3A_1571 = arith.select %gt3A_1566, %get3A_1568, %get3A_1570 : vector<16xi1>, vector<16xf32>
    %swap3A_1572 = arith.constant 208 : index
    %swap3A_1573 = tpu.vector_load %arg11[%swap3A_1572] {strides = array<i32>} : memref<640xf32, #tpu.memory_space<vmem>>, vector<16xf32>,
    tpu.vector_store %arg11[%swap3A_1572], %select_n3A_1571 {strides = array<i32>} : memref<640xf32, #tpu.memory_space<vmem>>, vector<16xf32>,
    %get3A_1574 = arith.constant 224 : index
    %get3A_1575 = tpu.vector_load %arg9[%get3A_1574] {strides = array<i32>} : memref<640xf32, #tpu.memory_space<vmem>>, vector<16xf32>,
    %gt3A_1576 = arith.constant 1.500000e+00 : f32
    %gt3A_1577 = vector.broadcast %gt3A_1576 : f32 to vector<16xf32>
    %gt3A_1578 = arith.cmpf ogt, %get3A_1575, %gt3A_1577 : vector<16xf32>
    %get3A_1579 = arith.constant 224 : index
    %get3A_1580 = tpu.vector_load %arg8[%get3A_1579] {strides = array<i32>} : memref<640xf32, #tpu.memory_space<vmem>>, vector<16xf32>,
    %get3A_1581 = arith.constant 224 : index
    %get3A_1582 = tpu.vector_load %arg10[%get3A_1581] {strides = array<i32>} : memref<640xf32, #tpu.memory_space<vmem>>, vector<16xf32>,
    %select_n3A_1583 = arith.select %gt3A_1578, %get3A_1580, %get3A_1582 : vector<16xi1>, vector<16xf32>
    %swap3A_1584 = arith.constant 224 : index
    %swap3A_1585 = tpu.vector_load %arg11[%swap3A_1584] {strides = array<i32>} : memref<640xf32, #tpu.memory_space<vmem>>, vector<16xf32>,
    tpu.vector_store %arg11[%swap3A_1584], %select_n3A_1583 {strides = array<i32>} : memref<640xf32, #tpu.memory_space<vmem>>, vector<16xf32>,
    %get3A_1586 = arith.constant 240 : index
    %get3A_1587 = tpu.vector_load %arg9[%get3A_1586] {strides = array<i32>} : memref<640xf32, #tpu.memory_space<vmem>>, vector<16xf32>,
    %gt3A_1588 = arith.constant 1.500000e+00 : f32
    %gt3A_1589 = vector.broadcast %gt3A_1588 : f32 to vector<16xf32>
    %gt3A_1590 = arith.cmpf ogt, %get3A_1587, %gt3A_1589 : vector<16xf32>
    %get3A_1591 = arith.constant 240 : index
    %get3A_1592 = tpu.vector_load %arg8[%get3A_1591] {strides = array<i32>} : memref<640xf32, #tpu.memory_space<vmem>>, vector<16xf32>,
    %get3A_1593 = arith.constant 240 : index
    %get3A_1594 = tpu.vector_load %arg10[%get3A_1593] {strides = array<i32>} : memref<640xf32, #tpu.memory_space<vmem>>, vector<16xf32>,
    %select_n3A_1595 = arith.select %gt3A_1590, %get3A_1592, %get3A_1594 : vector<16xi1>, vector<16xf32>
    %swap3A_1596 = arith.constant 240 : index
    %swap3A_1597 = tpu.vector_load %arg11[%swap3A_1596] {strides = array<i32>} : memref<640xf32, #tpu.memory_space<vmem>>, vector<16xf32>,
    tpu.vector_store %arg11[%swap3A_1596], %select_n3A_1595 {strides = array<i32>} : memref<640xf32, #tpu.memory_space<vmem>>, vector<16xf32>,
    %get3A_1598 = arith.constant 256 : index
    %get3A_1599 = tpu.vector_load %arg9[%get3A_1598] {strides = array<i32>} : memref<640xf32, #tpu.memory_space<vmem>>, vector<16xf32>,
    %gt3A_1600 = arith.constant 1.500000e+00 : f32
    %gt3A_1601 = vector.broadcast %gt3A_1600 : f32 to vector<16xf32>
    %gt3A_1602 = arith.cmpf ogt, %get3A_1599, %gt3A_1601 : vector<16xf32>
    %get3A_1603 = arith.constant 256 : index
    %get3A_1604 = tpu.vector_load %arg8[%get3A_1603] {strides = array<i32>} : memref<640xf32, #tpu.memory_space<vmem>>, vector<16xf32>,
    %get3A_1605 = arith.constant 256 : index
    %get3A_1606 = tpu.vector_load %arg10[%get3A_1605] {strides = array<i32>} : memref<640xf32, #tpu.memory_space<vmem>>, vector<16xf32>,
    %select_n3A_1607 = arith.select %gt3A_1602, %get3A_1604, %get3A_1606 : vector<16xi1>, vector<16xf32>
    %swap3A_1608 = arith.constant 256 : index
    %swap3A_1609 = tpu.vector_load %arg11[%swap3A_1608] {strides = array<i32>} : memref<640xf32, #tpu.memory_space<vmem>>, vector<16xf32>,
    tpu.vector_store %arg11[%swap3A_1608], %select_n3A_1607 {strides = array<i32>} : memref<640xf32, #tpu.memory_space<vmem>>, vector<16xf32>,
    %get3A_1610 = arith.constant 272 : index
    %get3A_1611 = tpu.vector_load %arg9[%get3A_1610] {strides = array<i32>} : memref<640xf32, #tpu.memory_space<vmem>>, vector<16xf32>,
    %gt3A_1612 = arith.constant 1.500000e+00 : f32
    %gt3A_1613 = vector.broadcast %gt3A_1612 : f32 to vector<16xf32>
    %gt3A_1614 = arith.cmpf ogt, %get3A_1611, %gt3A_1613 : vector<16xf32>
    %get3A_1615 = arith.constant 272 : index
    %get3A_1616 = tpu.vector_load %arg8[%get3A_1615] {strides = array<i32>} : memref<640xf32, #tpu.memory_space<vmem>>, vector<16xf32>,
    %get3A_1617 = arith.constant 272 : index
    %get3A_1618 = tpu.vector_load %arg10[%get3A_1617] {strides = array<i32>} : memref<640xf32, #tpu.memory_space<vmem>>, vector<16xf32>,
    %select_n3A_1619 = arith.select %gt3A_1614, %get3A_1616, %get3A_1618 : vector<16xi1>, vector<16xf32>
    %swap3A_1620 = arith.constant 272 : index
    %swap3A_1621 = tpu.vector_load %arg11[%swap3A_1620] {strides = array<i32>} : memref<640xf32, #tpu.memory_space<vmem>>, vector<16xf32>,
    tpu.vector_store %arg11[%swap3A_1620], %select_n3A_1619 {strides = array<i32>} : memref<640xf32, #tpu.memory_space<vmem>>, vector<16xf32>,
    %get3A_1622 = arith.constant 288 : index
    %get3A_1623 = tpu.vector_load %arg9[%get3A_1622] {strides = array<i32>} : memref<640xf32, #tpu.memory_space<vmem>>, vector<16xf32>,
    %gt3A_1624 = arith.constant 1.500000e+00 : f32
    %gt3A_1625 = vector.broadcast %gt3A_1624 : f32 to vector<16xf32>
    %gt3A_1626 = arith.cmpf ogt, %get3A_1623, %gt3A_1625 : vector<16xf32>
    %get3A_1627 = arith.constant 288 : index
    %get3A_1628 = tpu.vector_load %arg8[%get3A_1627] {strides = array<i32>} : memref<640xf32, #tpu.memory_space<vmem>>, vector<16xf32>,
    %get3A_1629 = arith.constant 288 : index
    %get3A_1630 = tpu.vector_load %arg10[%get3A_1629] {strides = array<i32>} : memref<640xf32, #tpu.memory_space<vmem>>, vector<16xf32>,
    %select_n3A_1631 = arith.select %gt3A_1626, %get3A_1628, %get3A_1630 : vector<16xi1>, vector<16xf32>
    %swap3A_1632 = arith.constant 288 : index
    %swap3A_1633 = tpu.vector_load %arg11[%swap3A_1632] {strides = array<i32>} : memref<640xf32, #tpu.memory_space<vmem>>, vector<16xf32>,
    tpu.vector_store %arg11[%swap3A_1632], %select_n3A_1631 {strides = array<i32>} : memref<640xf32, #tpu.memory_space<vmem>>, vector<16xf32>,
    %get3A_1634 = arith.constant 304 : index
    %get3A_1635 = tpu.vector_load %arg9[%get3A_1634] {strides = array<i32>} : memref<640xf32, #tpu.memory_space<vmem>>, vector<16xf32>,
    %gt3A_1636 = arith.constant 1.500000e+00 : f32
    %gt3A_1637 = vector.broadcast %gt3A_1636 : f32 to vector<16xf32>
    %gt3A_1638 = arith.cmpf ogt, %get3A_1635, %gt3A_1637 : vector<16xf32>
    %get3A_1639 = arith.constant 304 : index
    %get3A_1640 = tpu.vector_load %arg8[%get3A_1639] {strides = array<i32>} : memref<640xf32, #tpu.memory_space<vmem>>, vector<16xf32>,
    %get3A_1641 = arith.constant 304 : index
    %get3A_1642 = tpu.vector_load %arg10[%get3A_1641] {strides = array<i32>} : memref<640xf32, #tpu.memory_space<vmem>>, vector<16xf32>,
    %select_n3A_1643 = arith.select %gt3A_1638, %get3A_1640, %get3A_1642 : vector<16xi1>, vector<16xf32>
    %swap3A_1644 = arith.constant 304 : index
    %swap3A_1645 = tpu.vector_load %arg11[%swap3A_1644] {strides = array<i32>} : memref<640xf32, #tpu.memory_space<vmem>>, vector<16xf32>,
    tpu.vector_store %arg11[%swap3A_1644], %select_n3A_1643 {strides = array<i32>} : memref<640xf32, #tpu.memory_space<vmem>>, vector<16xf32>,
    %get3A_1646 = arith.constant 320 : index
    %get3A_1647 = tpu.vector_load %arg9[%get3A_1646] {strides = array<i32>} : memref<640xf32, #tpu.memory_space<vmem>>, vector<16xf32>,
    %gt3A_1648 = arith.constant 1.500000e+00 : f32
    %gt3A_1649 = vector.broadcast %gt3A_1648 : f32 to vector<16xf32>
    %gt3A_1650 = arith.cmpf ogt, %get3A_1647, %gt3A_1649 : vector<16xf32>
    %get3A_1651 = arith.constant 320 : index
    %get3A_1652 = tpu.vector_load %arg8[%get3A_1651] {strides = array<i32>} : memref<640xf32, #tpu.memory_space<vmem>>, vector<16xf32>,
    %get3A_1653 = arith.constant 320 : index
    %get3A_1654 = tpu.vector_load %arg10[%get3A_1653] {strides = array<i32>} : memref<640xf32, #tpu.memory_space<vmem>>, vector<16xf32>,
    %select_n3A_1655 = arith.select %gt3A_1650, %get3A_1652, %get3A_1654 : vector<16xi1>, vector<16xf32>
    %swap3A_1656 = arith.constant 320 : index
    %swap3A_1657 = tpu.vector_load %arg11[%swap3A_1656] {strides = array<i32>} : memref<640xf32, #tpu.memory_space<vmem>>, vector<16xf32>,
    tpu.vector_store %arg11[%swap3A_1656], %select_n3A_1655 {strides = array<i32>} : memref<640xf32, #tpu.memory_space<vmem>>, vector<16xf32>,
    %get3A_1658 = arith.constant 336 : index
    %get3A_1659 = tpu.vector_load %arg9[%get3A_1658] {strides = array<i32>} : memref<640xf32, #tpu.memory_space<vmem>>, vector<16xf32>,
    %gt3A_1660 = arith.constant 1.500000e+00 : f32
    %gt3A_1661 = vector.broadcast %gt3A_1660 : f32 to vector<16xf32>
    %gt3A_1662 = arith.cmpf ogt, %get3A_1659, %gt3A_1661 : vector<16xf32>
    %get3A_1663 = arith.constant 336 : index
    %get3A_1664 = tpu.vector_load %arg8[%get3A_1663] {strides = array<i32>} : memref<640xf32, #tpu.memory_space<vmem>>, vector<16xf32>,
    %get3A_1665 = arith.constant 336 : index
    %get3A_1666 = tpu.vector_load %arg10[%get3A_1665] {strides = array<i32>} : memref<640xf32, #tpu.memory_space<vmem>>, vector<16xf32>,
    %select_n3A_1667 = arith.select %gt3A_1662, %get3A_1664, %get3A_1666 : vector<16xi1>, vector<16xf32>
    %swap3A_1668 = arith.constant 336 : index
    %swap3A_1669 = tpu.vector_load %arg11[%swap3A_1668] {strides = array<i32>} : memref<640xf32, #tpu.memory_space<vmem>>, vector<16xf32>,
    tpu.vector_store %arg11[%swap3A_1668], %select_n3A_1667 {strides = array<i32>} : memref<640xf32, #tpu.memory_space<vmem>>, vector<16xf32>,
    %get3A_1670 = arith.constant 352 : index
    %get3A_1671 = tpu.vector_load %arg9[%get3A_1670] {strides = array<i32>} : memref<640xf32, #tpu.memory_space<vmem>>, vector<16xf32>,
    %gt3A_1672 = arith.constant 1.500000e+00 : f32
    %gt3A_1673 = vector.broadcast %gt3A_1672 : f32 to vector<16xf32>
    %gt3A_1674 = arith.cmpf ogt, %get3A_1671, %gt3A_1673 : vector<16xf32>
    %get3A_1675 = arith.constant 352 : index
    %get3A_1676 = tpu.vector_load %arg8[%get3A_1675] {strides = array<i32>} : memref<640xf32, #tpu.memory_space<vmem>>, vector<16xf32>,
    %get3A_1677 = arith.constant 352 : index
    %get3A_1678 = tpu.vector_load %arg10[%get3A_1677] {strides = array<i32>} : memref<640xf32, #tpu.memory_space<vmem>>, vector<16xf32>,
    %select_n3A_1679 = arith.select %gt3A_1674, %get3A_1676, %get3A_1678 : vector<16xi1>, vector<16xf32>
    %swap3A_1680 = arith.constant 352 : index
    %swap3A_1681 = tpu.vector_load %arg11[%swap3A_1680] {strides = array<i32>} : memref<640xf32, #tpu.memory_space<vmem>>, vector<16xf32>,
    tpu.vector_store %arg11[%swap3A_1680], %select_n3A_1679 {strides = array<i32>} : memref<640xf32, #tpu.memory_space<vmem>>, vector<16xf32>,
    %get3A_1682 = arith.constant 368 : index
    %get3A_1683 = tpu.vector_load %arg9[%get3A_1682] {strides = array<i32>} : memref<640xf32, #tpu.memory_space<vmem>>, vector<16xf32>,
    %gt3A_1684 = arith.constant 1.500000e+00 : f32
    %gt3A_1685 = vector.broadcast %gt3A_1684 : f32 to vector<16xf32>
    %gt3A_1686 = arith.cmpf ogt, %get3A_1683, %gt3A_1685 : vector<16xf32>
    %get3A_1687 = arith.constant 368 : index
    %get3A_1688 = tpu.vector_load %arg8[%get3A_1687] {strides = array<i32>} : memref<640xf32, #tpu.memory_space<vmem>>, vector<16xf32>,
    %get3A_1689 = arith.constant 368 : index
    %get3A_1690 = tpu.vector_load %arg10[%get3A_1689] {strides = array<i32>} : memref<640xf32, #tpu.memory_space<vmem>>, vector<16xf32>,
    %select_n3A_1691 = arith.select %gt3A_1686, %get3A_1688, %get3A_1690 : vector<16xi1>, vector<16xf32>
    %swap3A_1692 = arith.constant 368 : index
    %swap3A_1693 = tpu.vector_load %arg11[%swap3A_1692] {strides = array<i32>} : memref<640xf32, #tpu.memory_space<vmem>>, vector<16xf32>,
    tpu.vector_store %arg11[%swap3A_1692], %select_n3A_1691 {strides = array<i32>} : memref<640xf32, #tpu.memory_space<vmem>>, vector<16xf32>,
    %get3A_1694 = arith.constant 384 : index
    %get3A_1695 = tpu.vector_load %arg9[%get3A_1694] {strides = array<i32>} : memref<640xf32, #tpu.memory_space<vmem>>, vector<16xf32>,
    %gt3A_1696 = arith.constant 1.500000e+00 : f32
    %gt3A_1697 = vector.broadcast %gt3A_1696 : f32 to vector<16xf32>
    %gt3A_1698 = arith.cmpf ogt, %get3A_1695, %gt3A_1697 : vector<16xf32>
    %get3A_1699 = arith.constant 384 : index
    %get3A_1700 = tpu.vector_load %arg8[%get3A_1699] {strides = array<i32>} : memref<640xf32, #tpu.memory_space<vmem>>, vector<16xf32>,
    %get3A_1701 = arith.constant 384 : index
    %get3A_1702 = tpu.vector_load %arg10[%get3A_1701] {strides = array<i32>} : memref<640xf32, #tpu.memory_space<vmem>>, vector<16xf32>,
    %select_n3A_1703 = arith.select %gt3A_1698, %get3A_1700, %get3A_1702 : vector<16xi1>, vector<16xf32>
    %swap3A_1704 = arith.constant 384 : index
    %swap3A_1705 = tpu.vector_load %arg11[%swap3A_1704] {strides = array<i32>} : memref<640xf32, #tpu.memory_space<vmem>>, vector<16xf32>,
    tpu.vector_store %arg11[%swap3A_1704], %select_n3A_1703 {strides = array<i32>} : memref<640xf32, #tpu.memory_space<vmem>>, vector<16xf32>,
    %get3A_1706 = arith.constant 400 : index
    %get3A_1707 = tpu.vector_load %arg9[%get3A_1706] {strides = array<i32>} : memref<640xf32, #tpu.memory_space<vmem>>, vector<16xf32>,
    %gt3A_1708 = arith.constant 1.500000e+00 : f32
    %gt3A_1709 = vector.broadcast %gt3A_1708 : f32 to vector<16xf32>
    %gt3A_1710 = arith.cmpf ogt, %get3A_1707, %gt3A_1709 : vector<16xf32>
    %get3A_1711 = arith.constant 400 : index
    %get3A_1712 = tpu.vector_load %arg8[%get3A_1711] {strides = array<i32>} : memref<640xf32, #tpu.memory_space<vmem>>, vector<16xf32>,
    %get3A_1713 = arith.constant 400 : index
    %get3A_1714 = tpu.vector_load %arg10[%get3A_1713] {strides = array<i32>} : memref<640xf32, #tpu.memory_space<vmem>>, vector<16xf32>,
    %select_n3A_1715 = arith.select %gt3A_1710, %get3A_1712, %get3A_1714 : vector<16xi1>, vector<16xf32>
    %swap3A_1716 = arith.constant 400 : index
    %swap3A_1717 = tpu.vector_load %arg11[%swap3A_1716] {strides = array<i32>} : memref<640xf32, #tpu.memory_space<vmem>>, vector<16xf32>,
    tpu.vector_store %arg11[%swap3A_1716], %select_n3A_1715 {strides = array<i32>} : memref<640xf32, #tpu.memory_space<vmem>>, vector<16xf32>,
    %get3A_1718 = arith.constant 416 : index
    %get3A_1719 = tpu.vector_load %arg9[%get3A_1718] {strides = array<i32>} : memref<640xf32, #tpu.memory_space<vmem>>, vector<16xf32>,
    %gt3A_1720 = arith.constant 1.500000e+00 : f32
    %gt3A_1721 = vector.broadcast %gt3A_1720 : f32 to vector<16xf32>
    %gt3A_1722 = arith.cmpf ogt, %get3A_1719, %gt3A_1721 : vector<16xf32>
    %get3A_1723 = arith.constant 416 : index
    %get3A_1724 = tpu.vector_load %arg8[%get3A_1723] {strides = array<i32>} : memref<640xf32, #tpu.memory_space<vmem>>, vector<16xf32>,
    %get3A_1725 = arith.constant 416 : index
    %get3A_1726 = tpu.vector_load %arg10[%get3A_1725] {strides = array<i32>} : memref<640xf32, #tpu.memory_space<vmem>>, vector<16xf32>,
    %select_n3A_1727 = arith.select %gt3A_1722, %get3A_1724, %get3A_1726 : vector<16xi1>, vector<16xf32>
    %swap3A_1728 = arith.constant 416 : index
    %swap3A_1729 = tpu.vector_load %arg11[%swap3A_1728] {strides = array<i32>} : memref<640xf32, #tpu.memory_space<vmem>>, vector<16xf32>,
    tpu.vector_store %arg11[%swap3A_1728], %select_n3A_1727 {strides = array<i32>} : memref<640xf32, #tpu.memory_space<vmem>>, vector<16xf32>,
    %get3A_1730 = arith.constant 432 : index
    %get3A_1731 = tpu.vector_load %arg9[%get3A_1730] {strides = array<i32>} : memref<640xf32, #tpu.memory_space<vmem>>, vector<16xf32>,
    %gt3A_1732 = arith.constant 1.500000e+00 : f32
    %gt3A_1733 = vector.broadcast %gt3A_1732 : f32 to vector<16xf32>
    %gt3A_1734 = arith.cmpf ogt, %get3A_1731, %gt3A_1733 : vector<16xf32>
    %get3A_1735 = arith.constant 432 : index
    %get3A_1736 = tpu.vector_load %arg8[%get3A_1735] {strides = array<i32>} : memref<640xf32, #tpu.memory_space<vmem>>, vector<16xf32>,
    %get3A_1737 = arith.constant 432 : index
    %get3A_1738 = tpu.vector_load %arg10[%get3A_1737] {strides = array<i32>} : memref<640xf32, #tpu.memory_space<vmem>>, vector<16xf32>,
    %select_n3A_1739 = arith.select %gt3A_1734, %get3A_1736, %get3A_1738 : vector<16xi1>, vector<16xf32>
    %swap3A_1740 = arith.constant 432 : index
    %swap3A_1741 = tpu.vector_load %arg11[%swap3A_1740] {strides = array<i32>} : memref<640xf32, #tpu.memory_space<vmem>>, vector<16xf32>,
    tpu.vector_store %arg11[%swap3A_1740], %select_n3A_1739 {strides = array<i32>} : memref<640xf32, #tpu.memory_space<vmem>>, vector<16xf32>,
    %get3A_1742 = arith.constant 448 : index
    %get3A_1743 = tpu.vector_load %arg9[%get3A_1742] {strides = array<i32>} : memref<640xf32, #tpu.memory_space<vmem>>, vector<16xf32>,
    %gt3A_1744 = arith.constant 1.500000e+00 : f32
    %gt3A_1745 = vector.broadcast %gt3A_1744 : f32 to vector<16xf32>
    %gt3A_1746 = arith.cmpf ogt, %get3A_1743, %gt3A_1745 : vector<16xf32>
    %get3A_1747 = arith.constant 448 : index
    %get3A_1748 = tpu.vector_load %arg8[%get3A_1747] {strides = array<i32>} : memref<640xf32, #tpu.memory_space<vmem>>, vector<16xf32>,
    %get3A_1749 = arith.constant 448 : index
    %get3A_1750 = tpu.vector_load %arg10[%get3A_1749] {strides = array<i32>} : memref<640xf32, #tpu.memory_space<vmem>>, vector<16xf32>,
    %select_n3A_1751 = arith.select %gt3A_1746, %get3A_1748, %get3A_1750 : vector<16xi1>, vector<16xf32>
    %swap3A_1752 = arith.constant 448 : index
    %swap3A_1753 = tpu.vector_load %arg11[%swap3A_1752] {strides = array<i32>} : memref<640xf32, #tpu.memory_space<vmem>>, vector<16xf32>,
    tpu.vector_store %arg11[%swap3A_1752], %select_n3A_1751 {strides = array<i32>} : memref<640xf32, #tpu.memory_space<vmem>>, vector<16xf32>,
    %get3A_1754 = arith.constant 464 : index
    %get3A_1755 = tpu.vector_load %arg9[%get3A_1754] {strides = array<i32>} : memref<640xf32, #tpu.memory_space<vmem>>, vector<16xf32>,
    %gt3A_1756 = arith.constant 1.500000e+00 : f32
    %gt3A_1757 = vector.broadcast %gt3A_1756 : f32 to vector<16xf32>
    %gt3A_1758 = arith.cmpf ogt, %get3A_1755, %gt3A_1757 : vector<16xf32>
    %get3A_1759 = arith.constant 464 : index
    %get3A_1760 = tpu.vector_load %arg8[%get3A_1759] {strides = array<i32>} : memref<640xf32, #tpu.memory_space<vmem>>, vector<16xf32>,
    %get3A_1761 = arith.constant 464 : index
    %get3A_1762 = tpu.vector_load %arg10[%get3A_1761] {strides = array<i32>} : memref<640xf32, #tpu.memory_space<vmem>>, vector<16xf32>,
    %select_n3A_1763 = arith.select %gt3A_1758, %get3A_1760, %get3A_1762 : vector<16xi1>, vector<16xf32>
    %swap3A_1764 = arith.constant 464 : index
    %swap3A_1765 = tpu.vector_load %arg11[%swap3A_1764] {strides = array<i32>} : memref<640xf32, #tpu.memory_space<vmem>>, vector<16xf32>,
    tpu.vector_store %arg11[%swap3A_1764], %select_n3A_1763 {strides = array<i32>} : memref<640xf32, #tpu.memory_space<vmem>>, vector<16xf32>,
    %get3A_1766 = arith.constant 480 : index
    %get3A_1767 = tpu.vector_load %arg9[%get3A_1766] {strides = array<i32>} : memref<640xf32, #tpu.memory_space<vmem>>, vector<16xf32>,
    %gt3A_1768 = arith.constant 1.500000e+00 : f32
    %gt3A_1769 = vector.broadcast %gt3A_1768 : f32 to vector<16xf32>
    %gt3A_1770 = arith.cmpf ogt, %get3A_1767, %gt3A_1769 : vector<16xf32>
    %get3A_1771 = arith.constant 480 : index
    %get3A_1772 = tpu.vector_load %arg8[%get3A_1771] {strides = array<i32>} : memref<640xf32, #tpu.memory_space<vmem>>, vector<16xf32>,
    %get3A_1773 = arith.constant 480 : index
    %get3A_1774 = tpu.vector_load %arg10[%get3A_1773] {strides = array<i32>} : memref<640xf32, #tpu.memory_space<vmem>>, vector<16xf32>,
    %select_n3A_1775 = arith.select %gt3A_1770, %get3A_1772, %get3A_1774 : vector<16xi1>, vector<16xf32>
    %swap3A_1776 = arith.constant 480 : index
    %swap3A_1777 = tpu.vector_load %arg11[%swap3A_1776] {strides = array<i32>} : memref<640xf32, #tpu.memory_space<vmem>>, vector<16xf32>,
    tpu.vector_store %arg11[%swap3A_1776], %select_n3A_1775 {strides = array<i32>} : memref<640xf32, #tpu.memory_space<vmem>>, vector<16xf32>,
    %get3A_1778 = arith.constant 496 : index
    %get3A_1779 = tpu.vector_load %arg9[%get3A_1778] {strides = array<i32>} : memref<640xf32, #tpu.memory_space<vmem>>, vector<16xf32>,
    %gt3A_1780 = arith.constant 1.500000e+00 : f32
    %gt3A_1781 = vector.broadcast %gt3A_1780 : f32 to vector<16xf32>
    %gt3A_1782 = arith.cmpf ogt, %get3A_1779, %gt3A_1781 : vector<16xf32>
    %get3A_1783 = arith.constant 496 : index
    %get3A_1784 = tpu.vector_load %arg8[%get3A_1783] {strides = array<i32>} : memref<640xf32, #tpu.memory_space<vmem>>, vector<16xf32>,
    %get3A_1785 = arith.constant 496 : index
    %get3A_1786 = tpu.vector_load %arg10[%get3A_1785] {strides = array<i32>} : memref<640xf32, #tpu.memory_space<vmem>>, vector<16xf32>,
    %select_n3A_1787 = arith.select %gt3A_1782, %get3A_1784, %get3A_1786 : vector<16xi1>, vector<16xf32>
    %swap3A_1788 = arith.constant 496 : index
    %swap3A_1789 = tpu.vector_load %arg11[%swap3A_1788] {strides = array<i32>} : memref<640xf32, #tpu.memory_space<vmem>>, vector<16xf32>,
    tpu.vector_store %arg11[%swap3A_1788], %select_n3A_1787 {strides = array<i32>} : memref<640xf32, #tpu.memory_space<vmem>>, vector<16xf32>,
    %get3A_1790 = arith.constant 512 : index
    %get3A_1791 = tpu.vector_load %arg9[%get3A_1790] {strides = array<i32>} : memref<640xf32, #tpu.memory_space<vmem>>, vector<16xf32>,
    %gt3A_1792 = arith.constant 1.500000e+00 : f32
    %gt3A_1793 = vector.broadcast %gt3A_1792 : f32 to vector<16xf32>
    %gt3A_1794 = arith.cmpf ogt, %get3A_1791, %gt3A_1793 : vector<16xf32>
    %get3A_1795 = arith.constant 512 : index
    %get3A_1796 = tpu.vector_load %arg8[%get3A_1795] {strides = array<i32>} : memref<640xf32, #tpu.memory_space<vmem>>, vector<16xf32>,
    %get3A_1797 = arith.constant 512 : index
    %get3A_1798 = tpu.vector_load %arg10[%get3A_1797] {strides = array<i32>} : memref<640xf32, #tpu.memory_space<vmem>>, vector<16xf32>,
    %select_n3A_1799 = arith.select %gt3A_1794, %get3A_1796, %get3A_1798 : vector<16xi1>, vector<16xf32>
    %swap3A_1800 = arith.constant 512 : index
    %swap3A_1801 = tpu.vector_load %arg11[%swap3A_1800] {strides = array<i32>} : memref<640xf32, #tpu.memory_space<vmem>>, vector<16xf32>,
    tpu.vector_store %arg11[%swap3A_1800], %select_n3A_1799 {strides = array<i32>} : memref<640xf32, #tpu.memory_space<vmem>>, vector<16xf32>,
    %get3A_1802 = arith.constant 528 : index
    %get3A_1803 = tpu.vector_load %arg9[%get3A_1802] {strides = array<i32>} : memref<640xf32, #tpu.memory_space<vmem>>, vector<16xf32>,
    %gt3A_1804 = arith.constant 1.500000e+00 : f32
    %gt3A_1805 = vector.broadcast %gt3A_1804 : f32 to vector<16xf32>
    %gt3A_1806 = arith.cmpf ogt, %get3A_1803, %gt3A_1805 : vector<16xf32>
    %get3A_1807 = arith.constant 528 : index
    %get3A_1808 = tpu.vector_load %arg8[%get3A_1807] {strides = array<i32>} : memref<640xf32, #tpu.memory_space<vmem>>, vector<16xf32>,
    %get3A_1809 = arith.constant 528 : index
    %get3A_1810 = tpu.vector_load %arg10[%get3A_1809] {strides = array<i32>} : memref<640xf32, #tpu.memory_space<vmem>>, vector<16xf32>,
    %select_n3A_1811 = arith.select %gt3A_1806, %get3A_1808, %get3A_1810 : vector<16xi1>, vector<16xf32>
    %swap3A_1812 = arith.constant 528 : index
    %swap3A_1813 = tpu.vector_load %arg11[%swap3A_1812] {strides = array<i32>} : memref<640xf32, #tpu.memory_space<vmem>>, vector<16xf32>,
    tpu.vector_store %arg11[%swap3A_1812], %select_n3A_1811 {strides = array<i32>} : memref<640xf32, #tpu.memory_space<vmem>>, vector<16xf32>,
    %get3A_1814 = arith.constant 544 : index
    %get3A_1815 = tpu.vector_load %arg9[%get3A_1814] {strides = array<i32>} : memref<640xf32, #tpu.memory_space<vmem>>, vector<16xf32>,
    %gt3A_1816 = arith.constant 1.500000e+00 : f32
    %gt3A_1817 = vector.broadcast %gt3A_1816 : f32 to vector<16xf32>
    %gt3A_1818 = arith.cmpf ogt, %get3A_1815, %gt3A_1817 : vector<16xf32>
    %get3A_1819 = arith.constant 544 : index
    %get3A_1820 = tpu.vector_load %arg8[%get3A_1819] {strides = array<i32>} : memref<640xf32, #tpu.memory_space<vmem>>, vector<16xf32>,
    %get3A_1821 = arith.constant 544 : index
    %get3A_1822 = tpu.vector_load %arg10[%get3A_1821] {strides = array<i32>} : memref<640xf32, #tpu.memory_space<vmem>>, vector<16xf32>,
    %select_n3A_1823 = arith.select %gt3A_1818, %get3A_1820, %get3A_1822 : vector<16xi1>, vector<16xf32>
    %swap3A_1824 = arith.constant 544 : index
    %swap3A_1825 = tpu.vector_load %arg11[%swap3A_1824] {strides = array<i32>} : memref<640xf32, #tpu.memory_space<vmem>>, vector<16xf32>,
    tpu.vector_store %arg11[%swap3A_1824], %select_n3A_1823 {strides = array<i32>} : memref<640xf32, #tpu.memory_space<vmem>>, vector<16xf32>,
    %get3A_1826 = arith.constant 560 : index
    %get3A_1827 = tpu.vector_load %arg9[%get3A_1826] {strides = array<i32>} : memref<640xf32, #tpu.memory_space<vmem>>, vector<16xf32>,
    %gt3A_1828 = arith.constant 1.500000e+00 : f32
    %gt3A_1829 = vector.broadcast %gt3A_1828 : f32 to vector<16xf32>
    %gt3A_1830 = arith.cmpf ogt, %get3A_1827, %gt3A_1829 : vector<16xf32>
    %get3A_1831 = arith.constant 560 : index
    %get3A_1832 = tpu.vector_load %arg8[%get3A_1831] {strides = array<i32>} : memref<640xf32, #tpu.memory_space<vmem>>, vector<16xf32>,
    %get3A_1833 = arith.constant 560 : index
    %get3A_1834 = tpu.vector_load %arg10[%get3A_1833] {strides = array<i32>} : memref<640xf32, #tpu.memory_space<vmem>>, vector<16xf32>,
    %select_n3A_1835 = arith.select %gt3A_1830, %get3A_1832, %get3A_1834 : vector<16xi1>, vector<16xf32>
    %swap3A_1836 = arith.constant 560 : index
    %swap3A_1837 = tpu.vector_load %arg11[%swap3A_1836] {strides = array<i32>} : memref<640xf32, #tpu.memory_space<vmem>>, vector<16xf32>,
    tpu.vector_store %arg11[%swap3A_1836], %select_n3A_1835 {strides = array<i32>} : memref<640xf32, #tpu.memory_space<vmem>>, vector<16xf32>,
    %get3A_1838 = arith.constant 576 : index
    %get3A_1839 = tpu.vector_load %arg9[%get3A_1838] {strides = array<i32>} : memref<640xf32, #tpu.memory_space<vmem>>, vector<16xf32>,
    %gt3A_1840 = arith.constant 1.500000e+00 : f32
    %gt3A_1841 = vector.broadcast %gt3A_1840 : f32 to vector<16xf32>
    %gt3A_1842 = arith.cmpf ogt, %get3A_1839, %gt3A_1841 : vector<16xf32>
    %get3A_1843 = arith.constant 576 : index
    %get3A_1844 = tpu.vector_load %arg8[%get3A_1843] {strides = array<i32>} : memref<640xf32, #tpu.memory_space<vmem>>, vector<16xf32>,
    %get3A_1845 = arith.constant 576 : index
    %get3A_1846 = tpu.vector_load %arg10[%get3A_1845] {strides = array<i32>} : memref<640xf32, #tpu.memory_space<vmem>>, vector<16xf32>,
    %select_n3A_1847 = arith.select %gt3A_1842, %get3A_1844, %get3A_1846 : vector<16xi1>, vector<16xf32>
    %swap3A_1848 = arith.constant 576 : index
    %swap3A_1849 = tpu.vector_load %arg11[%swap3A_1848] {strides = array<i32>} : memref<640xf32, #tpu.memory_space<vmem>>, vector<16xf32>,
    tpu.vector_store %arg11[%swap3A_1848], %select_n3A_1847 {strides = array<i32>} : memref<640xf32, #tpu.memory_space<vmem>>, vector<16xf32>,
    %get3A_1850 = arith.constant 592 : index
    %get3A_1851 = tpu.vector_load %arg9[%get3A_1850] {strides = array<i32>} : memref<640xf32, #tpu.memory_space<vmem>>, vector<16xf32>,
    %gt3A_1852 = arith.constant 1.500000e+00 : f32
    %gt3A_1853 = vector.broadcast %gt3A_1852 : f32 to vector<16xf32>
    %gt3A_1854 = arith.cmpf ogt, %get3A_1851, %gt3A_1853 : vector<16xf32>
    %get3A_1855 = arith.constant 592 : index
    %get3A_1856 = tpu.vector_load %arg8[%get3A_1855] {strides = array<i32>} : memref<640xf32, #tpu.memory_space<vmem>>, vector<16xf32>,
    %get3A_1857 = arith.constant 592 : index
    %get3A_1858 = tpu.vector_load %arg10[%get3A_1857] {strides = array<i32>} : memref<640xf32, #tpu.memory_space<vmem>>, vector<16xf32>,
    %select_n3A_1859 = arith.select %gt3A_1854, %get3A_1856, %get3A_1858 : vector<16xi1>, vector<16xf32>
    %swap3A_1860 = arith.constant 592 : index
    %swap3A_1861 = tpu.vector_load %arg11[%swap3A_1860] {strides = array<i32>} : memref<640xf32, #tpu.memory_space<vmem>>, vector<16xf32>,
    tpu.vector_store %arg11[%swap3A_1860], %select_n3A_1859 {strides = array<i32>} : memref<640xf32, #tpu.memory_space<vmem>>, vector<16xf32>,
    %get3A_1862 = arith.constant 608 : index
    %get3A_1863 = tpu.vector_load %arg9[%get3A_1862] {strides = array<i32>} : memref<640xf32, #tpu.memory_space<vmem>>, vector<16xf32>,
    %gt3A_1864 = arith.constant 1.500000e+00 : f32
    %gt3A_1865 = vector.broadcast %gt3A_1864 : f32 to vector<16xf32>
    %gt3A_1866 = arith.cmpf ogt, %get3A_1863, %gt3A_1865 : vector<16xf32>
    %get3A_1867 = arith.constant 608 : index
    %get3A_1868 = tpu.vector_load %arg8[%get3A_1867] {strides = array<i32>} : memref<640xf32, #tpu.memory_space<vmem>>, vector<16xf32>,
    %get3A_1869 = arith.constant 608 : index
    %get3A_1870 = tpu.vector_load %arg10[%get3A_1869] {strides = array<i32>} : memref<640xf32, #tpu.memory_space<vmem>>, vector<16xf32>,
    %select_n3A_1871 = arith.select %gt3A_1866, %get3A_1868, %get3A_1870 : vector<16xi1>, vector<16xf32>
    %swap3A_1872 = arith.constant 608 : index
    %swap3A_1873 = tpu.vector_load %arg11[%swap3A_1872] {strides = array<i32>} : memref<640xf32, #tpu.memory_space<vmem>>, vector<16xf32>,
    tpu.vector_store %arg11[%swap3A_1872], %select_n3A_1871 {strides = array<i32>} : memref<640xf32, #tpu.memory_space<vmem>>, vector<16xf32>,
    %get3A_1874 = arith.constant 624 : index
    %get3A_1875 = tpu.vector_load %arg9[%get3A_1874] {strides = array<i32>} : memref<640xf32, #tpu.memory_space<vmem>>, vector<16xf32>,
    %gt3A_1876 = arith.constant 1.500000e+00 : f32
    %gt3A_1877 = vector.broadcast %gt3A_1876 : f32 to vector<16xf32>
    %gt3A_1878 = arith.cmpf ogt, %get3A_1875, %gt3A_1877 : vector<16xf32>
    %get3A_1879 = arith.constant 624 : index
    %get3A_1880 = tpu.vector_load %arg8[%get3A_1879] {strides = array<i32>} : memref<640xf32, #tpu.memory_space<vmem>>, vector<16xf32>,
    %get3A_1881 = arith.constant 624 : index
    %get3A_1882 = tpu.vector_load %arg10[%get3A_1881] {strides = array<i32>} : memref<640xf32, #tpu.memory_space<vmem>>, vector<16xf32>,
    %select_n3A_1883 = arith.select %gt3A_1878, %get3A_1880, %get3A_1882 : vector<16xi1>, vector<16xf32>
    %swap3A_1884 = arith.constant 624 : index
    %swap3A_1885 = tpu.vector_load %arg11[%swap3A_1884] {strides = array<i32>} : memref<640xf32, #tpu.memory_space<vmem>>, vector<16xf32>,
    tpu.vector_store %arg11[%swap3A_1884], %select_n3A_1883 {strides = array<i32>} : memref<640xf32, #tpu.memory_space<vmem>>, vector<16xf32>,
    "tpu.region"() ({
      %run_scoped3A = tpu.sem_alloc : memref<!tpu.dma_semaphore, #tpu.memory_space<semaphore_mem>>
      %dma_start3A = tpu.memref_slice %arg5[%mul3A_2] : memref<20480xf32, #tpu.memory_space<hbm>> -> memref<640xf32, #tpu.memory_space<hbm>>
      %dma_start3A_1886 = tpu.memref_slice %arg5[%mul3A_2] : memref<20480xf32, #tpu.memory_space<hbm>> -> memref<640xf32, #tpu.memory_space<hbm>>
      tpu.enqueue_dma source(%arg11 : memref<640xf32, #tpu.memory_space<vmem>>) target(%dma_start3A_1886 : memref<640xf32, #tpu.memory_space<hbm>>) target_semaphore(%run_scoped3A : memref<!tpu.dma_semaphore, #tpu.memory_space<semaphore_mem>>)
      %dma_wait3A = tpu.memref_slice %arg5[%mul3A_2] : memref<20480xf32, #tpu.memory_space<hbm>> -> memref<640xf32, #tpu.memory_space<hbm>>
      %dma_wait3A_1887 = tpu.memref_slice %arg5[%mul3A_2] : memref<20480xf32, #tpu.memory_space<hbm>> -> memref<640xf32, #tpu.memory_space<hbm>>
      tpu.wait_dma2 semaphore(%run_scoped3A : memref<!tpu.dma_semaphore, #tpu.memory_space<semaphore_mem>>) src(%arg11 : memref<640xf32, #tpu.memory_space<vmem>>) dst(%dma_wait3A_1887 : memref<640xf32, #tpu.memory_space<hbm>>)
      tpu.yield
    }) : () -> ()
    return
  }
}

module attributes {stable_mosaic.version = 14 : i64} {
  func.func @_phase1_body(%arg0: i32, %arg1: memref<4x128xf32, #tpu.memory_space<vmem>>, %arg2: memref<1x128xi32, #tpu.memory_space<vmem>>, %arg3: memref<2048x8xf32, #tpu.memory_space<vmem>>, %arg4: memref<2048x80xf32, #tpu.memory_space<vmem>>, %arg5: memref<2048x1xf32, #tpu.memory_space<vmem>>, %arg6: memref<12x128xi32, #tpu.memory_space<vmem>>, %arg7: memref<12x128xf32, #tpu.memory_space<vmem>>, %arg8: memref<10x128xf32, #tpu.memory_space<vmem>>, %arg9: memref<10x128xi32, #tpu.memory_space<vmem>>, %arg10: memref<10x128xf32, #tpu.memory_space<vmem>>, %arg11: memref<10x128xf32, #tpu.memory_space<vmem>>) attributes {dimension_semantics = [#tpu.dimension_semantics<arbitrary>], iteration_bounds = array<i64: 10>, scalar_prefetch = 0 : i64, scratch_operands = 4 : i64, tpu.core_type = #tpu.core_type<tc>, window_params = [{pipeline_mode = #tpu.pipeline_mode<synchronous>, transform_indices = @transform_0, window_bounds = array<i64: 4, 128>}, {pipeline_mode = #tpu.pipeline_mode<synchronous>, transform_indices = @transform_1, window_bounds = array<i64: 1, 128>}, {transform_indices = @transform_2, window_bounds = array<i64: 2048, 8>}, {transform_indices = @transform_3, window_bounds = array<i64: 2048, 80>}, {transform_indices = @transform_4, window_bounds = array<i64: 2048, 1>}, {pipeline_mode = #tpu.pipeline_mode<synchronous>, transform_indices = @transform_5, window_bounds = array<i64: 12, 128>}, {pipeline_mode = #tpu.pipeline_mode<synchronous>, transform_indices = @transform_6, window_bounds = array<i64: 12, 128>}]} {
    %mul3A = arith.constant 2048 : i32
    %mul3A_0 = arith.muli %arg0, %mul3A : i32
    %eq3A = arith.constant 0 : i32
    %eq3A_1 = arith.cmpi eq, %arg0, %eq3A : i32
    %convert_element_type3A = arith.extui %eq3A_1 : i1 to i32
    %cond3A = arith.constant 0 : i32
    %cond3A_2 = arith.cmpi ne, %convert_element_type3A, %cond3A : i32
    scf.if %cond3A_2 {
      %broadcast_in_dim3A_1100 = arith.constant 9.99999993E+36 : f32
      %broadcast_in_dim3A_1101 = vector.broadcast %broadcast_in_dim3A_1100 : f32 to vector<10x128xf32>
      %swap3A_1102 = arith.constant 0 : index
      %swap3A_1103 = arith.constant 0 : index
      %swap3A_1104 = vector.load %arg8[%swap3A_1102, %swap3A_1103] : memref<10x128xf32, #tpu.memory_space<vmem>>, vector<10x128xf32>
      tpu.vector_store %arg8[%swap3A_1102, %swap3A_1103], %broadcast_in_dim3A_1101 {strides = array<i32>} : memref<10x128xf32, #tpu.memory_space<vmem>>, vector<10x128xf32>,
      %broadcast_in_dim3A_1105 = arith.constant 20479 : i32
      %broadcast_in_dim3A_1106 = vector.broadcast %broadcast_in_dim3A_1105 : i32 to vector<10x128xi32>
      %swap3A_1107 = arith.constant 0 : index
      %swap3A_1108 = arith.constant 0 : index
      %swap3A_1109 = vector.load %arg9[%swap3A_1107, %swap3A_1108] : memref<10x128xi32, #tpu.memory_space<vmem>>, vector<10x128xi32>
      tpu.vector_store %arg9[%swap3A_1107, %swap3A_1108], %broadcast_in_dim3A_1106 {strides = array<i32>} : memref<10x128xi32, #tpu.memory_space<vmem>>, vector<10x128xi32>,
      %broadcast_in_dim3A_1110 = arith.constant 0.000000e+00 : f32
      %broadcast_in_dim3A_1111 = vector.broadcast %broadcast_in_dim3A_1110 : f32 to vector<10x128xf32>
      %swap3A_1112 = arith.constant 0 : index
      %swap3A_1113 = arith.constant 0 : index
      %swap3A_1114 = vector.load %arg10[%swap3A_1112, %swap3A_1113] : memref<10x128xf32, #tpu.memory_space<vmem>>, vector<10x128xf32>
      tpu.vector_store %arg10[%swap3A_1112, %swap3A_1113], %broadcast_in_dim3A_1111 {strides = array<i32>} : memref<10x128xf32, #tpu.memory_space<vmem>>, vector<10x128xf32>,
      %broadcast_in_dim3A_1115 = arith.constant 0.000000e+00 : f32
      %broadcast_in_dim3A_1116 = vector.broadcast %broadcast_in_dim3A_1115 : f32 to vector<10x128xf32>
      %swap3A_1117 = arith.constant 0 : index
      %swap3A_1118 = arith.constant 0 : index
      %swap3A_1119 = vector.load %arg11[%swap3A_1117, %swap3A_1118] : memref<10x128xf32, #tpu.memory_space<vmem>>, vector<10x128xf32>
      tpu.vector_store %arg11[%swap3A_1117, %swap3A_1118], %broadcast_in_dim3A_1116 {strides = array<i32>} : memref<10x128xf32, #tpu.memory_space<vmem>>, vector<10x128xf32>,
    } else {
    }
    %get3A = arith.constant 0 : index
    %get3A_3 = arith.constant 0 : index
    %get3A_4 = vector.load %arg3[%get3A, %get3A_3] : memref<2048x8xf32, #tpu.memory_space<vmem>>, vector<2048x8xf32>
    %slice3A = vector.extract_strided_slice %get3A_4 {offsets = [0, 0], sizes = [2048, 1], strides = [1, 1]} : vector<2048x8xf32> to vector<2048x1xf32>
    %slice3A_5 = vector.extract_strided_slice %get3A_4 {offsets = [0, 1], sizes = [2048, 1], strides = [1, 1]} : vector<2048x8xf32> to vector<2048x1xf32>
    %slice3A_6 = vector.extract_strided_slice %get3A_4 {offsets = [0, 2], sizes = [2048, 1], strides = [1, 1]} : vector<2048x8xf32> to vector<2048x1xf32>
    %slice3A_7 = vector.extract_strided_slice %get3A_4 {offsets = [0, 3], sizes = [2048, 1], strides = [1, 1]} : vector<2048x8xf32> to vector<2048x1xf32>
    %slice3A_8 = vector.extract_strided_slice %get3A_4 {offsets = [0, 4], sizes = [2048, 1], strides = [1, 1]} : vector<2048x8xf32> to vector<2048x1xf32>
    %slice3A_9 = vector.extract_strided_slice %get3A_4 {offsets = [0, 5], sizes = [2048, 1], strides = [1, 1]} : vector<2048x8xf32> to vector<2048x1xf32>
    %slice3A_10 = vector.extract_strided_slice %get3A_4 {offsets = [0, 6], sizes = [2048, 1], strides = [1, 1]} : vector<2048x8xf32> to vector<2048x1xf32>
    %slice3A_11 = vector.extract_strided_slice %get3A_4 {offsets = [0, 7], sizes = [2048, 1], strides = [1, 1]} : vector<2048x8xf32> to vector<2048x1xf32>
    %get3A_12 = arith.constant 0 : index
    %get3A_13 = arith.constant 0 : index
    %get3A_14 = vector.load %arg1[%get3A_12, %get3A_13] : memref<4x128xf32, #tpu.memory_space<vmem>>, vector<1x128xf32>
    %get3A_15 = arith.constant 1 : index
    %get3A_16 = arith.constant 0 : index
    %get3A_17 = vector.load %arg1[%get3A_15, %get3A_16] : memref<4x128xf32, #tpu.memory_space<vmem>>, vector<1x128xf32>
    %get3A_18 = arith.constant 2 : index
    %get3A_19 = arith.constant 0 : index
    %get3A_20 = vector.load %arg1[%get3A_18, %get3A_19] : memref<4x128xf32, #tpu.memory_space<vmem>>, vector<1x128xf32>
    %get3A_21 = arith.constant 3 : index
    %get3A_22 = arith.constant 0 : index
    %get3A_23 = vector.load %arg1[%get3A_21, %get3A_22] : memref<4x128xf32, #tpu.memory_space<vmem>>, vector<1x128xf32>
    %iota3A = tpu.iota {dimensions = array<i32: 1>} : vector<1x128xi32>
    %lt3A = arith.constant 100 : i32
    %lt3A_24 = vector.broadcast %lt3A : i32 to vector<1x128xi32>
    %lt3A_25 = arith.cmpi slt, %iota3A, %lt3A_24 : vector<1x128xi32>
    %iota3A_26 = tpu.iota {dimensions = array<i32: 0>} : vector<2048x128xi32>
    %iota3A_27 = tpu.iota {dimensions = array<i32: 0>} : vector<2048x1xi32>
    %add3A = vector.broadcast %mul3A_0 : i32 to vector<2048x1xi32>
    %add3A_28 = arith.addi %iota3A_27, %add3A : vector<2048x1xi32>
    %lt3A_29 = arith.constant 20000 : i32
    %lt3A_30 = vector.broadcast %lt3A_29 : i32 to vector<2048x1xi32>
    %lt3A_31 = arith.cmpi slt, %add3A_28, %lt3A_30 : vector<2048x1xi32>
    %mul3A_32 = arith.mulf %slice3A_8, %slice3A_10 : vector<2048x1xf32>
    %mul3A_33 = arith.constant 5.000000e-01 : f32
    %mul3A_34 = vector.broadcast %mul3A_33 : f32 to vector<2048x1xf32>
    %mul3A_35 = arith.mulf %mul3A_34, %slice3A_10 : vector<2048x1xf32>
    %add3A_36 = arith.addf %mul3A_32, %mul3A_35 : vector<2048x1xf32>
    %mul3A_37 = arith.mulf %slice3A_9, %slice3A_10 : vector<2048x1xf32>
    %mul3A_38 = arith.constant 5.000000e-01 : f32
    %mul3A_39 = vector.broadcast %mul3A_38 : f32 to vector<2048x1xf32>
    %mul3A_40 = arith.mulf %mul3A_39, %slice3A_10 : vector<2048x1xf32>
    %add3A_41 = arith.addf %mul3A_37, %mul3A_40 : vector<2048x1xf32>
    %mul3A_42 = arith.constant 5.000000e-01 : f32
    %mul3A_43 = vector.broadcast %mul3A_42 : f32 to vector<1x128xf32>
    %mul3A_44 = arith.mulf %mul3A_43, %get3A_20 : vector<1x128xf32>
    %sub3A = arith.subf %get3A_14, %mul3A_44 : vector<1x128xf32>
    %mul3A_45 = arith.constant 5.000000e-01 : f32
    %mul3A_46 = vector.broadcast %mul3A_45 : f32 to vector<1x128xf32>
    %mul3A_47 = arith.mulf %mul3A_46, %get3A_20 : vector<1x128xf32>
    %add3A_48 = arith.addf %get3A_14, %mul3A_47 : vector<1x128xf32>
    %mul3A_49 = arith.constant 5.000000e-01 : f32
    %mul3A_50 = vector.broadcast %mul3A_49 : f32 to vector<1x128xf32>
    %mul3A_51 = arith.mulf %mul3A_50, %get3A_23 : vector<1x128xf32>
    %sub3A_52 = arith.subf %get3A_17, %mul3A_51 : vector<1x128xf32>
    %mul3A_53 = arith.constant 5.000000e-01 : f32
    %mul3A_54 = vector.broadcast %mul3A_53 : f32 to vector<1x128xf32>
    %mul3A_55 = arith.mulf %mul3A_54, %get3A_23 : vector<1x128xf32>
    %add3A_56 = arith.addf %get3A_17, %mul3A_55 : vector<1x128xf32>
    %sub3A_57 = vector.broadcast %add3A_36 : vector<2048x1xf32> to vector<2048x128xf32>
    %sub3A_58 = vector.broadcast %sub3A : vector<1x128xf32> to vector<2048x128xf32>
    %sub3A_59 = arith.subf %sub3A_57, %sub3A_58 : vector<2048x128xf32>
    %sub3A_60 = vector.broadcast %add3A_41 : vector<2048x1xf32> to vector<2048x128xf32>
    %sub3A_61 = vector.broadcast %sub3A_52 : vector<1x128xf32> to vector<2048x128xf32>
    %sub3A_62 = arith.subf %sub3A_60, %sub3A_61 : vector<2048x128xf32>
    %min3A = arith.minimumf %sub3A_59, %sub3A_62 : vector<2048x128xf32>
    %sub3A_63 = vector.broadcast %add3A_48 : vector<1x128xf32> to vector<2048x128xf32>
    %sub3A_64 = vector.broadcast %add3A_36 : vector<2048x1xf32> to vector<2048x128xf32>
    %sub3A_65 = arith.subf %sub3A_63, %sub3A_64 : vector<2048x128xf32>
    %min3A_66 = arith.minimumf %min3A, %sub3A_65 : vector<2048x128xf32>
    %sub3A_67 = vector.broadcast %add3A_56 : vector<1x128xf32> to vector<2048x128xf32>
    %sub3A_68 = vector.broadcast %add3A_41 : vector<2048x1xf32> to vector<2048x128xf32>
    %sub3A_69 = arith.subf %sub3A_67, %sub3A_68 : vector<2048x128xf32>
    %min3A_70 = arith.minimumf %min3A_66, %sub3A_69 : vector<2048x128xf32>
    %gt3A = arith.constant 0.000000e+00 : f32
    %gt3A_71 = vector.broadcast %gt3A : f32 to vector<2048x128xf32>
    %gt3A_72 = arith.cmpf ogt, %min3A_70, %gt3A_71 : vector<2048x128xf32>
    %mul3A_73 = arith.constant 2.500000e+00 : f32
    %mul3A_74 = vector.broadcast %mul3A_73 : f32 to vector<2048x1xf32>
    %mul3A_75 = arith.mulf %mul3A_74, %slice3A_10 : vector<2048x1xf32>
    %sub3A_76 = vector.broadcast %get3A_14 : vector<1x128xf32> to vector<2048x128xf32>
    %sub3A_77 = vector.broadcast %mul3A_75 : vector<2048x1xf32> to vector<2048x128xf32>
    %sub3A_78 = arith.subf %sub3A_76, %sub3A_77 : vector<2048x128xf32>
    %mul3A_79 = arith.constant 2.500000e+00 : f32
    %mul3A_80 = vector.broadcast %mul3A_79 : f32 to vector<2048x1xf32>
    %mul3A_81 = arith.mulf %mul3A_80, %slice3A_10 : vector<2048x1xf32>
    %add3A_82 = vector.broadcast %get3A_14 : vector<1x128xf32> to vector<2048x128xf32>
    %add3A_83 = vector.broadcast %mul3A_81 : vector<2048x1xf32> to vector<2048x128xf32>
    %add3A_84 = arith.addf %add3A_82, %add3A_83 : vector<2048x128xf32>
    %mul3A_85 = arith.constant 2.500000e+00 : f32
    %mul3A_86 = vector.broadcast %mul3A_85 : f32 to vector<2048x1xf32>
    %mul3A_87 = arith.mulf %mul3A_86, %slice3A_10 : vector<2048x1xf32>
    %sub3A_88 = vector.broadcast %get3A_17 : vector<1x128xf32> to vector<2048x128xf32>
    %sub3A_89 = vector.broadcast %mul3A_87 : vector<2048x1xf32> to vector<2048x128xf32>
    %sub3A_90 = arith.subf %sub3A_88, %sub3A_89 : vector<2048x128xf32>
    %mul3A_91 = arith.constant 2.500000e+00 : f32
    %mul3A_92 = vector.broadcast %mul3A_91 : f32 to vector<2048x1xf32>
    %mul3A_93 = arith.mulf %mul3A_92, %slice3A_10 : vector<2048x1xf32>
    %add3A_94 = vector.broadcast %get3A_17 : vector<1x128xf32> to vector<2048x128xf32>
    %add3A_95 = vector.broadcast %mul3A_93 : vector<2048x1xf32> to vector<2048x128xf32>
    %add3A_96 = arith.addf %add3A_94, %add3A_95 : vector<2048x128xf32>
    %sub3A_97 = vector.broadcast %add3A_36 : vector<2048x1xf32> to vector<2048x128xf32>
    %sub3A_98 = arith.subf %sub3A_97, %sub3A_78 : vector<2048x128xf32>
    %sub3A_99 = vector.broadcast %add3A_41 : vector<2048x1xf32> to vector<2048x128xf32>
    %sub3A_100 = arith.subf %sub3A_99, %sub3A_90 : vector<2048x128xf32>
    %min3A_101 = arith.minimumf %sub3A_98, %sub3A_100 : vector<2048x128xf32>
    %sub3A_102 = vector.broadcast %add3A_36 : vector<2048x1xf32> to vector<2048x128xf32>
    %sub3A_103 = arith.subf %add3A_84, %sub3A_102 : vector<2048x128xf32>
    %min3A_104 = arith.minimumf %min3A_101, %sub3A_103 : vector<2048x128xf32>
    %sub3A_105 = vector.broadcast %add3A_41 : vector<2048x1xf32> to vector<2048x128xf32>
    %sub3A_106 = arith.subf %add3A_96, %sub3A_105 : vector<2048x128xf32>
    %min3A_107 = arith.minimumf %min3A_104, %sub3A_106 : vector<2048x128xf32>
    %gt3A_108 = arith.constant 0.000000e+00 : f32
    %gt3A_109 = vector.broadcast %gt3A_108 : f32 to vector<2048x128xf32>
    %gt3A_110 = arith.cmpf ogt, %min3A_107, %gt3A_109 : vector<2048x128xf32>
    %and3A = arith.andi %gt3A_72, %gt3A_110 : vector<2048x128xi1>
    %or3A = arith.ori %gt3A_72, %gt3A_110 : vector<2048x128xi1>
    %and3A_111 = vector.broadcast %lt3A_25 : vector<1x128xi1> to vector<2048x128xi1>
    %and3A_112 = arith.andi %and3A_111, %or3A : vector<2048x128xi1>
    %jit3A = arith.constant 1.000000e+00 : f32
    %jit3A_113 = arith.constant 0.000000e+00 : f32
    %broadcast_in_dim3A = vector.broadcast %jit3A : f32 to vector<2048x128xf32>
    %broadcast_in_dim3A_114 = vector.broadcast %jit3A_113 : f32 to vector<2048x128xf32>
    %select_n3A = arith.select %and3A_112, %broadcast_in_dim3A, %broadcast_in_dim3A_114 : vector<2048x128xi1>, vector<2048x128xf32>
    %reduce_max3A = arith.constant dense<0xFF800000> : vector<2048xf32>
    %reduce_max3A_115 = vector.multi_reduction <maximumf>, %select_n3A, %reduce_max3A [1] : vector<2048x128xf32> to vector<2048xf32>
    %broadcast_in_dim3A_116 = vector.shape_cast %reduce_max3A_115 : vector<2048xf32> to vector<2048x1xf32>
    %gt3A_117 = arith.constant 5.000000e-01 : f32
    %gt3A_118 = vector.broadcast %gt3A_117 : f32 to vector<2048x1xf32>
    %gt3A_119 = arith.cmpf ogt, %broadcast_in_dim3A_116, %gt3A_118 : vector<2048x1xf32>
    %and3A_120 = arith.andi %gt3A_119, %lt3A_31 : vector<2048x1xi1>
    %mul3A_121 = arith.constant 5.000000e-01 : f32
    %mul3A_122 = vector.broadcast %mul3A_121 : f32 to vector<2048x1xf32>
    %mul3A_123 = arith.mulf %mul3A_122, %slice3A_6 : vector<2048x1xf32>
    %sub3A_124 = arith.subf %slice3A, %mul3A_123 : vector<2048x1xf32>
    %max3A = vector.broadcast %sub3A : vector<1x128xf32> to vector<2048x128xf32>
    %max3A_125 = vector.broadcast %sub3A_124 : vector<2048x1xf32> to vector<2048x128xf32>
    %max3A_126 = arith.maximumf %max3A, %max3A_125 : vector<2048x128xf32>
    %mul3A_127 = arith.constant 5.000000e-01 : f32
    %mul3A_128 = vector.broadcast %mul3A_127 : f32 to vector<2048x1xf32>
    %mul3A_129 = arith.mulf %mul3A_128, %slice3A_7 : vector<2048x1xf32>
    %sub3A_130 = arith.subf %slice3A_5, %mul3A_129 : vector<2048x1xf32>
    %max3A_131 = vector.broadcast %sub3A_52 : vector<1x128xf32> to vector<2048x128xf32>
    %max3A_132 = vector.broadcast %sub3A_130 : vector<2048x1xf32> to vector<2048x128xf32>
    %max3A_133 = arith.maximumf %max3A_131, %max3A_132 : vector<2048x128xf32>
    %mul3A_134 = arith.constant 5.000000e-01 : f32
    %mul3A_135 = vector.broadcast %mul3A_134 : f32 to vector<2048x1xf32>
    %mul3A_136 = arith.mulf %mul3A_135, %slice3A_6 : vector<2048x1xf32>
    %add3A_137 = arith.addf %slice3A, %mul3A_136 : vector<2048x1xf32>
    %min3A_138 = vector.broadcast %add3A_48 : vector<1x128xf32> to vector<2048x128xf32>
    %min3A_139 = vector.broadcast %add3A_137 : vector<2048x1xf32> to vector<2048x128xf32>
    %min3A_140 = arith.minimumf %min3A_138, %min3A_139 : vector<2048x128xf32>
    %mul3A_141 = arith.constant 5.000000e-01 : f32
    %mul3A_142 = vector.broadcast %mul3A_141 : f32 to vector<2048x1xf32>
    %mul3A_143 = arith.mulf %mul3A_142, %slice3A_7 : vector<2048x1xf32>
    %add3A_144 = arith.addf %slice3A_5, %mul3A_143 : vector<2048x1xf32>
    %min3A_145 = vector.broadcast %add3A_56 : vector<1x128xf32> to vector<2048x128xf32>
    %min3A_146 = vector.broadcast %add3A_144 : vector<2048x1xf32> to vector<2048x128xf32>
    %min3A_147 = arith.minimumf %min3A_145, %min3A_146 : vector<2048x128xf32>
    %lt3A_148 = arith.cmpf olt, %max3A_126, %min3A_140 : vector<2048x128xf32>
    %lt3A_149 = arith.cmpf olt, %max3A_133, %min3A_147 : vector<2048x128xf32>
    %and3A_150 = arith.andi %lt3A_148, %lt3A_149 : vector<2048x128xi1>
    %convert_element_type3A_151 = arith.extui %and3A_150 : vector<2048x128xi1> to vector<2048x128xi32>
    %convert_element_type3A_152 = arith.sitofp %convert_element_type3A_151 : vector<2048x128xi32> to vector<2048x128xf32>
    %sub3A_153 = arith.subf %min3A_140, %max3A_126 : vector<2048x128xf32>
    %sub3A_154 = arith.subf %min3A_147, %max3A_133 : vector<2048x128xf32>
    %mul3A_155 = arith.mulf %sub3A_153, %sub3A_154 : vector<2048x128xf32>
    %mul3A_156 = arith.mulf %mul3A_155, %convert_element_type3A_152 : vector<2048x128xf32>
    %mul3A_157 = arith.mulf %get3A_20, %get3A_23 : vector<1x128xf32>
    %mul3A_158 = arith.mulf %slice3A_6, %slice3A_7 : vector<2048x1xf32>
    %add3A_159 = vector.broadcast %mul3A_157 : vector<1x128xf32> to vector<2048x128xf32>
    %add3A_160 = vector.broadcast %mul3A_158 : vector<2048x1xf32> to vector<2048x128xf32>
    %add3A_161 = arith.addf %add3A_159, %add3A_160 : vector<2048x128xf32>
    %sub3A_162 = arith.subf %add3A_161, %mul3A_156 : vector<2048x128xf32>
    %add3A_163 = arith.constant 9.99999996E-13 : f32
    %add3A_164 = vector.broadcast %add3A_163 : f32 to vector<2048x128xf32>
    %add3A_165 = arith.addf %sub3A_162, %add3A_164 : vector<2048x128xf32>
    %div3A = arith.divf %mul3A_156, %add3A_165 : vector<2048x128xf32>
    %jit3A_166 = arith.constant 0.000000e+00 : f32
    %broadcast_in_dim3A_167 = vector.shape_cast %and3A_120 : vector<2048x1xi1> to vector<2048x1xi1>
    %broadcast_in_dim3A_168 = vector.broadcast %broadcast_in_dim3A_167 : vector<2048x1xi1> to vector<2048x128xi1>
    %broadcast_in_dim3A_169 = vector.broadcast %jit3A_166 : f32 to vector<2048x128xf32>
    %select_n3A_170 = arith.select %broadcast_in_dim3A_168, %div3A, %broadcast_in_dim3A_169 : vector<2048x128xi1>, vector<2048x128xf32>
    %add3A_171 = arith.constant 9.99999993E-9 : f32
    %add3A_172 = vector.broadcast %add3A_171 : f32 to vector<2048x128xf32>
    %add3A_173 = arith.addf %select_n3A_170, %add3A_172 : vector<2048x128xf32>
    %log3A = math.log %add3A_173 : vector<2048x128xf32>
    %neg3A = arith.constant 0.000000e+00 : f32
    %neg3A_174 = vector.broadcast %neg3A : f32 to vector<2048x128xf32>
    %neg3A_175 = arith.subf %neg3A_174, %log3A : vector<2048x128xf32>
    %get3A_176 = arith.constant 0 : index
    %get3A_177 = arith.constant 0 : index
    %get3A_178 = vector.load %arg4[%get3A_176, %get3A_177] : memref<2048x80xf32, #tpu.memory_space<vmem>>, vector<2048x80xf32>
    %logistic3A = arith.negf %get3A_178 : vector<2048x80xf32>
    %logistic3A_179 = math.exp %logistic3A : vector<2048x80xf32>
    %logistic3A_180 = arith.constant 1.000000e+00 : f32
    %logistic3A_181 = vector.broadcast %logistic3A_180 : f32 to vector<2048x80xf32>
    %logistic3A_182 = arith.addf %logistic3A_181, %logistic3A_179 : vector<2048x80xf32>
    %logistic3A_183 = arith.divf %logistic3A_181, %logistic3A_182 : vector<2048x80xf32>
    %logistic3A_184 = arith.negf %slice3A_11 : vector<2048x1xf32>
    %logistic3A_185 = math.exp %logistic3A_184 : vector<2048x1xf32>
    %logistic3A_186 = arith.constant 1.000000e+00 : f32
    %logistic3A_187 = vector.broadcast %logistic3A_186 : f32 to vector<2048x1xf32>
    %logistic3A_188 = arith.addf %logistic3A_187, %logistic3A_185 : vector<2048x1xf32>
    %logistic3A_189 = arith.divf %logistic3A_187, %logistic3A_188 : vector<2048x1xf32>
    %mul3A_190 = vector.broadcast %logistic3A_189 : vector<2048x1xf32> to vector<2048x80xf32>
    %mul3A_191 = arith.mulf %logistic3A_183, %mul3A_190 : vector<2048x80xf32>
    %sqrt3A = math.sqrt %mul3A_191 : vector<2048x80xf32>
    %sub3A_192 = arith.constant 1.000000e+00 : f32
    %sub3A_193 = vector.broadcast %sub3A_192 : f32 to vector<2048x80xf32>
    %sub3A_194 = arith.subf %sub3A_193, %sqrt3A : vector<2048x80xf32>
    %log3A_195 = math.log %sub3A_194 : vector<2048x80xf32>
    %max3A_196 = arith.constant -1.000000e+02 : f32
    %max3A_197 = vector.broadcast %max3A_196 : f32 to vector<2048x80xf32>
    %max3A_198 = arith.maximumf %log3A_195, %max3A_197 : vector<2048x80xf32>
    %log3A_199 = math.log %sqrt3A : vector<2048x80xf32>
    %max3A_200 = arith.constant -1.000000e+02 : f32
    %max3A_201 = vector.broadcast %max3A_200 : f32 to vector<2048x80xf32>
    %max3A_202 = arith.maximumf %log3A_199, %max3A_201 : vector<2048x80xf32>
    %iota3A_203 = tpu.iota {dimensions = array<i32: 0>} : vector<80x128xi32>
    %get3A_204 = arith.constant 0 : index
    %get3A_205 = arith.constant 0 : index
    %get3A_206 = vector.load %arg2[%get3A_204, %get3A_205] : memref<1x128xi32, #tpu.memory_space<vmem>>, vector<1x128xi32>
    %eq3A_207 = vector.broadcast %get3A_206 : vector<1x128xi32> to vector<80x128xi32>
    %eq3A_208 = arith.cmpi eq, %iota3A_203, %eq3A_207 : vector<80x128xi32>
    %convert_element_type3A_209 = arith.extui %eq3A_208 : vector<80x128xi1> to vector<80x128xi32>
    %convert_element_type3A_210 = arith.sitofp %convert_element_type3A_209 : vector<80x128xi32> to vector<80x128xf32>
    %sub3A_211 = arith.subf %max3A_198, %max3A_202 : vector<2048x80xf32>
    %dot_general3A = arith.constant dense<0.000000e+00> : vector<2048x128xf32>
    %dot_general3A_212 = tpu.matmul %sub3A_211, %convert_element_type3A_210, %dot_general3A {dimension_numbers = #tpu.dot_dimension_numbers<[1], [0], [0], [1], [0, 0, 1, 1], [], []>, precision = #tpu.contract_precision<fp32>, transpose_lhs_hint = false} : vector<2048x80xf32>, vector<80x128xf32>, vector<2048x128xf32> -> vector<2048x128xf32>
    %reduce_sum3A = arith.constant dense<0.000000e+00> : vector<2048xf32>
    %reduce_sum3A_213 = vector.multi_reduction <add>, %max3A_198, %reduce_sum3A [1] : vector<2048x80xf32> to vector<2048xf32>
    %broadcast_in_dim3A_214 = vector.shape_cast %reduce_sum3A_213 : vector<2048xf32> to vector<2048x1xf32>
    %sub3A_215 = vector.broadcast %broadcast_in_dim3A_214 : vector<2048x1xf32> to vector<2048x128xf32>
    %sub3A_216 = arith.subf %dot_general3A_212, %sub3A_215 : vector<2048x128xf32>
    %mul3A_217 = arith.constant 3.000000e+00 : f32
    %mul3A_218 = vector.broadcast %mul3A_217 : f32 to vector<2048x128xf32>
    %mul3A_219 = arith.mulf %mul3A_218, %neg3A_175 : vector<2048x128xf32>
    %add3A_220 = arith.addf %sub3A_216, %mul3A_219 : vector<2048x128xf32>
    %jit3A_221 = arith.constant 0.000000e+00 : f32
    %jit3A_222 = arith.constant 1.000000e+00 : f32
    %broadcast_in_dim3A_223 = vector.broadcast %jit3A_221 : f32 to vector<2048x128xf32>
    %broadcast_in_dim3A_224 = vector.broadcast %jit3A_222 : f32 to vector<2048x128xf32>
    %select_n3A_225 = arith.select %and3A, %broadcast_in_dim3A_223, %broadcast_in_dim3A_224 : vector<2048x128xi1>, vector<2048x128xf32>
    %mul3A_226 = arith.constant 1.000000e+05 : f32
    %mul3A_227 = vector.broadcast %mul3A_226 : f32 to vector<2048x128xf32>
    %mul3A_228 = arith.mulf %mul3A_227, %select_n3A_225 : vector<2048x128xf32>
    %add3A_229 = arith.addf %add3A_220, %mul3A_228 : vector<2048x128xf32>
    %jit3A_230 = arith.constant 0.000000e+00 : f32
    %jit3A_231 = arith.constant 1.000000e+00 : f32
    %broadcast_in_dim3A_232 = vector.broadcast %jit3A_230 : f32 to vector<2048x1xf32>
    %broadcast_in_dim3A_233 = vector.broadcast %jit3A_231 : f32 to vector<2048x1xf32>
    %select_n3A_234 = arith.select %and3A_120, %broadcast_in_dim3A_232, %broadcast_in_dim3A_233 : vector<2048x1xi1>, vector<2048x1xf32>
    %mul3A_235 = arith.constant 1.000000e+06 : f32
    %mul3A_236 = vector.broadcast %mul3A_235 : f32 to vector<2048x1xf32>
    %mul3A_237 = arith.mulf %mul3A_236, %select_n3A_234 : vector<2048x1xf32>
    %add3A_238 = vector.broadcast %mul3A_237 : vector<2048x1xf32> to vector<2048x128xf32>
    %add3A_239 = arith.addf %add3A_229, %add3A_238 : vector<2048x128xf32>
    %jit3A_240 = arith.constant 9.99999993E+36 : f32
    %broadcast_in_dim3A_241 = vector.shape_cast %lt3A_31 : vector<2048x1xi1> to vector<2048x1xi1>
    %broadcast_in_dim3A_242 = vector.broadcast %broadcast_in_dim3A_241 : vector<2048x1xi1> to vector<2048x128xi1>
    %broadcast_in_dim3A_243 = vector.broadcast %jit3A_240 : f32 to vector<2048x128xf32>
    %select_n3A_244 = arith.select %broadcast_in_dim3A_242, %add3A_239, %broadcast_in_dim3A_243 : vector<2048x128xi1>, vector<2048x128xf32>
    %jit3A_245 = arith.constant 9.99999993E+36 : f32
    %broadcast_in_dim3A_246 = vector.shape_cast %lt3A_25 : vector<1x128xi1> to vector<1x128xi1>
    %broadcast_in_dim3A_247 = vector.broadcast %broadcast_in_dim3A_246 : vector<1x128xi1> to vector<2048x128xi1>
    %broadcast_in_dim3A_248 = vector.broadcast %jit3A_245 : f32 to vector<2048x128xf32>
    %select_n3A_249 = arith.select %broadcast_in_dim3A_247, %select_n3A_244, %broadcast_in_dim3A_248 : vector<2048x128xi1>, vector<2048x128xf32>
    %reduce_min3A = arith.constant dense<0x7F800000> : vector<2048xf32>
    %reduce_min3A_250 = vector.multi_reduction <minimumf>, %select_n3A_249, %reduce_min3A [1] : vector<2048x128xf32> to vector<2048xf32>
    %broadcast_in_dim3A_251 = vector.shape_cast %reduce_min3A_250 : vector<2048xf32> to vector<2048x1xf32>
    %eq3A_252 = vector.broadcast %broadcast_in_dim3A_251 : vector<2048x1xf32> to vector<2048x128xf32>
    %eq3A_253 = arith.cmpf oeq, %select_n3A_249, %eq3A_252 : vector<2048x128xf32>
    %jit3A_254 = arith.constant 1073741824 : i32
    %broadcast_in_dim3A_255 = vector.shape_cast %iota3A : vector<1x128xi32> to vector<1x128xi32>
    %broadcast_in_dim3A_256 = vector.broadcast %broadcast_in_dim3A_255 : vector<1x128xi32> to vector<2048x128xi32>
    %broadcast_in_dim3A_257 = vector.broadcast %jit3A_254 : i32 to vector<2048x128xi32>
    %select_n3A_258 = arith.select %eq3A_253, %broadcast_in_dim3A_256, %broadcast_in_dim3A_257 : vector<2048x128xi1>, vector<2048x128xi32>
    %reduce_min3A_259 = arith.constant dense<2147483647> : vector<2048xi32>
    %reduce_min3A_260 = vector.multi_reduction <minsi>, %select_n3A_258, %reduce_min3A_259 [1] : vector<2048x128xi32> to vector<2048xi32>
    %broadcast_in_dim3A_261 = vector.shape_cast %reduce_min3A_260 : vector<2048xi32> to vector<2048x1xi32>
    %eq3A_262 = vector.broadcast %iota3A : vector<1x128xi32> to vector<2048x128xi32>
    %eq3A_263 = vector.broadcast %broadcast_in_dim3A_261 : vector<2048x1xi32> to vector<2048x128xi32>
    %eq3A_264 = arith.cmpi eq, %eq3A_262, %eq3A_263 : vector<2048x128xi32>
    %jit3A_265 = arith.constant 0.000000e+00 : f32
    %broadcast_in_dim3A_266 = vector.broadcast %jit3A_265 : f32 to vector<2048x128xf32>
    %select_n3A_267 = arith.select %eq3A_264, %select_n3A_170, %broadcast_in_dim3A_266 : vector<2048x128xi1>, vector<2048x128xf32>
    %reduce_sum3A_268 = arith.constant dense<0.000000e+00> : vector<2048xf32>
    %reduce_sum3A_269 = vector.multi_reduction <add>, %select_n3A_267, %reduce_sum3A_268 [1] : vector<2048x128xf32> to vector<2048xf32>
    %broadcast_in_dim3A_270 = vector.shape_cast %reduce_sum3A_269 : vector<2048xf32> to vector<2048x1xf32>
    %swap3A = arith.constant 0 : index
    %swap3A_271 = arith.constant 0 : index
    %swap3A_272 = vector.load %arg5[%swap3A, %swap3A_271] : memref<2048x1xf32, #tpu.memory_space<vmem>>, vector<2048x1xf32>
    tpu.vector_store %arg5[%swap3A, %swap3A_271], %broadcast_in_dim3A_270 {strides = array<i32>} : memref<2048x1xf32, #tpu.memory_space<vmem>>, vector<2048x1xf32>,
    %reduce_min3A_273 = arith.constant dense<0x7F800000> : vector<128xf32>
    %reduce_min3A_274 = vector.multi_reduction <minimumf>, %select_n3A_244, %reduce_min3A_273 [0] : vector<2048x128xf32> to vector<128xf32>
    %broadcast_in_dim3A_275 = vector.shape_cast %reduce_min3A_274 : vector<128xf32> to vector<1x128xf32>
    %eq3A_276 = vector.broadcast %broadcast_in_dim3A_275 : vector<1x128xf32> to vector<2048x128xf32>
    %eq3A_277 = arith.cmpf oeq, %select_n3A_244, %eq3A_276 : vector<2048x128xf32>
    %jit3A_278 = arith.constant 1073741824 : i32
    %broadcast_in_dim3A_279 = vector.broadcast %jit3A_278 : i32 to vector<2048x128xi32>
    %select_n3A_280 = arith.select %eq3A_277, %iota3A_26, %broadcast_in_dim3A_279 : vector<2048x128xi1>, vector<2048x128xi32>
    %reduce_min3A_281 = arith.constant dense<2147483647> : vector<128xi32>
    %reduce_min3A_282 = vector.multi_reduction <minsi>, %select_n3A_280, %reduce_min3A_281 [0] : vector<2048x128xi32> to vector<128xi32>
    %broadcast_in_dim3A_283 = vector.shape_cast %reduce_min3A_282 : vector<128xi32> to vector<1x128xi32>
    %eq3A_284 = vector.broadcast %broadcast_in_dim3A_283 : vector<1x128xi32> to vector<2048x128xi32>
    %eq3A_285 = arith.cmpi eq, %iota3A_26, %eq3A_284 : vector<2048x128xi32>
    %add3A_286 = vector.broadcast %mul3A_0 : i32 to vector<1x128xi32>
    %add3A_287 = arith.addi %broadcast_in_dim3A_283, %add3A_286 : vector<1x128xi32>
    %jit3A_288 = arith.constant 0.000000e+00 : f32
    %broadcast_in_dim3A_289 = vector.broadcast %jit3A_288 : f32 to vector<2048x128xf32>
    %select_n3A_290 = arith.select %eq3A_285, %select_n3A_170, %broadcast_in_dim3A_289 : vector<2048x128xi1>, vector<2048x128xf32>
    %reduce_sum3A_291 = arith.constant dense<0.000000e+00> : vector<128xf32>
    %reduce_sum3A_292 = vector.multi_reduction <add>, %select_n3A_290, %reduce_sum3A_291 [0] : vector<2048x128xf32> to vector<128xf32>
    %broadcast_in_dim3A_293 = vector.shape_cast %reduce_sum3A_292 : vector<128xf32> to vector<1x128xf32>
    %jit3A_294 = arith.constant 9.99999993E+36 : f32
    %broadcast_in_dim3A_295 = vector.broadcast %jit3A_294 : f32 to vector<2048x128xf32>
    %select_n3A_296 = arith.select %eq3A_285, %broadcast_in_dim3A_295, %select_n3A_244 : vector<2048x128xi1>, vector<2048x128xf32>
    %reduce_min3A_297 = arith.constant dense<0x7F800000> : vector<128xf32>
    %reduce_min3A_298 = vector.multi_reduction <minimumf>, %select_n3A_296, %reduce_min3A_297 [0] : vector<2048x128xf32> to vector<128xf32>
    %broadcast_in_dim3A_299 = vector.shape_cast %reduce_min3A_298 : vector<128xf32> to vector<1x128xf32>
    %eq3A_300 = vector.broadcast %broadcast_in_dim3A_299 : vector<1x128xf32> to vector<2048x128xf32>
    %eq3A_301 = arith.cmpf oeq, %select_n3A_296, %eq3A_300 : vector<2048x128xf32>
    %jit3A_302 = arith.constant 1073741824 : i32
    %broadcast_in_dim3A_303 = vector.broadcast %jit3A_302 : i32 to vector<2048x128xi32>
    %select_n3A_304 = arith.select %eq3A_301, %iota3A_26, %broadcast_in_dim3A_303 : vector<2048x128xi1>, vector<2048x128xi32>
    %reduce_min3A_305 = arith.constant dense<2147483647> : vector<128xi32>
    %reduce_min3A_306 = vector.multi_reduction <minsi>, %select_n3A_304, %reduce_min3A_305 [0] : vector<2048x128xi32> to vector<128xi32>
    %broadcast_in_dim3A_307 = vector.shape_cast %reduce_min3A_306 : vector<128xi32> to vector<1x128xi32>
    %eq3A_308 = vector.broadcast %broadcast_in_dim3A_307 : vector<1x128xi32> to vector<2048x128xi32>
    %eq3A_309 = arith.cmpi eq, %iota3A_26, %eq3A_308 : vector<2048x128xi32>
    %add3A_310 = vector.broadcast %mul3A_0 : i32 to vector<1x128xi32>
    %add3A_311 = arith.addi %broadcast_in_dim3A_307, %add3A_310 : vector<1x128xi32>
    %jit3A_312 = arith.constant 0.000000e+00 : f32
    %broadcast_in_dim3A_313 = vector.broadcast %jit3A_312 : f32 to vector<2048x128xf32>
    %select_n3A_314 = arith.select %eq3A_309, %select_n3A_170, %broadcast_in_dim3A_313 : vector<2048x128xi1>, vector<2048x128xf32>
    %reduce_sum3A_315 = arith.constant dense<0.000000e+00> : vector<128xf32>
    %reduce_sum3A_316 = vector.multi_reduction <add>, %select_n3A_314, %reduce_sum3A_315 [0] : vector<2048x128xf32> to vector<128xf32>
    %broadcast_in_dim3A_317 = vector.shape_cast %reduce_sum3A_316 : vector<128xf32> to vector<1x128xf32>
    %jit3A_318 = arith.constant 9.99999993E+36 : f32
    %broadcast_in_dim3A_319 = vector.broadcast %jit3A_318 : f32 to vector<2048x128xf32>
    %select_n3A_320 = arith.select %eq3A_309, %broadcast_in_dim3A_319, %select_n3A_296 : vector<2048x128xi1>, vector<2048x128xf32>
    %reduce_min3A_321 = arith.constant dense<0x7F800000> : vector<128xf32>
    %reduce_min3A_322 = vector.multi_reduction <minimumf>, %select_n3A_320, %reduce_min3A_321 [0] : vector<2048x128xf32> to vector<128xf32>
    %broadcast_in_dim3A_323 = vector.shape_cast %reduce_min3A_322 : vector<128xf32> to vector<1x128xf32>
    %eq3A_324 = vector.broadcast %broadcast_in_dim3A_323 : vector<1x128xf32> to vector<2048x128xf32>
    %eq3A_325 = arith.cmpf oeq, %select_n3A_320, %eq3A_324 : vector<2048x128xf32>
    %jit3A_326 = arith.constant 1073741824 : i32
    %broadcast_in_dim3A_327 = vector.broadcast %jit3A_326 : i32 to vector<2048x128xi32>
    %select_n3A_328 = arith.select %eq3A_325, %iota3A_26, %broadcast_in_dim3A_327 : vector<2048x128xi1>, vector<2048x128xi32>
    %reduce_min3A_329 = arith.constant dense<2147483647> : vector<128xi32>
    %reduce_min3A_330 = vector.multi_reduction <minsi>, %select_n3A_328, %reduce_min3A_329 [0] : vector<2048x128xi32> to vector<128xi32>
    %broadcast_in_dim3A_331 = vector.shape_cast %reduce_min3A_330 : vector<128xi32> to vector<1x128xi32>
    %eq3A_332 = vector.broadcast %broadcast_in_dim3A_331 : vector<1x128xi32> to vector<2048x128xi32>
    %eq3A_333 = arith.cmpi eq, %iota3A_26, %eq3A_332 : vector<2048x128xi32>
    %add3A_334 = vector.broadcast %mul3A_0 : i32 to vector<1x128xi32>
    %add3A_335 = arith.addi %broadcast_in_dim3A_331, %add3A_334 : vector<1x128xi32>
    %jit3A_336 = arith.constant 0.000000e+00 : f32
    %broadcast_in_dim3A_337 = vector.broadcast %jit3A_336 : f32 to vector<2048x128xf32>
    %select_n3A_338 = arith.select %eq3A_333, %select_n3A_170, %broadcast_in_dim3A_337 : vector<2048x128xi1>, vector<2048x128xf32>
    %reduce_sum3A_339 = arith.constant dense<0.000000e+00> : vector<128xf32>
    %reduce_sum3A_340 = vector.multi_reduction <add>, %select_n3A_338, %reduce_sum3A_339 [0] : vector<2048x128xf32> to vector<128xf32>
    %broadcast_in_dim3A_341 = vector.shape_cast %reduce_sum3A_340 : vector<128xf32> to vector<1x128xf32>
    %jit3A_342 = arith.constant 9.99999993E+36 : f32
    %broadcast_in_dim3A_343 = vector.broadcast %jit3A_342 : f32 to vector<2048x128xf32>
    %select_n3A_344 = arith.select %eq3A_333, %broadcast_in_dim3A_343, %select_n3A_320 : vector<2048x128xi1>, vector<2048x128xf32>
    %reduce_min3A_345 = arith.constant dense<0x7F800000> : vector<128xf32>
    %reduce_min3A_346 = vector.multi_reduction <minimumf>, %select_n3A_344, %reduce_min3A_345 [0] : vector<2048x128xf32> to vector<128xf32>
    %broadcast_in_dim3A_347 = vector.shape_cast %reduce_min3A_346 : vector<128xf32> to vector<1x128xf32>
    %eq3A_348 = vector.broadcast %broadcast_in_dim3A_347 : vector<1x128xf32> to vector<2048x128xf32>
    %eq3A_349 = arith.cmpf oeq, %select_n3A_344, %eq3A_348 : vector<2048x128xf32>
    %jit3A_350 = arith.constant 1073741824 : i32
    %broadcast_in_dim3A_351 = vector.broadcast %jit3A_350 : i32 to vector<2048x128xi32>
    %select_n3A_352 = arith.select %eq3A_349, %iota3A_26, %broadcast_in_dim3A_351 : vector<2048x128xi1>, vector<2048x128xi32>
    %reduce_min3A_353 = arith.constant dense<2147483647> : vector<128xi32>
    %reduce_min3A_354 = vector.multi_reduction <minsi>, %select_n3A_352, %reduce_min3A_353 [0] : vector<2048x128xi32> to vector<128xi32>
    %broadcast_in_dim3A_355 = vector.shape_cast %reduce_min3A_354 : vector<128xi32> to vector<1x128xi32>
    %eq3A_356 = vector.broadcast %broadcast_in_dim3A_355 : vector<1x128xi32> to vector<2048x128xi32>
    %eq3A_357 = arith.cmpi eq, %iota3A_26, %eq3A_356 : vector<2048x128xi32>
    %add3A_358 = vector.broadcast %mul3A_0 : i32 to vector<1x128xi32>
    %add3A_359 = arith.addi %broadcast_in_dim3A_355, %add3A_358 : vector<1x128xi32>
    %jit3A_360 = arith.constant 0.000000e+00 : f32
    %broadcast_in_dim3A_361 = vector.broadcast %jit3A_360 : f32 to vector<2048x128xf32>
    %select_n3A_362 = arith.select %eq3A_357, %select_n3A_170, %broadcast_in_dim3A_361 : vector<2048x128xi1>, vector<2048x128xf32>
    %reduce_sum3A_363 = arith.constant dense<0.000000e+00> : vector<128xf32>
    %reduce_sum3A_364 = vector.multi_reduction <add>, %select_n3A_362, %reduce_sum3A_363 [0] : vector<2048x128xf32> to vector<128xf32>
    %broadcast_in_dim3A_365 = vector.shape_cast %reduce_sum3A_364 : vector<128xf32> to vector<1x128xf32>
    %jit3A_366 = arith.constant 9.99999993E+36 : f32
    %broadcast_in_dim3A_367 = vector.broadcast %jit3A_366 : f32 to vector<2048x128xf32>
    %select_n3A_368 = arith.select %eq3A_357, %broadcast_in_dim3A_367, %select_n3A_344 : vector<2048x128xi1>, vector<2048x128xf32>
    %reduce_min3A_369 = arith.constant dense<0x7F800000> : vector<128xf32>
    %reduce_min3A_370 = vector.multi_reduction <minimumf>, %select_n3A_368, %reduce_min3A_369 [0] : vector<2048x128xf32> to vector<128xf32>
    %broadcast_in_dim3A_371 = vector.shape_cast %reduce_min3A_370 : vector<128xf32> to vector<1x128xf32>
    %eq3A_372 = vector.broadcast %broadcast_in_dim3A_371 : vector<1x128xf32> to vector<2048x128xf32>
    %eq3A_373 = arith.cmpf oeq, %select_n3A_368, %eq3A_372 : vector<2048x128xf32>
    %jit3A_374 = arith.constant 1073741824 : i32
    %broadcast_in_dim3A_375 = vector.broadcast %jit3A_374 : i32 to vector<2048x128xi32>
    %select_n3A_376 = arith.select %eq3A_373, %iota3A_26, %broadcast_in_dim3A_375 : vector<2048x128xi1>, vector<2048x128xi32>
    %reduce_min3A_377 = arith.constant dense<2147483647> : vector<128xi32>
    %reduce_min3A_378 = vector.multi_reduction <minsi>, %select_n3A_376, %reduce_min3A_377 [0] : vector<2048x128xi32> to vector<128xi32>
    %broadcast_in_dim3A_379 = vector.shape_cast %reduce_min3A_378 : vector<128xi32> to vector<1x128xi32>
    %eq3A_380 = vector.broadcast %broadcast_in_dim3A_379 : vector<1x128xi32> to vector<2048x128xi32>
    %eq3A_381 = arith.cmpi eq, %iota3A_26, %eq3A_380 : vector<2048x128xi32>
    %add3A_382 = vector.broadcast %mul3A_0 : i32 to vector<1x128xi32>
    %add3A_383 = arith.addi %broadcast_in_dim3A_379, %add3A_382 : vector<1x128xi32>
    %jit3A_384 = arith.constant 0.000000e+00 : f32
    %broadcast_in_dim3A_385 = vector.broadcast %jit3A_384 : f32 to vector<2048x128xf32>
    %select_n3A_386 = arith.select %eq3A_381, %select_n3A_170, %broadcast_in_dim3A_385 : vector<2048x128xi1>, vector<2048x128xf32>
    %reduce_sum3A_387 = arith.constant dense<0.000000e+00> : vector<128xf32>
    %reduce_sum3A_388 = vector.multi_reduction <add>, %select_n3A_386, %reduce_sum3A_387 [0] : vector<2048x128xf32> to vector<128xf32>
    %broadcast_in_dim3A_389 = vector.shape_cast %reduce_sum3A_388 : vector<128xf32> to vector<1x128xf32>
    %jit3A_390 = arith.constant 9.99999993E+36 : f32
    %broadcast_in_dim3A_391 = vector.broadcast %jit3A_390 : f32 to vector<2048x128xf32>
    %select_n3A_392 = arith.select %eq3A_381, %broadcast_in_dim3A_391, %select_n3A_368 : vector<2048x128xi1>, vector<2048x128xf32>
    %reduce_min3A_393 = arith.constant dense<0x7F800000> : vector<128xf32>
    %reduce_min3A_394 = vector.multi_reduction <minimumf>, %select_n3A_392, %reduce_min3A_393 [0] : vector<2048x128xf32> to vector<128xf32>
    %broadcast_in_dim3A_395 = vector.shape_cast %reduce_min3A_394 : vector<128xf32> to vector<1x128xf32>
    %eq3A_396 = vector.broadcast %broadcast_in_dim3A_395 : vector<1x128xf32> to vector<2048x128xf32>
    %eq3A_397 = arith.cmpf oeq, %select_n3A_392, %eq3A_396 : vector<2048x128xf32>
    %jit3A_398 = arith.constant 1073741824 : i32
    %broadcast_in_dim3A_399 = vector.broadcast %jit3A_398 : i32 to vector<2048x128xi32>
    %select_n3A_400 = arith.select %eq3A_397, %iota3A_26, %broadcast_in_dim3A_399 : vector<2048x128xi1>, vector<2048x128xi32>
    %reduce_min3A_401 = arith.constant dense<2147483647> : vector<128xi32>
    %reduce_min3A_402 = vector.multi_reduction <minsi>, %select_n3A_400, %reduce_min3A_401 [0] : vector<2048x128xi32> to vector<128xi32>
    %broadcast_in_dim3A_403 = vector.shape_cast %reduce_min3A_402 : vector<128xi32> to vector<1x128xi32>
    %eq3A_404 = vector.broadcast %broadcast_in_dim3A_403 : vector<1x128xi32> to vector<2048x128xi32>
    %eq3A_405 = arith.cmpi eq, %iota3A_26, %eq3A_404 : vector<2048x128xi32>
    %add3A_406 = vector.broadcast %mul3A_0 : i32 to vector<1x128xi32>
    %add3A_407 = arith.addi %broadcast_in_dim3A_403, %add3A_406 : vector<1x128xi32>
    %jit3A_408 = arith.constant 0.000000e+00 : f32
    %broadcast_in_dim3A_409 = vector.broadcast %jit3A_408 : f32 to vector<2048x128xf32>
    %select_n3A_410 = arith.select %eq3A_405, %select_n3A_170, %broadcast_in_dim3A_409 : vector<2048x128xi1>, vector<2048x128xf32>
    %reduce_sum3A_411 = arith.constant dense<0.000000e+00> : vector<128xf32>
    %reduce_sum3A_412 = vector.multi_reduction <add>, %select_n3A_410, %reduce_sum3A_411 [0] : vector<2048x128xf32> to vector<128xf32>
    %broadcast_in_dim3A_413 = vector.shape_cast %reduce_sum3A_412 : vector<128xf32> to vector<1x128xf32>
    %jit3A_414 = arith.constant 9.99999993E+36 : f32
    %broadcast_in_dim3A_415 = vector.broadcast %jit3A_414 : f32 to vector<2048x128xf32>
    %select_n3A_416 = arith.select %eq3A_405, %broadcast_in_dim3A_415, %select_n3A_392 : vector<2048x128xi1>, vector<2048x128xf32>
    %reduce_min3A_417 = arith.constant dense<0x7F800000> : vector<128xf32>
    %reduce_min3A_418 = vector.multi_reduction <minimumf>, %select_n3A_416, %reduce_min3A_417 [0] : vector<2048x128xf32> to vector<128xf32>
    %broadcast_in_dim3A_419 = vector.shape_cast %reduce_min3A_418 : vector<128xf32> to vector<1x128xf32>
    %eq3A_420 = vector.broadcast %broadcast_in_dim3A_419 : vector<1x128xf32> to vector<2048x128xf32>
    %eq3A_421 = arith.cmpf oeq, %select_n3A_416, %eq3A_420 : vector<2048x128xf32>
    %jit3A_422 = arith.constant 1073741824 : i32
    %broadcast_in_dim3A_423 = vector.broadcast %jit3A_422 : i32 to vector<2048x128xi32>
    %select_n3A_424 = arith.select %eq3A_421, %iota3A_26, %broadcast_in_dim3A_423 : vector<2048x128xi1>, vector<2048x128xi32>
    %reduce_min3A_425 = arith.constant dense<2147483647> : vector<128xi32>
    %reduce_min3A_426 = vector.multi_reduction <minsi>, %select_n3A_424, %reduce_min3A_425 [0] : vector<2048x128xi32> to vector<128xi32>
    %broadcast_in_dim3A_427 = vector.shape_cast %reduce_min3A_426 : vector<128xi32> to vector<1x128xi32>
    %eq3A_428 = vector.broadcast %broadcast_in_dim3A_427 : vector<1x128xi32> to vector<2048x128xi32>
    %eq3A_429 = arith.cmpi eq, %iota3A_26, %eq3A_428 : vector<2048x128xi32>
    %add3A_430 = vector.broadcast %mul3A_0 : i32 to vector<1x128xi32>
    %add3A_431 = arith.addi %broadcast_in_dim3A_427, %add3A_430 : vector<1x128xi32>
    %jit3A_432 = arith.constant 0.000000e+00 : f32
    %broadcast_in_dim3A_433 = vector.broadcast %jit3A_432 : f32 to vector<2048x128xf32>
    %select_n3A_434 = arith.select %eq3A_429, %select_n3A_170, %broadcast_in_dim3A_433 : vector<2048x128xi1>, vector<2048x128xf32>
    %reduce_sum3A_435 = arith.constant dense<0.000000e+00> : vector<128xf32>
    %reduce_sum3A_436 = vector.multi_reduction <add>, %select_n3A_434, %reduce_sum3A_435 [0] : vector<2048x128xf32> to vector<128xf32>
    %broadcast_in_dim3A_437 = vector.shape_cast %reduce_sum3A_436 : vector<128xf32> to vector<1x128xf32>
    %jit3A_438 = arith.constant 9.99999993E+36 : f32
    %broadcast_in_dim3A_439 = vector.broadcast %jit3A_438 : f32 to vector<2048x128xf32>
    %select_n3A_440 = arith.select %eq3A_429, %broadcast_in_dim3A_439, %select_n3A_416 : vector<2048x128xi1>, vector<2048x128xf32>
    %reduce_min3A_441 = arith.constant dense<0x7F800000> : vector<128xf32>
    %reduce_min3A_442 = vector.multi_reduction <minimumf>, %select_n3A_440, %reduce_min3A_441 [0] : vector<2048x128xf32> to vector<128xf32>
    %broadcast_in_dim3A_443 = vector.shape_cast %reduce_min3A_442 : vector<128xf32> to vector<1x128xf32>
    %eq3A_444 = vector.broadcast %broadcast_in_dim3A_443 : vector<1x128xf32> to vector<2048x128xf32>
    %eq3A_445 = arith.cmpf oeq, %select_n3A_440, %eq3A_444 : vector<2048x128xf32>
    %jit3A_446 = arith.constant 1073741824 : i32
    %broadcast_in_dim3A_447 = vector.broadcast %jit3A_446 : i32 to vector<2048x128xi32>
    %select_n3A_448 = arith.select %eq3A_445, %iota3A_26, %broadcast_in_dim3A_447 : vector<2048x128xi1>, vector<2048x128xi32>
    %reduce_min3A_449 = arith.constant dense<2147483647> : vector<128xi32>
    %reduce_min3A_450 = vector.multi_reduction <minsi>, %select_n3A_448, %reduce_min3A_449 [0] : vector<2048x128xi32> to vector<128xi32>
    %broadcast_in_dim3A_451 = vector.shape_cast %reduce_min3A_450 : vector<128xi32> to vector<1x128xi32>
    %eq3A_452 = vector.broadcast %broadcast_in_dim3A_451 : vector<1x128xi32> to vector<2048x128xi32>
    %eq3A_453 = arith.cmpi eq, %iota3A_26, %eq3A_452 : vector<2048x128xi32>
    %add3A_454 = vector.broadcast %mul3A_0 : i32 to vector<1x128xi32>
    %add3A_455 = arith.addi %broadcast_in_dim3A_451, %add3A_454 : vector<1x128xi32>
    %jit3A_456 = arith.constant 0.000000e+00 : f32
    %broadcast_in_dim3A_457 = vector.broadcast %jit3A_456 : f32 to vector<2048x128xf32>
    %select_n3A_458 = arith.select %eq3A_453, %select_n3A_170, %broadcast_in_dim3A_457 : vector<2048x128xi1>, vector<2048x128xf32>
    %reduce_sum3A_459 = arith.constant dense<0.000000e+00> : vector<128xf32>
    %reduce_sum3A_460 = vector.multi_reduction <add>, %select_n3A_458, %reduce_sum3A_459 [0] : vector<2048x128xf32> to vector<128xf32>
    %broadcast_in_dim3A_461 = vector.shape_cast %reduce_sum3A_460 : vector<128xf32> to vector<1x128xf32>
    %jit3A_462 = arith.constant 9.99999993E+36 : f32
    %broadcast_in_dim3A_463 = vector.broadcast %jit3A_462 : f32 to vector<2048x128xf32>
    %select_n3A_464 = arith.select %eq3A_453, %broadcast_in_dim3A_463, %select_n3A_440 : vector<2048x128xi1>, vector<2048x128xf32>
    %reduce_min3A_465 = arith.constant dense<0x7F800000> : vector<128xf32>
    %reduce_min3A_466 = vector.multi_reduction <minimumf>, %select_n3A_464, %reduce_min3A_465 [0] : vector<2048x128xf32> to vector<128xf32>
    %broadcast_in_dim3A_467 = vector.shape_cast %reduce_min3A_466 : vector<128xf32> to vector<1x128xf32>
    %eq3A_468 = vector.broadcast %broadcast_in_dim3A_467 : vector<1x128xf32> to vector<2048x128xf32>
    %eq3A_469 = arith.cmpf oeq, %select_n3A_464, %eq3A_468 : vector<2048x128xf32>
    %jit3A_470 = arith.constant 1073741824 : i32
    %broadcast_in_dim3A_471 = vector.broadcast %jit3A_470 : i32 to vector<2048x128xi32>
    %select_n3A_472 = arith.select %eq3A_469, %iota3A_26, %broadcast_in_dim3A_471 : vector<2048x128xi1>, vector<2048x128xi32>
    %reduce_min3A_473 = arith.constant dense<2147483647> : vector<128xi32>
    %reduce_min3A_474 = vector.multi_reduction <minsi>, %select_n3A_472, %reduce_min3A_473 [0] : vector<2048x128xi32> to vector<128xi32>
    %broadcast_in_dim3A_475 = vector.shape_cast %reduce_min3A_474 : vector<128xi32> to vector<1x128xi32>
    %eq3A_476 = vector.broadcast %broadcast_in_dim3A_475 : vector<1x128xi32> to vector<2048x128xi32>
    %eq3A_477 = arith.cmpi eq, %iota3A_26, %eq3A_476 : vector<2048x128xi32>
    %add3A_478 = vector.broadcast %mul3A_0 : i32 to vector<1x128xi32>
    %add3A_479 = arith.addi %broadcast_in_dim3A_475, %add3A_478 : vector<1x128xi32>
    %jit3A_480 = arith.constant 0.000000e+00 : f32
    %broadcast_in_dim3A_481 = vector.broadcast %jit3A_480 : f32 to vector<2048x128xf32>
    %select_n3A_482 = arith.select %eq3A_477, %select_n3A_170, %broadcast_in_dim3A_481 : vector<2048x128xi1>, vector<2048x128xf32>
    %reduce_sum3A_483 = arith.constant dense<0.000000e+00> : vector<128xf32>
    %reduce_sum3A_484 = vector.multi_reduction <add>, %select_n3A_482, %reduce_sum3A_483 [0] : vector<2048x128xf32> to vector<128xf32>
    %broadcast_in_dim3A_485 = vector.shape_cast %reduce_sum3A_484 : vector<128xf32> to vector<1x128xf32>
    %jit3A_486 = arith.constant 9.99999993E+36 : f32
    %broadcast_in_dim3A_487 = vector.broadcast %jit3A_486 : f32 to vector<2048x128xf32>
    %select_n3A_488 = arith.select %eq3A_477, %broadcast_in_dim3A_487, %select_n3A_464 : vector<2048x128xi1>, vector<2048x128xf32>
    %reduce_min3A_489 = arith.constant dense<0x7F800000> : vector<128xf32>
    %reduce_min3A_490 = vector.multi_reduction <minimumf>, %select_n3A_488, %reduce_min3A_489 [0] : vector<2048x128xf32> to vector<128xf32>
    %broadcast_in_dim3A_491 = vector.shape_cast %reduce_min3A_490 : vector<128xf32> to vector<1x128xf32>
    %eq3A_492 = vector.broadcast %broadcast_in_dim3A_491 : vector<1x128xf32> to vector<2048x128xf32>
    %eq3A_493 = arith.cmpf oeq, %select_n3A_488, %eq3A_492 : vector<2048x128xf32>
    %jit3A_494 = arith.constant 1073741824 : i32
    %broadcast_in_dim3A_495 = vector.broadcast %jit3A_494 : i32 to vector<2048x128xi32>
    %select_n3A_496 = arith.select %eq3A_493, %iota3A_26, %broadcast_in_dim3A_495 : vector<2048x128xi1>, vector<2048x128xi32>
    %reduce_min3A_497 = arith.constant dense<2147483647> : vector<128xi32>
    %reduce_min3A_498 = vector.multi_reduction <minsi>, %select_n3A_496, %reduce_min3A_497 [0] : vector<2048x128xi32> to vector<128xi32>
    %broadcast_in_dim3A_499 = vector.shape_cast %reduce_min3A_498 : vector<128xi32> to vector<1x128xi32>
    %eq3A_500 = vector.broadcast %broadcast_in_dim3A_499 : vector<1x128xi32> to vector<2048x128xi32>
    %eq3A_501 = arith.cmpi eq, %iota3A_26, %eq3A_500 : vector<2048x128xi32>
    %add3A_502 = vector.broadcast %mul3A_0 : i32 to vector<1x128xi32>
    %add3A_503 = arith.addi %broadcast_in_dim3A_499, %add3A_502 : vector<1x128xi32>
    %jit3A_504 = arith.constant 0.000000e+00 : f32
    %broadcast_in_dim3A_505 = vector.broadcast %jit3A_504 : f32 to vector<2048x128xf32>
    %select_n3A_506 = arith.select %eq3A_501, %select_n3A_170, %broadcast_in_dim3A_505 : vector<2048x128xi1>, vector<2048x128xf32>
    %reduce_sum3A_507 = arith.constant dense<0.000000e+00> : vector<128xf32>
    %reduce_sum3A_508 = vector.multi_reduction <add>, %select_n3A_506, %reduce_sum3A_507 [0] : vector<2048x128xf32> to vector<128xf32>
    %broadcast_in_dim3A_509 = vector.shape_cast %reduce_sum3A_508 : vector<128xf32> to vector<1x128xf32>
    %concatenate3A = tpu.concatenate %broadcast_in_dim3A_275, %broadcast_in_dim3A_299, %broadcast_in_dim3A_323, %broadcast_in_dim3A_347, %broadcast_in_dim3A_371, %broadcast_in_dim3A_395, %broadcast_in_dim3A_419, %broadcast_in_dim3A_443, %broadcast_in_dim3A_467, %broadcast_in_dim3A_491 in 0 : vector<1x128xf32>, vector<1x128xf32>, vector<1x128xf32>, vector<1x128xf32>, vector<1x128xf32>, vector<1x128xf32>, vector<1x128xf32>, vector<1x128xf32>, vector<1x128xf32>, vector<1x128xf32> -> vector<10x128xf32>
    %concatenate3A_510 = tpu.concatenate %add3A_287, %add3A_311, %add3A_335, %add3A_359, %add3A_383, %add3A_407, %add3A_431, %add3A_455, %add3A_479, %add3A_503 in 0 : vector<1x128xi32>, vector<1x128xi32>, vector<1x128xi32>, vector<1x128xi32>, vector<1x128xi32>, vector<1x128xi32>, vector<1x128xi32>, vector<1x128xi32>, vector<1x128xi32>, vector<1x128xi32> -> vector<10x128xi32>
    %concatenate3A_511 = tpu.concatenate %broadcast_in_dim3A_293, %broadcast_in_dim3A_317, %broadcast_in_dim3A_341, %broadcast_in_dim3A_365, %broadcast_in_dim3A_389, %broadcast_in_dim3A_413, %broadcast_in_dim3A_437, %broadcast_in_dim3A_461, %broadcast_in_dim3A_485, %broadcast_in_dim3A_509 in 0 : vector<1x128xf32>, vector<1x128xf32>, vector<1x128xf32>, vector<1x128xf32>, vector<1x128xf32>, vector<1x128xf32>, vector<1x128xf32>, vector<1x128xf32>, vector<1x128xf32>, vector<1x128xf32> -> vector<10x128xf32>
    %get3A_512 = arith.constant 0 : index
    %get3A_513 = arith.constant 0 : index
    %get3A_514 = vector.load %arg8[%get3A_512, %get3A_513] : memref<10x128xf32, #tpu.memory_space<vmem>>, vector<10x128xf32>
    %concatenate3A_515 = tpu.concatenate %get3A_514, %concatenate3A in 0 : vector<10x128xf32>, vector<10x128xf32> -> vector<20x128xf32>
    %get3A_516 = arith.constant 0 : index
    %get3A_517 = arith.constant 0 : index
    %get3A_518 = vector.load %arg9[%get3A_516, %get3A_517] : memref<10x128xi32, #tpu.memory_space<vmem>>, vector<10x128xi32>
    %concatenate3A_519 = tpu.concatenate %get3A_518, %concatenate3A_510 in 0 : vector<10x128xi32>, vector<10x128xi32> -> vector<20x128xi32>
    %get3A_520 = arith.constant 0 : index
    %get3A_521 = arith.constant 0 : index
    %get3A_522 = vector.load %arg10[%get3A_520, %get3A_521] : memref<10x128xf32, #tpu.memory_space<vmem>>, vector<10x128xf32>
    %concatenate3A_523 = tpu.concatenate %get3A_522, %concatenate3A_511 in 0 : vector<10x128xf32>, vector<10x128xf32> -> vector<20x128xf32>
    %reduce_min3A_524 = arith.constant dense<0x7F800000> : vector<128xf32>
    %reduce_min3A_525 = vector.multi_reduction <minimumf>, %concatenate3A_515, %reduce_min3A_524 [0] : vector<20x128xf32> to vector<128xf32>
    %broadcast_in_dim3A_526 = vector.shape_cast %reduce_min3A_525 : vector<128xf32> to vector<1x128xf32>
    %eq3A_527 = vector.broadcast %broadcast_in_dim3A_526 : vector<1x128xf32> to vector<20x128xf32>
    %eq3A_528 = arith.cmpf oeq, %concatenate3A_515, %eq3A_527 : vector<20x128xf32>
    %jit3A_529 = arith.constant 1073741824 : i32
    %broadcast_in_dim3A_530 = vector.broadcast %jit3A_529 : i32 to vector<20x128xi32>
    %select_n3A_531 = arith.select %eq3A_528, %concatenate3A_519, %broadcast_in_dim3A_530 : vector<20x128xi1>, vector<20x128xi32>
    %reduce_min3A_532 = arith.constant dense<2147483647> : vector<128xi32>
    %reduce_min3A_533 = vector.multi_reduction <minsi>, %select_n3A_531, %reduce_min3A_532 [0] : vector<20x128xi32> to vector<128xi32>
    %broadcast_in_dim3A_534 = vector.shape_cast %reduce_min3A_533 : vector<128xi32> to vector<1x128xi32>
    %eq3A_535 = vector.broadcast %broadcast_in_dim3A_534 : vector<1x128xi32> to vector<20x128xi32>
    %eq3A_536 = arith.cmpi eq, %concatenate3A_519, %eq3A_535 : vector<20x128xi32>
    %and3A_537 = arith.andi %eq3A_528, %eq3A_536 : vector<20x128xi1>
    %jit3A_538 = arith.constant 0.000000e+00 : f32
    %broadcast_in_dim3A_539 = vector.broadcast %jit3A_538 : f32 to vector<20x128xf32>
    %select_n3A_540 = arith.select %and3A_537, %concatenate3A_523, %broadcast_in_dim3A_539 : vector<20x128xi1>, vector<20x128xf32>
    %reduce_sum3A_541 = arith.constant dense<0.000000e+00> : vector<128xf32>
    %reduce_sum3A_542 = vector.multi_reduction <add>, %select_n3A_540, %reduce_sum3A_541 [0] : vector<20x128xf32> to vector<128xf32>
    %broadcast_in_dim3A_543 = vector.shape_cast %reduce_sum3A_542 : vector<128xf32> to vector<1x128xf32>
    %jit3A_544 = arith.constant 9.99999993E+36 : f32
    %broadcast_in_dim3A_545 = vector.broadcast %jit3A_544 : f32 to vector<20x128xf32>
    %select_n3A_546 = arith.select %and3A_537, %broadcast_in_dim3A_545, %concatenate3A_515 : vector<20x128xi1>, vector<20x128xf32>
    %reduce_min3A_547 = arith.constant dense<0x7F800000> : vector<128xf32>
    %reduce_min3A_548 = vector.multi_reduction <minimumf>, %select_n3A_546, %reduce_min3A_547 [0] : vector<20x128xf32> to vector<128xf32>
    %broadcast_in_dim3A_549 = vector.shape_cast %reduce_min3A_548 : vector<128xf32> to vector<1x128xf32>
    %eq3A_550 = vector.broadcast %broadcast_in_dim3A_549 : vector<1x128xf32> to vector<20x128xf32>
    %eq3A_551 = arith.cmpf oeq, %select_n3A_546, %eq3A_550 : vector<20x128xf32>
    %jit3A_552 = arith.constant 1073741824 : i32
    %broadcast_in_dim3A_553 = vector.broadcast %jit3A_552 : i32 to vector<20x128xi32>
    %select_n3A_554 = arith.select %eq3A_551, %concatenate3A_519, %broadcast_in_dim3A_553 : vector<20x128xi1>, vector<20x128xi32>
    %reduce_min3A_555 = arith.constant dense<2147483647> : vector<128xi32>
    %reduce_min3A_556 = vector.multi_reduction <minsi>, %select_n3A_554, %reduce_min3A_555 [0] : vector<20x128xi32> to vector<128xi32>
    %broadcast_in_dim3A_557 = vector.shape_cast %reduce_min3A_556 : vector<128xi32> to vector<1x128xi32>
    %eq3A_558 = vector.broadcast %broadcast_in_dim3A_557 : vector<1x128xi32> to vector<20x128xi32>
    %eq3A_559 = arith.cmpi eq, %concatenate3A_519, %eq3A_558 : vector<20x128xi32>
    %and3A_560 = arith.andi %eq3A_551, %eq3A_559 : vector<20x128xi1>
    %jit3A_561 = arith.constant 0.000000e+00 : f32
    %broadcast_in_dim3A_562 = vector.broadcast %jit3A_561 : f32 to vector<20x128xf32>
    %select_n3A_563 = arith.select %and3A_560, %concatenate3A_523, %broadcast_in_dim3A_562 : vector<20x128xi1>, vector<20x128xf32>
    %reduce_sum3A_564 = arith.constant dense<0.000000e+00> : vector<128xf32>
    %reduce_sum3A_565 = vector.multi_reduction <add>, %select_n3A_563, %reduce_sum3A_564 [0] : vector<20x128xf32> to vector<128xf32>
    %broadcast_in_dim3A_566 = vector.shape_cast %reduce_sum3A_565 : vector<128xf32> to vector<1x128xf32>
    %jit3A_567 = arith.constant 9.99999993E+36 : f32
    %broadcast_in_dim3A_568 = vector.broadcast %jit3A_567 : f32 to vector<20x128xf32>
    %select_n3A_569 = arith.select %and3A_560, %broadcast_in_dim3A_568, %select_n3A_546 : vector<20x128xi1>, vector<20x128xf32>
    %reduce_min3A_570 = arith.constant dense<0x7F800000> : vector<128xf32>
    %reduce_min3A_571 = vector.multi_reduction <minimumf>, %select_n3A_569, %reduce_min3A_570 [0] : vector<20x128xf32> to vector<128xf32>
    %broadcast_in_dim3A_572 = vector.shape_cast %reduce_min3A_571 : vector<128xf32> to vector<1x128xf32>
    %eq3A_573 = vector.broadcast %broadcast_in_dim3A_572 : vector<1x128xf32> to vector<20x128xf32>
    %eq3A_574 = arith.cmpf oeq, %select_n3A_569, %eq3A_573 : vector<20x128xf32>
    %jit3A_575 = arith.constant 1073741824 : i32
    %broadcast_in_dim3A_576 = vector.broadcast %jit3A_575 : i32 to vector<20x128xi32>
    %select_n3A_577 = arith.select %eq3A_574, %concatenate3A_519, %broadcast_in_dim3A_576 : vector<20x128xi1>, vector<20x128xi32>
    %reduce_min3A_578 = arith.constant dense<2147483647> : vector<128xi32>
    %reduce_min3A_579 = vector.multi_reduction <minsi>, %select_n3A_577, %reduce_min3A_578 [0] : vector<20x128xi32> to vector<128xi32>
    %broadcast_in_dim3A_580 = vector.shape_cast %reduce_min3A_579 : vector<128xi32> to vector<1x128xi32>
    %eq3A_581 = vector.broadcast %broadcast_in_dim3A_580 : vector<1x128xi32> to vector<20x128xi32>
    %eq3A_582 = arith.cmpi eq, %concatenate3A_519, %eq3A_581 : vector<20x128xi32>
    %and3A_583 = arith.andi %eq3A_574, %eq3A_582 : vector<20x128xi1>
    %jit3A_584 = arith.constant 0.000000e+00 : f32
    %broadcast_in_dim3A_585 = vector.broadcast %jit3A_584 : f32 to vector<20x128xf32>
    %select_n3A_586 = arith.select %and3A_583, %concatenate3A_523, %broadcast_in_dim3A_585 : vector<20x128xi1>, vector<20x128xf32>
    %reduce_sum3A_587 = arith.constant dense<0.000000e+00> : vector<128xf32>
    %reduce_sum3A_588 = vector.multi_reduction <add>, %select_n3A_586, %reduce_sum3A_587 [0] : vector<20x128xf32> to vector<128xf32>
    %broadcast_in_dim3A_589 = vector.shape_cast %reduce_sum3A_588 : vector<128xf32> to vector<1x128xf32>
    %jit3A_590 = arith.constant 9.99999993E+36 : f32
    %broadcast_in_dim3A_591 = vector.broadcast %jit3A_590 : f32 to vector<20x128xf32>
    %select_n3A_592 = arith.select %and3A_583, %broadcast_in_dim3A_591, %select_n3A_569 : vector<20x128xi1>, vector<20x128xf32>
    %reduce_min3A_593 = arith.constant dense<0x7F800000> : vector<128xf32>
    %reduce_min3A_594 = vector.multi_reduction <minimumf>, %select_n3A_592, %reduce_min3A_593 [0] : vector<20x128xf32> to vector<128xf32>
    %broadcast_in_dim3A_595 = vector.shape_cast %reduce_min3A_594 : vector<128xf32> to vector<1x128xf32>
    %eq3A_596 = vector.broadcast %broadcast_in_dim3A_595 : vector<1x128xf32> to vector<20x128xf32>
    %eq3A_597 = arith.cmpf oeq, %select_n3A_592, %eq3A_596 : vector<20x128xf32>
    %jit3A_598 = arith.constant 1073741824 : i32
    %broadcast_in_dim3A_599 = vector.broadcast %jit3A_598 : i32 to vector<20x128xi32>
    %select_n3A_600 = arith.select %eq3A_597, %concatenate3A_519, %broadcast_in_dim3A_599 : vector<20x128xi1>, vector<20x128xi32>
    %reduce_min3A_601 = arith.constant dense<2147483647> : vector<128xi32>
    %reduce_min3A_602 = vector.multi_reduction <minsi>, %select_n3A_600, %reduce_min3A_601 [0] : vector<20x128xi32> to vector<128xi32>
    %broadcast_in_dim3A_603 = vector.shape_cast %reduce_min3A_602 : vector<128xi32> to vector<1x128xi32>
    %eq3A_604 = vector.broadcast %broadcast_in_dim3A_603 : vector<1x128xi32> to vector<20x128xi32>
    %eq3A_605 = arith.cmpi eq, %concatenate3A_519, %eq3A_604 : vector<20x128xi32>
    %and3A_606 = arith.andi %eq3A_597, %eq3A_605 : vector<20x128xi1>
    %jit3A_607 = arith.constant 0.000000e+00 : f32
    %broadcast_in_dim3A_608 = vector.broadcast %jit3A_607 : f32 to vector<20x128xf32>
    %select_n3A_609 = arith.select %and3A_606, %concatenate3A_523, %broadcast_in_dim3A_608 : vector<20x128xi1>, vector<20x128xf32>
    %reduce_sum3A_610 = arith.constant dense<0.000000e+00> : vector<128xf32>
    %reduce_sum3A_611 = vector.multi_reduction <add>, %select_n3A_609, %reduce_sum3A_610 [0] : vector<20x128xf32> to vector<128xf32>
    %broadcast_in_dim3A_612 = vector.shape_cast %reduce_sum3A_611 : vector<128xf32> to vector<1x128xf32>
    %jit3A_613 = arith.constant 9.99999993E+36 : f32
    %broadcast_in_dim3A_614 = vector.broadcast %jit3A_613 : f32 to vector<20x128xf32>
    %select_n3A_615 = arith.select %and3A_606, %broadcast_in_dim3A_614, %select_n3A_592 : vector<20x128xi1>, vector<20x128xf32>
    %reduce_min3A_616 = arith.constant dense<0x7F800000> : vector<128xf32>
    %reduce_min3A_617 = vector.multi_reduction <minimumf>, %select_n3A_615, %reduce_min3A_616 [0] : vector<20x128xf32> to vector<128xf32>
    %broadcast_in_dim3A_618 = vector.shape_cast %reduce_min3A_617 : vector<128xf32> to vector<1x128xf32>
    %eq3A_619 = vector.broadcast %broadcast_in_dim3A_618 : vector<1x128xf32> to vector<20x128xf32>
    %eq3A_620 = arith.cmpf oeq, %select_n3A_615, %eq3A_619 : vector<20x128xf32>
    %jit3A_621 = arith.constant 1073741824 : i32
    %broadcast_in_dim3A_622 = vector.broadcast %jit3A_621 : i32 to vector<20x128xi32>
    %select_n3A_623 = arith.select %eq3A_620, %concatenate3A_519, %broadcast_in_dim3A_622 : vector<20x128xi1>, vector<20x128xi32>
    %reduce_min3A_624 = arith.constant dense<2147483647> : vector<128xi32>
    %reduce_min3A_625 = vector.multi_reduction <minsi>, %select_n3A_623, %reduce_min3A_624 [0] : vector<20x128xi32> to vector<128xi32>
    %broadcast_in_dim3A_626 = vector.shape_cast %reduce_min3A_625 : vector<128xi32> to vector<1x128xi32>
    %eq3A_627 = vector.broadcast %broadcast_in_dim3A_626 : vector<1x128xi32> to vector<20x128xi32>
    %eq3A_628 = arith.cmpi eq, %concatenate3A_519, %eq3A_627 : vector<20x128xi32>
    %and3A_629 = arith.andi %eq3A_620, %eq3A_628 : vector<20x128xi1>
    %jit3A_630 = arith.constant 0.000000e+00 : f32
    %broadcast_in_dim3A_631 = vector.broadcast %jit3A_630 : f32 to vector<20x128xf32>
    %select_n3A_632 = arith.select %and3A_629, %concatenate3A_523, %broadcast_in_dim3A_631 : vector<20x128xi1>, vector<20x128xf32>
    %reduce_sum3A_633 = arith.constant dense<0.000000e+00> : vector<128xf32>
    %reduce_sum3A_634 = vector.multi_reduction <add>, %select_n3A_632, %reduce_sum3A_633 [0] : vector<20x128xf32> to vector<128xf32>
    %broadcast_in_dim3A_635 = vector.shape_cast %reduce_sum3A_634 : vector<128xf32> to vector<1x128xf32>
    %jit3A_636 = arith.constant 9.99999993E+36 : f32
    %broadcast_in_dim3A_637 = vector.broadcast %jit3A_636 : f32 to vector<20x128xf32>
    %select_n3A_638 = arith.select %and3A_629, %broadcast_in_dim3A_637, %select_n3A_615 : vector<20x128xi1>, vector<20x128xf32>
    %reduce_min3A_639 = arith.constant dense<0x7F800000> : vector<128xf32>
    %reduce_min3A_640 = vector.multi_reduction <minimumf>, %select_n3A_638, %reduce_min3A_639 [0] : vector<20x128xf32> to vector<128xf32>
    %broadcast_in_dim3A_641 = vector.shape_cast %reduce_min3A_640 : vector<128xf32> to vector<1x128xf32>
    %eq3A_642 = vector.broadcast %broadcast_in_dim3A_641 : vector<1x128xf32> to vector<20x128xf32>
    %eq3A_643 = arith.cmpf oeq, %select_n3A_638, %eq3A_642 : vector<20x128xf32>
    %jit3A_644 = arith.constant 1073741824 : i32
    %broadcast_in_dim3A_645 = vector.broadcast %jit3A_644 : i32 to vector<20x128xi32>
    %select_n3A_646 = arith.select %eq3A_643, %concatenate3A_519, %broadcast_in_dim3A_645 : vector<20x128xi1>, vector<20x128xi32>
    %reduce_min3A_647 = arith.constant dense<2147483647> : vector<128xi32>
    %reduce_min3A_648 = vector.multi_reduction <minsi>, %select_n3A_646, %reduce_min3A_647 [0] : vector<20x128xi32> to vector<128xi32>
    %broadcast_in_dim3A_649 = vector.shape_cast %reduce_min3A_648 : vector<128xi32> to vector<1x128xi32>
    %eq3A_650 = vector.broadcast %broadcast_in_dim3A_649 : vector<1x128xi32> to vector<20x128xi32>
    %eq3A_651 = arith.cmpi eq, %concatenate3A_519, %eq3A_650 : vector<20x128xi32>
    %and3A_652 = arith.andi %eq3A_643, %eq3A_651 : vector<20x128xi1>
    %jit3A_653 = arith.constant 0.000000e+00 : f32
    %broadcast_in_dim3A_654 = vector.broadcast %jit3A_653 : f32 to vector<20x128xf32>
    %select_n3A_655 = arith.select %and3A_652, %concatenate3A_523, %broadcast_in_dim3A_654 : vector<20x128xi1>, vector<20x128xf32>
    %reduce_sum3A_656 = arith.constant dense<0.000000e+00> : vector<128xf32>
    %reduce_sum3A_657 = vector.multi_reduction <add>, %select_n3A_655, %reduce_sum3A_656 [0] : vector<20x128xf32> to vector<128xf32>
    %broadcast_in_dim3A_658 = vector.shape_cast %reduce_sum3A_657 : vector<128xf32> to vector<1x128xf32>
    %jit3A_659 = arith.constant 9.99999993E+36 : f32
    %broadcast_in_dim3A_660 = vector.broadcast %jit3A_659 : f32 to vector<20x128xf32>
    %select_n3A_661 = arith.select %and3A_652, %broadcast_in_dim3A_660, %select_n3A_638 : vector<20x128xi1>, vector<20x128xf32>
    %reduce_min3A_662 = arith.constant dense<0x7F800000> : vector<128xf32>
    %reduce_min3A_663 = vector.multi_reduction <minimumf>, %select_n3A_661, %reduce_min3A_662 [0] : vector<20x128xf32> to vector<128xf32>
    %broadcast_in_dim3A_664 = vector.shape_cast %reduce_min3A_663 : vector<128xf32> to vector<1x128xf32>
    %eq3A_665 = vector.broadcast %broadcast_in_dim3A_664 : vector<1x128xf32> to vector<20x128xf32>
    %eq3A_666 = arith.cmpf oeq, %select_n3A_661, %eq3A_665 : vector<20x128xf32>
    %jit3A_667 = arith.constant 1073741824 : i32
    %broadcast_in_dim3A_668 = vector.broadcast %jit3A_667 : i32 to vector<20x128xi32>
    %select_n3A_669 = arith.select %eq3A_666, %concatenate3A_519, %broadcast_in_dim3A_668 : vector<20x128xi1>, vector<20x128xi32>
    %reduce_min3A_670 = arith.constant dense<2147483647> : vector<128xi32>
    %reduce_min3A_671 = vector.multi_reduction <minsi>, %select_n3A_669, %reduce_min3A_670 [0] : vector<20x128xi32> to vector<128xi32>
    %broadcast_in_dim3A_672 = vector.shape_cast %reduce_min3A_671 : vector<128xi32> to vector<1x128xi32>
    %eq3A_673 = vector.broadcast %broadcast_in_dim3A_672 : vector<1x128xi32> to vector<20x128xi32>
    %eq3A_674 = arith.cmpi eq, %concatenate3A_519, %eq3A_673 : vector<20x128xi32>
    %and3A_675 = arith.andi %eq3A_666, %eq3A_674 : vector<20x128xi1>
    %jit3A_676 = arith.constant 0.000000e+00 : f32
    %broadcast_in_dim3A_677 = vector.broadcast %jit3A_676 : f32 to vector<20x128xf32>
    %select_n3A_678 = arith.select %and3A_675, %concatenate3A_523, %broadcast_in_dim3A_677 : vector<20x128xi1>, vector<20x128xf32>
    %reduce_sum3A_679 = arith.constant dense<0.000000e+00> : vector<128xf32>
    %reduce_sum3A_680 = vector.multi_reduction <add>, %select_n3A_678, %reduce_sum3A_679 [0] : vector<20x128xf32> to vector<128xf32>
    %broadcast_in_dim3A_681 = vector.shape_cast %reduce_sum3A_680 : vector<128xf32> to vector<1x128xf32>
    %jit3A_682 = arith.constant 9.99999993E+36 : f32
    %broadcast_in_dim3A_683 = vector.broadcast %jit3A_682 : f32 to vector<20x128xf32>
    %select_n3A_684 = arith.select %and3A_675, %broadcast_in_dim3A_683, %select_n3A_661 : vector<20x128xi1>, vector<20x128xf32>
    %reduce_min3A_685 = arith.constant dense<0x7F800000> : vector<128xf32>
    %reduce_min3A_686 = vector.multi_reduction <minimumf>, %select_n3A_684, %reduce_min3A_685 [0] : vector<20x128xf32> to vector<128xf32>
    %broadcast_in_dim3A_687 = vector.shape_cast %reduce_min3A_686 : vector<128xf32> to vector<1x128xf32>
    %eq3A_688 = vector.broadcast %broadcast_in_dim3A_687 : vector<1x128xf32> to vector<20x128xf32>
    %eq3A_689 = arith.cmpf oeq, %select_n3A_684, %eq3A_688 : vector<20x128xf32>
    %jit3A_690 = arith.constant 1073741824 : i32
    %broadcast_in_dim3A_691 = vector.broadcast %jit3A_690 : i32 to vector<20x128xi32>
    %select_n3A_692 = arith.select %eq3A_689, %concatenate3A_519, %broadcast_in_dim3A_691 : vector<20x128xi1>, vector<20x128xi32>
    %reduce_min3A_693 = arith.constant dense<2147483647> : vector<128xi32>
    %reduce_min3A_694 = vector.multi_reduction <minsi>, %select_n3A_692, %reduce_min3A_693 [0] : vector<20x128xi32> to vector<128xi32>
    %broadcast_in_dim3A_695 = vector.shape_cast %reduce_min3A_694 : vector<128xi32> to vector<1x128xi32>
    %eq3A_696 = vector.broadcast %broadcast_in_dim3A_695 : vector<1x128xi32> to vector<20x128xi32>
    %eq3A_697 = arith.cmpi eq, %concatenate3A_519, %eq3A_696 : vector<20x128xi32>
    %and3A_698 = arith.andi %eq3A_689, %eq3A_697 : vector<20x128xi1>
    %jit3A_699 = arith.constant 0.000000e+00 : f32
    %broadcast_in_dim3A_700 = vector.broadcast %jit3A_699 : f32 to vector<20x128xf32>
    %select_n3A_701 = arith.select %and3A_698, %concatenate3A_523, %broadcast_in_dim3A_700 : vector<20x128xi1>, vector<20x128xf32>
    %reduce_sum3A_702 = arith.constant dense<0.000000e+00> : vector<128xf32>
    %reduce_sum3A_703 = vector.multi_reduction <add>, %select_n3A_701, %reduce_sum3A_702 [0] : vector<20x128xf32> to vector<128xf32>
    %broadcast_in_dim3A_704 = vector.shape_cast %reduce_sum3A_703 : vector<128xf32> to vector<1x128xf32>
    %jit3A_705 = arith.constant 9.99999993E+36 : f32
    %broadcast_in_dim3A_706 = vector.broadcast %jit3A_705 : f32 to vector<20x128xf32>
    %select_n3A_707 = arith.select %and3A_698, %broadcast_in_dim3A_706, %select_n3A_684 : vector<20x128xi1>, vector<20x128xf32>
    %reduce_min3A_708 = arith.constant dense<0x7F800000> : vector<128xf32>
    %reduce_min3A_709 = vector.multi_reduction <minimumf>, %select_n3A_707, %reduce_min3A_708 [0] : vector<20x128xf32> to vector<128xf32>
    %broadcast_in_dim3A_710 = vector.shape_cast %reduce_min3A_709 : vector<128xf32> to vector<1x128xf32>
    %eq3A_711 = vector.broadcast %broadcast_in_dim3A_710 : vector<1x128xf32> to vector<20x128xf32>
    %eq3A_712 = arith.cmpf oeq, %select_n3A_707, %eq3A_711 : vector<20x128xf32>
    %jit3A_713 = arith.constant 1073741824 : i32
    %broadcast_in_dim3A_714 = vector.broadcast %jit3A_713 : i32 to vector<20x128xi32>
    %select_n3A_715 = arith.select %eq3A_712, %concatenate3A_519, %broadcast_in_dim3A_714 : vector<20x128xi1>, vector<20x128xi32>
    %reduce_min3A_716 = arith.constant dense<2147483647> : vector<128xi32>
    %reduce_min3A_717 = vector.multi_reduction <minsi>, %select_n3A_715, %reduce_min3A_716 [0] : vector<20x128xi32> to vector<128xi32>
    %broadcast_in_dim3A_718 = vector.shape_cast %reduce_min3A_717 : vector<128xi32> to vector<1x128xi32>
    %eq3A_719 = vector.broadcast %broadcast_in_dim3A_718 : vector<1x128xi32> to vector<20x128xi32>
    %eq3A_720 = arith.cmpi eq, %concatenate3A_519, %eq3A_719 : vector<20x128xi32>
    %and3A_721 = arith.andi %eq3A_712, %eq3A_720 : vector<20x128xi1>
    %jit3A_722 = arith.constant 0.000000e+00 : f32
    %broadcast_in_dim3A_723 = vector.broadcast %jit3A_722 : f32 to vector<20x128xf32>
    %select_n3A_724 = arith.select %and3A_721, %concatenate3A_523, %broadcast_in_dim3A_723 : vector<20x128xi1>, vector<20x128xf32>
    %reduce_sum3A_725 = arith.constant dense<0.000000e+00> : vector<128xf32>
    %reduce_sum3A_726 = vector.multi_reduction <add>, %select_n3A_724, %reduce_sum3A_725 [0] : vector<20x128xf32> to vector<128xf32>
    %broadcast_in_dim3A_727 = vector.shape_cast %reduce_sum3A_726 : vector<128xf32> to vector<1x128xf32>
    %jit3A_728 = arith.constant 9.99999993E+36 : f32
    %broadcast_in_dim3A_729 = vector.broadcast %jit3A_728 : f32 to vector<20x128xf32>
    %select_n3A_730 = arith.select %and3A_721, %broadcast_in_dim3A_729, %select_n3A_707 : vector<20x128xi1>, vector<20x128xf32>
    %reduce_min3A_731 = arith.constant dense<0x7F800000> : vector<128xf32>
    %reduce_min3A_732 = vector.multi_reduction <minimumf>, %select_n3A_730, %reduce_min3A_731 [0] : vector<20x128xf32> to vector<128xf32>
    %broadcast_in_dim3A_733 = vector.shape_cast %reduce_min3A_732 : vector<128xf32> to vector<1x128xf32>
    %eq3A_734 = vector.broadcast %broadcast_in_dim3A_733 : vector<1x128xf32> to vector<20x128xf32>
    %eq3A_735 = arith.cmpf oeq, %select_n3A_730, %eq3A_734 : vector<20x128xf32>
    %jit3A_736 = arith.constant 1073741824 : i32
    %broadcast_in_dim3A_737 = vector.broadcast %jit3A_736 : i32 to vector<20x128xi32>
    %select_n3A_738 = arith.select %eq3A_735, %concatenate3A_519, %broadcast_in_dim3A_737 : vector<20x128xi1>, vector<20x128xi32>
    %reduce_min3A_739 = arith.constant dense<2147483647> : vector<128xi32>
    %reduce_min3A_740 = vector.multi_reduction <minsi>, %select_n3A_738, %reduce_min3A_739 [0] : vector<20x128xi32> to vector<128xi32>
    %broadcast_in_dim3A_741 = vector.shape_cast %reduce_min3A_740 : vector<128xi32> to vector<1x128xi32>
    %eq3A_742 = vector.broadcast %broadcast_in_dim3A_741 : vector<1x128xi32> to vector<20x128xi32>
    %eq3A_743 = arith.cmpi eq, %concatenate3A_519, %eq3A_742 : vector<20x128xi32>
    %and3A_744 = arith.andi %eq3A_735, %eq3A_743 : vector<20x128xi1>
    %jit3A_745 = arith.constant 0.000000e+00 : f32
    %broadcast_in_dim3A_746 = vector.broadcast %jit3A_745 : f32 to vector<20x128xf32>
    %select_n3A_747 = arith.select %and3A_744, %concatenate3A_523, %broadcast_in_dim3A_746 : vector<20x128xi1>, vector<20x128xf32>
    %reduce_sum3A_748 = arith.constant dense<0.000000e+00> : vector<128xf32>
    %reduce_sum3A_749 = vector.multi_reduction <add>, %select_n3A_747, %reduce_sum3A_748 [0] : vector<20x128xf32> to vector<128xf32>
    %broadcast_in_dim3A_750 = vector.shape_cast %reduce_sum3A_749 : vector<128xf32> to vector<1x128xf32>
    %concatenate3A_751 = tpu.concatenate %broadcast_in_dim3A_526, %broadcast_in_dim3A_549, %broadcast_in_dim3A_572, %broadcast_in_dim3A_595, %broadcast_in_dim3A_618, %broadcast_in_dim3A_641, %broadcast_in_dim3A_664, %broadcast_in_dim3A_687, %broadcast_in_dim3A_710, %broadcast_in_dim3A_733 in 0 : vector<1x128xf32>, vector<1x128xf32>, vector<1x128xf32>, vector<1x128xf32>, vector<1x128xf32>, vector<1x128xf32>, vector<1x128xf32>, vector<1x128xf32>, vector<1x128xf32>, vector<1x128xf32> -> vector<10x128xf32>
    %concatenate3A_752 = tpu.concatenate %broadcast_in_dim3A_534, %broadcast_in_dim3A_557, %broadcast_in_dim3A_580, %broadcast_in_dim3A_603, %broadcast_in_dim3A_626, %broadcast_in_dim3A_649, %broadcast_in_dim3A_672, %broadcast_in_dim3A_695, %broadcast_in_dim3A_718, %broadcast_in_dim3A_741 in 0 : vector<1x128xi32>, vector<1x128xi32>, vector<1x128xi32>, vector<1x128xi32>, vector<1x128xi32>, vector<1x128xi32>, vector<1x128xi32>, vector<1x128xi32>, vector<1x128xi32>, vector<1x128xi32> -> vector<10x128xi32>
    %concatenate3A_753 = tpu.concatenate %broadcast_in_dim3A_543, %broadcast_in_dim3A_566, %broadcast_in_dim3A_589, %broadcast_in_dim3A_612, %broadcast_in_dim3A_635, %broadcast_in_dim3A_658, %broadcast_in_dim3A_681, %broadcast_in_dim3A_704, %broadcast_in_dim3A_727, %broadcast_in_dim3A_750 in 0 : vector<1x128xf32>, vector<1x128xf32>, vector<1x128xf32>, vector<1x128xf32>, vector<1x128xf32>, vector<1x128xf32>, vector<1x128xf32>, vector<1x128xf32>, vector<1x128xf32>, vector<1x128xf32> -> vector<10x128xf32>
    %swap3A_754 = arith.constant 0 : index
    %swap3A_755 = arith.constant 0 : index
    %swap3A_756 = vector.load %arg8[%swap3A_754, %swap3A_755] : memref<10x128xf32, #tpu.memory_space<vmem>>, vector<10x128xf32>
    tpu.vector_store %arg8[%swap3A_754, %swap3A_755], %concatenate3A_751 {strides = array<i32>} : memref<10x128xf32, #tpu.memory_space<vmem>>, vector<10x128xf32>,
    %swap3A_757 = arith.constant 0 : index
    %swap3A_758 = arith.constant 0 : index
    %swap3A_759 = vector.load %arg9[%swap3A_757, %swap3A_758] : memref<10x128xi32, #tpu.memory_space<vmem>>, vector<10x128xi32>
    tpu.vector_store %arg9[%swap3A_757, %swap3A_758], %concatenate3A_752 {strides = array<i32>} : memref<10x128xi32, #tpu.memory_space<vmem>>, vector<10x128xi32>,
    %swap3A_760 = arith.constant 0 : index
    %swap3A_761 = arith.constant 0 : index
    %swap3A_762 = vector.load %arg10[%swap3A_760, %swap3A_761] : memref<10x128xf32, #tpu.memory_space<vmem>>, vector<10x128xf32>
    tpu.vector_store %arg10[%swap3A_760, %swap3A_761], %concatenate3A_753 {strides = array<i32>} : memref<10x128xf32, #tpu.memory_space<vmem>>, vector<10x128xf32>,
    %reduce_max3A_763 = arith.constant dense<0xFF800000> : vector<128xf32>
    %reduce_max3A_764 = vector.multi_reduction <maximumf>, %select_n3A_170, %reduce_max3A_763 [0] : vector<2048x128xf32> to vector<128xf32>
    %broadcast_in_dim3A_765 = vector.shape_cast %reduce_max3A_764 : vector<128xf32> to vector<1x128xf32>
    %eq3A_766 = vector.broadcast %broadcast_in_dim3A_765 : vector<1x128xf32> to vector<2048x128xf32>
    %eq3A_767 = arith.cmpf oeq, %select_n3A_170, %eq3A_766 : vector<2048x128xf32>
    %jit3A_768 = arith.constant 1073741824 : i32
    %broadcast_in_dim3A_769 = vector.broadcast %jit3A_768 : i32 to vector<2048x128xi32>
    %select_n3A_770 = arith.select %eq3A_767, %iota3A_26, %broadcast_in_dim3A_769 : vector<2048x128xi1>, vector<2048x128xi32>
    %reduce_min3A_771 = arith.constant dense<2147483647> : vector<128xi32>
    %reduce_min3A_772 = vector.multi_reduction <minsi>, %select_n3A_770, %reduce_min3A_771 [0] : vector<2048x128xi32> to vector<128xi32>
    %broadcast_in_dim3A_773 = vector.shape_cast %reduce_min3A_772 : vector<128xi32> to vector<1x128xi32>
    %eq3A_774 = vector.broadcast %broadcast_in_dim3A_773 : vector<1x128xi32> to vector<2048x128xi32>
    %eq3A_775 = arith.cmpi eq, %iota3A_26, %eq3A_774 : vector<2048x128xi32>
    %jit3A_776 = arith.constant -9.99999993E+36 : f32
    %broadcast_in_dim3A_777 = vector.broadcast %jit3A_776 : f32 to vector<2048x128xf32>
    %select_n3A_778 = arith.select %eq3A_775, %broadcast_in_dim3A_777, %select_n3A_170 : vector<2048x128xi1>, vector<2048x128xf32>
    %reduce_max3A_779 = arith.constant dense<0xFF800000> : vector<128xf32>
    %reduce_max3A_780 = vector.multi_reduction <maximumf>, %select_n3A_778, %reduce_max3A_779 [0] : vector<2048x128xf32> to vector<128xf32>
    %broadcast_in_dim3A_781 = vector.shape_cast %reduce_max3A_780 : vector<128xf32> to vector<1x128xf32>
    %eq3A_782 = vector.broadcast %broadcast_in_dim3A_781 : vector<1x128xf32> to vector<2048x128xf32>
    %eq3A_783 = arith.cmpf oeq, %select_n3A_778, %eq3A_782 : vector<2048x128xf32>
    %jit3A_784 = arith.constant 1073741824 : i32
    %broadcast_in_dim3A_785 = vector.broadcast %jit3A_784 : i32 to vector<2048x128xi32>
    %select_n3A_786 = arith.select %eq3A_783, %iota3A_26, %broadcast_in_dim3A_785 : vector<2048x128xi1>, vector<2048x128xi32>
    %reduce_min3A_787 = arith.constant dense<2147483647> : vector<128xi32>
    %reduce_min3A_788 = vector.multi_reduction <minsi>, %select_n3A_786, %reduce_min3A_787 [0] : vector<2048x128xi32> to vector<128xi32>
    %broadcast_in_dim3A_789 = vector.shape_cast %reduce_min3A_788 : vector<128xi32> to vector<1x128xi32>
    %eq3A_790 = vector.broadcast %broadcast_in_dim3A_789 : vector<1x128xi32> to vector<2048x128xi32>
    %eq3A_791 = arith.cmpi eq, %iota3A_26, %eq3A_790 : vector<2048x128xi32>
    %jit3A_792 = arith.constant -9.99999993E+36 : f32
    %broadcast_in_dim3A_793 = vector.broadcast %jit3A_792 : f32 to vector<2048x128xf32>
    %select_n3A_794 = arith.select %eq3A_791, %broadcast_in_dim3A_793, %select_n3A_778 : vector<2048x128xi1>, vector<2048x128xf32>
    %reduce_max3A_795 = arith.constant dense<0xFF800000> : vector<128xf32>
    %reduce_max3A_796 = vector.multi_reduction <maximumf>, %select_n3A_794, %reduce_max3A_795 [0] : vector<2048x128xf32> to vector<128xf32>
    %broadcast_in_dim3A_797 = vector.shape_cast %reduce_max3A_796 : vector<128xf32> to vector<1x128xf32>
    %eq3A_798 = vector.broadcast %broadcast_in_dim3A_797 : vector<1x128xf32> to vector<2048x128xf32>
    %eq3A_799 = arith.cmpf oeq, %select_n3A_794, %eq3A_798 : vector<2048x128xf32>
    %jit3A_800 = arith.constant 1073741824 : i32
    %broadcast_in_dim3A_801 = vector.broadcast %jit3A_800 : i32 to vector<2048x128xi32>
    %select_n3A_802 = arith.select %eq3A_799, %iota3A_26, %broadcast_in_dim3A_801 : vector<2048x128xi1>, vector<2048x128xi32>
    %reduce_min3A_803 = arith.constant dense<2147483647> : vector<128xi32>
    %reduce_min3A_804 = vector.multi_reduction <minsi>, %select_n3A_802, %reduce_min3A_803 [0] : vector<2048x128xi32> to vector<128xi32>
    %broadcast_in_dim3A_805 = vector.shape_cast %reduce_min3A_804 : vector<128xi32> to vector<1x128xi32>
    %eq3A_806 = vector.broadcast %broadcast_in_dim3A_805 : vector<1x128xi32> to vector<2048x128xi32>
    %eq3A_807 = arith.cmpi eq, %iota3A_26, %eq3A_806 : vector<2048x128xi32>
    %jit3A_808 = arith.constant -9.99999993E+36 : f32
    %broadcast_in_dim3A_809 = vector.broadcast %jit3A_808 : f32 to vector<2048x128xf32>
    %select_n3A_810 = arith.select %eq3A_807, %broadcast_in_dim3A_809, %select_n3A_794 : vector<2048x128xi1>, vector<2048x128xf32>
    %reduce_max3A_811 = arith.constant dense<0xFF800000> : vector<128xf32>
    %reduce_max3A_812 = vector.multi_reduction <maximumf>, %select_n3A_810, %reduce_max3A_811 [0] : vector<2048x128xf32> to vector<128xf32>
    %broadcast_in_dim3A_813 = vector.shape_cast %reduce_max3A_812 : vector<128xf32> to vector<1x128xf32>
    %eq3A_814 = vector.broadcast %broadcast_in_dim3A_813 : vector<1x128xf32> to vector<2048x128xf32>
    %eq3A_815 = arith.cmpf oeq, %select_n3A_810, %eq3A_814 : vector<2048x128xf32>
    %jit3A_816 = arith.constant 1073741824 : i32
    %broadcast_in_dim3A_817 = vector.broadcast %jit3A_816 : i32 to vector<2048x128xi32>
    %select_n3A_818 = arith.select %eq3A_815, %iota3A_26, %broadcast_in_dim3A_817 : vector<2048x128xi1>, vector<2048x128xi32>
    %reduce_min3A_819 = arith.constant dense<2147483647> : vector<128xi32>
    %reduce_min3A_820 = vector.multi_reduction <minsi>, %select_n3A_818, %reduce_min3A_819 [0] : vector<2048x128xi32> to vector<128xi32>
    %broadcast_in_dim3A_821 = vector.shape_cast %reduce_min3A_820 : vector<128xi32> to vector<1x128xi32>
    %eq3A_822 = vector.broadcast %broadcast_in_dim3A_821 : vector<1x128xi32> to vector<2048x128xi32>
    %eq3A_823 = arith.cmpi eq, %iota3A_26, %eq3A_822 : vector<2048x128xi32>
    %jit3A_824 = arith.constant -9.99999993E+36 : f32
    %broadcast_in_dim3A_825 = vector.broadcast %jit3A_824 : f32 to vector<2048x128xf32>
    %select_n3A_826 = arith.select %eq3A_823, %broadcast_in_dim3A_825, %select_n3A_810 : vector<2048x128xi1>, vector<2048x128xf32>
    %reduce_max3A_827 = arith.constant dense<0xFF800000> : vector<128xf32>
    %reduce_max3A_828 = vector.multi_reduction <maximumf>, %select_n3A_826, %reduce_max3A_827 [0] : vector<2048x128xf32> to vector<128xf32>
    %broadcast_in_dim3A_829 = vector.shape_cast %reduce_max3A_828 : vector<128xf32> to vector<1x128xf32>
    %eq3A_830 = vector.broadcast %broadcast_in_dim3A_829 : vector<1x128xf32> to vector<2048x128xf32>
    %eq3A_831 = arith.cmpf oeq, %select_n3A_826, %eq3A_830 : vector<2048x128xf32>
    %jit3A_832 = arith.constant 1073741824 : i32
    %broadcast_in_dim3A_833 = vector.broadcast %jit3A_832 : i32 to vector<2048x128xi32>
    %select_n3A_834 = arith.select %eq3A_831, %iota3A_26, %broadcast_in_dim3A_833 : vector<2048x128xi1>, vector<2048x128xi32>
    %reduce_min3A_835 = arith.constant dense<2147483647> : vector<128xi32>
    %reduce_min3A_836 = vector.multi_reduction <minsi>, %select_n3A_834, %reduce_min3A_835 [0] : vector<2048x128xi32> to vector<128xi32>
    %broadcast_in_dim3A_837 = vector.shape_cast %reduce_min3A_836 : vector<128xi32> to vector<1x128xi32>
    %eq3A_838 = vector.broadcast %broadcast_in_dim3A_837 : vector<1x128xi32> to vector<2048x128xi32>
    %eq3A_839 = arith.cmpi eq, %iota3A_26, %eq3A_838 : vector<2048x128xi32>
    %jit3A_840 = arith.constant -9.99999993E+36 : f32
    %broadcast_in_dim3A_841 = vector.broadcast %jit3A_840 : f32 to vector<2048x128xf32>
    %select_n3A_842 = arith.select %eq3A_839, %broadcast_in_dim3A_841, %select_n3A_826 : vector<2048x128xi1>, vector<2048x128xf32>
    %reduce_max3A_843 = arith.constant dense<0xFF800000> : vector<128xf32>
    %reduce_max3A_844 = vector.multi_reduction <maximumf>, %select_n3A_842, %reduce_max3A_843 [0] : vector<2048x128xf32> to vector<128xf32>
    %broadcast_in_dim3A_845 = vector.shape_cast %reduce_max3A_844 : vector<128xf32> to vector<1x128xf32>
    %eq3A_846 = vector.broadcast %broadcast_in_dim3A_845 : vector<1x128xf32> to vector<2048x128xf32>
    %eq3A_847 = arith.cmpf oeq, %select_n3A_842, %eq3A_846 : vector<2048x128xf32>
    %jit3A_848 = arith.constant 1073741824 : i32
    %broadcast_in_dim3A_849 = vector.broadcast %jit3A_848 : i32 to vector<2048x128xi32>
    %select_n3A_850 = arith.select %eq3A_847, %iota3A_26, %broadcast_in_dim3A_849 : vector<2048x128xi1>, vector<2048x128xi32>
    %reduce_min3A_851 = arith.constant dense<2147483647> : vector<128xi32>
    %reduce_min3A_852 = vector.multi_reduction <minsi>, %select_n3A_850, %reduce_min3A_851 [0] : vector<2048x128xi32> to vector<128xi32>
    %broadcast_in_dim3A_853 = vector.shape_cast %reduce_min3A_852 : vector<128xi32> to vector<1x128xi32>
    %eq3A_854 = vector.broadcast %broadcast_in_dim3A_853 : vector<1x128xi32> to vector<2048x128xi32>
    %eq3A_855 = arith.cmpi eq, %iota3A_26, %eq3A_854 : vector<2048x128xi32>
    %jit3A_856 = arith.constant -9.99999993E+36 : f32
    %broadcast_in_dim3A_857 = vector.broadcast %jit3A_856 : f32 to vector<2048x128xf32>
    %select_n3A_858 = arith.select %eq3A_855, %broadcast_in_dim3A_857, %select_n3A_842 : vector<2048x128xi1>, vector<2048x128xf32>
    %reduce_max3A_859 = arith.constant dense<0xFF800000> : vector<128xf32>
    %reduce_max3A_860 = vector.multi_reduction <maximumf>, %select_n3A_858, %reduce_max3A_859 [0] : vector<2048x128xf32> to vector<128xf32>
    %broadcast_in_dim3A_861 = vector.shape_cast %reduce_max3A_860 : vector<128xf32> to vector<1x128xf32>
    %eq3A_862 = vector.broadcast %broadcast_in_dim3A_861 : vector<1x128xf32> to vector<2048x128xf32>
    %eq3A_863 = arith.cmpf oeq, %select_n3A_858, %eq3A_862 : vector<2048x128xf32>
    %jit3A_864 = arith.constant 1073741824 : i32
    %broadcast_in_dim3A_865 = vector.broadcast %jit3A_864 : i32 to vector<2048x128xi32>
    %select_n3A_866 = arith.select %eq3A_863, %iota3A_26, %broadcast_in_dim3A_865 : vector<2048x128xi1>, vector<2048x128xi32>
    %reduce_min3A_867 = arith.constant dense<2147483647> : vector<128xi32>
    %reduce_min3A_868 = vector.multi_reduction <minsi>, %select_n3A_866, %reduce_min3A_867 [0] : vector<2048x128xi32> to vector<128xi32>
    %broadcast_in_dim3A_869 = vector.shape_cast %reduce_min3A_868 : vector<128xi32> to vector<1x128xi32>
    %eq3A_870 = vector.broadcast %broadcast_in_dim3A_869 : vector<1x128xi32> to vector<2048x128xi32>
    %eq3A_871 = arith.cmpi eq, %iota3A_26, %eq3A_870 : vector<2048x128xi32>
    %jit3A_872 = arith.constant -9.99999993E+36 : f32
    %broadcast_in_dim3A_873 = vector.broadcast %jit3A_872 : f32 to vector<2048x128xf32>
    %select_n3A_874 = arith.select %eq3A_871, %broadcast_in_dim3A_873, %select_n3A_858 : vector<2048x128xi1>, vector<2048x128xf32>
    %reduce_max3A_875 = arith.constant dense<0xFF800000> : vector<128xf32>
    %reduce_max3A_876 = vector.multi_reduction <maximumf>, %select_n3A_874, %reduce_max3A_875 [0] : vector<2048x128xf32> to vector<128xf32>
    %broadcast_in_dim3A_877 = vector.shape_cast %reduce_max3A_876 : vector<128xf32> to vector<1x128xf32>
    %eq3A_878 = vector.broadcast %broadcast_in_dim3A_877 : vector<1x128xf32> to vector<2048x128xf32>
    %eq3A_879 = arith.cmpf oeq, %select_n3A_874, %eq3A_878 : vector<2048x128xf32>
    %jit3A_880 = arith.constant 1073741824 : i32
    %broadcast_in_dim3A_881 = vector.broadcast %jit3A_880 : i32 to vector<2048x128xi32>
    %select_n3A_882 = arith.select %eq3A_879, %iota3A_26, %broadcast_in_dim3A_881 : vector<2048x128xi1>, vector<2048x128xi32>
    %reduce_min3A_883 = arith.constant dense<2147483647> : vector<128xi32>
    %reduce_min3A_884 = vector.multi_reduction <minsi>, %select_n3A_882, %reduce_min3A_883 [0] : vector<2048x128xi32> to vector<128xi32>
    %broadcast_in_dim3A_885 = vector.shape_cast %reduce_min3A_884 : vector<128xi32> to vector<1x128xi32>
    %eq3A_886 = vector.broadcast %broadcast_in_dim3A_885 : vector<1x128xi32> to vector<2048x128xi32>
    %eq3A_887 = arith.cmpi eq, %iota3A_26, %eq3A_886 : vector<2048x128xi32>
    %jit3A_888 = arith.constant -9.99999993E+36 : f32
    %broadcast_in_dim3A_889 = vector.broadcast %jit3A_888 : f32 to vector<2048x128xf32>
    %select_n3A_890 = arith.select %eq3A_887, %broadcast_in_dim3A_889, %select_n3A_874 : vector<2048x128xi1>, vector<2048x128xf32>
    %reduce_max3A_891 = arith.constant dense<0xFF800000> : vector<128xf32>
    %reduce_max3A_892 = vector.multi_reduction <maximumf>, %select_n3A_890, %reduce_max3A_891 [0] : vector<2048x128xf32> to vector<128xf32>
    %broadcast_in_dim3A_893 = vector.shape_cast %reduce_max3A_892 : vector<128xf32> to vector<1x128xf32>
    %eq3A_894 = vector.broadcast %broadcast_in_dim3A_893 : vector<1x128xf32> to vector<2048x128xf32>
    %eq3A_895 = arith.cmpf oeq, %select_n3A_890, %eq3A_894 : vector<2048x128xf32>
    %jit3A_896 = arith.constant 1073741824 : i32
    %broadcast_in_dim3A_897 = vector.broadcast %jit3A_896 : i32 to vector<2048x128xi32>
    %select_n3A_898 = arith.select %eq3A_895, %iota3A_26, %broadcast_in_dim3A_897 : vector<2048x128xi1>, vector<2048x128xi32>
    %reduce_min3A_899 = arith.constant dense<2147483647> : vector<128xi32>
    %reduce_min3A_900 = vector.multi_reduction <minsi>, %select_n3A_898, %reduce_min3A_899 [0] : vector<2048x128xi32> to vector<128xi32>
    %broadcast_in_dim3A_901 = vector.shape_cast %reduce_min3A_900 : vector<128xi32> to vector<1x128xi32>
    %eq3A_902 = vector.broadcast %broadcast_in_dim3A_901 : vector<1x128xi32> to vector<2048x128xi32>
    %eq3A_903 = arith.cmpi eq, %iota3A_26, %eq3A_902 : vector<2048x128xi32>
    %jit3A_904 = arith.constant -9.99999993E+36 : f32
    %broadcast_in_dim3A_905 = vector.broadcast %jit3A_904 : f32 to vector<2048x128xf32>
    %select_n3A_906 = arith.select %eq3A_903, %broadcast_in_dim3A_905, %select_n3A_890 : vector<2048x128xi1>, vector<2048x128xf32>
    %reduce_max3A_907 = arith.constant dense<0xFF800000> : vector<128xf32>
    %reduce_max3A_908 = vector.multi_reduction <maximumf>, %select_n3A_906, %reduce_max3A_907 [0] : vector<2048x128xf32> to vector<128xf32>
    %broadcast_in_dim3A_909 = vector.shape_cast %reduce_max3A_908 : vector<128xf32> to vector<1x128xf32>
    %concatenate3A_910 = tpu.concatenate %broadcast_in_dim3A_765, %broadcast_in_dim3A_781, %broadcast_in_dim3A_797, %broadcast_in_dim3A_813, %broadcast_in_dim3A_829, %broadcast_in_dim3A_845, %broadcast_in_dim3A_861, %broadcast_in_dim3A_877, %broadcast_in_dim3A_893, %broadcast_in_dim3A_909 in 0 : vector<1x128xf32>, vector<1x128xf32>, vector<1x128xf32>, vector<1x128xf32>, vector<1x128xf32>, vector<1x128xf32>, vector<1x128xf32>, vector<1x128xf32>, vector<1x128xf32>, vector<1x128xf32> -> vector<10x128xf32>
    %get3A_911 = arith.constant 0 : index
    %get3A_912 = arith.constant 0 : index
    %get3A_913 = vector.load %arg11[%get3A_911, %get3A_912] : memref<10x128xf32, #tpu.memory_space<vmem>>, vector<10x128xf32>
    %concatenate3A_914 = tpu.concatenate %get3A_913, %concatenate3A_910 in 0 : vector<10x128xf32>, vector<10x128xf32> -> vector<20x128xf32>
    %iota3A_915 = tpu.iota {dimensions = array<i32: 0>} : vector<20x128xi32>
    %reduce_max3A_916 = arith.constant dense<0xFF800000> : vector<128xf32>
    %reduce_max3A_917 = vector.multi_reduction <maximumf>, %concatenate3A_914, %reduce_max3A_916 [0] : vector<20x128xf32> to vector<128xf32>
    %broadcast_in_dim3A_918 = vector.shape_cast %reduce_max3A_917 : vector<128xf32> to vector<1x128xf32>
    %eq3A_919 = vector.broadcast %broadcast_in_dim3A_918 : vector<1x128xf32> to vector<20x128xf32>
    %eq3A_920 = arith.cmpf oeq, %concatenate3A_914, %eq3A_919 : vector<20x128xf32>
    %jit3A_921 = arith.constant 1073741824 : i32
    %broadcast_in_dim3A_922 = vector.broadcast %jit3A_921 : i32 to vector<20x128xi32>
    %select_n3A_923 = arith.select %eq3A_920, %iota3A_915, %broadcast_in_dim3A_922 : vector<20x128xi1>, vector<20x128xi32>
    %reduce_min3A_924 = arith.constant dense<2147483647> : vector<128xi32>
    %reduce_min3A_925 = vector.multi_reduction <minsi>, %select_n3A_923, %reduce_min3A_924 [0] : vector<20x128xi32> to vector<128xi32>
    %broadcast_in_dim3A_926 = vector.shape_cast %reduce_min3A_925 : vector<128xi32> to vector<1x128xi32>
    %eq3A_927 = vector.broadcast %broadcast_in_dim3A_926 : vector<1x128xi32> to vector<20x128xi32>
    %eq3A_928 = arith.cmpi eq, %iota3A_915, %eq3A_927 : vector<20x128xi32>
    %jit3A_929 = arith.constant -9.99999993E+36 : f32
    %broadcast_in_dim3A_930 = vector.broadcast %jit3A_929 : f32 to vector<20x128xf32>
    %select_n3A_931 = arith.select %eq3A_928, %broadcast_in_dim3A_930, %concatenate3A_914 : vector<20x128xi1>, vector<20x128xf32>
    %reduce_max3A_932 = arith.constant dense<0xFF800000> : vector<128xf32>
    %reduce_max3A_933 = vector.multi_reduction <maximumf>, %select_n3A_931, %reduce_max3A_932 [0] : vector<20x128xf32> to vector<128xf32>
    %broadcast_in_dim3A_934 = vector.shape_cast %reduce_max3A_933 : vector<128xf32> to vector<1x128xf32>
    %eq3A_935 = vector.broadcast %broadcast_in_dim3A_934 : vector<1x128xf32> to vector<20x128xf32>
    %eq3A_936 = arith.cmpf oeq, %select_n3A_931, %eq3A_935 : vector<20x128xf32>
    %jit3A_937 = arith.constant 1073741824 : i32
    %broadcast_in_dim3A_938 = vector.broadcast %jit3A_937 : i32 to vector<20x128xi32>
    %select_n3A_939 = arith.select %eq3A_936, %iota3A_915, %broadcast_in_dim3A_938 : vector<20x128xi1>, vector<20x128xi32>
    %reduce_min3A_940 = arith.constant dense<2147483647> : vector<128xi32>
    %reduce_min3A_941 = vector.multi_reduction <minsi>, %select_n3A_939, %reduce_min3A_940 [0] : vector<20x128xi32> to vector<128xi32>
    %broadcast_in_dim3A_942 = vector.shape_cast %reduce_min3A_941 : vector<128xi32> to vector<1x128xi32>
    %eq3A_943 = vector.broadcast %broadcast_in_dim3A_942 : vector<1x128xi32> to vector<20x128xi32>
    %eq3A_944 = arith.cmpi eq, %iota3A_915, %eq3A_943 : vector<20x128xi32>
    %jit3A_945 = arith.constant -9.99999993E+36 : f32
    %broadcast_in_dim3A_946 = vector.broadcast %jit3A_945 : f32 to vector<20x128xf32>
    %select_n3A_947 = arith.select %eq3A_944, %broadcast_in_dim3A_946, %select_n3A_931 : vector<20x128xi1>, vector<20x128xf32>
    %reduce_max3A_948 = arith.constant dense<0xFF800000> : vector<128xf32>
    %reduce_max3A_949 = vector.multi_reduction <maximumf>, %select_n3A_947, %reduce_max3A_948 [0] : vector<20x128xf32> to vector<128xf32>
    %broadcast_in_dim3A_950 = vector.shape_cast %reduce_max3A_949 : vector<128xf32> to vector<1x128xf32>
    %eq3A_951 = vector.broadcast %broadcast_in_dim3A_950 : vector<1x128xf32> to vector<20x128xf32>
    %eq3A_952 = arith.cmpf oeq, %select_n3A_947, %eq3A_951 : vector<20x128xf32>
    %jit3A_953 = arith.constant 1073741824 : i32
    %broadcast_in_dim3A_954 = vector.broadcast %jit3A_953 : i32 to vector<20x128xi32>
    %select_n3A_955 = arith.select %eq3A_952, %iota3A_915, %broadcast_in_dim3A_954 : vector<20x128xi1>, vector<20x128xi32>
    %reduce_min3A_956 = arith.constant dense<2147483647> : vector<128xi32>
    %reduce_min3A_957 = vector.multi_reduction <minsi>, %select_n3A_955, %reduce_min3A_956 [0] : vector<20x128xi32> to vector<128xi32>
    %broadcast_in_dim3A_958 = vector.shape_cast %reduce_min3A_957 : vector<128xi32> to vector<1x128xi32>
    %eq3A_959 = vector.broadcast %broadcast_in_dim3A_958 : vector<1x128xi32> to vector<20x128xi32>
    %eq3A_960 = arith.cmpi eq, %iota3A_915, %eq3A_959 : vector<20x128xi32>
    %jit3A_961 = arith.constant -9.99999993E+36 : f32
    %broadcast_in_dim3A_962 = vector.broadcast %jit3A_961 : f32 to vector<20x128xf32>
    %select_n3A_963 = arith.select %eq3A_960, %broadcast_in_dim3A_962, %select_n3A_947 : vector<20x128xi1>, vector<20x128xf32>
    %reduce_max3A_964 = arith.constant dense<0xFF800000> : vector<128xf32>
    %reduce_max3A_965 = vector.multi_reduction <maximumf>, %select_n3A_963, %reduce_max3A_964 [0] : vector<20x128xf32> to vector<128xf32>
    %broadcast_in_dim3A_966 = vector.shape_cast %reduce_max3A_965 : vector<128xf32> to vector<1x128xf32>
    %eq3A_967 = vector.broadcast %broadcast_in_dim3A_966 : vector<1x128xf32> to vector<20x128xf32>
    %eq3A_968 = arith.cmpf oeq, %select_n3A_963, %eq3A_967 : vector<20x128xf32>
    %jit3A_969 = arith.constant 1073741824 : i32
    %broadcast_in_dim3A_970 = vector.broadcast %jit3A_969 : i32 to vector<20x128xi32>
    %select_n3A_971 = arith.select %eq3A_968, %iota3A_915, %broadcast_in_dim3A_970 : vector<20x128xi1>, vector<20x128xi32>
    %reduce_min3A_972 = arith.constant dense<2147483647> : vector<128xi32>
    %reduce_min3A_973 = vector.multi_reduction <minsi>, %select_n3A_971, %reduce_min3A_972 [0] : vector<20x128xi32> to vector<128xi32>
    %broadcast_in_dim3A_974 = vector.shape_cast %reduce_min3A_973 : vector<128xi32> to vector<1x128xi32>
    %eq3A_975 = vector.broadcast %broadcast_in_dim3A_974 : vector<1x128xi32> to vector<20x128xi32>
    %eq3A_976 = arith.cmpi eq, %iota3A_915, %eq3A_975 : vector<20x128xi32>
    %jit3A_977 = arith.constant -9.99999993E+36 : f32
    %broadcast_in_dim3A_978 = vector.broadcast %jit3A_977 : f32 to vector<20x128xf32>
    %select_n3A_979 = arith.select %eq3A_976, %broadcast_in_dim3A_978, %select_n3A_963 : vector<20x128xi1>, vector<20x128xf32>
    %reduce_max3A_980 = arith.constant dense<0xFF800000> : vector<128xf32>
    %reduce_max3A_981 = vector.multi_reduction <maximumf>, %select_n3A_979, %reduce_max3A_980 [0] : vector<20x128xf32> to vector<128xf32>
    %broadcast_in_dim3A_982 = vector.shape_cast %reduce_max3A_981 : vector<128xf32> to vector<1x128xf32>
    %eq3A_983 = vector.broadcast %broadcast_in_dim3A_982 : vector<1x128xf32> to vector<20x128xf32>
    %eq3A_984 = arith.cmpf oeq, %select_n3A_979, %eq3A_983 : vector<20x128xf32>
    %jit3A_985 = arith.constant 1073741824 : i32
    %broadcast_in_dim3A_986 = vector.broadcast %jit3A_985 : i32 to vector<20x128xi32>
    %select_n3A_987 = arith.select %eq3A_984, %iota3A_915, %broadcast_in_dim3A_986 : vector<20x128xi1>, vector<20x128xi32>
    %reduce_min3A_988 = arith.constant dense<2147483647> : vector<128xi32>
    %reduce_min3A_989 = vector.multi_reduction <minsi>, %select_n3A_987, %reduce_min3A_988 [0] : vector<20x128xi32> to vector<128xi32>
    %broadcast_in_dim3A_990 = vector.shape_cast %reduce_min3A_989 : vector<128xi32> to vector<1x128xi32>
    %eq3A_991 = vector.broadcast %broadcast_in_dim3A_990 : vector<1x128xi32> to vector<20x128xi32>
    %eq3A_992 = arith.cmpi eq, %iota3A_915, %eq3A_991 : vector<20x128xi32>
    %jit3A_993 = arith.constant -9.99999993E+36 : f32
    %broadcast_in_dim3A_994 = vector.broadcast %jit3A_993 : f32 to vector<20x128xf32>
    %select_n3A_995 = arith.select %eq3A_992, %broadcast_in_dim3A_994, %select_n3A_979 : vector<20x128xi1>, vector<20x128xf32>
    %reduce_max3A_996 = arith.constant dense<0xFF800000> : vector<128xf32>
    %reduce_max3A_997 = vector.multi_reduction <maximumf>, %select_n3A_995, %reduce_max3A_996 [0] : vector<20x128xf32> to vector<128xf32>
    %broadcast_in_dim3A_998 = vector.shape_cast %reduce_max3A_997 : vector<128xf32> to vector<1x128xf32>
    %eq3A_999 = vector.broadcast %broadcast_in_dim3A_998 : vector<1x128xf32> to vector<20x128xf32>
    %eq3A_1000 = arith.cmpf oeq, %select_n3A_995, %eq3A_999 : vector<20x128xf32>
    %jit3A_1001 = arith.constant 1073741824 : i32
    %broadcast_in_dim3A_1002 = vector.broadcast %jit3A_1001 : i32 to vector<20x128xi32>
    %select_n3A_1003 = arith.select %eq3A_1000, %iota3A_915, %broadcast_in_dim3A_1002 : vector<20x128xi1>, vector<20x128xi32>
    %reduce_min3A_1004 = arith.constant dense<2147483647> : vector<128xi32>
    %reduce_min3A_1005 = vector.multi_reduction <minsi>, %select_n3A_1003, %reduce_min3A_1004 [0] : vector<20x128xi32> to vector<128xi32>
    %broadcast_in_dim3A_1006 = vector.shape_cast %reduce_min3A_1005 : vector<128xi32> to vector<1x128xi32>
    %eq3A_1007 = vector.broadcast %broadcast_in_dim3A_1006 : vector<1x128xi32> to vector<20x128xi32>
    %eq3A_1008 = arith.cmpi eq, %iota3A_915, %eq3A_1007 : vector<20x128xi32>
    %jit3A_1009 = arith.constant -9.99999993E+36 : f32
    %broadcast_in_dim3A_1010 = vector.broadcast %jit3A_1009 : f32 to vector<20x128xf32>
    %select_n3A_1011 = arith.select %eq3A_1008, %broadcast_in_dim3A_1010, %select_n3A_995 : vector<20x128xi1>, vector<20x128xf32>
    %reduce_max3A_1012 = arith.constant dense<0xFF800000> : vector<128xf32>
    %reduce_max3A_1013 = vector.multi_reduction <maximumf>, %select_n3A_1011, %reduce_max3A_1012 [0] : vector<20x128xf32> to vector<128xf32>
    %broadcast_in_dim3A_1014 = vector.shape_cast %reduce_max3A_1013 : vector<128xf32> to vector<1x128xf32>
    %eq3A_1015 = vector.broadcast %broadcast_in_dim3A_1014 : vector<1x128xf32> to vector<20x128xf32>
    %eq3A_1016 = arith.cmpf oeq, %select_n3A_1011, %eq3A_1015 : vector<20x128xf32>
    %jit3A_1017 = arith.constant 1073741824 : i32
    %broadcast_in_dim3A_1018 = vector.broadcast %jit3A_1017 : i32 to vector<20x128xi32>
    %select_n3A_1019 = arith.select %eq3A_1016, %iota3A_915, %broadcast_in_dim3A_1018 : vector<20x128xi1>, vector<20x128xi32>
    %reduce_min3A_1020 = arith.constant dense<2147483647> : vector<128xi32>
    %reduce_min3A_1021 = vector.multi_reduction <minsi>, %select_n3A_1019, %reduce_min3A_1020 [0] : vector<20x128xi32> to vector<128xi32>
    %broadcast_in_dim3A_1022 = vector.shape_cast %reduce_min3A_1021 : vector<128xi32> to vector<1x128xi32>
    %eq3A_1023 = vector.broadcast %broadcast_in_dim3A_1022 : vector<1x128xi32> to vector<20x128xi32>
    %eq3A_1024 = arith.cmpi eq, %iota3A_915, %eq3A_1023 : vector<20x128xi32>
    %jit3A_1025 = arith.constant -9.99999993E+36 : f32
    %broadcast_in_dim3A_1026 = vector.broadcast %jit3A_1025 : f32 to vector<20x128xf32>
    %select_n3A_1027 = arith.select %eq3A_1024, %broadcast_in_dim3A_1026, %select_n3A_1011 : vector<20x128xi1>, vector<20x128xf32>
    %reduce_max3A_1028 = arith.constant dense<0xFF800000> : vector<128xf32>
    %reduce_max3A_1029 = vector.multi_reduction <maximumf>, %select_n3A_1027, %reduce_max3A_1028 [0] : vector<20x128xf32> to vector<128xf32>
    %broadcast_in_dim3A_1030 = vector.shape_cast %reduce_max3A_1029 : vector<128xf32> to vector<1x128xf32>
    %eq3A_1031 = vector.broadcast %broadcast_in_dim3A_1030 : vector<1x128xf32> to vector<20x128xf32>
    %eq3A_1032 = arith.cmpf oeq, %select_n3A_1027, %eq3A_1031 : vector<20x128xf32>
    %jit3A_1033 = arith.constant 1073741824 : i32
    %broadcast_in_dim3A_1034 = vector.broadcast %jit3A_1033 : i32 to vector<20x128xi32>
    %select_n3A_1035 = arith.select %eq3A_1032, %iota3A_915, %broadcast_in_dim3A_1034 : vector<20x128xi1>, vector<20x128xi32>
    %reduce_min3A_1036 = arith.constant dense<2147483647> : vector<128xi32>
    %reduce_min3A_1037 = vector.multi_reduction <minsi>, %select_n3A_1035, %reduce_min3A_1036 [0] : vector<20x128xi32> to vector<128xi32>
    %broadcast_in_dim3A_1038 = vector.shape_cast %reduce_min3A_1037 : vector<128xi32> to vector<1x128xi32>
    %eq3A_1039 = vector.broadcast %broadcast_in_dim3A_1038 : vector<1x128xi32> to vector<20x128xi32>
    %eq3A_1040 = arith.cmpi eq, %iota3A_915, %eq3A_1039 : vector<20x128xi32>
    %jit3A_1041 = arith.constant -9.99999993E+36 : f32
    %broadcast_in_dim3A_1042 = vector.broadcast %jit3A_1041 : f32 to vector<20x128xf32>
    %select_n3A_1043 = arith.select %eq3A_1040, %broadcast_in_dim3A_1042, %select_n3A_1027 : vector<20x128xi1>, vector<20x128xf32>
    %reduce_max3A_1044 = arith.constant dense<0xFF800000> : vector<128xf32>
    %reduce_max3A_1045 = vector.multi_reduction <maximumf>, %select_n3A_1043, %reduce_max3A_1044 [0] : vector<20x128xf32> to vector<128xf32>
    %broadcast_in_dim3A_1046 = vector.shape_cast %reduce_max3A_1045 : vector<128xf32> to vector<1x128xf32>
    %eq3A_1047 = vector.broadcast %broadcast_in_dim3A_1046 : vector<1x128xf32> to vector<20x128xf32>
    %eq3A_1048 = arith.cmpf oeq, %select_n3A_1043, %eq3A_1047 : vector<20x128xf32>
    %jit3A_1049 = arith.constant 1073741824 : i32
    %broadcast_in_dim3A_1050 = vector.broadcast %jit3A_1049 : i32 to vector<20x128xi32>
    %select_n3A_1051 = arith.select %eq3A_1048, %iota3A_915, %broadcast_in_dim3A_1050 : vector<20x128xi1>, vector<20x128xi32>
    %reduce_min3A_1052 = arith.constant dense<2147483647> : vector<128xi32>
    %reduce_min3A_1053 = vector.multi_reduction <minsi>, %select_n3A_1051, %reduce_min3A_1052 [0] : vector<20x128xi32> to vector<128xi32>
    %broadcast_in_dim3A_1054 = vector.shape_cast %reduce_min3A_1053 : vector<128xi32> to vector<1x128xi32>
    %eq3A_1055 = vector.broadcast %broadcast_in_dim3A_1054 : vector<1x128xi32> to vector<20x128xi32>
    %eq3A_1056 = arith.cmpi eq, %iota3A_915, %eq3A_1055 : vector<20x128xi32>
    %jit3A_1057 = arith.constant -9.99999993E+36 : f32
    %broadcast_in_dim3A_1058 = vector.broadcast %jit3A_1057 : f32 to vector<20x128xf32>
    %select_n3A_1059 = arith.select %eq3A_1056, %broadcast_in_dim3A_1058, %select_n3A_1043 : vector<20x128xi1>, vector<20x128xf32>
    %reduce_max3A_1060 = arith.constant dense<0xFF800000> : vector<128xf32>
    %reduce_max3A_1061 = vector.multi_reduction <maximumf>, %select_n3A_1059, %reduce_max3A_1060 [0] : vector<20x128xf32> to vector<128xf32>
    %broadcast_in_dim3A_1062 = vector.shape_cast %reduce_max3A_1061 : vector<128xf32> to vector<1x128xf32>
    %concatenate3A_1063 = tpu.concatenate %broadcast_in_dim3A_918, %broadcast_in_dim3A_934, %broadcast_in_dim3A_950, %broadcast_in_dim3A_966, %broadcast_in_dim3A_982, %broadcast_in_dim3A_998, %broadcast_in_dim3A_1014, %broadcast_in_dim3A_1030, %broadcast_in_dim3A_1046, %broadcast_in_dim3A_1062 in 0 : vector<1x128xf32>, vector<1x128xf32>, vector<1x128xf32>, vector<1x128xf32>, vector<1x128xf32>, vector<1x128xf32>, vector<1x128xf32>, vector<1x128xf32>, vector<1x128xf32>, vector<1x128xf32> -> vector<10x128xf32>
    %swap3A_1064 = arith.constant 0 : index
    %swap3A_1065 = arith.constant 0 : index
    %swap3A_1066 = vector.load %arg11[%swap3A_1064, %swap3A_1065] : memref<10x128xf32, #tpu.memory_space<vmem>>, vector<10x128xf32>
    tpu.vector_store %arg11[%swap3A_1064, %swap3A_1065], %concatenate3A_1063 {strides = array<i32>} : memref<10x128xf32, #tpu.memory_space<vmem>>, vector<10x128xf32>,
    %reduce_sum3A_1067 = arith.constant dense<0.000000e+00> : vector<128xf32>
    %reduce_sum3A_1068 = vector.multi_reduction <add>, %concatenate3A_1063, %reduce_sum3A_1067 [0] : vector<10x128xf32> to vector<128xf32>
    %broadcast_in_dim3A_1069 = vector.shape_cast %reduce_sum3A_1068 : vector<128xf32> to vector<1x128xf32>
    %convert_element_type3A_1070 = arith.fptosi %broadcast_in_dim3A_1069 : vector<1x128xf32> to vector<1x128xi32>
    %max3A_1071 = arith.constant 1 : i32
    %max3A_1072 = vector.broadcast %max3A_1071 : i32 to vector<1x128xi32>
    %max3A_1073 = arith.maxsi %convert_element_type3A_1070, %max3A_1072 : vector<1x128xi32>
    %iota3A_1074 = tpu.iota {dimensions = array<i32: 0>} : vector<10x128xi32>
    %iota3A_1075 = tpu.iota {dimensions = array<i32: 1>} : vector<10x128xi32>
    %lt3A_1076 = vector.broadcast %max3A_1073 : vector<1x128xi32> to vector<10x128xi32>
    %lt3A_1077 = arith.cmpi slt, %iota3A_1074, %lt3A_1076 : vector<10x128xi32>
    %lt3A_1078 = arith.constant 100 : i32
    %lt3A_1079 = vector.broadcast %lt3A_1078 : i32 to vector<10x128xi32>
    %lt3A_1080 = arith.cmpi slt, %iota3A_1075, %lt3A_1079 : vector<10x128xi32>
    %and3A_1081 = arith.andi %lt3A_1077, %lt3A_1080 : vector<10x128xi1>
    %jit3A_1082 = arith.constant 20479 : i32
    %broadcast_in_dim3A_1083 = vector.broadcast %jit3A_1082 : i32 to vector<10x128xi32>
    %select_n3A_1084 = arith.select %and3A_1081, %concatenate3A_752, %broadcast_in_dim3A_1083 : vector<10x128xi1>, vector<10x128xi32>
    %broadcast_in_dim3A_1085 = arith.constant 20479 : i32
    %broadcast_in_dim3A_1086 = vector.broadcast %broadcast_in_dim3A_1085 : i32 to vector<2x128xi32>
    %concatenate3A_1087 = tpu.concatenate %select_n3A_1084, %broadcast_in_dim3A_1086 in 0 : vector<10x128xi32>, vector<2x128xi32> -> vector<12x128xi32>
    %swap3A_1088 = arith.constant 0 : index
    %swap3A_1089 = arith.constant 0 : index
    %swap3A_1090 = vector.load %arg6[%swap3A_1088, %swap3A_1089] : memref<12x128xi32, #tpu.memory_space<vmem>>, vector<12x128xi32>
    tpu.vector_store %arg6[%swap3A_1088, %swap3A_1089], %concatenate3A_1087 {strides = array<i32>} : memref<12x128xi32, #tpu.memory_space<vmem>>, vector<12x128xi32>,
    %jit3A_1091 = arith.constant 0.000000e+00 : f32
    %broadcast_in_dim3A_1092 = vector.broadcast %jit3A_1091 : f32 to vector<10x128xf32>
    %select_n3A_1093 = arith.select %and3A_1081, %concatenate3A_753, %broadcast_in_dim3A_1092 : vector<10x128xi1>, vector<10x128xf32>
    %broadcast_in_dim3A_1094 = arith.constant 0.000000e+00 : f32
    %broadcast_in_dim3A_1095 = vector.broadcast %broadcast_in_dim3A_1094 : f32 to vector<2x128xf32>
    %concatenate3A_1096 = tpu.concatenate %select_n3A_1093, %broadcast_in_dim3A_1095 in 0 : vector<10x128xf32>, vector<2x128xf32> -> vector<12x128xf32>
    %swap3A_1097 = arith.constant 0 : index
    %swap3A_1098 = arith.constant 0 : index
    %swap3A_1099 = vector.load %arg7[%swap3A_1097, %swap3A_1098] : memref<12x128xf32, #tpu.memory_space<vmem>>, vector<12x128xf32>
    tpu.vector_store %arg7[%swap3A_1097, %swap3A_1098], %concatenate3A_1096 {strides = array<i32>} : memref<12x128xf32, #tpu.memory_space<vmem>>, vector<12x128xf32>,
    return
  }
  func.func @transform_0(%arg0: i32) -> (i32, i32) {
    %c0_i32 = arith.constant 0 : i32
    %c0_i32_0 = arith.constant 0 : i32
    %c0_i32_1 = arith.constant 0 : i32
    return %c0_i32, %c0_i32_0 : i32, i32
  }
  func.func @transform_1(%arg0: i32) -> (i32, i32) {
    %c0_i32 = arith.constant 0 : i32
    %c0_i32_0 = arith.constant 0 : i32
    %c0_i32_1 = arith.constant 0 : i32
    return %c0_i32, %c0_i32_0 : i32, i32
  }
  func.func @transform_2(%arg0: i32) -> (i32, i32) {
    %c0_i32 = arith.constant 0 : i32
    %c0_i32_0 = arith.constant 0 : i32
    return %arg0, %c0_i32 : i32, i32
  }
  func.func @transform_3(%arg0: i32) -> (i32, i32) {
    %c0_i32 = arith.constant 0 : i32
    %c0_i32_0 = arith.constant 0 : i32
    return %arg0, %c0_i32 : i32, i32
  }
  func.func @transform_4(%arg0: i32) -> (i32, i32) {
    %c0_i32 = arith.constant 0 : i32
    %c0_i32_0 = arith.constant 0 : i32
    return %arg0, %c0_i32 : i32, i32
  }
  func.func @transform_5(%arg0: i32) -> (i32, i32) {
    %c0_i32 = arith.constant 0 : i32
    %c0_i32_0 = arith.constant 0 : i32
    %c0_i32_1 = arith.constant 0 : i32
    return %c0_i32, %c0_i32_0 : i32, i32
  }
  func.func @transform_6(%arg0: i32) -> (i32, i32) {
    %c0_i32 = arith.constant 0 : i32
    %c0_i32_0 = arith.constant 0 : i32
    %c0_i32_1 = arith.constant 0 : i32
    return %c0_i32, %c0_i32_0 : i32, i32
  }
}

</mosaic_0001>

<sc_bundles>
// kernel: kernel.4.cloned.1.call-start
scs
__scs_entry_jumppad:
0x0: {  	(pc) =	sbr.rel $0x88, $3  }
0x1: {  	(tag) =	ssettag $0x0;
	lr =	simm.s32 $0x1  }
0x2: {  	[smem:$0x3F99] =	sst lr;
	_ =	strace $0xD0000000  }
0x3: {  	_ = 	snop  }
0x4: {  	_ = 	snop  }
0x5: {  	_ = 	snop  }
0x6: {  	_ = 	snop  }
0x7: {  	_ = 	snop  }
__scs_overlays_trampoline_lowered:
0x8: {  	[smem:$0x3FA8] =	sst s0  }
0x9: {  	[smem:$0x3FA9] =	sst s1  }
0xa: {  	[smem:$0x3FAA] =	sst s2  }
0xb: {  	[smem:$0x3FAB] =	sst s3  }
0xc: {  	[smem:$0x3FAC] =	sst s4  }
0xd: {  	[smem:$0x3FAD] =	sst s5  }
0xe: {  	[smem:$0x3FAE] =	sst s6  }
0xf: {  	[smem:$0x3FAF] =	sst s7  }
0x10: {  	[smem:$0x3FB0] =	sst s8  }
0x11: {  	[smem:$0x3FB1] =	sst s9;
	s0 =	simm.s32 @!p0 $0x0  }
0x12: {  	s1 =	sld [smem:$0x3F97];
	s0 =	simm.s32 @p0 $0x1  }
0x13: {  	[smem:$0x3FB2] =	sst s0;
	s0 =	simm.s32 @!p1 $0x0  }
0x14: {  	s2 =	sld [smem:$0x3F96];
	s0 =	simm.s32 @p1 $0x1  }
0x15: {  	[smem:$0x3FB3] =	sst s0;
	s0 =	simm.s32 @!p2 $0x0  }
0x16: {  	s3 =	sld [smem:$0x3FDB];
	s0 =	simm.s32 @p2 $0x1  }
0x17: {  	s4 =	simm.s32 $0x1BF5;
	[smem:$0x3FB5] =	sst s0  }
0x18: {  	s0 =	sld [smem:$0x3F98];
	_ =	swait.ge [sflag:s4], $0x0  }
0x19: {  	s7 =	sld [smem:$0x3F99]  }
0x1a: {  	s8 =	sadd.s32 $0xFFFFE003, lr  }
0x1b: {  	s9 =	sadd.s32 $0xFFFFFEF7, lr;
	s5 =	simm.s32 $0xFFFFFFFF;
	p2 =	slt.u32 s8, $0xFFFFF086  }
0x1c: {  	p1 =	slt.u32 s9, $0xF7A;
	s5 =	simm.s32 @!p2 $0x0  }
0x1d: {  	s5 =	simm.s32 @p1 $0x1;
	p0 =	seq.s32 s7, s2  }
0x1e: {  	s7 =	smul.u32 @!p0 $0xF7A, s2;
	p2 =	seq.s32 @!p0 s5, $0x0  }
0x1f: {  	s9 =	smul.u32 $0xF7A, s1;
	s8 =	simm.s32 @!p0 $0x1BF5;
	p2 =	por !p2, p0  }
0x20: {  	[sflag:s8] =	ssyncset.s32 @!p0 $0xFFFFF086;
	s6 =	sadd.s32 @!p0 s3, s7;
	s7 =	simm.s32 @!p0 $0x108  }
0x21: {  	s3 =	sadd.s32 s3, s9;
	s6 =	sadd.s32 @!p0 $0x88, s6;
	s7 =	simm.s32 @p2 $0x1082  }
0x22: {  	[simem:s7], [sflag:s8] =	dma.local @!p0 [hbm:s6], $0xF7A  }
0x23: {  	s9 =	sor.u32 $0xD0000000, s2;
	s6 =	simm.s32 $0x108;
	_ =	swait.ge @!p0 [sflag:s8], $0x0  }
0x24: {  	s3 =	sadd.s32 $0x88, s3;
	s6 =	simm.s32 @!p1 $0x1082;
	[sflag:s4] =	ssyncset.s32 $0xFFFFF086  }
0x25: {  	[simem:s6], [sflag:s4] =	dma.local [hbm:s3], $0xF7A  }
0x26: {  	[smem:$0x3F99] =	sst s1;
	(tag) =	ssettag s2;
	_ =	strace s9  }
0x27: {  	s1 =	sld [smem:$0x3FA9]  }
0x28: {  	s2 =	sld [smem:$0x3FAA]  }
0x29: {  	s4 =	sld [smem:$0x3FAC]  }
0x2a: {  	p0 =	seq.s32 s5, $0x0;
	s5 =	sld [smem:$0x3FAD]  }
0x2b: {  	s6 =	sld [smem:$0x3FAE]  }
0x2c: {  	s7 =	sld [smem:$0x3FAF]  }
0x2d: {  	s3 =	simm.s32 $0x108;
	s8 =	sld [smem:$0x3FB0]  }
0x2e: {  	s3 =	simm.s32 @!p0 $0x1082;
	s9 =	sld [smem:$0x3FB1]  }
0x2f: {  	lr =	sadd.s32 s0, s3;
	s0 =	sld [smem:$0x3FA8]  }
0x30: {  	s3 =	sld [smem:$0x3FAB]  }
0x31: {  	[smem:$0x3FB4] =	sst s10  }
0x32: {  	s10 =	sld [smem:$0x3FB2];
	_ =	sdelay $0x3  }
0x33: {  	p0 =	seq.s32 s10, $0x1;
	s10 =	sld [smem:$0x3FB4];
	_ =	sdelay $0x3  }
0x34: {  	[smem:$0x3FB4] =	sst s10  }
0x35: {  	s10 =	sld [smem:$0x3FB3];
	_ =	sdelay $0x3  }
0x36: {  	p1 =	seq.s32 s10, $0x1;
	s10 =	sld [smem:$0x3FB4];
	_ =	sdelay $0x3  }
0x37: {  	[smem:$0x3FB4] =	sst s10  }
0x38: {  	s10 =	sld [smem:$0x3FB5]  }
0x39: {  	_ = 	snop;
	(pc) =	sbr.ind lr, $3  }
0x3a: {  	_ = 	snop  }
0x3b: {  	_ = 	snop  }
0x3c: {  	p2 =	seq.s32 s10, $0x1;
	s10 =	sld [smem:$0x3FB4]  }
0x3d: {  	_ =	shalt  }
0x3e: {  	_ =	shalt  }
0x3f: {  	_ =	shalt  }
0x40: {  	_ =	shalt  }
0x41: {  	_ =	shalt  }
0x42: {  	_ =	shalt  }
0x43: {  	_ =	shalt  }
0x44: {  	_ =	shalt  }
0x45: {  	_ =	shalt  }
0x46: {  	_ =	shalt  }
0x47: {  	_ =	shalt  }
0x48: {  	_ =	shalt  }
0x49: {  	_ =	shalt  }
0x4a: {  	_ =	shalt  }
0x4b: {  	_ =	shalt  }
0x4c: {  	_ =	shalt  }
0x4d: {  	_ =	shalt  }
0x4e: {  	_ =	shalt  }
0x4f: {  	_ =	shalt  }
0x50: {  	_ =	shalt  }
0x51: {  	_ =	shalt  }
0x52: {  	_ =	shalt  }
0x53: {  	_ =	shalt  }
0x54: {  	_ =	shalt  }
0x55: {  	_ =	shalt  }
0x56: {  	_ =	shalt  }
0x57: {  	_ =	shalt  }
0x58: {  	_ =	shalt  }
0x59: {  	_ =	shalt  }
0x5a: {  	_ =	shalt  }
0x5b: {  	_ =	shalt  }
0x5c: {  	_ =	shalt  }
0x5d: {  	_ =	shalt  }
0x5e: {  	_ =	shalt  }
0x5f: {  	_ =	shalt  }
0x60: {  	_ =	shalt  }
0x61: {  	_ =	shalt  }
0x62: {  	_ =	shalt  }
0x63: {  	_ =	shalt  }
0x64: {  	_ =	shalt  }
0x65: {  	_ =	shalt  }
0x66: {  	_ =	shalt  }
0x67: {  	_ =	shalt  }
0x68: {  	_ =	shalt  }
0x69: {  	_ =	shalt  }
0x6a: {  	_ =	shalt  }
0x6b: {  	_ =	shalt  }
0x6c: {  	_ =	shalt  }
0x6d: {  	_ =	shalt  }
0x6e: {  	_ =	shalt  }
0x6f: {  	_ =	shalt  }
0x70: {  	_ =	shalt  }
0x71: {  	_ =	shalt  }
0x72: {  	_ =	shalt  }
0x73: {  	_ =	shalt  }
0x74: {  	_ =	shalt  }
0x75: {  	_ =	shalt  }
0x76: {  	_ =	shalt  }
0x77: {  	_ =	shalt  }
0x78: {  	_ =	shalt  }
0x79: {  	_ =	shalt  }
0x7a: {  	_ =	shalt  }
0x7b: {  	_ =	shalt  }
0x7c: {  	_ =	shalt  }
0x7d: {  	_ =	shalt  }
0x7e: {  	_ =	shalt  }
0x7f: {  	_ =	shalt  }
0x80: {  	_ =	shalt  }
0x81: {  	_ =	shalt  }
0x82: {  	_ =	shalt  }
0x83: {  	_ =	shalt  }
0x84: {  	_ =	shalt  }
0x85: {  	_ =	shalt  }
0x86: {  	_ =	shalt  }
0x87: {  	_ =	shalt  }
.Lfunc_end0:
.L_simem_size_0:
called_computation_lowered:
.L_overlay_start_0:
0x88: {  	s2 =	sld [smem:$0x3FD9]  }
0x89: {  	s3 =	sld [smem:$0x3FFE];
	_ =	sdelay $0x1  }
0x8a: {  	s1 =	srdreg.scid  }
0x8b: {  	s0 =	sand.u32 $0x1, s1  }
0x8c: {  	s17 =	sshll.u32 s0, $0xA;
	s2 =	sadd.s32 s3, s2  }
0x8d: {  	s2 =	sadd.s32 s2, s17  }
0x8e: {  	[smem:$0x3FC0] =	sst s2  }
0x8f: {  	_ = 	snop  }
0x90: {  	s2 =	sld [smem:$0x3FD0];
	(tm) =	ssettm $0x1  }
0x91: {  	s18 =	sld [smem:$0x3FFB];
	_ =	sdelay $0x3  }
0x92: {  	_ =	strace s18  }
0x93: {  	s3 =	sld [smem:$0x3FFC];
	_ =	sdelay $0x3  }
0x94: {  	_ =	strace s3  }
0x95: {  	s3 =	sld [smem:$0x3FFD];
	_ =	sdelay $0x3  }
0x96: {  	_ =	strace s3  }
0x97: {  	_ =	strace $0x8FFFFFFF  }
0x98: {  	s19 =	sld [smem:$0x3FDB];
	_ =	sdelay $0x1  }
0x99: {  	s4 =	simm.s32 $_scs_section_size  }
0x9a: {  	s5 =	simm.s32 $_size__tile_overlayer_lowered;
	s6 =	simm.s32 $_tile_overlayer_lowered  }
0x9b: {  	s22 =	simm.s32 $0x1BFF;
	s21 =	sshll.u32 s6, $0x1;
	s3 =	sadd.s32 s4, s19  }
0x9c: {  	s7 =	simm.s32 $0x0;
	s20 =	sshll.u32 s5, $0x1;
	s5 =	sadd.s32 s21, s3  }
0x9d: {  	[timem:s7], [sflag:s22] =	dma.local [hbm:s5], s20  }
0x9e: {  	_ =	swait.ge [sflag:s22], s20  }
0x9f: {  	s4 =	ssub.s32 $0x0, s20;
	[sflag:s22] =	ssyncset.done $0x0  }
0xa0: {  	[sflag:s22] =	ssyncadd.s32 s4;
	_ =	sdelay $0x1  }
0xa1: {  	s23 =	simm.s32 $0x1B8B  }
0xa2: {  	_ =	swait.ge [sflag:s23], $0x1  }
0xa3: {  	[sflag:s23] =	ssyncset.done $0x0  }
0xa4: {  	s25 =	simm.s32 $0x1B8E;
	s24 =	sld [smem:$0x3FFE];
	[sflag:s23] =	ssyncadd.s32 $0xFFFFFFFF  }
0xa5: {  	s26 =	simm.s32 $execute0_lowered;
	[smem:$0x3FD2] =	sst s25  }
0xa6: {  	s5 =	sshll.u32 s26, $0x1;
	_ =	strace $0x80000046;
	[dreg:$0x1] =	wrdreg $0xFFFFFFFF  }
0xa7: {  	s28 =	simm.s32 $_size_execute0_lowered;
	s3 =	sadd.s32 s3, s5;
	[dreg:$0x0] =	wrdreg $0x0  }
0xa8: {  	s5 =	sshll.u32 s28, $0x1;
	[dreg:$0x2] =	wrdreg s3  }
0xa9: {  	[dreg:$0x3] =	wrdreg s5  }
0xaa: {  	[dreg:$0x4] =	wrdreg $0xC0  }
0xab: {  	_ =	task [dreg:s7], $0x5FFFF  }
0xac: {  	[dreg:$0x1] =	wrdreg $0xFFFFFFFF  }
0xad: {  	[dreg:$0x0] =	wrdreg $0x60  }
0xae: {  	[dreg:$0x2] =	wrdreg s24  }
0xaf: {  	[dreg:$0x3] =	wrdreg s2  }
0xb0: {  	[dreg:$0x4] =	wrdreg $0x9  }
0xb1: {  	_ =	task.clear_ibuf [dreg:s7], $0x5FFFF;
	_ =	strace $0x90000046  }
0xb2: {  	s29 =	simm.s32 $0x9;
	_ =	strace $0x80000048  }
0xb3: {  	_ =	swait.ge [sflag:s29], $0x1  }
0xb4: {  	[sflag:s29] =	ssyncadd.s32 $0xFFFFFFFF  }
0xb5: {  	_ =	strace $0x90000048  }
0xb6: {  	_ =	sfence  }
0xb7: {  	s30 =	sld [smem:$0x0];
	_ =	sdelay $0x2  }
0xb8: {  	s31 =	sshll.u32 s1, $0xD;
	s1 =	sshrl.u32 s1, $0x2  }
0xb9: {  	s3 =	sand.u32 $0x4000, s31;
	s1 =	sadd.s32 s1, s30  }
0xba: {  	s0 =	sor.u32 s3, s0;
	s1 =	sshll.u32 s1, $0x11  }
0xbb: {  	s0 =	sor.u32 s1, s0  }
0xbc: {  	s0 =	sadd.s32 $0x8F2B, s0  }
0xbd: {  	[sflag:s0] =	ssyncadd.remote.s32 $0x1  }
0xbe: {  	_ =	sfence.sel $0xFFFF  }
0xbf: {  	[dreg:$0x0] =	wrdreg $0xFFFFFFFF;
	(pc) =	sbr.abs _section_cstart, $3  }
0xc0: {  	[dreg:$0x1] =	wrdreg $0xFFFFFFFF  }
0xc1: {  	_ =	task.clear_ibuf [dreg:s7], $0x2FFFF;
	_ =	strace $0x9FFFFFFF  }
0xc2: {  	(tm) =	ssettm $0x7FFFFFFF  }
0xc3: {  	_ =	shalt  }
tec
execute0_lowered:
.L_overlay_start_1:
0x0: {  	(tag) =	ssettag $0x1  }
0x1: {  	s1 =	srdreg.scid;
	s4 =	rddreg [dreg:$0x0]  }
0x2: {  	s0 =	stileid.u32;
	s6 =	rddreg [dreg:$0x1];
	s2 =	simm.s32 $0x0  }
0x3: {  	s12 =	simm.s32 $0x1100;
	s3 =	sand.u32 $0x1, s1;
	s30 =	sshll.u32 s0, $0x1  }
0x4: {  	s13 =	simm.s32 $0x1380;
	s1 =	rddreg [dreg:$0x2];
	s5 =	sor.u32 s3, s30  }
0x5: {  	[smem:$0x7FF] =	sst s2;
	s31 =	ssub.s32 $0x2, s3;
	s8 =	smul.u32 $0x280, s5  }
0x6: {  	_ =	strace $0x80000047;
	s3 =	sadd.s32 $0x1000, s4;
	s10 =	sshrl.u32 s31, $0x1  }
0x7: {  	s10 =	ssub.s32 s31, s10;
	s7 =	sshrl.u32 s8, $0x3;
	s11 =	sadd.s32 $0x280, s8  }
0x8: {  	v0 =	vmov s8;
	s8 =	simm.s32 $0x1;
	s9 =	sadd.s32 s7, s4;
	s4 =	sadd.s32 $0x1200, s4  }
0x9: {  	s6 =	sadd.s32 s6, s7;
	s7 =	smax.u32 s10, $0x1;
	s10 =	simm.s32 $0xC00  }
0xa: {  	v2 =	vimm.f32 $0.0e+00;
	v3 =	vimm.f32 $1.000000000e+00;
	v1 =	vmov s11;
	s11 =	simm.s32 $0xE80;
	s5 =	sadd.s32 $0x1400, s9;
	s9 =	simm.s32 $0x600  }
.LBB2_1:
0xb: {  	[tilespmem:s2], [sflag:$0x1] =	stream.linear.gather [hbm4b:s3+s2], $0x600, $0x38;
	[tilespmem:$0x1600] =	vst v63  }
0xc: {  	_ =	swait.ge [sflag:s8], $0x600  }
0xd: {  	[sflag:s8] =	ssyncset.done $0x0  }
0xe: {  	[sflag:s8] =	ssyncadd.s32 $0xFFFFFA00  }
0xf: {  	[tilespmem:s9], [sflag:$0x1] =	stream.linear.gather [hbm4b:s4+s2], $0x600, $0x38;
	[tilespmem:$0x1600] =	vst v63  }
0x10: {  	_ =	swait.ge [sflag:s8], $0x600  }
0x11: {  	[sflag:s8] =	ssyncset.done $0x0  }
0x12: {  	[sflag:s8] =	ssyncadd.s32 $0xFFFFFA00  }
0x13: {  	[tilespmem:s10], [sflag:$0x1] =	stream.linear.gather [hbm4b:s5+s2], $0x280, $0x38;
	[tilespmem:$0x1600] =	vst v63  }
0x14: {  	_ =	swait.ge [sflag:s8], $0x280  }
0x15: {  	[sflag:s8] =	ssyncset.done $0x0  }
0x16: {  	[sflag:s8] =	ssyncadd.s32 $0xFFFFFD80  }
0x17: {  	[tilespmem:$0xE80] =	vst v2  }
0x18: {  	[tilespmem:$0x1100] =	vst v2  }
0x19: {  	[tilespmem:$0xE90] =	vst v2  }
0x1a: {  	[tilespmem:$0x1110] =	vst v2  }
0x1b: {  	[tilespmem:$0xEA0] =	vst v2  }
0x1c: {  	[tilespmem:$0x1120] =	vst v2  }
0x1d: {  	[tilespmem:$0xEB0] =	vst v2  }
0x1e: {  	[tilespmem:$0x1130] =	vst v2  }
0x1f: {  	[tilespmem:$0xEC0] =	vst v2  }
0x20: {  	[tilespmem:$0x1140] =	vst v2  }
0x21: {  	[tilespmem:$0xED0] =	vst v2  }
0x22: {  	[tilespmem:$0x1150] =	vst v2  }
0x23: {  	[tilespmem:$0xEE0] =	vst v2  }
0x24: {  	[tilespmem:$0x1160] =	vst v2  }
0x25: {  	[tilespmem:$0xEF0] =	vst v2  }
0x26: {  	[tilespmem:$0x1170] =	vst v2  }
0x27: {  	[tilespmem:$0xF00] =	vst v2  }
0x28: {  	[tilespmem:$0x1180] =	vst v2  }
0x29: {  	[tilespmem:$0xF10] =	vst v2  }
0x2a: {  	[tilespmem:$0x1190] =	vst v2  }
0x2b: {  	[tilespmem:$0xF20] =	vst v2  }
0x2c: {  	[tilespmem:$0x11A0] =	vst v2  }
0x2d: {  	[tilespmem:$0xF30] =	vst v2  }
0x2e: {  	[tilespmem:$0x11B0] =	vst v2  }
0x2f: {  	[tilespmem:$0xF40] =	vst v2  }
0x30: {  	[tilespmem:$0x11C0] =	vst v2  }
0x31: {  	[tilespmem:$0xF50] =	vst v2  }
0x32: {  	[tilespmem:$0x11D0] =	vst v2  }
0x33: {  	[tilespmem:$0xF60] =	vst v2  }
0x34: {  	[tilespmem:$0x11E0] =	vst v2  }
0x35: {  	[tilespmem:$0xF70] =	vst v2  }
0x36: {  	[tilespmem:$0x11F0] =	vst v2  }
0x37: {  	[tilespmem:$0xF80] =	vst v2  }
0x38: {  	[tilespmem:$0x1200] =	vst v2  }
0x39: {  	[tilespmem:$0xF90] =	vst v2  }
0x3a: {  	[tilespmem:$0x1210] =	vst v2  }
0x3b: {  	[tilespmem:$0xFA0] =	vst v2  }
0x3c: {  	[tilespmem:$0x1220] =	vst v2  }
0x3d: {  	[tilespmem:$0xFB0] =	vst v2  }
0x3e: {  	[tilespmem:$0x1230] =	vst v2  }
0x3f: {  	[tilespmem:$0xFC0] =	vst v2  }
0x40: {  	[tilespmem:$0x1240] =	vst v2  }
0x41: {  	[tilespmem:$0xFD0] =	vst v2  }
0x42: {  	[tilespmem:$0x1250] =	vst v2  }
0x43: {  	[tilespmem:$0xFE0] =	vst v2  }
0x44: {  	[tilespmem:$0x1260] =	vst v2  }
0x45: {  	[tilespmem:$0xFF0] =	vst v2  }
0x46: {  	[tilespmem:$0x1270] =	vst v2  }
0x47: {  	[tilespmem:$0x1000] =	vst v2  }
0x48: {  	[tilespmem:$0x1280] =	vst v2  }
0x49: {  	[tilespmem:$0x1010] =	vst v2  }
0x4a: {  	[tilespmem:$0x1290] =	vst v2  }
0x4b: {  	[tilespmem:$0x1020] =	vst v2  }
0x4c: {  	[tilespmem:$0x12A0] =	vst v2  }
0x4d: {  	[tilespmem:$0x1030] =	vst v2  }
0x4e: {  	[tilespmem:$0x12B0] =	vst v2  }
0x4f: {  	[tilespmem:$0x1040] =	vst v2  }
0x50: {  	[tilespmem:$0x12C0] =	vst v2  }
0x51: {  	[tilespmem:$0x1050] =	vst v2  }
0x52: {  	[tilespmem:$0x12D0] =	vst v2  }
0x53: {  	[tilespmem:$0x1060] =	vst v2  }
0x54: {  	[tilespmem:$0x12E0] =	vst v2  }
0x55: {  	[tilespmem:$0x1070] =	vst v2  }
0x56: {  	[tilespmem:$0x12F0] =	vst v2  }
0x57: {  	[tilespmem:$0x1080] =	vst v2  }
0x58: {  	[tilespmem:$0x1300] =	vst v2  }
0x59: {  	[tilespmem:$0x1090] =	vst v2  }
0x5a: {  	[tilespmem:$0x1310] =	vst v2  }
0x5b: {  	[tilespmem:$0x10A0] =	vst v2;
	v4 =	vld [tilespmem:$0x0]  }
0x5c: {  	[tilespmem:$0x1320] =	vst v2  }
0x5d: {  	[tilespmem:$0x10B0] =	vst v2  }
0x5e: {  	[tilespmem:$0x1330] =	vst v2  }
0x5f: {  	[tilespmem:$0x10C0] =	vst v2  }
0x60: {  	[tilespmem:$0x1340] =	vst v2;
	v5 =	vsub.s32 v4, v0;
	vm0 =	vge.s32 v4, v0;
	vm1 =	vlt.s32 v4, v1  }
0x61: {  	[tilespmem:$0x10D0] =	vst v2;
	v4 =	vand.u32 $0x7F, v4;
	vm0 =	vmand vm0, vm1;
	v5 =	vand.u32 $0xFFFFFF80, v5  }
0x62: {  	[tilespmem:$0x1350] =	vst v2;
	v4 =	vor.u32 v4, v5  }
0x63: {  	[tilespmem:$0x10E0] =	vst v2;
	v5 =	vld [tilespmem:$0x600]  }
0x64: {  	[tilespmem:$0x1360] =	vst v2  }
0x65: {  	[tilespmem:$0x10F0] =	vst v2  }
0x66: {  	[tilespmem:$0x1370] =	vst v2  }
0x67: {  	[tilespmem:v4+s11+$0x0] =	vst.idx.add.f32.msk vm0, v3  }
0x68: {  	[tilespmem:v4+s12+$0x0] =	vst.idx.add.f32.msk vm0, v5  }
0x69: {  	v4 =	vld [tilespmem:$0x10];
	_ =	sdelay $0x4  }
0x6a: {  	v5 =	vsub.s32 v4, v0;
	vm14 =	vge.s32 v4, v0;
	vm15 =	vlt.s32 v4, v1  }
0x6b: {  	v4 =	vand.u32 $0x7F, v4;
	vm0 =	vmand vm14, vm15;
	v5 =	vand.u32 $0xFFFFFF80, v5  }
0x6c: {  	v4 =	vor.u32 v4, v5  }
0x6d: {  	v5 =	vld [tilespmem:$0x610];
	_ =	sdelay $0x3  }
0x6e: {  	[tilespmem:v4+s11+$0x0] =	vst.idx.add.f32.msk vm0, v3  }
0x6f: {  	[tilespmem:v4+s12+$0x0] =	vst.idx.add.f32.msk vm0, v5  }
0x70: {  	v4 =	vld [tilespmem:$0x20];
	_ =	sdelay $0x4  }
0x71: {  	v5 =	vsub.s32 v4, v0;
	vm4 =	vge.s32 v4, v0;
	vm5 =	vlt.s32 v4, v1  }
0x72: {  	v4 =	vand.u32 $0x7F, v4;
	vm0 =	vmand vm4, vm5;
	v5 =	vand.u32 $0xFFFFFF80, v5  }
0x73: {  	v4 =	vor.u32 v4, v5  }
0x74: {  	v5 =	vld [tilespmem:$0x620];
	_ =	sdelay $0x3  }
0x75: {  	[tilespmem:v4+s11+$0x0] =	vst.idx.add.f32.msk vm0, v3  }
0x76: {  	[tilespmem:v4+s12+$0x0] =	vst.idx.add.f32.msk vm0, v5  }
0x77: {  	v4 =	vld [tilespmem:$0x30];
	_ =	sdelay $0x4  }
0x78: {  	v5 =	vsub.s32 v4, v0;
	vm6 =	vge.s32 v4, v0;
	vm7 =	vlt.s32 v4, v1  }
0x79: {  	v4 =	vand.u32 $0x7F, v4;
	vm0 =	vmand vm6, vm7;
	v5 =	vand.u32 $0xFFFFFF80, v5  }
0x7a: {  	v4 =	vor.u32 v4, v5  }
0x7b: {  	v5 =	vld [tilespmem:$0x630];
	_ =	sdelay $0x3  }
0x7c: {  	[tilespmem:v4+s11+$0x0] =	vst.idx.add.f32.msk vm0, v3  }
0x7d: {  	[tilespmem:v4+s12+$0x0] =	vst.idx.add.f32.msk vm0, v5  }
0x7e: {  	v4 =	vld [tilespmem:$0x40];
	_ =	sdelay $0x4  }
0x7f: {  	v5 =	vsub.s32 v4, v0;
	vm8 =	vge.s32 v4, v0;
	vm9 =	vlt.s32 v4, v1  }
0x80: {  	v4 =	vand.u32 $0x7F, v4;
	vm0 =	vmand vm8, vm9;
	v5 =	vand.u32 $0xFFFFFF80, v5  }
0x81: {  	v4 =	vor.u32 v4, v5  }
0x82: {  	v5 =	vld [tilespmem:$0x640];
	_ =	sdelay $0x3  }
0x83: {  	[tilespmem:v4+s11+$0x0] =	vst.idx.add.f32.msk vm0, v3  }
0x84: {  	[tilespmem:v4+s12+$0x0] =	vst.idx.add.f32.msk vm0, v5  }
0x85: {  	v4 =	vld [tilespmem:$0x50];
	_ =	sdelay $0x4  }
0x86: {  	v5 =	vsub.s32 v4, v0;
	vm10 =	vge.s32 v4, v0;
	vm11 =	vlt.s32 v4, v1  }
0x87: {  	v4 =	vand.u32 $0x7F, v4;
	vm0 =	vmand vm10, vm11;
	v5 =	vand.u32 $0xFFFFFF80, v5  }
0x88: {  	v4 =	vor.u32 v4, v5  }
0x89: {  	v5 =	vld [tilespmem:$0x650];
	_ =	sdelay $0x3  }
0x8a: {  	[tilespmem:v4+s11+$0x0] =	vst.idx.add.f32.msk vm0, v3  }
0x8b: {  	[tilespmem:v4+s12+$0x0] =	vst.idx.add.f32.msk vm0, v5  }
0x8c: {  	v4 =	vld [tilespmem:$0x60];
	_ =	sdelay $0x4  }
0x8d: {  	v5 =	vsub.s32 v4, v0;
	vm12 =	vge.s32 v4, v0;
	vm13 =	vlt.s32 v4, v1  }
0x8e: {  	v4 =	vand.u32 $0x7F, v4;
	vm0 =	vmand vm12, vm13;
	v5 =	vand.u32 $0xFFFFFF80, v5  }
0x8f: {  	v4 =	vor.u32 v4, v5  }
0x90: {  	v5 =	vld [tilespmem:$0x660];
	_ =	sdelay $0x3  }
0x91: {  	[tilespmem:v4+s11+$0x0] =	vst.idx.add.f32.msk vm0, v3  }
0x92: {  	[tilespmem:v4+s12+$0x0] =	vst.idx.add.f32.msk vm0, v5  }
0x93: {  	v4 =	vld [tilespmem:$0x70];
	_ =	sdelay $0x4  }
0x94: {  	v5 =	vsub.s32 v4, v0;
	vm14 =	vge.s32 v4, v0;
	vm15 =	vlt.s32 v4, v1  }
0x95: {  	v4 =	vand.u32 $0x7F, v4;
	vm0 =	vmand vm14, vm15;
	v5 =	vand.u32 $0xFFFFFF80, v5  }
0x96: {  	v4 =	vor.u32 v4, v5  }
0x97: {  	v5 =	vld [tilespmem:$0x670];
	_ =	sdelay $0x3  }
0x98: {  	[tilespmem:v4+s11+$0x0] =	vst.idx.add.f32.msk vm0, v3  }
0x99: {  	[tilespmem:v4+s12+$0x0] =	vst.idx.add.f32.msk vm0, v5  }
0x9a: {  	v4 =	vld [tilespmem:$0x80];
	_ =	sdelay $0x4  }
0x9b: {  	v5 =	vsub.s32 v4, v0;
	vm4 =	vge.s32 v4, v0;
	vm5 =	vlt.s32 v4, v1  }
0x9c: {  	v4 =	vand.u32 $0x7F, v4;
	vm0 =	vmand vm4, vm5;
	v5 =	vand.u32 $0xFFFFFF80, v5  }
0x9d: {  	v4 =	vor.u32 v4, v5  }
0x9e: {  	v5 =	vld [tilespmem:$0x680];
	_ =	sdelay $0x3  }
0x9f: {  	[tilespmem:v4+s11+$0x0] =	vst.idx.add.f32.msk vm0, v3  }
0xa0: {  	[tilespmem:v4+s12+$0x0] =	vst.idx.add.f32.msk vm0, v5  }
0xa1: {  	v4 =	vld [tilespmem:$0x90];
	_ =	sdelay $0x4  }
0xa2: {  	v5 =	vsub.s32 v4, v0;
	vm6 =	vge.s32 v4, v0;
	vm7 =	vlt.s32 v4, v1  }
0xa3: {  	v4 =	vand.u32 $0x7F, v4;
	vm0 =	vmand vm6, vm7;
	v5 =	vand.u32 $0xFFFFFF80, v5  }
0xa4: {  	v4 =	vor.u32 v4, v5  }
0xa5: {  	v5 =	vld [tilespmem:$0x690];
	_ =	sdelay $0x3  }
0xa6: {  	[tilespmem:v4+s11+$0x0] =	vst.idx.add.f32.msk vm0, v3  }
0xa7: {  	[tilespmem:v4+s12+$0x0] =	vst.idx.add.f32.msk vm0, v5  }
0xa8: {  	v4 =	vld [tilespmem:$0xA0];
	_ =	sdelay $0x4  }
0xa9: {  	v5 =	vsub.s32 v4, v0;
	vm8 =	vge.s32 v4, v0;
	vm9 =	vlt.s32 v4, v1  }
0xaa: {  	v4 =	vand.u32 $0x7F, v4;
	vm0 =	vmand vm8, vm9;
	v5 =	vand.u32 $0xFFFFFF80, v5  }
0xab: {  	v4 =	vor.u32 v4, v5  }
0xac: {  	v5 =	vld [tilespmem:$0x6A0];
	_ =	sdelay $0x3  }
0xad: {  	[tilespmem:v4+s11+$0x0] =	vst.idx.add.f32.msk vm0, v3  }
0xae: {  	[tilespmem:v4+s12+$0x0] =	vst.idx.add.f32.msk vm0, v5  }
0xaf: {  	v4 =	vld [tilespmem:$0xB0];
	_ =	sdelay $0x4  }
0xb0: {  	v5 =	vsub.s32 v4, v0;
	vm10 =	vge.s32 v4, v0;
	vm11 =	vlt.s32 v4, v1  }
0xb1: {  	v4 =	vand.u32 $0x7F, v4;
	vm0 =	vmand vm10, vm11;
	v5 =	vand.u32 $0xFFFFFF80, v5  }
0xb2: {  	v4 =	vor.u32 v4, v5  }
0xb3: {  	v5 =	vld [tilespmem:$0x6B0];
	_ =	sdelay $0x3  }
0xb4: {  	[tilespmem:v4+s11+$0x0] =	vst.idx.add.f32.msk vm0, v3  }
0xb5: {  	[tilespmem:v4+s12+$0x0] =	vst.idx.add.f32.msk vm0, v5  }
0xb6: {  	v4 =	vld [tilespmem:$0xC0];
	_ =	sdelay $0x4  }
0xb7: {  	v5 =	vsub.s32 v4, v0;
	vm12 =	vge.s32 v4, v0;
	vm13 =	vlt.s32 v4, v1  }
0xb8: {  	v4 =	vand.u32 $0x7F, v4;
	vm0 =	vmand vm12, vm13;
	v5 =	vand.u32 $0xFFFFFF80, v5  }
0xb9: {  	v4 =	vor.u32 v4, v5  }
0xba: {  	v5 =	vld [tilespmem:$0x6C0];
	_ =	sdelay $0x3  }
0xbb: {  	[tilespmem:v4+s11+$0x0] =	vst.idx.add.f32.msk vm0, v3  }
0xbc: {  	[tilespmem:v4+s12+$0x0] =	vst.idx.add.f32.msk vm0, v5  }
0xbd: {  	v4 =	vld [tilespmem:$0xD0];
	_ =	sdelay $0x4  }
0xbe: {  	v5 =	vsub.s32 v4, v0;
	vm14 =	vge.s32 v4, v0;
	vm15 =	vlt.s32 v4, v1  }
0xbf: {  	v4 =	vand.u32 $0x7F, v4;
	vm0 =	vmand vm14, vm15;
	v5 =	vand.u32 $0xFFFFFF80, v5  }
0xc0: {  	v4 =	vor.u32 v4, v5  }
0xc1: {  	v5 =	vld [tilespmem:$0x6D0];
	_ =	sdelay $0x3  }
0xc2: {  	[tilespmem:v4+s11+$0x0] =	vst.idx.add.f32.msk vm0, v3  }
0xc3: {  	[tilespmem:v4+s12+$0x0] =	vst.idx.add.f32.msk vm0, v5  }
0xc4: {  	v4 =	vld [tilespmem:$0xE0];
	_ =	sdelay $0x4  }
0xc5: {  	v5 =	vsub.s32 v4, v0;
	vm4 =	vge.s32 v4, v0;
	vm5 =	vlt.s32 v4, v1  }
0xc6: {  	v4 =	vand.u32 $0x7F, v4;
	vm0 =	vmand vm4, vm5;
	v5 =	vand.u32 $0xFFFFFF80, v5  }
0xc7: {  	v4 =	vor.u32 v4, v5  }
0xc8: {  	v5 =	vld [tilespmem:$0x6E0];
	_ =	sdelay $0x3  }
0xc9: {  	[tilespmem:v4+s11+$0x0] =	vst.idx.add.f32.msk vm0, v3  }
0xca: {  	[tilespmem:v4+s12+$0x0] =	vst.idx.add.f32.msk vm0, v5  }
0xcb: {  	v4 =	vld [tilespmem:$0xF0];
	_ =	sdelay $0x4  }
0xcc: {  	v5 =	vsub.s32 v4, v0;
	vm6 =	vge.s32 v4, v0;
	vm7 =	vlt.s32 v4, v1  }
0xcd: {  	v4 =	vand.u32 $0x7F, v4;
	vm0 =	vmand vm6, vm7;
	v5 =	vand.u32 $0xFFFFFF80, v5  }
0xce: {  	v4 =	vor.u32 v4, v5  }
0xcf: {  	v5 =	vld [tilespmem:$0x6F0];
	_ =	sdelay $0x3  }
0xd0: {  	[tilespmem:v4+s11+$0x0] =	vst.idx.add.f32.msk vm0, v3  }
0xd1: {  	[tilespmem:v4+s12+$0x0] =	vst.idx.add.f32.msk vm0, v5  }
0xd2: {  	v4 =	vld [tilespmem:$0x100];
	_ =	sdelay $0x4  }
0xd3: {  	v5 =	vsub.s32 v4, v0;
	vm8 =	vge.s32 v4, v0;
	vm9 =	vlt.s32 v4, v1  }
0xd4: {  	v4 =	vand.u32 $0x7F, v4;
	vm0 =	vmand vm8, vm9;
	v5 =	vand.u32 $0xFFFFFF80, v5  }
0xd5: {  	v4 =	vor.u32 v4, v5  }
0xd6: {  	v5 =	vld [tilespmem:$0x700];
	_ =	sdelay $0x3  }
0xd7: {  	[tilespmem:v4+s11+$0x0] =	vst.idx.add.f32.msk vm0, v3  }
0xd8: {  	[tilespmem:v4+s12+$0x0] =	vst.idx.add.f32.msk vm0, v5  }
0xd9: {  	v4 =	vld [tilespmem:$0x110];
	_ =	sdelay $0x4  }
0xda: {  	v5 =	vsub.s32 v4, v0;
	vm10 =	vge.s32 v4, v0;
	vm11 =	vlt.s32 v4, v1  }
0xdb: {  	v4 =	vand.u32 $0x7F, v4;
	vm0 =	vmand vm10, vm11;
	v5 =	vand.u32 $0xFFFFFF80, v5  }
0xdc: {  	v4 =	vor.u32 v4, v5  }
0xdd: {  	v5 =	vld [tilespmem:$0x710];
	_ =	sdelay $0x3  }
0xde: {  	[tilespmem:v4+s11+$0x0] =	vst.idx.add.f32.msk vm0, v3  }
0xdf: {  	[tilespmem:v4+s12+$0x0] =	vst.idx.add.f32.msk vm0, v5  }
0xe0: {  	v4 =	vld [tilespmem:$0x120];
	_ =	sdelay $0x4  }
0xe1: {  	v5 =	vsub.s32 v4, v0;
	vm12 =	vge.s32 v4, v0;
	vm13 =	vlt.s32 v4, v1  }
0xe2: {  	v4 =	vand.u32 $0x7F, v4;
	vm0 =	vmand vm12, vm13;
	v5 =	vand.u32 $0xFFFFFF80, v5  }
0xe3: {  	v4 =	vor.u32 v4, v5  }
0xe4: {  	v5 =	vld [tilespmem:$0x720];
	_ =	sdelay $0x3  }
0xe5: {  	[tilespmem:v4+s11+$0x0] =	vst.idx.add.f32.msk vm0, v3  }
0xe6: {  	[tilespmem:v4+s12+$0x0] =	vst.idx.add.f32.msk vm0, v5  }
0xe7: {  	v4 =	vld [tilespmem:$0x130];
	_ =	sdelay $0x4  }
0xe8: {  	v5 =	vsub.s32 v4, v0;
	vm14 =	vge.s32 v4, v0;
	vm15 =	vlt.s32 v4, v1  }
0xe9: {  	v4 =	vand.u32 $0x7F, v4;
	vm0 =	vmand vm14, vm15;
	v5 =	vand.u32 $0xFFFFFF80, v5  }
0xea: {  	v4 =	vor.u32 v4, v5  }
0xeb: {  	v5 =	vld [tilespmem:$0x730];
	_ =	sdelay $0x3  }
0xec: {  	[tilespmem:v4+s11+$0x0] =	vst.idx.add.f32.msk vm0, v3  }
0xed: {  	[tilespmem:v4+s12+$0x0] =	vst.idx.add.f32.msk vm0, v5  }
0xee: {  	v4 =	vld [tilespmem:$0x140];
	_ =	sdelay $0x4  }
0xef: {  	v5 =	vsub.s32 v4, v0;
	vm4 =	vge.s32 v4, v0;
	vm5 =	vlt.s32 v4, v1  }
0xf0: {  	v4 =	vand.u32 $0x7F, v4;
	vm0 =	vmand vm4, vm5;
	v5 =	vand.u32 $0xFFFFFF80, v5  }
0xf1: {  	v4 =	vor.u32 v4, v5  }
0xf2: {  	v5 =	vld [tilespmem:$0x740];
	_ =	sdelay $0x3  }
0xf3: {  	[tilespmem:v4+s11+$0x0] =	vst.idx.add.f32.msk vm0, v3  }
0xf4: {  	[tilespmem:v4+s12+$0x0] =	vst.idx.add.f32.msk vm0, v5  }
0xf5: {  	v4 =	vld [tilespmem:$0x150];
	_ =	sdelay $0x4  }
0xf6: {  	v5 =	vsub.s32 v4, v0;
	vm6 =	vge.s32 v4, v0;
	vm7 =	vlt.s32 v4, v1  }
0xf7: {  	v4 =	vand.u32 $0x7F, v4;
	vm0 =	vmand vm6, vm7;
	v5 =	vand.u32 $0xFFFFFF80, v5  }
0xf8: {  	v4 =	vor.u32 v4, v5  }
0xf9: {  	v5 =	vld [tilespmem:$0x750];
	_ =	sdelay $0x3  }
0xfa: {  	[tilespmem:v4+s11+$0x0] =	vst.idx.add.f32.msk vm0, v3  }
0xfb: {  	[tilespmem:v4+s12+$0x0] =	vst.idx.add.f32.msk vm0, v5  }
0xfc: {  	v4 =	vld [tilespmem:$0x160];
	_ =	sdelay $0x4  }
0xfd: {  	v5 =	vsub.s32 v4, v0;
	vm8 =	vge.s32 v4, v0;
	vm9 =	vlt.s32 v4, v1  }
0xfe: {  	v4 =	vand.u32 $0x7F, v4;
	vm0 =	vmand vm8, vm9;
	v5 =	vand.u32 $0xFFFFFF80, v5  }
0xff: {  	v4 =	vor.u32 v4, v5  }
0x100: {  	v5 =	vld [tilespmem:$0x760];
	_ =	sdelay $0x3  }
0x101: {  	[tilespmem:v4+s11+$0x0] =	vst.idx.add.f32.msk vm0, v3  }
0x102: {  	[tilespmem:v4+s12+$0x0] =	vst.idx.add.f32.msk vm0, v5  }
0x103: {  	v4 =	vld [tilespmem:$0x170];
	_ =	sdelay $0x4  }
0x104: {  	v5 =	vsub.s32 v4, v0;
	vm10 =	vge.s32 v4, v0;
	vm11 =	vlt.s32 v4, v1  }
0x105: {  	v4 =	vand.u32 $0x7F, v4;
	vm0 =	vmand vm10, vm11;
	v5 =	vand.u32 $0xFFFFFF80, v5  }
0x106: {  	v4 =	vor.u32 v4, v5  }
0x107: {  	v5 =	vld [tilespmem:$0x770];
	_ =	sdelay $0x3  }
0x108: {  	[tilespmem:v4+s11+$0x0] =	vst.idx.add.f32.msk vm0, v3  }
0x109: {  	[tilespmem:v4+s12+$0x0] =	vst.idx.add.f32.msk vm0, v5  }
0x10a: {  	v4 =	vld [tilespmem:$0x180];
	_ =	sdelay $0x4  }
0x10b: {  	v5 =	vsub.s32 v4, v0;
	vm12 =	vge.s32 v4, v0;
	vm13 =	vlt.s32 v4, v1  }
0x10c: {  	v4 =	vand.u32 $0x7F, v4;
	vm0 =	vmand vm12, vm13;
	v5 =	vand.u32 $0xFFFFFF80, v5  }
0x10d: {  	v4 =	vor.u32 v4, v5  }
0x10e: {  	v5 =	vld [tilespmem:$0x780];
	_ =	sdelay $0x3  }
0x10f: {  	[tilespmem:v4+s11+$0x0] =	vst.idx.add.f32.msk vm0, v3  }
0x110: {  	[tilespmem:v4+s12+$0x0] =	vst.idx.add.f32.msk vm0, v5  }
0x111: {  	v4 =	vld [tilespmem:$0x190];
	_ =	sdelay $0x4  }
0x112: {  	v5 =	vsub.s32 v4, v0;
	vm14 =	vge.s32 v4, v0;
	vm15 =	vlt.s32 v4, v1  }
0x113: {  	v4 =	vand.u32 $0x7F, v4;
	vm0 =	vmand vm14, vm15;
	v5 =	vand.u32 $0xFFFFFF80, v5  }
0x114: {  	v4 =	vor.u32 v4, v5  }
0x115: {  	v5 =	vld [tilespmem:$0x790];
	_ =	sdelay $0x3  }
0x116: {  	[tilespmem:v4+s11+$0x0] =	vst.idx.add.f32.msk vm0, v3  }
0x117: {  	[tilespmem:v4+s12+$0x0] =	vst.idx.add.f32.msk vm0, v5  }
0x118: {  	v4 =	vld [tilespmem:$0x1A0];
	_ =	sdelay $0x4  }
0x119: {  	v5 =	vsub.s32 v4, v0;
	vm4 =	vge.s32 v4, v0;
	vm5 =	vlt.s32 v4, v1  }
0x11a: {  	v4 =	vand.u32 $0x7F, v4;
	vm0 =	vmand vm4, vm5;
	v5 =	vand.u32 $0xFFFFFF80, v5  }
0x11b: {  	v4 =	vor.u32 v4, v5  }
0x11c: {  	v5 =	vld [tilespmem:$0x7A0];
	_ =	sdelay $0x3  }
0x11d: {  	[tilespmem:v4+s11+$0x0] =	vst.idx.add.f32.msk vm0, v3  }
0x11e: {  	[tilespmem:v4+s12+$0x0] =	vst.idx.add.f32.msk vm0, v5  }
0x11f: {  	v4 =	vld [tilespmem:$0x1B0];
	_ =	sdelay $0x4  }
0x120: {  	v5 =	vsub.s32 v4, v0;
	vm6 =	vge.s32 v4, v0;
	vm7 =	vlt.s32 v4, v1  }
0x121: {  	v4 =	vand.u32 $0x7F, v4;
	vm0 =	vmand vm6, vm7;
	v5 =	vand.u32 $0xFFFFFF80, v5  }
0x122: {  	v4 =	vor.u32 v4, v5  }
0x123: {  	v5 =	vld [tilespmem:$0x7B0];
	_ =	sdelay $0x3  }
0x124: {  	[tilespmem:v4+s11+$0x0] =	vst.idx.add.f32.msk vm0, v3  }
0x125: {  	[tilespmem:v4+s12+$0x0] =	vst.idx.add.f32.msk vm0, v5  }
0x126: {  	v4 =	vld [tilespmem:$0x1C0];
	_ =	sdelay $0x4  }
0x127: {  	v5 =	vsub.s32 v4, v0;
	vm8 =	vge.s32 v4, v0;
	vm9 =	vlt.s32 v4, v1  }
0x128: {  	v4 =	vand.u32 $0x7F, v4;
	vm0 =	vmand vm8, vm9;
	v5 =	vand.u32 $0xFFFFFF80, v5  }
0x129: {  	v4 =	vor.u32 v4, v5  }
0x12a: {  	v5 =	vld [tilespmem:$0x7C0];
	_ =	sdelay $0x3  }
0x12b: {  	[tilespmem:v4+s11+$0x0] =	vst.idx.add.f32.msk vm0, v3  }
0x12c: {  	[tilespmem:v4+s12+$0x0] =	vst.idx.add.f32.msk vm0, v5  }
0x12d: {  	v4 =	vld [tilespmem:$0x1D0];
	_ =	sdelay $0x4  }
0x12e: {  	v5 =	vsub.s32 v4, v0;
	vm10 =	vge.s32 v4, v0;
	vm11 =	vlt.s32 v4, v1  }
0x12f: {  	v4 =	vand.u32 $0x7F, v4;
	vm0 =	vmand vm10, vm11;
	v5 =	vand.u32 $0xFFFFFF80, v5  }
0x130: {  	v4 =	vor.u32 v4, v5  }
0x131: {  	v5 =	vld [tilespmem:$0x7D0];
	_ =	sdelay $0x3  }
0x132: {  	[tilespmem:v4+s11+$0x0] =	vst.idx.add.f32.msk vm0, v3  }
0x133: {  	[tilespmem:v4+s12+$0x0] =	vst.idx.add.f32.msk vm0, v5  }
0x134: {  	v4 =	vld [tilespmem:$0x1E0];
	_ =	sdelay $0x4  }
0x135: {  	v5 =	vsub.s32 v4, v0;
	vm12 =	vge.s32 v4, v0;
	vm13 =	vlt.s32 v4, v1  }
0x136: {  	v4 =	vand.u32 $0x7F, v4;
	vm0 =	vmand vm12, vm13;
	v5 =	vand.u32 $0xFFFFFF80, v5  }
0x137: {  	v4 =	vor.u32 v4, v5  }
0x138: {  	v5 =	vld [tilespmem:$0x7E0];
	_ =	sdelay $0x3  }
0x139: {  	[tilespmem:v4+s11+$0x0] =	vst.idx.add.f32.msk vm0, v3  }
0x13a: {  	[tilespmem:v4+s12+$0x0] =	vst.idx.add.f32.msk vm0, v5  }
0x13b: {  	v4 =	vld [tilespmem:$0x1F0];
	_ =	sdelay $0x4  }
0x13c: {  	v5 =	vsub.s32 v4, v0;
	vm14 =	vge.s32 v4, v0;
	vm15 =	vlt.s32 v4, v1  }
0x13d: {  	v4 =	vand.u32 $0x7F, v4;
	vm0 =	vmand vm14, vm15;
	v5 =	vand.u32 $0xFFFFFF80, v5  }
0x13e: {  	v4 =	vor.u32 v4, v5  }
0x13f: {  	v5 =	vld [tilespmem:$0x7F0];
	_ =	sdelay $0x3  }
0x140: {  	[tilespmem:v4+s11+$0x0] =	vst.idx.add.f32.msk vm0, v3  }
0x141: {  	[tilespmem:v4+s12+$0x0] =	vst.idx.add.f32.msk vm0, v5  }
0x142: {  	v4 =	vld [tilespmem:$0x200];
	_ =	sdelay $0x4  }
0x143: {  	v5 =	vsub.s32 v4, v0;
	vm4 =	vge.s32 v4, v0;
	vm5 =	vlt.s32 v4, v1  }
0x144: {  	v4 =	vand.u32 $0x7F, v4;
	vm0 =	vmand vm4, vm5;
	v5 =	vand.u32 $0xFFFFFF80, v5  }
0x145: {  	v4 =	vor.u32 v4, v5  }
0x146: {  	v5 =	vld [tilespmem:$0x800];
	_ =	sdelay $0x3  }
0x147: {  	[tilespmem:v4+s11+$0x0] =	vst.idx.add.f32.msk vm0, v3  }
0x148: {  	[tilespmem:v4+s12+$0x0] =	vst.idx.add.f32.msk vm0, v5  }
0x149: {  	v4 =	vld [tilespmem:$0x210];
	_ =	sdelay $0x4  }
0x14a: {  	v5 =	vsub.s32 v4, v0;
	vm6 =	vge.s32 v4, v0;
	vm7 =	vlt.s32 v4, v1  }
0x14b: {  	v4 =	vand.u32 $0x7F, v4;
	vm0 =	vmand vm6, vm7;
	v5 =	vand.u32 $0xFFFFFF80, v5  }
0x14c: {  	v4 =	vor.u32 v4, v5  }
0x14d: {  	v5 =	vld [tilespmem:$0x810];
	_ =	sdelay $0x3  }
0x14e: {  	[tilespmem:v4+s11+$0x0] =	vst.idx.add.f32.msk vm0, v3  }
0x14f: {  	[tilespmem:v4+s12+$0x0] =	vst.idx.add.f32.msk vm0, v5  }
0x150: {  	v4 =	vld [tilespmem:$0x220];
	_ =	sdelay $0x4  }
0x151: {  	v5 =	vsub.s32 v4, v0;
	vm8 =	vge.s32 v4, v0;
	vm9 =	vlt.s32 v4, v1  }
0x152: {  	v4 =	vand.u32 $0x7F, v4;
	vm0 =	vmand vm8, vm9;
	v5 =	vand.u32 $0xFFFFFF80, v5  }
0x153: {  	v4 =	vor.u32 v4, v5  }
0x154: {  	v5 =	vld [tilespmem:$0x820];
	_ =	sdelay $0x3  }
0x155: {  	[tilespmem:v4+s11+$0x0] =	vst.idx.add.f32.msk vm0, v3  }
0x156: {  	[tilespmem:v4+s12+$0x0] =	vst.idx.add.f32.msk vm0, v5  }
0x157: {  	v4 =	vld [tilespmem:$0x230];
	_ =	sdelay $0x4  }
0x158: {  	v5 =	vsub.s32 v4, v0;
	vm10 =	vge.s32 v4, v0;
	vm11 =	vlt.s32 v4, v1  }
0x159: {  	v4 =	vand.u32 $0x7F, v4;
	vm0 =	vmand vm10, vm11;
	v5 =	vand.u32 $0xFFFFFF80, v5  }
0x15a: {  	v4 =	vor.u32 v4, v5  }
0x15b: {  	v5 =	vld [tilespmem:$0x830];
	_ =	sdelay $0x3  }
0x15c: {  	[tilespmem:v4+s11+$0x0] =	vst.idx.add.f32.msk vm0, v3  }
0x15d: {  	[tilespmem:v4+s12+$0x0] =	vst.idx.add.f32.msk vm0, v5  }
0x15e: {  	v4 =	vld [tilespmem:$0x240];
	_ =	sdelay $0x4  }
0x15f: {  	v5 =	vsub.s32 v4, v0;
	vm12 =	vge.s32 v4, v0;
	vm13 =	vlt.s32 v4, v1  }
0x160: {  	v4 =	vand.u32 $0x7F, v4;
	vm0 =	vmand vm12, vm13;
	v5 =	vand.u32 $0xFFFFFF80, v5  }
0x161: {  	v4 =	vor.u32 v4, v5  }
0x162: {  	v5 =	vld [tilespmem:$0x840];
	_ =	sdelay $0x3  }
0x163: {  	[tilespmem:v4+s11+$0x0] =	vst.idx.add.f32.msk vm0, v3  }
0x164: {  	[tilespmem:v4+s12+$0x0] =	vst.idx.add.f32.msk vm0, v5  }
0x165: {  	v4 =	vld [tilespmem:$0x250];
	_ =	sdelay $0x4  }
0x166: {  	v5 =	vsub.s32 v4, v0;
	vm14 =	vge.s32 v4, v0;
	vm15 =	vlt.s32 v4, v1  }
0x167: {  	v4 =	vand.u32 $0x7F, v4;
	vm0 =	vmand vm14, vm15;
	v5 =	vand.u32 $0xFFFFFF80, v5  }
0x168: {  	v4 =	vor.u32 v4, v5  }
0x169: {  	v5 =	vld [tilespmem:$0x850];
	_ =	sdelay $0x3  }
0x16a: {  	[tilespmem:v4+s11+$0x0] =	vst.idx.add.f32.msk vm0, v3  }
0x16b: {  	[tilespmem:v4+s12+$0x0] =	vst.idx.add.f32.msk vm0, v5  }
0x16c: {  	v4 =	vld [tilespmem:$0x260];
	_ =	sdelay $0x4  }
0x16d: {  	v5 =	vsub.s32 v4, v0;
	vm4 =	vge.s32 v4, v0;
	vm5 =	vlt.s32 v4, v1  }
0x16e: {  	v4 =	vand.u32 $0x7F, v4;
	vm0 =	vmand vm4, vm5;
	v5 =	vand.u32 $0xFFFFFF80, v5  }
0x16f: {  	v4 =	vor.u32 v4, v5  }
0x170: {  	v5 =	vld [tilespmem:$0x860];
	_ =	sdelay $0x3  }
0x171: {  	[tilespmem:v4+s11+$0x0] =	vst.idx.add.f32.msk vm0, v3  }
0x172: {  	[tilespmem:v4+s12+$0x0] =	vst.idx.add.f32.msk vm0, v5  }
0x173: {  	v4 =	vld [tilespmem:$0x270];
	_ =	sdelay $0x4  }
0x174: {  	v5 =	vsub.s32 v4, v0;
	vm6 =	vge.s32 v4, v0;
	vm7 =	vlt.s32 v4, v1  }
0x175: {  	v4 =	vand.u32 $0x7F, v4;
	vm0 =	vmand vm6, vm7;
	v5 =	vand.u32 $0xFFFFFF80, v5  }
0x176: {  	v4 =	vor.u32 v4, v5  }
0x177: {  	v5 =	vld [tilespmem:$0x870];
	_ =	sdelay $0x3  }
0x178: {  	[tilespmem:v4+s11+$0x0] =	vst.idx.add.f32.msk vm0, v3  }
0x179: {  	[tilespmem:v4+s12+$0x0] =	vst.idx.add.f32.msk vm0, v5  }
0x17a: {  	v4 =	vld [tilespmem:$0x280];
	_ =	sdelay $0x4  }
0x17b: {  	v5 =	vsub.s32 v4, v0;
	vm8 =	vge.s32 v4, v0;
	vm9 =	vlt.s32 v4, v1  }
0x17c: {  	v4 =	vand.u32 $0x7F, v4;
	vm0 =	vmand vm8, vm9;
	v5 =	vand.u32 $0xFFFFFF80, v5  }
0x17d: {  	v4 =	vor.u32 v4, v5  }
0x17e: {  	v5 =	vld [tilespmem:$0x880];
	_ =	sdelay $0x3  }
0x17f: {  	[tilespmem:v4+s11+$0x0] =	vst.idx.add.f32.msk vm0, v3  }
0x180: {  	[tilespmem:v4+s12+$0x0] =	vst.idx.add.f32.msk vm0, v5  }
0x181: {  	v4 =	vld [tilespmem:$0x290];
	_ =	sdelay $0x4  }
0x182: {  	v5 =	vsub.s32 v4, v0;
	vm10 =	vge.s32 v4, v0;
	vm11 =	vlt.s32 v4, v1  }
0x183: {  	v4 =	vand.u32 $0x7F, v4;
	vm0 =	vmand vm10, vm11;
	v5 =	vand.u32 $0xFFFFFF80, v5  }
0x184: {  	v4 =	vor.u32 v4, v5  }
0x185: {  	v5 =	vld [tilespmem:$0x890];
	_ =	sdelay $0x3  }
0x186: {  	[tilespmem:v4+s11+$0x0] =	vst.idx.add.f32.msk vm0, v3  }
0x187: {  	[tilespmem:v4+s12+$0x0] =	vst.idx.add.f32.msk vm0, v5  }
0x188: {  	v4 =	vld [tilespmem:$0x2A0];
	_ =	sdelay $0x4  }
0x189: {  	v5 =	vsub.s32 v4, v0;
	vm12 =	vge.s32 v4, v0;
	vm13 =	vlt.s32 v4, v1  }
0x18a: {  	v4 =	vand.u32 $0x7F, v4;
	vm0 =	vmand vm12, vm13;
	v5 =	vand.u32 $0xFFFFFF80, v5  }
0x18b: {  	v4 =	vor.u32 v4, v5  }
0x18c: {  	v5 =	vld [tilespmem:$0x8A0];
	_ =	sdelay $0x3  }
0x18d: {  	[tilespmem:v4+s11+$0x0] =	vst.idx.add.f32.msk vm0, v3  }
0x18e: {  	[tilespmem:v4+s12+$0x0] =	vst.idx.add.f32.msk vm0, v5  }
0x18f: {  	v4 =	vld [tilespmem:$0x2B0];
	_ =	sdelay $0x4  }
0x190: {  	v5 =	vsub.s32 v4, v0;
	vm14 =	vge.s32 v4, v0;
	vm15 =	vlt.s32 v4, v1  }
0x191: {  	v4 =	vand.u32 $0x7F, v4;
	vm0 =	vmand vm14, vm15;
	v5 =	vand.u32 $0xFFFFFF80, v5  }
0x192: {  	v4 =	vor.u32 v4, v5  }
0x193: {  	v5 =	vld [tilespmem:$0x8B0];
	_ =	sdelay $0x3  }
0x194: {  	[tilespmem:v4+s11+$0x0] =	vst.idx.add.f32.msk vm0, v3  }
0x195: {  	[tilespmem:v4+s12+$0x0] =	vst.idx.add.f32.msk vm0, v5  }
0x196: {  	v4 =	vld [tilespmem:$0x2C0];
	_ =	sdelay $0x4  }
0x197: {  	v5 =	vsub.s32 v4, v0;
	vm4 =	vge.s32 v4, v0;
	vm5 =	vlt.s32 v4, v1  }
0x198: {  	v4 =	vand.u32 $0x7F, v4;
	vm0 =	vmand vm4, vm5;
	v5 =	vand.u32 $0xFFFFFF80, v5  }
0x199: {  	v4 =	vor.u32 v4, v5  }
0x19a: {  	v5 =	vld [tilespmem:$0x8C0];
	_ =	sdelay $0x3  }
0x19b: {  	[tilespmem:v4+s11+$0x0] =	vst.idx.add.f32.msk vm0, v3  }
0x19c: {  	[tilespmem:v4+s12+$0x0] =	vst.idx.add.f32.msk vm0, v5  }
0x19d: {  	v4 =	vld [tilespmem:$0x2D0];
	_ =	sdelay $0x4  }
0x19e: {  	v5 =	vsub.s32 v4, v0;
	vm6 =	vge.s32 v4, v0;
	vm7 =	vlt.s32 v4, v1  }
0x19f: {  	v4 =	vand.u32 $0x7F, v4;
	vm0 =	vmand vm6, vm7;
	v5 =	vand.u32 $0xFFFFFF80, v5  }
0x1a0: {  	v4 =	vor.u32 v4, v5  }
0x1a1: {  	v5 =	vld [tilespmem:$0x8D0];
	_ =	sdelay $0x3  }
0x1a2: {  	[tilespmem:v4+s11+$0x0] =	vst.idx.add.f32.msk vm0, v3  }
0x1a3: {  	[tilespmem:v4+s12+$0x0] =	vst.idx.add.f32.msk vm0, v5  }
0x1a4: {  	v4 =	vld [tilespmem:$0x2E0];
	_ =	sdelay $0x4  }
0x1a5: {  	v5 =	vsub.s32 v4, v0;
	vm8 =	vge.s32 v4, v0;
	vm9 =	vlt.s32 v4, v1  }
0x1a6: {  	v4 =	vand.u32 $0x7F, v4;
	vm0 =	vmand vm8, vm9;
	v5 =	vand.u32 $0xFFFFFF80, v5  }
0x1a7: {  	v4 =	vor.u32 v4, v5  }
0x1a8: {  	v5 =	vld [tilespmem:$0x8E0];
	_ =	sdelay $0x3  }
0x1a9: {  	[tilespmem:v4+s11+$0x0] =	vst.idx.add.f32.msk vm0, v3  }
0x1aa: {  	[tilespmem:v4+s12+$0x0] =	vst.idx.add.f32.msk vm0, v5  }
0x1ab: {  	v4 =	vld [tilespmem:$0x2F0];
	_ =	sdelay $0x4  }
0x1ac: {  	v5 =	vsub.s32 v4, v0;
	vm10 =	vge.s32 v4, v0;
	vm11 =	vlt.s32 v4, v1  }
0x1ad: {  	v4 =	vand.u32 $0x7F, v4;
	vm0 =	vmand vm10, vm11;
	v5 =	vand.u32 $0xFFFFFF80, v5  }
0x1ae: {  	v4 =	vor.u32 v4, v5  }
0x1af: {  	v5 =	vld [tilespmem:$0x8F0];
	_ =	sdelay $0x3  }
0x1b0: {  	[tilespmem:v4+s11+$0x0] =	vst.idx.add.f32.msk vm0, v3  }
0x1b1: {  	[tilespmem:v4+s12+$0x0] =	vst.idx.add.f32.msk vm0, v5  }
0x1b2: {  	v4 =	vld [tilespmem:$0x300];
	_ =	sdelay $0x4  }
0x1b3: {  	v5 =	vsub.s32 v4, v0;
	vm12 =	vge.s32 v4, v0;
	vm13 =	vlt.s32 v4, v1  }
0x1b4: {  	v4 =	vand.u32 $0x7F, v4;
	vm0 =	vmand vm12, vm13;
	v5 =	vand.u32 $0xFFFFFF80, v5  }
0x1b5: {  	v4 =	vor.u32 v4, v5  }
0x1b6: {  	v5 =	vld [tilespmem:$0x900];
	_ =	sdelay $0x3  }
0x1b7: {  	[tilespmem:v4+s11+$0x0] =	vst.idx.add.f32.msk vm0, v3  }
0x1b8: {  	[tilespmem:v4+s12+$0x0] =	vst.idx.add.f32.msk vm0, v5  }
0x1b9: {  	v4 =	vld [tilespmem:$0x310];
	_ =	sdelay $0x4  }
0x1ba: {  	v5 =	vsub.s32 v4, v0;
	vm14 =	vge.s32 v4, v0;
	vm15 =	vlt.s32 v4, v1  }
0x1bb: {  	v4 =	vand.u32 $0x7F, v4;
	vm0 =	vmand vm14, vm15;
	v5 =	vand.u32 $0xFFFFFF80, v5  }
0x1bc: {  	v4 =	vor.u32 v4, v5  }
0x1bd: {  	v5 =	vld [tilespmem:$0x910];
	_ =	sdelay $0x3  }
0x1be: {  	[tilespmem:v4+s11+$0x0] =	vst.idx.add.f32.msk vm0, v3  }
0x1bf: {  	[tilespmem:v4+s12+$0x0] =	vst.idx.add.f32.msk vm0, v5  }
0x1c0: {  	v4 =	vld [tilespmem:$0x320];
	_ =	sdelay $0x4  }
0x1c1: {  	v5 =	vsub.s32 v4, v0;
	vm4 =	vge.s32 v4, v0;
	vm5 =	vlt.s32 v4, v1  }
0x1c2: {  	v4 =	vand.u32 $0x7F, v4;
	vm0 =	vmand vm4, vm5;
	v5 =	vand.u32 $0xFFFFFF80, v5  }
0x1c3: {  	v4 =	vor.u32 v4, v5  }
0x1c4: {  	v5 =	vld [tilespmem:$0x920];
	_ =	sdelay $0x3  }
0x1c5: {  	[tilespmem:v4+s11+$0x0] =	vst.idx.add.f32.msk vm0, v3  }
0x1c6: {  	[tilespmem:v4+s12+$0x0] =	vst.idx.add.f32.msk vm0, v5  }
0x1c7: {  	v4 =	vld [tilespmem:$0x330];
	_ =	sdelay $0x4  }
0x1c8: {  	v5 =	vsub.s32 v4, v0;
	vm6 =	vge.s32 v4, v0;
	vm7 =	vlt.s32 v4, v1  }
0x1c9: {  	v4 =	vand.u32 $0x7F, v4;
	vm0 =	vmand vm6, vm7;
	v5 =	vand.u32 $0xFFFFFF80, v5  }
0x1ca: {  	v4 =	vor.u32 v4, v5  }
0x1cb: {  	v5 =	vld [tilespmem:$0x930];
	_ =	sdelay $0x3  }
0x1cc: {  	[tilespmem:v4+s11+$0x0] =	vst.idx.add.f32.msk vm0, v3  }
0x1cd: {  	[tilespmem:v4+s12+$0x0] =	vst.idx.add.f32.msk vm0, v5  }
0x1ce: {  	v4 =	vld [tilespmem:$0x340];
	_ =	sdelay $0x4  }
0x1cf: {  	v5 =	vsub.s32 v4, v0;
	vm8 =	vge.s32 v4, v0;
	vm9 =	vlt.s32 v4, v1  }
0x1d0: {  	v4 =	vand.u32 $0x7F, v4;
	vm0 =	vmand vm8, vm9;
	v5 =	vand.u32 $0xFFFFFF80, v5  }
0x1d1: {  	v4 =	vor.u32 v4, v5  }
0x1d2: {  	v5 =	vld [tilespmem:$0x940];
	_ =	sdelay $0x3  }
0x1d3: {  	[tilespmem:v4+s11+$0x0] =	vst.idx.add.f32.msk vm0, v3  }
0x1d4: {  	[tilespmem:v4+s12+$0x0] =	vst.idx.add.f32.msk vm0, v5  }
0x1d5: {  	v4 =	vld [tilespmem:$0x350];
	_ =	sdelay $0x4  }
0x1d6: {  	v5 =	vsub.s32 v4, v0;
	vm10 =	vge.s32 v4, v0;
	vm11 =	vlt.s32 v4, v1  }
0x1d7: {  	v4 =	vand.u32 $0x7F, v4;
	vm0 =	vmand vm10, vm11;
	v5 =	vand.u32 $0xFFFFFF80, v5  }
0x1d8: {  	v4 =	vor.u32 v4, v5  }
0x1d9: {  	v5 =	vld [tilespmem:$0x950];
	_ =	sdelay $0x3  }
0x1da: {  	[tilespmem:v4+s11+$0x0] =	vst.idx.add.f32.msk vm0, v3  }
0x1db: {  	[tilespmem:v4+s12+$0x0] =	vst.idx.add.f32.msk vm0, v5  }
0x1dc: {  	v4 =	vld [tilespmem:$0x360];
	_ =	sdelay $0x4  }
0x1dd: {  	v5 =	vsub.s32 v4, v0;
	vm12 =	vge.s32 v4, v0;
	vm13 =	vlt.s32 v4, v1  }
0x1de: {  	v4 =	vand.u32 $0x7F, v4;
	vm0 =	vmand vm12, vm13;
	v5 =	vand.u32 $0xFFFFFF80, v5  }
0x1df: {  	v4 =	vor.u32 v4, v5  }
0x1e0: {  	v5 =	vld [tilespmem:$0x960];
	_ =	sdelay $0x3  }
0x1e1: {  	[tilespmem:v4+s11+$0x0] =	vst.idx.add.f32.msk vm0, v3  }
0x1e2: {  	[tilespmem:v4+s12+$0x0] =	vst.idx.add.f32.msk vm0, v5  }
0x1e3: {  	v4 =	vld [tilespmem:$0x370];
	_ =	sdelay $0x4  }
0x1e4: {  	v5 =	vsub.s32 v4, v0;
	vm14 =	vge.s32 v4, v0;
	vm15 =	vlt.s32 v4, v1  }
0x1e5: {  	v4 =	vand.u32 $0x7F, v4;
	vm0 =	vmand vm14, vm15;
	v5 =	vand.u32 $0xFFFFFF80, v5  }
0x1e6: {  	v4 =	vor.u32 v4, v5  }
0x1e7: {  	v5 =	vld [tilespmem:$0x970];
	_ =	sdelay $0x3  }
0x1e8: {  	[tilespmem:v4+s11+$0x0] =	vst.idx.add.f32.msk vm0, v3  }
0x1e9: {  	[tilespmem:v4+s12+$0x0] =	vst.idx.add.f32.msk vm0, v5  }
0x1ea: {  	v4 =	vld [tilespmem:$0x380];
	_ =	sdelay $0x4  }
0x1eb: {  	v5 =	vsub.s32 v4, v0;
	vm4 =	vge.s32 v4, v0;
	vm5 =	vlt.s32 v4, v1  }
0x1ec: {  	v4 =	vand.u32 $0x7F, v4;
	vm0 =	vmand vm4, vm5;
	v5 =	vand.u32 $0xFFFFFF80, v5  }
0x1ed: {  	v4 =	vor.u32 v4, v5  }
0x1ee: {  	v5 =	vld [tilespmem:$0x980];
	_ =	sdelay $0x3  }
0x1ef: {  	[tilespmem:v4+s11+$0x0] =	vst.idx.add.f32.msk vm0, v3  }
0x1f0: {  	[tilespmem:v4+s12+$0x0] =	vst.idx.add.f32.msk vm0, v5  }
0x1f1: {  	v4 =	vld [tilespmem:$0x390];
	_ =	sdelay $0x4  }
0x1f2: {  	v5 =	vsub.s32 v4, v0;
	vm6 =	vge.s32 v4, v0;
	vm7 =	vlt.s32 v4, v1  }
0x1f3: {  	v4 =	vand.u32 $0x7F, v4;
	vm0 =	vmand vm6, vm7;
	v5 =	vand.u32 $0xFFFFFF80, v5  }
0x1f4: {  	v4 =	vor.u32 v4, v5  }
0x1f5: {  	v5 =	vld [tilespmem:$0x990];
	_ =	sdelay $0x3  }
0x1f6: {  	[tilespmem:v4+s11+$0x0] =	vst.idx.add.f32.msk vm0, v3  }
0x1f7: {  	[tilespmem:v4+s12+$0x0] =	vst.idx.add.f32.msk vm0, v5  }
0x1f8: {  	v4 =	vld [tilespmem:$0x3A0];
	_ =	sdelay $0x4  }
0x1f9: {  	v5 =	vsub.s32 v4, v0;
	vm8 =	vge.s32 v4, v0;
	vm9 =	vlt.s32 v4, v1  }
0x1fa: {  	v4 =	vand.u32 $0x7F, v4;
	vm0 =	vmand vm8, vm9;
	v5 =	vand.u32 $0xFFFFFF80, v5  }
0x1fb: {  	v4 =	vor.u32 v4, v5  }
0x1fc: {  	v5 =	vld [tilespmem:$0x9A0];
	_ =	sdelay $0x3  }
0x1fd: {  	[tilespmem:v4+s11+$0x0] =	vst.idx.add.f32.msk vm0, v3  }
0x1fe: {  	[tilespmem:v4+s12+$0x0] =	vst.idx.add.f32.msk vm0, v5  }
0x1ff: {  	v4 =	vld [tilespmem:$0x3B0];
	_ =	sdelay $0x4  }
0x200: {  	v5 =	vsub.s32 v4, v0;
	vm10 =	vge.s32 v4, v0;
	vm11 =	vlt.s32 v4, v1  }
0x201: {  	v4 =	vand.u32 $0x7F, v4;
	vm0 =	vmand vm10, vm11;
	v5 =	vand.u32 $0xFFFFFF80, v5  }
0x202: {  	v4 =	vor.u32 v4, v5  }
0x203: {  	v5 =	vld [tilespmem:$0x9B0];
	_ =	sdelay $0x3  }
0x204: {  	[tilespmem:v4+s11+$0x0] =	vst.idx.add.f32.msk vm0, v3  }
0x205: {  	[tilespmem:v4+s12+$0x0] =	vst.idx.add.f32.msk vm0, v5  }
0x206: {  	v4 =	vld [tilespmem:$0x3C0];
	_ =	sdelay $0x4  }
0x207: {  	v5 =	vsub.s32 v4, v0;
	vm12 =	vge.s32 v4, v0;
	vm13 =	vlt.s32 v4, v1  }
0x208: {  	v4 =	vand.u32 $0x7F, v4;
	vm0 =	vmand vm12, vm13;
	v5 =	vand.u32 $0xFFFFFF80, v5  }
0x209: {  	v4 =	vor.u32 v4, v5  }
0x20a: {  	v5 =	vld [tilespmem:$0x9C0];
	_ =	sdelay $0x3  }
0x20b: {  	[tilespmem:v4+s11+$0x0] =	vst.idx.add.f32.msk vm0, v3  }
0x20c: {  	[tilespmem:v4+s12+$0x0] =	vst.idx.add.f32.msk vm0, v5  }
0x20d: {  	v4 =	vld [tilespmem:$0x3D0];
	_ =	sdelay $0x4  }
0x20e: {  	v5 =	vsub.s32 v4, v0;
	vm14 =	vge.s32 v4, v0;
	vm15 =	vlt.s32 v4, v1  }
0x20f: {  	v4 =	vand.u32 $0x7F, v4;
	vm0 =	vmand vm14, vm15;
	v5 =	vand.u32 $0xFFFFFF80, v5  }
0x210: {  	v4 =	vor.u32 v4, v5  }
0x211: {  	v5 =	vld [tilespmem:$0x9D0];
	_ =	sdelay $0x3  }
0x212: {  	[tilespmem:v4+s11+$0x0] =	vst.idx.add.f32.msk vm0, v3  }
0x213: {  	[tilespmem:v4+s12+$0x0] =	vst.idx.add.f32.msk vm0, v5  }
0x214: {  	v4 =	vld [tilespmem:$0x3E0];
	_ =	sdelay $0x4  }
0x215: {  	v5 =	vsub.s32 v4, v0;
	vm4 =	vge.s32 v4, v0;
	vm5 =	vlt.s32 v4, v1  }
0x216: {  	v4 =	vand.u32 $0x7F, v4;
	vm0 =	vmand vm4, vm5;
	v5 =	vand.u32 $0xFFFFFF80, v5  }
0x217: {  	v4 =	vor.u32 v4, v5  }
0x218: {  	v5 =	vld [tilespmem:$0x9E0];
	_ =	sdelay $0x3  }
0x219: {  	[tilespmem:v4+s11+$0x0] =	vst.idx.add.f32.msk vm0, v3  }
0x21a: {  	[tilespmem:v4+s12+$0x0] =	vst.idx.add.f32.msk vm0, v5  }
0x21b: {  	v4 =	vld [tilespmem:$0x3F0];
	_ =	sdelay $0x4  }
0x21c: {  	v5 =	vsub.s32 v4, v0;
	vm6 =	vge.s32 v4, v0;
	vm7 =	vlt.s32 v4, v1  }
0x21d: {  	v4 =	vand.u32 $0x7F, v4;
	vm0 =	vmand vm6, vm7;
	v5 =	vand.u32 $0xFFFFFF80, v5  }
0x21e: {  	v4 =	vor.u32 v4, v5  }
0x21f: {  	v5 =	vld [tilespmem:$0x9F0];
	_ =	sdelay $0x3  }
0x220: {  	[tilespmem:v4+s11+$0x0] =	vst.idx.add.f32.msk vm0, v3  }
0x221: {  	[tilespmem:v4+s12+$0x0] =	vst.idx.add.f32.msk vm0, v5  }
0x222: {  	v4 =	vld [tilespmem:$0x400];
	_ =	sdelay $0x4  }
0x223: {  	v5 =	vsub.s32 v4, v0;
	vm8 =	vge.s32 v4, v0;
	vm9 =	vlt.s32 v4, v1  }
0x224: {  	v4 =	vand.u32 $0x7F, v4;
	vm0 =	vmand vm8, vm9;
	v5 =	vand.u32 $0xFFFFFF80, v5  }
0x225: {  	v4 =	vor.u32 v4, v5  }
0x226: {  	v5 =	vld [tilespmem:$0xA00];
	_ =	sdelay $0x3  }
0x227: {  	[tilespmem:v4+s11+$0x0] =	vst.idx.add.f32.msk vm0, v3  }
0x228: {  	[tilespmem:v4+s12+$0x0] =	vst.idx.add.f32.msk vm0, v5  }
0x229: {  	v4 =	vld [tilespmem:$0x410];
	_ =	sdelay $0x4  }
0x22a: {  	v5 =	vsub.s32 v4, v0;
	vm10 =	vge.s32 v4, v0;
	vm11 =	vlt.s32 v4, v1  }
0x22b: {  	v4 =	vand.u32 $0x7F, v4;
	vm0 =	vmand vm10, vm11;
	v5 =	vand.u32 $0xFFFFFF80, v5  }
0x22c: {  	v4 =	vor.u32 v4, v5  }
0x22d: {  	v5 =	vld [tilespmem:$0xA10];
	_ =	sdelay $0x3  }
0x22e: {  	[tilespmem:v4+s11+$0x0] =	vst.idx.add.f32.msk vm0, v3  }
0x22f: {  	[tilespmem:v4+s12+$0x0] =	vst.idx.add.f32.msk vm0, v5  }
0x230: {  	v4 =	vld [tilespmem:$0x420];
	_ =	sdelay $0x4  }
0x231: {  	v5 =	vsub.s32 v4, v0;
	vm12 =	vge.s32 v4, v0;
	vm13 =	vlt.s32 v4, v1  }
0x232: {  	v4 =	vand.u32 $0x7F, v4;
	vm0 =	vmand vm12, vm13;
	v5 =	vand.u32 $0xFFFFFF80, v5  }
0x233: {  	v4 =	vor.u32 v4, v5  }
0x234: {  	v5 =	vld [tilespmem:$0xA20];
	_ =	sdelay $0x3  }
0x235: {  	[tilespmem:v4+s11+$0x0] =	vst.idx.add.f32.msk vm0, v3  }
0x236: {  	[tilespmem:v4+s12+$0x0] =	vst.idx.add.f32.msk vm0, v5  }
0x237: {  	v4 =	vld [tilespmem:$0x430];
	_ =	sdelay $0x4  }
0x238: {  	v5 =	vsub.s32 v4, v0;
	vm14 =	vge.s32 v4, v0;
	vm15 =	vlt.s32 v4, v1  }
0x239: {  	v4 =	vand.u32 $0x7F, v4;
	vm0 =	vmand vm14, vm15;
	v5 =	vand.u32 $0xFFFFFF80, v5  }
0x23a: {  	v4 =	vor.u32 v4, v5  }
0x23b: {  	v5 =	vld [tilespmem:$0xA30];
	_ =	sdelay $0x3  }
0x23c: {  	[tilespmem:v4+s11+$0x0] =	vst.idx.add.f32.msk vm0, v3  }
0x23d: {  	[tilespmem:v4+s12+$0x0] =	vst.idx.add.f32.msk vm0, v5  }
0x23e: {  	v4 =	vld [tilespmem:$0x440];
	_ =	sdelay $0x4  }
0x23f: {  	v5 =	vsub.s32 v4, v0;
	vm4 =	vge.s32 v4, v0;
	vm5 =	vlt.s32 v4, v1  }
0x240: {  	v4 =	vand.u32 $0x7F, v4;
	vm0 =	vmand vm4, vm5;
	v5 =	vand.u32 $0xFFFFFF80, v5  }
0x241: {  	v4 =	vor.u32 v4, v5  }
0x242: {  	v5 =	vld [tilespmem:$0xA40];
	_ =	sdelay $0x3  }
0x243: {  	[tilespmem:v4+s11+$0x0] =	vst.idx.add.f32.msk vm0, v3  }
0x244: {  	[tilespmem:v4+s12+$0x0] =	vst.idx.add.f32.msk vm0, v5  }
0x245: {  	v4 =	vld [tilespmem:$0x450];
	_ =	sdelay $0x4  }
0x246: {  	v5 =	vsub.s32 v4, v0;
	vm6 =	vge.s32 v4, v0;
	vm7 =	vlt.s32 v4, v1  }
0x247: {  	v4 =	vand.u32 $0x7F, v4;
	vm0 =	vmand vm6, vm7;
	v5 =	vand.u32 $0xFFFFFF80, v5  }
0x248: {  	v4 =	vor.u32 v4, v5  }
0x249: {  	v5 =	vld [tilespmem:$0xA50];
	_ =	sdelay $0x3  }
0x24a: {  	[tilespmem:v4+s11+$0x0] =	vst.idx.add.f32.msk vm0, v3  }
0x24b: {  	[tilespmem:v4+s12+$0x0] =	vst.idx.add.f32.msk vm0, v5  }
0x24c: {  	v4 =	vld [tilespmem:$0x460];
	_ =	sdelay $0x4  }
0x24d: {  	v5 =	vsub.s32 v4, v0;
	vm8 =	vge.s32 v4, v0;
	vm9 =	vlt.s32 v4, v1  }
0x24e: {  	v4 =	vand.u32 $0x7F, v4;
	vm0 =	vmand vm8, vm9;
	v5 =	vand.u32 $0xFFFFFF80, v5  }
0x24f: {  	v4 =	vor.u32 v4, v5  }
0x250: {  	v5 =	vld [tilespmem:$0xA60];
	_ =	sdelay $0x3  }
0x251: {  	[tilespmem:v4+s11+$0x0] =	vst.idx.add.f32.msk vm0, v3  }
0x252: {  	[tilespmem:v4+s12+$0x0] =	vst.idx.add.f32.msk vm0, v5  }
0x253: {  	v4 =	vld [tilespmem:$0x470];
	_ =	sdelay $0x4  }
0x254: {  	v5 =	vsub.s32 v4, v0;
	vm10 =	vge.s32 v4, v0;
	vm11 =	vlt.s32 v4, v1  }
0x255: {  	v4 =	vand.u32 $0x7F, v4;
	vm0 =	vmand vm10, vm11;
	v5 =	vand.u32 $0xFFFFFF80, v5  }
0x256: {  	v4 =	vor.u32 v4, v5  }
0x257: {  	v5 =	vld [tilespmem:$0xA70];
	_ =	sdelay $0x3  }
0x258: {  	[tilespmem:v4+s11+$0x0] =	vst.idx.add.f32.msk vm0, v3  }
0x259: {  	[tilespmem:v4+s12+$0x0] =	vst.idx.add.f32.msk vm0, v5  }
0x25a: {  	v4 =	vld [tilespmem:$0x480];
	_ =	sdelay $0x4  }
0x25b: {  	v5 =	vsub.s32 v4, v0;
	vm12 =	vge.s32 v4, v0;
	vm13 =	vlt.s32 v4, v1  }
0x25c: {  	v4 =	vand.u32 $0x7F, v4;
	vm0 =	vmand vm12, vm13;
	v5 =	vand.u32 $0xFFFFFF80, v5  }
0x25d: {  	v4 =	vor.u32 v4, v5  }
0x25e: {  	v5 =	vld [tilespmem:$0xA80];
	_ =	sdelay $0x3  }
0x25f: {  	[tilespmem:v4+s11+$0x0] =	vst.idx.add.f32.msk vm0, v3  }
0x260: {  	[tilespmem:v4+s12+$0x0] =	vst.idx.add.f32.msk vm0, v5  }
0x261: {  	v4 =	vld [tilespmem:$0x490];
	_ =	sdelay $0x4  }
0x262: {  	v5 =	vsub.s32 v4, v0;
	vm14 =	vge.s32 v4, v0;
	vm15 =	vlt.s32 v4, v1  }
0x263: {  	v4 =	vand.u32 $0x7F, v4;
	vm0 =	vmand vm14, vm15;
	v5 =	vand.u32 $0xFFFFFF80, v5  }
0x264: {  	v4 =	vor.u32 v4, v5  }
0x265: {  	v5 =	vld [tilespmem:$0xA90];
	_ =	sdelay $0x3  }
0x266: {  	[tilespmem:v4+s11+$0x0] =	vst.idx.add.f32.msk vm0, v3  }
0x267: {  	[tilespmem:v4+s12+$0x0] =	vst.idx.add.f32.msk vm0, v5  }
0x268: {  	v4 =	vld [tilespmem:$0x4A0];
	_ =	sdelay $0x4  }
0x269: {  	v5 =	vsub.s32 v4, v0;
	vm4 =	vge.s32 v4, v0;
	vm5 =	vlt.s32 v4, v1  }
0x26a: {  	v4 =	vand.u32 $0x7F, v4;
	vm0 =	vmand vm4, vm5;
	v5 =	vand.u32 $0xFFFFFF80, v5  }
0x26b: {  	v4 =	vor.u32 v4, v5  }
0x26c: {  	v5 =	vld [tilespmem:$0xAA0];
	_ =	sdelay $0x3  }
0x26d: {  	[tilespmem:v4+s11+$0x0] =	vst.idx.add.f32.msk vm0, v3  }
0x26e: {  	[tilespmem:v4+s12+$0x0] =	vst.idx.add.f32.msk vm0, v5  }
0x26f: {  	v4 =	vld [tilespmem:$0x4B0];
	_ =	sdelay $0x4  }
0x270: {  	v5 =	vsub.s32 v4, v0;
	vm6 =	vge.s32 v4, v0;
	vm7 =	vlt.s32 v4, v1  }
0x271: {  	v4 =	vand.u32 $0x7F, v4;
	vm0 =	vmand vm6, vm7;
	v5 =	vand.u32 $0xFFFFFF80, v5  }
0x272: {  	v4 =	vor.u32 v4, v5  }
0x273: {  	v5 =	vld [tilespmem:$0xAB0];
	_ =	sdelay $0x3  }
0x274: {  	[tilespmem:v4+s11+$0x0] =	vst.idx.add.f32.msk vm0, v3  }
0x275: {  	[tilespmem:v4+s12+$0x0] =	vst.idx.add.f32.msk vm0, v5  }
0x276: {  	v4 =	vld [tilespmem:$0x4C0];
	_ =	sdelay $0x4  }
0x277: {  	v5 =	vsub.s32 v4, v0;
	vm8 =	vge.s32 v4, v0;
	vm9 =	vlt.s32 v4, v1  }
0x278: {  	v4 =	vand.u32 $0x7F, v4;
	vm0 =	vmand vm8, vm9;
	v5 =	vand.u32 $0xFFFFFF80, v5  }
0x279: {  	v4 =	vor.u32 v4, v5  }
0x27a: {  	v5 =	vld [tilespmem:$0xAC0];
	_ =	sdelay $0x3  }
0x27b: {  	[tilespmem:v4+s11+$0x0] =	vst.idx.add.f32.msk vm0, v3  }
0x27c: {  	[tilespmem:v4+s12+$0x0] =	vst.idx.add.f32.msk vm0, v5  }
0x27d: {  	v4 =	vld [tilespmem:$0x4D0];
	_ =	sdelay $0x4  }
0x27e: {  	v5 =	vsub.s32 v4, v0;
	vm10 =	vge.s32 v4, v0;
	vm11 =	vlt.s32 v4, v1  }
0x27f: {  	v4 =	vand.u32 $0x7F, v4;
	vm0 =	vmand vm10, vm11;
	v5 =	vand.u32 $0xFFFFFF80, v5  }
0x280: {  	v4 =	vor.u32 v4, v5  }
0x281: {  	v5 =	vld [tilespmem:$0xAD0];
	_ =	sdelay $0x3  }
0x282: {  	[tilespmem:v4+s11+$0x0] =	vst.idx.add.f32.msk vm0, v3  }
0x283: {  	[tilespmem:v4+s12+$0x0] =	vst.idx.add.f32.msk vm0, v5  }
0x284: {  	v4 =	vld [tilespmem:$0x4E0];
	_ =	sdelay $0x4  }
0x285: {  	v5 =	vsub.s32 v4, v0;
	vm12 =	vge.s32 v4, v0;
	vm13 =	vlt.s32 v4, v1  }
0x286: {  	v4 =	vand.u32 $0x7F, v4;
	vm0 =	vmand vm12, vm13;
	v5 =	vand.u32 $0xFFFFFF80, v5  }
0x287: {  	v4 =	vor.u32 v4, v5  }
0x288: {  	v5 =	vld [tilespmem:$0xAE0];
	_ =	sdelay $0x3  }
0x289: {  	[tilespmem:v4+s11+$0x0] =	vst.idx.add.f32.msk vm0, v3  }
0x28a: {  	[tilespmem:v4+s12+$0x0] =	vst.idx.add.f32.msk vm0, v5  }
0x28b: {  	v4 =	vld [tilespmem:$0x4F0];
	_ =	sdelay $0x4  }
0x28c: {  	v5 =	vsub.s32 v4, v0;
	vm14 =	vge.s32 v4, v0;
	vm15 =	vlt.s32 v4, v1  }
0x28d: {  	v4 =	vand.u32 $0x7F, v4;
	vm0 =	vmand vm14, vm15;
	v5 =	vand.u32 $0xFFFFFF80, v5  }
0x28e: {  	v4 =	vor.u32 v4, v5  }
0x28f: {  	v5 =	vld [tilespmem:$0xAF0];
	_ =	sdelay $0x3  }
0x290: {  	[tilespmem:v4+s11+$0x0] =	vst.idx.add.f32.msk vm0, v3  }
0x291: {  	[tilespmem:v4+s12+$0x0] =	vst.idx.add.f32.msk vm0, v5  }
0x292: {  	v4 =	vld [tilespmem:$0x500];
	_ =	sdelay $0x4  }
0x293: {  	v5 =	vsub.s32 v4, v0;
	vm4 =	vge.s32 v4, v0;
	vm5 =	vlt.s32 v4, v1  }
0x294: {  	v4 =	vand.u32 $0x7F, v4;
	vm0 =	vmand vm4, vm5;
	v5 =	vand.u32 $0xFFFFFF80, v5  }
0x295: {  	v4 =	vor.u32 v4, v5  }
0x296: {  	v5 =	vld [tilespmem:$0xB00];
	_ =	sdelay $0x3  }
0x297: {  	[tilespmem:v4+s11+$0x0] =	vst.idx.add.f32.msk vm0, v3  }
0x298: {  	[tilespmem:v4+s12+$0x0] =	vst.idx.add.f32.msk vm0, v5  }
0x299: {  	v4 =	vld [tilespmem:$0x510];
	_ =	sdelay $0x4  }
0x29a: {  	v5 =	vsub.s32 v4, v0;
	vm6 =	vge.s32 v4, v0;
	vm7 =	vlt.s32 v4, v1  }
0x29b: {  	v4 =	vand.u32 $0x7F, v4;
	vm0 =	vmand vm6, vm7;
	v5 =	vand.u32 $0xFFFFFF80, v5  }
0x29c: {  	v4 =	vor.u32 v4, v5  }
0x29d: {  	v5 =	vld [tilespmem:$0xB10];
	_ =	sdelay $0x3  }
0x29e: {  	[tilespmem:v4+s11+$0x0] =	vst.idx.add.f32.msk vm0, v3  }
0x29f: {  	[tilespmem:v4+s12+$0x0] =	vst.idx.add.f32.msk vm0, v5  }
0x2a0: {  	v4 =	vld [tilespmem:$0x520];
	_ =	sdelay $0x4  }
0x2a1: {  	v5 =	vsub.s32 v4, v0;
	vm8 =	vge.s32 v4, v0;
	vm9 =	vlt.s32 v4, v1  }
0x2a2: {  	v4 =	vand.u32 $0x7F, v4;
	vm0 =	vmand vm8, vm9;
	v5 =	vand.u32 $0xFFFFFF80, v5  }
0x2a3: {  	v4 =	vor.u32 v4, v5  }
0x2a4: {  	v5 =	vld [tilespmem:$0xB20];
	_ =	sdelay $0x3  }
0x2a5: {  	[tilespmem:v4+s11+$0x0] =	vst.idx.add.f32.msk vm0, v3  }
0x2a6: {  	[tilespmem:v4+s12+$0x0] =	vst.idx.add.f32.msk vm0, v5  }
0x2a7: {  	v4 =	vld [tilespmem:$0x530];
	_ =	sdelay $0x4  }
0x2a8: {  	v5 =	vsub.s32 v4, v0;
	vm10 =	vge.s32 v4, v0;
	vm11 =	vlt.s32 v4, v1  }
0x2a9: {  	v4 =	vand.u32 $0x7F, v4;
	vm0 =	vmand vm10, vm11;
	v5 =	vand.u32 $0xFFFFFF80, v5  }
0x2aa: {  	v4 =	vor.u32 v4, v5  }
0x2ab: {  	v5 =	vld [tilespmem:$0xB30];
	_ =	sdelay $0x3  }
0x2ac: {  	[tilespmem:v4+s11+$0x0] =	vst.idx.add.f32.msk vm0, v3  }
0x2ad: {  	[tilespmem:v4+s12+$0x0] =	vst.idx.add.f32.msk vm0, v5  }
0x2ae: {  	v4 =	vld [tilespmem:$0x540];
	_ =	sdelay $0x4  }
0x2af: {  	v5 =	vsub.s32 v4, v0;
	vm12 =	vge.s32 v4, v0;
	vm13 =	vlt.s32 v4, v1  }
0x2b0: {  	v4 =	vand.u32 $0x7F, v4;
	vm0 =	vmand vm12, vm13;
	v5 =	vand.u32 $0xFFFFFF80, v5  }
0x2b1: {  	v4 =	vor.u32 v4, v5  }
0x2b2: {  	v5 =	vld [tilespmem:$0xB40];
	_ =	sdelay $0x3  }
0x2b3: {  	[tilespmem:v4+s11+$0x0] =	vst.idx.add.f32.msk vm0, v3  }
0x2b4: {  	[tilespmem:v4+s12+$0x0] =	vst.idx.add.f32.msk vm0, v5  }
0x2b5: {  	v4 =	vld [tilespmem:$0x550];
	_ =	sdelay $0x4  }
0x2b6: {  	v5 =	vsub.s32 v4, v0;
	vm14 =	vge.s32 v4, v0;
	vm15 =	vlt.s32 v4, v1  }
0x2b7: {  	v4 =	vand.u32 $0x7F, v4;
	vm0 =	vmand vm14, vm15;
	v5 =	vand.u32 $0xFFFFFF80, v5  }
0x2b8: {  	v4 =	vor.u32 v4, v5  }
0x2b9: {  	v5 =	vld [tilespmem:$0xB50];
	_ =	sdelay $0x3  }
0x2ba: {  	[tilespmem:v4+s11+$0x0] =	vst.idx.add.f32.msk vm0, v3  }
0x2bb: {  	[tilespmem:v4+s12+$0x0] =	vst.idx.add.f32.msk vm0, v5  }
0x2bc: {  	v4 =	vld [tilespmem:$0x560];
	_ =	sdelay $0x4  }
0x2bd: {  	v5 =	vsub.s32 v4, v0;
	vm4 =	vge.s32 v4, v0;
	vm5 =	vlt.s32 v4, v1  }
0x2be: {  	v4 =	vand.u32 $0x7F, v4;
	vm0 =	vmand vm4, vm5;
	v5 =	vand.u32 $0xFFFFFF80, v5  }
0x2bf: {  	v4 =	vor.u32 v4, v5  }
0x2c0: {  	v5 =	vld [tilespmem:$0xB60];
	_ =	sdelay $0x3  }
0x2c1: {  	[tilespmem:v4+s11+$0x0] =	vst.idx.add.f32.msk vm0, v3  }
0x2c2: {  	[tilespmem:v4+s12+$0x0] =	vst.idx.add.f32.msk vm0, v5  }
0x2c3: {  	v4 =	vld [tilespmem:$0x570];
	_ =	sdelay $0x4  }
0x2c4: {  	v5 =	vsub.s32 v4, v0;
	vm6 =	vge.s32 v4, v0;
	vm7 =	vlt.s32 v4, v1  }
0x2c5: {  	v4 =	vand.u32 $0x7F, v4;
	vm0 =	vmand vm6, vm7;
	v5 =	vand.u32 $0xFFFFFF80, v5  }
0x2c6: {  	v4 =	vor.u32 v4, v5  }
0x2c7: {  	v5 =	vld [tilespmem:$0xB70];
	_ =	sdelay $0x3  }
0x2c8: {  	[tilespmem:v4+s11+$0x0] =	vst.idx.add.f32.msk vm0, v3  }
0x2c9: {  	[tilespmem:v4+s12+$0x0] =	vst.idx.add.f32.msk vm0, v5  }
0x2ca: {  	v4 =	vld [tilespmem:$0x580];
	_ =	sdelay $0x4  }
0x2cb: {  	v5 =	vsub.s32 v4, v0;
	vm8 =	vge.s32 v4, v0;
	vm9 =	vlt.s32 v4, v1  }
0x2cc: {  	v4 =	vand.u32 $0x7F, v4;
	vm0 =	vmand vm8, vm9;
	v5 =	vand.u32 $0xFFFFFF80, v5  }
0x2cd: {  	v4 =	vor.u32 v4, v5  }
0x2ce: {  	v5 =	vld [tilespmem:$0xB80];
	_ =	sdelay $0x3  }
0x2cf: {  	[tilespmem:v4+s11+$0x0] =	vst.idx.add.f32.msk vm0, v3  }
0x2d0: {  	[tilespmem:v4+s12+$0x0] =	vst.idx.add.f32.msk vm0, v5  }
0x2d1: {  	v4 =	vld [tilespmem:$0x590];
	_ =	sdelay $0x4  }
0x2d2: {  	v5 =	vsub.s32 v4, v0;
	vm10 =	vge.s32 v4, v0;
	vm11 =	vlt.s32 v4, v1  }
0x2d3: {  	v4 =	vand.u32 $0x7F, v4;
	vm0 =	vmand vm10, vm11;
	v5 =	vand.u32 $0xFFFFFF80, v5  }
0x2d4: {  	v4 =	vor.u32 v4, v5  }
0x2d5: {  	v5 =	vld [tilespmem:$0xB90];
	_ =	sdelay $0x3  }
0x2d6: {  	[tilespmem:v4+s11+$0x0] =	vst.idx.add.f32.msk vm0, v3  }
0x2d7: {  	[tilespmem:v4+s12+$0x0] =	vst.idx.add.f32.msk vm0, v5  }
0x2d8: {  	v4 =	vld [tilespmem:$0x5A0];
	_ =	sdelay $0x4  }
0x2d9: {  	v5 =	vsub.s32 v4, v0;
	vm12 =	vge.s32 v4, v0;
	vm13 =	vlt.s32 v4, v1  }
0x2da: {  	v4 =	vand.u32 $0x7F, v4;
	vm0 =	vmand vm12, vm13;
	v5 =	vand.u32 $0xFFFFFF80, v5  }
0x2db: {  	v4 =	vor.u32 v4, v5  }
0x2dc: {  	v5 =	vld [tilespmem:$0xBA0];
	_ =	sdelay $0x3  }
0x2dd: {  	[tilespmem:v4+s11+$0x0] =	vst.idx.add.f32.msk vm0, v3  }
0x2de: {  	[tilespmem:v4+s12+$0x0] =	vst.idx.add.f32.msk vm0, v5  }
0x2df: {  	v4 =	vld [tilespmem:$0x5B0];
	_ =	sdelay $0x4  }
0x2e0: {  	v5 =	vsub.s32 v4, v0;
	vm14 =	vge.s32 v4, v0;
	vm15 =	vlt.s32 v4, v1  }
0x2e1: {  	v4 =	vand.u32 $0x7F, v4;
	vm0 =	vmand vm14, vm15;
	v5 =	vand.u32 $0xFFFFFF80, v5  }
0x2e2: {  	v4 =	vor.u32 v4, v5  }
0x2e3: {  	v5 =	vld [tilespmem:$0xBB0];
	_ =	sdelay $0x3  }
0x2e4: {  	[tilespmem:v4+s11+$0x0] =	vst.idx.add.f32.msk vm0, v3  }
0x2e5: {  	[tilespmem:v4+s12+$0x0] =	vst.idx.add.f32.msk vm0, v5  }
0x2e6: {  	v4 =	vld [tilespmem:$0x5C0];
	_ =	sdelay $0x4  }
0x2e7: {  	v5 =	vsub.s32 v4, v0;
	vm4 =	vge.s32 v4, v0;
	vm5 =	vlt.s32 v4, v1  }
0x2e8: {  	v4 =	vand.u32 $0x7F, v4;
	vm0 =	vmand vm4, vm5;
	v5 =	vand.u32 $0xFFFFFF80, v5  }
0x2e9: {  	v4 =	vor.u32 v4, v5  }
0x2ea: {  	v5 =	vld [tilespmem:$0xBC0];
	_ =	sdelay $0x3  }
0x2eb: {  	[tilespmem:v4+s11+$0x0] =	vst.idx.add.f32.msk vm0, v3  }
0x2ec: {  	[tilespmem:v4+s12+$0x0] =	vst.idx.add.f32.msk vm0, v5  }
0x2ed: {  	v4 =	vld [tilespmem:$0x5D0];
	_ =	sdelay $0x4  }
0x2ee: {  	v5 =	vsub.s32 v4, v0;
	vm6 =	vge.s32 v4, v0;
	vm7 =	vlt.s32 v4, v1  }
0x2ef: {  	v4 =	vand.u32 $0x7F, v4;
	vm0 =	vmand vm6, vm7;
	v5 =	vand.u32 $0xFFFFFF80, v5  }
0x2f0: {  	v4 =	vor.u32 v4, v5  }
0x2f1: {  	v5 =	vld [tilespmem:$0xBD0];
	_ =	sdelay $0x3  }
0x2f2: {  	[tilespmem:v4+s11+$0x0] =	vst.idx.add.f32.msk vm0, v3  }
0x2f3: {  	[tilespmem:v4+s12+$0x0] =	vst.idx.add.f32.msk vm0, v5  }
0x2f4: {  	v4 =	vld [tilespmem:$0x5E0];
	_ =	sdelay $0x4  }
0x2f5: {  	v5 =	vsub.s32 v4, v0;
	vm8 =	vge.s32 v4, v0;
	vm9 =	vlt.s32 v4, v1  }
0x2f6: {  	v4 =	vand.u32 $0x7F, v4;
	vm0 =	vmand vm8, vm9;
	v5 =	vand.u32 $0xFFFFFF80, v5  }
0x2f7: {  	v4 =	vor.u32 v4, v5  }
0x2f8: {  	v5 =	vld [tilespmem:$0xBE0];
	_ =	sdelay $0x3  }
0x2f9: {  	[tilespmem:v4+s11+$0x0] =	vst.idx.add.f32.msk vm0, v3  }
0x2fa: {  	[tilespmem:v4+s12+$0x0] =	vst.idx.add.f32.msk vm0, v5  }
0x2fb: {  	v4 =	vld [tilespmem:$0x5F0];
	_ =	sdelay $0x4  }
0x2fc: {  	v5 =	vsub.s32 v4, v0;
	vm10 =	vge.s32 v4, v0;
	vm11 =	vlt.s32 v4, v1  }
0x2fd: {  	v4 =	vand.u32 $0x7F, v4;
	vm0 =	vmand vm10, vm11;
	v5 =	vand.u32 $0xFFFFFF80, v5  }
0x2fe: {  	v4 =	vor.u32 v4, v5  }
0x2ff: {  	v5 =	vld [tilespmem:$0xBF0];
	_ =	sdelay $0x3  }
0x300: {  	[tilespmem:v4+s11+$0x0] =	vst.idx.add.f32.msk vm0, v3  }
0x301: {  	[tilespmem:v4+s12+$0x0] =	vst.idx.add.f32.msk vm0, v5  }
0x302: {  	v4 =	vld [tilespmem:$0xE80]  }
0x303: {  	v5 =	vld [tilespmem:$0xC00]  }
0x304: {  	v6 =	vld [tilespmem:$0x1100]  }
0x305: {  	v7 =	vld [tilespmem:$0xE90]  }
0x306: {  	v8 =	vld [tilespmem:$0xC10]  }
0x307: {  	v9 =	vld [tilespmem:$0x1110]  }
0x308: {  	v10 =	vld [tilespmem:$0xEA0]  }
0x309: {  	v11 =	vld [tilespmem:$0xC20]  }
0x30a: {  	v12 =	vld [tilespmem:$0x1120]  }
0x30b: {  	v13 =	vld [tilespmem:$0xEB0]  }
0x30c: {  	v14 =	vld [tilespmem:$0xC30]  }
0x30d: {  	v15 =	vld [tilespmem:$0x1130]  }
0x30e: {  	v16 =	vld [tilespmem:$0xEC0]  }
0x30f: {  	v17 =	vld [tilespmem:$0xC40]  }
0x310: {  	v18 =	vld [tilespmem:$0x1140]  }
0x311: {  	v59 =	vld [tilespmem:$0xD20]  }
0x312: {  	v19 =	vld [tilespmem:$0xED0]  }
0x313: {  	v20 =	vld [tilespmem:$0xC50]  }
0x314: {  	v21 =	vld [tilespmem:$0x1150]  }
0x315: {  	v22 =	vld [tilespmem:$0xEE0]  }
0x316: {  	[tilespmem:$0x1FE80] =	vst v59;
	v59 =	vld [tilespmem:$0xD40]  }
0x317: {  	v23 =	vld [tilespmem:$0xC60]  }
0x318: {  	v24 =	vld [tilespmem:$0x1160]  }
0x319: {  	v25 =	vld [tilespmem:$0xEF0]  }
0x31a: {  	v26 =	vld [tilespmem:$0xC70]  }
0x31b: {  	[tilespmem:$0x1FEA0] =	vst v59;
	v59 =	vld [tilespmem:$0x1240]  }
0x31c: {  	v27 =	vld [tilespmem:$0x1170]  }
0x31d: {  	v28 =	vld [tilespmem:$0xF00]  }
0x31e: {  	v29 =	vld [tilespmem:$0xC80]  }
0x31f: {  	v30 =	vld [tilespmem:$0x1180]  }
0x320: {  	[tilespmem:$0x1FEB0] =	vst v59;
	v59 =	vld [tilespmem:$0xFD0]  }
0x321: {  	v31 =	vld [tilespmem:$0xF10]  }
0x322: {  	v32 =	vld [tilespmem:$0xC90]  }
0x323: {  	v33 =	vld [tilespmem:$0x1190]  }
0x324: {  	v34 =	vld [tilespmem:$0xF20]  }
0x325: {  	[tilespmem:$0x1FEC0] =	vst v59;
	v59 =	vld [tilespmem:$0xD50]  }
0x326: {  	v35 =	vld [tilespmem:$0xCA0]  }
0x327: {  	v36 =	vld [tilespmem:$0x11A0]  }
0x328: {  	v37 =	vld [tilespmem:$0xF30]  }
0x329: {  	v38 =	vld [tilespmem:$0xCB0]  }
0x32a: {  	[tilespmem:$0x1FED0] =	vst v59;
	v59 =	vld [tilespmem:$0x1250]  }
0x32b: {  	v39 =	vld [tilespmem:$0x11B0]  }
0x32c: {  	v40 =	vld [tilespmem:$0xF40]  }
0x32d: {  	v41 =	vld [tilespmem:$0xCC0]  }
0x32e: {  	v42 =	vld [tilespmem:$0x11C0]  }
0x32f: {  	[tilespmem:$0x1FEE0] =	vst v59;
	v59 =	vld [tilespmem:$0xFE0]  }
0x330: {  	v43 =	vld [tilespmem:$0xF50];
	vm12 =	vgt.f32 v4, $1.500000000e+00  }
0x331: {  	v44 =	vld [tilespmem:$0xCD0];
	vm13 =	vgt.f32 v7, $1.500000000e+00;
	v5 =	vsel vm12, v5, v6  }
0x332: {  	v45 =	vld [tilespmem:$0x11D0];
	[tilespmem:$0x1380] =	vst v5;
	v5 =	vsel vm13, v8, v9  }
0x333: {  	v46 =	vld [tilespmem:$0xF60];
	vm14 =	vgt.f32 v10, $1.500000000e+00;
	[tilespmem:$0x1390] =	vst v5  }
0x334: {  	vm15 =	vgt.f32 v13, $1.500000000e+00;
	v5 =	vsel vm14, v11, v12;
	[tilespmem:$0x1FEF0] =	vst v59;
	v59 =	vld [tilespmem:$0xD60]  }
0x335: {  	v47 =	vld [tilespmem:$0xCE0];
	vm4 =	vgt.f32 v16, $1.500000000e+00;
	[tilespmem:$0x13A0] =	vst v5;
	v5 =	vsel vm15, v14, v15  }
0x336: {  	v48 =	vld [tilespmem:$0x11E0];
	vm5 =	vgt.f32 v19, $1.500000000e+00;
	[tilespmem:$0x13B0] =	vst v5;
	v5 =	vsel vm4, v17, v18  }
0x337: {  	v49 =	vld [tilespmem:$0xF70];
	[tilespmem:$0x13C0] =	vst v5;
	v5 =	vsel vm5, v20, v21  }
0x338: {  	v50 =	vld [tilespmem:$0xCF0];
	vm6 =	vgt.f32 v22, $1.500000000e+00;
	[tilespmem:$0x13D0] =	vst v5  }
0x339: {  	vm7 =	vgt.f32 v25, $1.500000000e+00;
	v5 =	vsel vm6, v23, v24;
	[tilespmem:$0x1FF00] =	vst v59;
	v59 =	vld [tilespmem:$0x1260]  }
0x33a: {  	v51 =	vld [tilespmem:$0x11F0];
	vm8 =	vgt.f32 v28, $1.500000000e+00;
	[tilespmem:$0x13E0] =	vst v5;
	v5 =	vsel vm7, v26, v27  }
0x33b: {  	v52 =	vld [tilespmem:$0xF80];
	vm9 =	vgt.f32 v31, $1.500000000e+00;
	[tilespmem:$0x13F0] =	vst v5;
	v5 =	vsel vm8, v29, v30  }
0x33c: {  	v53 =	vld [tilespmem:$0xD00];
	[tilespmem:$0x1400] =	vst v5;
	v5 =	vsel vm9, v32, v33  }
0x33d: {  	v54 =	vld [tilespmem:$0x1200];
	vm10 =	vgt.f32 v34, $1.500000000e+00;
	[tilespmem:$0x1410] =	vst v5  }
0x33e: {  	vm11 =	vgt.f32 v37, $1.500000000e+00;
	v5 =	vsel vm10, v35, v36;
	[tilespmem:$0x1FF10] =	vst v59;
	v59 =	vld [tilespmem:$0xFF0]  }
0x33f: {  	v55 =	vld [tilespmem:$0xF90];
	vm12 =	vgt.f32 v40, $1.500000000e+00;
	[tilespmem:$0x1420] =	vst v5;
	v5 =	vsel vm11, v38, v39  }
0x340: {  	v56 =	vld [tilespmem:$0xD10];
	vm13 =	vgt.f32 v43, $1.500000000e+00;
	[tilespmem:$0x1430] =	vst v5;
	v5 =	vsel vm12, v41, v42  }
0x341: {  	v57 =	vld [tilespmem:$0x1210];
	[tilespmem:$0x1440] =	vst v5;
	v5 =	vsel vm13, v44, v45  }
0x342: {  	v58 =	vld [tilespmem:$0xFA0];
	vm14 =	vgt.f32 v46, $1.500000000e+00;
	[tilespmem:$0x1450] =	vst v5  }
0x343: {  	vm15 =	vgt.f32 v49, $1.500000000e+00;
	v5 =	vsel vm14, v47, v48;
	[tilespmem:$0x1FF20] =	vst v59;
	v59 =	vld [tilespmem:$0xD70]  }
0x344: {  	v60 =	vld [tilespmem:$0x1220];
	vm4 =	vgt.f32 v52, $1.500000000e+00;
	[tilespmem:$0x1460] =	vst v5;
	v5 =	vsel vm15, v50, v51  }
0x345: {  	v62 =	vld [tilespmem:$0xD30];
	vm5 =	vgt.f32 v55, $1.500000000e+00;
	[tilespmem:$0x1470] =	vst v5;
	v5 =	vsel vm4, v53, v54  }
0x346: {  	v61 =	vld [tilespmem:$0xFB0];
	[tilespmem:$0x1480] =	vst v5;
	v5 =	vsel vm5, v56, v57  }
0x347: {  	[tilespmem:$0x1490] =	vst v5;
	v5 =	vld [tilespmem:$0x1FE80]  }
0x348: {  	[tilespmem:$0x1FF30] =	vst v59;
	v59 =	vld [tilespmem:$0x1270]  }
0x349: {  	v63 =	vld [tilespmem:$0x1230]  }
0x34a: {  	[tilespmem:$0x1FE90] =	vst v62;
	v62 =	vld [tilespmem:$0xFC0]  }
0x34b: {  	v4 =	vld [tilespmem:$0x1040]  }
0x34c: {  	v7 =	vld [tilespmem:$0x12C0];
	vm6 =	vgt.f32 v58, $1.500000000e+00  }
0x34d: {  	v5 =	vsel vm6, v5, v60;
	[tilespmem:$0x1FF40] =	vst v59;
	v59 =	vld [tilespmem:$0x1000]  }
0x34e: {  	[tilespmem:$0x14A0] =	vst v5;
	v5 =	vld [tilespmem:$0x1FE90]  }
0x34f: {  	v10 =	vld [tilespmem:$0x12D0]  }
0x350: {  	v13 =	vld [tilespmem:$0x12E0]  }
0x351: {  	v16 =	vld [tilespmem:$0x12F0]  }
0x352: {  	vm7 =	vgt.f32 v61, $1.500000000e+00;
	[tilespmem:$0x1FF50] =	vst v59;
	v59 =	vld [tilespmem:$0xD80]  }
0x353: {  	v36 =	vld [tilespmem:$0x1FEB0];
	v5 =	vsel vm7, v5, v63  }
0x354: {  	[tilespmem:$0x14B0] =	vst v5;
	v5 =	vld [tilespmem:$0x1FEA0]  }
0x355: {  	v19 =	vld [tilespmem:$0x1300]  }
0x356: {  	v22 =	vld [tilespmem:$0x1310]  }
0x357: {  	[tilespmem:$0x1FF60] =	vst v59;
	v59 =	vld [tilespmem:$0x1280]  }
0x358: {  	vm8 =	vgt.f32 v62, $1.500000000e+00;
	v37 =	vld [tilespmem:$0x1FEC0]  }
0x359: {  	v39 =	vld [tilespmem:$0x1FEE0];
	v5 =	vsel vm8, v5, v36  }
0x35a: {  	[tilespmem:$0x14C0] =	vst v5;
	v5 =	vld [tilespmem:$0x1FED0]  }
0x35b: {  	v6 =	vld [tilespmem:$0xDC0]  }
0x35c: {  	[tilespmem:$0x1FF70] =	vst v59;
	v59 =	vld [tilespmem:$0x1010]  }
0x35d: {  	v8 =	vld [tilespmem:$0x1050]  }
0x35e: {  	vm9 =	vgt.f32 v37, $1.500000000e+00;
	v40 =	vld [tilespmem:$0x1FEF0]  }
0x35f: {  	v42 =	vld [tilespmem:$0x1FF10];
	v5 =	vsel vm9, v5, v39  }
0x360: {  	[tilespmem:$0x14D0] =	vst v5;
	v5 =	vld [tilespmem:$0x1FF00]  }
0x361: {  	[tilespmem:$0x1FF80] =	vst v59;
	v59 =	vld [tilespmem:$0xD90]  }
0x362: {  	v9 =	vld [tilespmem:$0xDD0]  }
0x363: {  	v11 =	vld [tilespmem:$0x1060]  }
0x364: {  	v12 =	vld [tilespmem:$0xDE0]  }
0x365: {  	vm10 =	vgt.f32 v40, $1.500000000e+00;
	v43 =	vld [tilespmem:$0x1FF20]  }
0x366: {  	v5 =	vsel vm10, v5, v42;
	[tilespmem:$0x1FF90] =	vst v59;
	v59 =	vld [tilespmem:$0x1290]  }
0x367: {  	[tilespmem:$0x14E0] =	vst v5;
	v5 =	vld [tilespmem:$0x1FF30]  }
0x368: {  	v45 =	vld [tilespmem:$0x1FF40]  }
0x369: {  	v14 =	vld [tilespmem:$0x1070]  }
0x36a: {  	v15 =	vld [tilespmem:$0xDF0]  }
0x36b: {  	[tilespmem:$0x1FFA0] =	vst v59;
	v59 =	vld [tilespmem:$0x1020]  }
0x36c: {  	v17 =	vld [tilespmem:$0x1080];
	vm11 =	vgt.f32 v43, $1.500000000e+00  }
0x36d: {  	v5 =	vsel vm11, v5, v45;
	v46 =	vld [tilespmem:$0x1FF50]  }
0x36e: {  	[tilespmem:$0x14F0] =	vst v5;
	v5 =	vld [tilespmem:$0x1FF60]  }
0x36f: {  	v48 =	vld [tilespmem:$0x1FF70]  }
0x370: {  	[tilespmem:$0x1FFB0] =	vst v59;
	v59 =	vld [tilespmem:$0xDA0]  }
0x371: {  	v18 =	vld [tilespmem:$0xE00]  }
0x372: {  	v20 =	vld [tilespmem:$0x1090]  }
0x373: {  	v21 =	vld [tilespmem:$0xE10]  }
0x374: {  	vm12 =	vgt.f32 v46, $1.500000000e+00;
	v49 =	vld [tilespmem:$0x1FF80]  }
0x375: {  	v5 =	vsel vm12, v5, v48;
	[tilespmem:$0x1FFC0] =	vst v59;
	v59 =	vld [tilespmem:$0x12A0]  }
0x376: {  	[tilespmem:$0x1500] =	vst v5;
	v5 =	vld [tilespmem:$0x1FF90]  }
0x377: {  	v51 =	vld [tilespmem:$0x1FFA0]  }
0x378: {  	v23 =	vld [tilespmem:$0x10A0]  }
0x379: {  	v24 =	vld [tilespmem:$0xE20]  }
0x37a: {  	[tilespmem:$0x1FFD0] =	vst v59;
	v59 =	vld [tilespmem:$0x1030]  }
0x37b: {  	v58 =	vld [tilespmem:$0x10E0];
	vm13 =	vgt.f32 v49, $1.500000000e+00  }
0x37c: {  	v5 =	vsel vm13, v5, v51;
	v52 =	vld [tilespmem:$0x1FFB0]  }
0x37d: {  	[tilespmem:$0x1510] =	vst v5;
	v5 =	vld [tilespmem:$0x1FFC0]  }
0x37e: {  	v54 =	vld [tilespmem:$0x1FFD0]  }
0x37f: {  	[tilespmem:$0x1FFE0] =	vst v59;
	v59 =	vld [tilespmem:$0xDB0]  }
0x380: {  	v61 =	vld [tilespmem:$0x10F0]  }
0x381: {  	v62 =	vld [tilespmem:$0xE70]  }
0x382: {  	v38 =	vld [tilespmem:$0x10B0]  }
0x383: {  	vm14 =	vgt.f32 v52, $1.500000000e+00;
	v55 =	vld [tilespmem:$0x1FFE0]  }
0x384: {  	v5 =	vsel vm14, v5, v54;
	[tilespmem:$0x1FFF0] =	vst v59;
	v59 =	vld [tilespmem:$0x12B0]  }
0x385: {  	[tilespmem:$0x1520] =	vst v5;
	v5 =	vld [tilespmem:$0x1FFF0]  }
0x386: {  	v41 =	vld [tilespmem:$0xE30]  }
0x387: {  	v44 =	vld [tilespmem:$0x1330]  }
0x388: {  	vm4 =	vgt.f32 v4, $1.500000000e+00;
	v4 =	vld [tilespmem:$0xE50]  }
0x389: {  	v56 =	vld [tilespmem:$0x10D0];
	vm15 =	vgt.f32 v55, $1.500000000e+00  }
0x38a: {  	v57 =	vld [tilespmem:$0x1350];
	v5 =	vsel vm15, v5, v59  }
0x38b: {  	vm5 =	vgt.f32 v8, $1.500000000e+00;
	v60 =	vld [tilespmem:$0x1360];
	[tilespmem:$0x1530] =	vst v5;
	v5 =	vsel vm4, v6, v7  }
0x38c: {  	vm6 =	vgt.f32 v11, $1.500000000e+00;
	v63 =	vld [tilespmem:$0x1320];
	[tilespmem:$0x1540] =	vst v5;
	v5 =	vsel vm5, v9, v10  }
0x38d: {  	vm7 =	vgt.f32 v14, $1.500000000e+00;
	v59 =	vld [tilespmem:$0xE60];
	[tilespmem:$0x1550] =	vst v5;
	v5 =	vsel vm6, v12, v13  }
0x38e: {  	v47 =	vld [tilespmem:$0x10C0];
	vm8 =	vgt.f32 v17, $1.500000000e+00;
	[tilespmem:$0x1560] =	vst v5;
	v5 =	vsel vm7, v15, v16  }
0x38f: {  	v50 =	vld [tilespmem:$0xE40];
	vm9 =	vgt.f32 v20, $1.500000000e+00;
	[tilespmem:$0x1570] =	vst v5;
	v5 =	vsel vm8, v18, v19  }
0x390: {  	v53 =	vld [tilespmem:$0x1340];
	vm10 =	vgt.f32 v23, $1.500000000e+00;
	vm13 =	vgt.f32 v56, $1.500000000e+00;
	[tilespmem:$0x1580] =	vst v5;
	v5 =	vsel vm9, v21, v22  }
0x391: {  	v4 =	vsel vm13, v4, v57;
	vm14 =	vgt.f32 v58, $1.500000000e+00;
	[tilespmem:$0x1590] =	vst v5;
	v5 =	vsel vm10, v24, v63;
	v63 =	vld [tilespmem:$0x1370]  }
0x392: {  	[tilespmem:$0x15D0] =	vst v4;
	v4 =	vsel vm14, v59, v60  }
0x393: {  	vm11 =	vgt.f32 v38, $1.500000000e+00;
	[tilespmem:$0x15E0] =	vst v4  }
0x394: {  	vm12 =	vgt.f32 v47, $1.500000000e+00;
	[tilespmem:$0x15A0] =	vst v5;
	v5 =	vsel vm11, v41, v44  }
0x395: {  	vm15 =	vgt.f32 v61, $1.500000000e+00;
	[tilespmem:$0x15B0] =	vst v5;
	v5 =	vsel vm12, v50, v53  }
0x396: {  	p0 =	sne.s32 s7, $0x1;
	[tilespmem:$0x15C0] =	vst v5;
	v4 =	vsel vm15, v62, v63  }
.Ltmp0:
0x397: {  	[tilespmem:$0x15F0] =	vst v4;
	(pc) =	sbr.rel @p0 .LBB2_1-.Ltmp0, $4  }
0x398: {  	[hbm4b:s6+s2] =	stream.linear.scatter [tilespmem:s13], [sflag:$0x1], $0x280, $0x38;
	[tilespmem:$0x1600] =	vst v63  }
0x399: {  	_ =	swait.ge [sflag:s8], $0x280  }
0x39a: {  	[sflag:s8] =	ssyncset.done $0x0  }
0x39b: {  	s7 =	sadd.s32 $0xFFFFFFFF, s7;
	[sflag:s8] =	ssyncadd.s32 $0xFFFFFD80  }
0x39c: {  	_ =	sfence.sel $0x180000  }
0x39d: {  	[bflag:$0x0] =	sbarrier.arrive $0xFFFF  }
0x39e: {  	p0 =	sne.s32 s0, $0x0;
	_ =	strace $0x90000047  }
0x39f: {  	s0 =	sadd.s32 @!p0 $0x100000, s1;
	[bflag:$0x2] =	sbarrier.arrive $0xFFFF  }
0x3a0: {  	[sflag:s0] =	ssyncadd.tile.s32 @!p0 $0x1;
	_ =	shalt  }
.Lfunc_end2:
_tile_overlayer_lowered:
.L_overlay_start_2:
0x3a1: {  	(tag) =	ssettag $0x2  }
0x3a2: {  	s0 =	rddreg [dreg:$0x0];
	s2 =	stileid.u32  }
0x3a3: {  	s1 =	rddreg [dreg:$0x1];
	p0 =	sne.s32 s2, $0x0  }
0x3a4: {  	s3 =	rddreg [dreg:$0x2];
	[bflag:$0x3] =	sbarrier.arrive $0xFFFF;
	s2 =	simm.s32 @!p0 $0x1C01  }
0x3a5: {  	[timem:s3], [sflag:s2] =	dma.local @!p0 [hbm:s0], s1  }
0x3a6: {  	s0 =	simm.s32 @!p0 $0x1  }
0x3a7: {  	_ =	swait.ge @!p0 [sflag:s0], s1  }
0x3a8: {  	s1 =	ssub.s32 @!p0 $0x0, s1;
	[sflag:s0] =	ssyncset.done @!p0 $0x0  }
0x3a9: {  	[sflag:s0] =	ssyncadd.s32 @!p0 s1  }
0x3aa: {  	[bflag:$0x3] =	sbarrier.arrive $0xFFFF  }
0x3ab: {  	_ =	shalt  }

</sc_bundles>
